<compile_context>
chip_gen: v7x
topology: tpu7x:2x2x1
jax: 0.10.2.dev20260603
libtpu: 0.0.44.dev20260713+nightly
codegen_flags: <defaults>
</compile_context>

<pallas_src>
import functools

import jax
import jax.numpy as jnp
import numpy as np
from jax import lax
from jax.experimental import pallas as pl
from jax.experimental.pallas import tpu as pltpu
from jax.experimental.pallas import tpu_sc as plsc

_NC, _NS = 2, 16
_NW = _NC * _NS
_CW = 125
_EB = 6400
_RB = 2000
_F32 = jnp.float32



_K = 5


def _sc_gather(table, idx3, D):
    NW, CH, CW = idx3.shape
    E = NW * CH * CW
    epw = CH * CW
    SCC = CH // _K
    SCW = _K * CW
    mesh = plsc.VectorSubcoreMesh(core_axis_name="c", subcore_axis_name="s")

    @functools.partial(
        pl.kernel,
        out_type=jax.ShapeDtypeStruct((E, 128), _F32),
        mesh=mesh,
        scratch_types=[
            pltpu.VMEM((CH, CW), jnp.int32),
            pltpu.VMEM((2, SCW, D), _F32),
            pltpu.SemaphoreType.DMA,
        ],
        compiler_params=pltpu.CompilerParams(use_tc_tiling_on_sc=False),
    )
    def k(table_hbm, idx_hbm, out_hbm, idx_v, rows_v, sem):
        wid = lax.axis_index("s") * _NC + lax.axis_index("c")
        pltpu.sync_copy(idx_hbm.at[wid], idx_v)
        base = wid * epw

        def fire(g, b):
            for u in range(_K):
                pltpu.async_copy(table_hbm.at[idx_v.at[g * _K + u]],
                                 rows_v.at[b, pl.ds(u * CW, CW)], sem)

        fire(0, 0)

        def body(g, carry):
            b = lax.rem(g, 2)

            @pl.when(g + 1 < SCC)
            def _():
                fire(g + 1, 1 - b)

            for u in range(_K):
                pltpu.make_async_copy(table_hbm.at[idx_v.at[0]],
                                      rows_v.at[b, pl.ds(u * CW, CW)],
                                      sem).wait()
            pltpu.sync_copy(rows_v.at[b],
                            out_hbm.at[pl.ds(base + g * SCW, SCW),
                                       pl.ds(0, D)])
            return carry

        lax.fori_loop(0, SCC, body, 0)

    return k(table, idx3)


def _sc_scatter(msg, idx3, zrows, N, D):
    NW, CH, CW = idx3.shape
    epw = CH * CW
    STRIDE = (N // _NS) // 8 * 8
    WIN, _ = zrows.shape
    assert WIN == N - (_NS - 1) * STRIDE
    mesh = plsc.VectorSubcoreMesh(core_axis_name="c", subcore_axis_name="s")

    @functools.partial(
        pl.kernel,
        out_type=jax.ShapeDtypeStruct((_NC, N, D), _F32),
        mesh=mesh,
        scratch_types=[
            pltpu.VMEM((CH, CW), jnp.int32),
            pltpu.VMEM((2, _K * CW, D), _F32),
            pltpu.VMEM_SHARED((N, D), _F32),
            pltpu.SemaphoreType.DMA,
            pltpu.SemaphoreType.DMA,
        ],
        compiler_params=pltpu.CompilerParams(use_tc_tiling_on_sc=False),
    )
    def k(msg_hbm, idx_hbm, z_hbm, out_hbm, idx_v, rows_v, acc_sh, sem_l,
          sem_s):
        cid = lax.axis_index("c")
        sid = lax.axis_index("s")
        wid = sid * _NC + cid
        base = wid * epw
        SCC = CH // _K
        SCW = _K * CW
        pltpu.sync_copy(z_hbm, acc_sh.at[pl.ds(sid * STRIDE, WIN)])
        pltpu.sync_copy(idx_hbm.at[wid], idx_v)
        plsc.subcore_barrier()

        pltpu.async_copy(msg_hbm.at[pl.ds(base, SCW), pl.ds(0, D)],
                         rows_v.at[0], sem_l)

        def body(g, carry):
            b = lax.rem(g, 2)

            @pl.when(g + 1 < SCC)
            def _():
                pltpu.async_copy(
                    msg_hbm.at[pl.ds(base + (g + 1) * SCW, SCW), pl.ds(0, D)],
                    rows_v.at[1 - b], sem_l)

            pltpu.make_async_copy(msg_hbm.at[pl.ds(base, SCW), pl.ds(0, D)],
                                  rows_v.at[b], sem_l).wait()
            descs = [
                pltpu.async_copy(rows_v.at[b, pl.ds(u * CW, CW)],
                                 acc_sh.at[idx_v.at[g * _K + u]], sem_s,
                                 add=True)
                for u in range(_K)
            ]
            for d in descs:
                d.wait()
            return carry

        lax.fori_loop(0, SCC, body, 0)
        plsc.subcore_barrier()
        pltpu.sync_copy(acc_sh.at[pl.ds(sid * STRIDE, WIN)],
                        out_hbm.at[cid, pl.ds(sid * STRIDE, WIN)])

    return k(msg, idx3, zrows)



_BF = jnp.bfloat16


def _edge_body(ic, count_lane, xs_ref, eaT_ref, B_ref, C_ref,
               R_ref, S_ref, o_ref):
    ea = eaT_ref[...]
    ft8 = jnp.concatenate(
        [ea, jnp.ones((1, _EB), _F32), jnp.zeros((2, _EB), _F32)], axis=0)
    ft = jnp.transpose(ft8)
    t = ft[:, 0:1]
    lane = lax.broadcasted_iota(jnp.int32, (_EB, 128), 1)
    gB = jnp.dot(ft.astype(_BF), B_ref[...], preferred_element_type=_F32)
    K = jnp.where(lane // 5 == t.astype(jnp.int32), gB, 0.0).astype(_BF)
    Y = jnp.maximum(
        jnp.dot(K, C_ref[...], preferred_element_type=_F32).astype(_BF),
        jnp.bfloat16(0))
    xs = jnp.where(lane < ic, xs_ref[...], 0.0)
    xr = jnp.dot(xs.astype(_BF), R_ref[...],
                 preferred_element_type=_F32).astype(_BF)
    msg = jnp.dot(Y * xr, S_ref[...], preferred_element_type=_F32)
    if count_lane is not None:
        msg = msg + (lane == count_lane).astype(_F32)
    o_ref[...] = msg


def _tc_edge(xs, eaT, Bm, C, R, S, ic, count_lane=None, eoff=0):
    E = xs.shape[0]
    body = functools.partial(_edge_body, ic, count_lane)
    return pl.pallas_call(
        body,
        grid=(E // _EB,),
        in_specs=[
            pl.BlockSpec((_EB, 128), lambda i: (i, 0)),
            pl.BlockSpec((5, _EB), lambda i, o=eoff: (0, i + o)),
            pl.BlockSpec(Bm.shape, lambda i: (0, 0)),
            pl.BlockSpec(C.shape, lambda i: (0, 0)),
            pl.BlockSpec(R.shape, lambda i: (0, 0)),
            pl.BlockSpec(S.shape, lambda i: (0, 0)),
        ],
        out_specs=pl.BlockSpec((_EB, 128), lambda i: (i, 0)),
        out_shape=jax.ShapeDtypeStruct((E, 128), _F32),
    )(xs, eaT, Bm, C, R, S)


def _update1_body(sp_ref, x_ref, rT_ref, b_ref, h_ref, cb_ref):
    s = sp_ref[0] + sp_ref[1]
    c = jnp.broadcast_to(s[:, 10:11], (_RB, 16))
    r = jnp.dot(x_ref[...], rT_ref[...], preferred_element_type=_F32)
    h_ref[...] = jnp.maximum(s / jnp.maximum(c, 1.0) + r + b_ref[...], 0.0)
    cb_ref[...] = c


def _tc_update1(sp, x, rT, b):
    N = sp.shape[1]
    return pl.pallas_call(
        _update1_body,
        grid=(N // _RB,),
        in_specs=[
            pl.BlockSpec((2, _RB, 16), lambda i: (0, i, 0)),
            pl.BlockSpec((_RB, x.shape[1]), lambda i: (i, 0)),
            pl.BlockSpec(rT.shape, lambda i: (0, 0)),
            pl.BlockSpec(b.shape, lambda i: (0, 0)),
        ],
        out_specs=[
            pl.BlockSpec((_RB, 16), lambda i: (i, 0)),
            pl.BlockSpec((_RB, 16), lambda i: (i, 0)),
        ],
        out_shape=[
            jax.ShapeDtypeStruct((N, 16), _F32),
            jax.ShapeDtypeStruct((N, 16), _F32),
        ],
    )(sp, x, rT, b)


def _update_body(Dm, sp_ref, cb_ref, x_ref, rT_ref, b_ref, h_ref):
    s = sp_ref[0] + sp_ref[1]
    cb = cb_ref[...]
    if Dm == 32:
        cb = jnp.concatenate([cb, cb], axis=1)
    r = jnp.dot(x_ref[...], rT_ref[...], preferred_element_type=_F32)
    h_ref[...] = jnp.maximum(s / jnp.maximum(cb, 1.0) + r + b_ref[...], 0.0)


def _tc_update(sp, cb, x, rT, b, Dm):
    N = sp.shape[1]
    return pl.pallas_call(
        functools.partial(_update_body, Dm),
        grid=(N // _RB,),
        in_specs=[
            pl.BlockSpec((2, _RB, Dm), lambda i: (0, i, 0)),
            pl.BlockSpec((_RB, 16), lambda i: (i, 0)),
            pl.BlockSpec((_RB, x.shape[1]), lambda i: (i, 0)),
            pl.BlockSpec(rT.shape, lambda i: (0, 0)),
            pl.BlockSpec(b.shape, lambda i: (0, 0)),
        ],
        out_specs=pl.BlockSpec((_RB, Dm), lambda i: (i, 0)),
        out_shape=jax.ShapeDtypeStruct((N, Dm), _F32),
    )(sp, cb, x, rT, b)


def _head_body(G, h_ref, idx_ref, ptf_ref, ptep_ref, ccp_ref, WcT_ref, bc_ref,
               mep_ref, WmT_ref, bm_ref, pfp_ref, WpT_ref, bp_ref,
               Wv_ref, bv_ref, Wo_ref, bo_ref, f1_ref, f1b_ref,
               f2_ref, f2b_ref, f3_ref, f3b_ref, o_ref, acc):
    i = pl.program_id(0)

    @pl.when(i == 0)
    def _():
        acc[...] = jnp.zeros_like(acc)

    seg = idx_ref[...][:, 0:1].astype(jnp.int32)
    oh = (lax.broadcasted_iota(jnp.int32, (_RB, 16), 1) == seg - 1).astype(_F32)
    hb = jnp.concatenate([h_ref[...], jnp.ones((_RB, 16), _F32)], axis=1)
    acc[...] += lax.dot_general(oh, hb, (((0,), (0,)), ((), ())),
                                preferred_element_type=_F32)

    @pl.when(i == G - 1)
    def _():
        a = acc[...]
        gf = a[:, 0:32] / jnp.maximum(a[:, 32:33], 1.0)
        ohp = (lax.broadcasted_iota(jnp.int32, (16, 8), 1)
               == ptf_ref[...][:, 0:1].astype(jnp.int32)).astype(_F32)
        pt = jnp.dot(ohp, ptep_ref[...], preferred_element_type=_F32)
        cf = jnp.dot(ccp_ref[...], WcT_ref[...],
                     preferred_element_type=_F32) + bc_ref[...]
        mf = jnp.dot(mep_ref[...], WmT_ref[...],
                     preferred_element_type=_F32) + bm_ref[...]
        pf = jnp.dot(pfp_ref[...], WpT_ref[...],
                     preferred_element_type=_F32) + bp_ref[...]
        comb = jnp.concatenate([gf, pt, cf, mf, pf], axis=1)
        v = jnp.dot(comb, Wv_ref[...], preferred_element_type=_F32) + bv_ref[...]
        att = jnp.dot(v, Wo_ref[...], preferred_element_type=_F32) + bo_ref[...]
        a1 = jnp.maximum(jnp.dot(att, f1_ref[...],
                                 preferred_element_type=_F32) + f1b_ref[...], 0.0)
        a2 = jnp.maximum(jnp.dot(a1, f2_ref[...],
                                 preferred_element_type=_F32) + f2b_ref[...], 0.0)
        o_ref[...] = jnp.dot(a2, f3_ref[...],
                             preferred_element_type=_F32) + f3b_ref[...]


def _tc_head(h3, idxf, small_args):
    N = h3.shape[0]
    G = N // _RB
    full = [pl.BlockSpec(a.shape, lambda i, nd=a.ndim: (0,) * nd)
            for a in small_args]
    return pl.pallas_call(
        functools.partial(_head_body, G),
        grid=(G,),
        in_specs=[
            pl.BlockSpec((_RB, 32), lambda i: (i, 0)),
            pl.BlockSpec((_RB, 8), lambda i: (i, 0)),
        ] + full,
        out_specs=pl.BlockSpec((16, 32), lambda i: (0, 0)),
        out_shape=jax.ShapeDtypeStruct((16, 32), _F32),
        scratch_shapes=[pltpu.VMEM((16, 48), _F32)],
    )(h3, idxf, *small_args)



def _cstack(emb, Wh, bh, Wg, bg):
    T, J = emb.shape
    Ck = emb[:, None, :] * Wh.T[None, :, :] + Wg.T[None, :, :]
    Cb = emb * bh[None, :] + bg[None, :]
    Cs = jnp.concatenate([Ck, Cb[:, None, :]], axis=1).reshape(T * 5, J)
    return jnp.pad(Cs, ((0, 128 - T * 5), (0, 0)))


def _sel_B():
    B = np.zeros((8, 128), np.float32)
    for t in range(25):
        for kk in range(4):
            B[1 + kk, 5 * t + kk] = 1.0
        B[5, 5 * t + 4] = 1.0
    return jnp.asarray(B)


def _sel_R(icp, ic, oc, J):
    R = np.zeros((icp, J), np.float32)
    for i in range(ic):
        R[i, i * oc:(i + 1) * oc] = 1.0
    return jnp.asarray(R)


def _sel_S(J, ic, oc, Dm):
    S = np.zeros((J, Dm), np.float32)
    for i in range(ic):
        for o in range(oc):
            S[i * oc + o, o] = 1.0
    return jnp.asarray(S)


def _padT(w, rows, cols):
    wT = w.T
    return jnp.pad(wT, ((0, rows - wT.shape[0]), (0, cols - wT.shape[1])))


def _padrow(b, cols):
    return jnp.pad(b, (0, cols - b.shape[0]))[None, :]



def kernel(x, edge_index, edge_attr, cell_type, batch_vec, patch_type,
           cell_composition, microenv_features, pathml_features,
           emb1, Wh1, bh1, Wg1, bg1, root1, bias1,
           emb2, Wh2, bh2, Wg2, bg2, root2, bias2,
           emb3, Wh3, bh3, Wg3, bg3, root3, bias3,
           pte, Wc, bc, Wm, bm, Wp, bp,
           in_proj_w, in_proj_b, out_proj_w, out_proj_b,
           f1W, f1b, f2W, f2b, f3W, f3b):
    N, IN = x.shape
    E = edge_index.shape[1]
    CH = E // (_NW * _CW)
    WIN = N - (_NS - 1) * ((N // _NS) // 8 * 8)

    eaT = jnp.transpose(edge_attr)
    src3 = edge_index[0].reshape(_NW, CH, _CW)
    dst3 = edge_index[1].reshape(_NW, CH, _CW)
    z16 = jnp.zeros((WIN, 16), _F32)
    z32 = jnp.zeros((WIN, 32), _F32)

    Bm = _sel_B().astype(_BF)
    C1 = _cstack(emb1, Wh1, bh1, Wg1, bg1).astype(_BF)
    C2 = _cstack(emb2, Wh2, bh2, Wg2, bg2).astype(_BF)
    C3 = _cstack(emb3, Wh3, bh3, Wg3, bg3).astype(_BF)
    R1, S1 = _sel_R(128, 32, 10, 320).astype(_BF), _sel_S(320, 32, 10, 128).astype(_BF)
    R2, S2 = _sel_R(128, 10, 10, 100).astype(_BF), _sel_S(100, 10, 10, 128).astype(_BF)
    R3, S3 = _sel_R(128, 10, 32, 320).astype(_BF), _sel_S(320, 10, 32, 128).astype(_BF)
    rT1, b1 = _padT(root1, 32, 16), _padrow(bias1, 16)
    rT2, b2 = _padT(root2, 16, 16), _padrow(bias2, 16)
    rT3, b3 = _padT(root3, 16, 32), _padrow(bias3, 32)

    xs = _sc_gather(x, src3, 32)
    msg = _tc_edge(xs, eaT, Bm, C1, R1, S1, 32, count_lane=10)
    sp = _sc_scatter(msg, dst3, z16, N, 16)
    h, cb = _tc_update1(sp, x, rT1, b1)
    xs = _sc_gather(h, src3, 16)
    msg = _tc_edge(xs, eaT, Bm, C2, R2, S2, 10)
    sp = _sc_scatter(msg, dst3, z16, N, 16)
    h = _tc_update(sp, cb, h, rT2, b2, 16)
    xs = _sc_gather(h, src3, 16)
    msg = _tc_edge(xs, eaT, Bm, C3, R3, S3, 10)
    sp = _sc_scatter(msg, dst3, z32, N, 32)
    h3 = _tc_update(sp, cb, h, rT3, b3, 32)

    idx2 = (cell_type == 1).astype(jnp.int32) * (batch_vec + 1)
    idxf = jnp.pad(idx2.astype(_F32)[:, None], ((0, 0), (0, 7)))
    ptf = jnp.pad(patch_type.astype(_F32)[:, None], ((0, 0), (0, 7)))
    small = [
        ptf, jnp.pad(pte, ((0, 2), (0, 0))),
        jnp.pad(cell_composition, ((0, 0), (0, 3))), _padT(Wc, 8, 16),
        _padrow(bc, 16),
        jnp.pad(microenv_features, ((0, 0), (0, 7))), _padT(Wm, 40, 16),
        _padrow(bm, 16),
        jnp.pad(pathml_features, ((0, 0), (0, 4))), _padT(Wp, 16, 16),
        _padrow(bp, 16),
        in_proj_w[192:288, :].T, in_proj_b[192:288][None, :],
        out_proj_w.T, out_proj_b[None, :],
        f1W.T, f1b[None, :], f2W.T, f2b[None, :], f3W.T, f3b[None, :],
    ]
    return _tc_head(h3, idxf, small)

# --- scband reference (transcript-rebuilt; emitter-appended) ---
"""Pipeline reference for scband-path-mlenhanced-cell-net-10041633538774 (READ-ONLY COPY).

The authoritative reference and input builder live on the scoring server;
editing this copy changes nothing except your own understanding.
"""

import jax, jax.numpy as jnp
import numpy as np

N = 10000; E = 160000; B = 16; IN = 32; OUT = 32; EF = 4; NET = 25; NPT = 6
D = OUT + 64; H = 4; HD = D // H

def _lin(key, o, i):
    k1, k2 = jax.random.split(key)
    s = 1.0 / np.sqrt(i)
    return (jax.random.uniform(k1, (o, i), jnp.float32, -s, s),
            jax.random.uniform(k2, (o,), jnp.float32, -s, s))

def setup_inputs(seed=0):
    key = jax.random.key(seed)
    ks = jax.random.split(key, 32)
    inp = {}
    inp['x'] = jax.random.normal(ks[0], (N, IN), jnp.float32)
    inp['edge_index'] = jax.random.randint(ks[1], (2, E), 0, N, jnp.int32)
    et = jax.random.randint(ks[2], (E,), 0, NET).astype(jnp.float32)
    inp['edge_attr'] = jnp.concatenate([et[:, None], jax.random.normal(ks[3], (E, EF), jnp.float32)], axis=1)
    inp['cell_type'] = jax.random.randint(ks[4], (N,), 0, 6, jnp.int32)
    inp['batch_vec'] = jnp.sort(jax.random.randint(ks[5], (N,), 0, B, jnp.int32))
    inp['patch_type'] = jax.random.randint(ks[6], (B,), 0, NPT, jnp.int32)
    inp['cell_composition'] = jax.random.normal(ks[7], (B, 5), jnp.float32)
    inp['microenv_features'] = jax.random.normal(ks[8], (B, 33), jnp.float32)
    inp['pathml_features'] = jax.random.normal(ks[9], (B, 12), jnp.float32)
    inp['emb1'] = jax.random.normal(ks[10], (NET, IN * 10), jnp.float32) * 0.1
    inp['Wh1'], inp['bh1'] = _lin(ks[11], IN * 10, EF)
    inp['Wg1'], inp['bg1'] = _lin(ks[12], IN * 10, EF)
    inp['root1'], _ = _lin(ks[13], 10, IN); inp['bias1'] = jnp.zeros((10,), jnp.float32)
    inp['emb2'] = jax.random.normal(ks[14], (NET, 100), jnp.float32) * 0.1
    inp['Wh2'], inp['bh2'] = _lin(ks[15], 100, EF)
    inp['Wg2'], inp['bg2'] = _lin(ks[16], 100, EF)
    inp['root2'], _ = _lin(ks[17], 10, 10); inp['bias2'] = jnp.zeros((10,), jnp.float32)
    inp['emb3'] = jax.random.normal(ks[18], (NET, 10 * OUT), jnp.float32) * 0.1
    inp['Wh3'], inp['bh3'] = _lin(ks[19], 10 * OUT, EF)
    inp['Wg3'], inp['bg3'] = _lin(ks[20], 10 * OUT, EF)
    inp['root3'], _ = _lin(ks[21], OUT, 10); inp['bias3'] = jnp.zeros((OUT,), jnp.float32)
    inp['pte'] = jax.random.normal(ks[22], (NPT, 16), jnp.float32) * 0.1
    inp['Wc'], inp['bc'] = _lin(ks[23], 16, 5)
    inp['Wm'], inp['bm'] = _lin(ks[24], 16, 33)
    inp['Wp'], inp['bp'] = _lin(ks[25], 16, 12)
    inp['in_proj_w'], inp['in_proj_b'] = _lin(ks[26], 3 * D, D)
    inp['out_proj_w'], inp['out_proj_b'] = _lin(ks[27], D, D)
    inp['f1W'], inp['f1b'] = _lin(ks[28], 128, D)
    inp['f2W'], inp['f2b'] = _lin(ks[29], 64, 128)
    inp['f3W'], inp['f3b'] = _lin(ks[30], OUT, 64)
    return inp

def _edge_nn(ea, emb, Wh, bh, Wg, bg):
    ea = jax.lax.stop_gradient(ea)  # torch code detaches edge_attr
    y = emb[ea[:, 0].astype(jnp.int32)]
    f = ea[:, 1:1 + EF]
    return jax.nn.relu(y * (f @ Wh.T + bh) + (f @ Wg.T + bg))

def _nnconv(x, ei, ew, ic, oc, rw, b):
    src, dst = ei[0], ei[1]
    msg = jnp.einsum('ei,eio->eo', x[src], ew.reshape(E, ic, oc))
    s = jax.ops.segment_sum(msg, dst, num_segments=N)
    c = jax.ops.segment_sum(jnp.ones((E,), jnp.float32), dst, num_segments=N)
    return s / jnp.maximum(c, 1.0)[:, None] + x @ rw.T + b

def _forward(p, edge_index, cell_type, batch_vec, patch_type):
    h = jax.nn.relu(_nnconv(p['x'], edge_index, _edge_nn(p['edge_attr'], p['emb1'], p['Wh1'], p['bh1'], p['Wg1'], p['bg1']), IN, 10, p['root1'], p['bias1']))
    h = jax.nn.relu(_nnconv(h, edge_index, _edge_nn(p['edge_attr'], p['emb2'], p['Wh2'], p['bh2'], p['Wg2'], p['bg2']), 10, 10, p['root2'], p['bias2']))
    h = jax.nn.relu(_nnconv(h, edge_index, _edge_nn(p['edge_attr'], p['emb3'], p['Wh3'], p['bh3'], p['Wg3'], p['bg3']), 10, OUT, p['root3'], p['bias3']))
    gate = (cell_type == 1).astype(jnp.int32)
    idx = gate * (batch_vec + 1)
    s = jax.ops.segment_sum(h, idx, num_segments=B + 1)
    c = jax.ops.segment_sum(jnp.ones((N,), jnp.float32), idx, num_segments=B + 1)
    gf = (s / jnp.maximum(c, 1.0)[:, None])[1:B + 1]
    pt = p['pte'][patch_type]
    cf = p['cell_composition'] @ p['Wc'].T + p['bc']
    mf = p['microenv_features'] @ p['Wm'].T + p['bm']
    pf = p['pathml_features'] @ p['Wp'].T + p['bp']
    comb = jnp.concatenate([gf, pt, cf, mf, pf], axis=1)
    qkv = comb @ p['in_proj_w'].T + p['in_proj_b']
    q, k, v = jnp.split(qkv, 3, axis=1)
    qh = q.reshape(B, H, 1, HD); kh = k.reshape(B, H, 1, HD); vh = v.reshape(B, H, 1, HD)
    sc = (qh @ jnp.swapaxes(kh, -1, -2)) / np.sqrt(HD)
    at = jax.nn.softmax(sc, axis=-1)
    ctx = (at @ vh).reshape(B, D)
    att = ctx @ p['out_proj_w'].T + p['out_proj_b']
    a = jax.nn.relu(att @ p['f1W'].T + p['f1b'])
    a = jax.nn.relu(a @ p['f2W'].T + p['f2b'])
    return a @ p['f3W'].T + p['f3b']

def reference(x, edge_index, edge_attr, cell_type, batch_vec, patch_type,
              cell_composition, microenv_features, pathml_features,
              emb1, Wh1, bh1, Wg1, bg1, root1, bias1,
              emb2, Wh2, bh2, Wg2, bg2, root2, bias2,
              emb3, Wh3, bh3, Wg3, bg3, root3, bias3,
              pte, Wc, bc, Wm, bm, Wp, bp,
              in_proj_w, in_proj_b, out_proj_w, out_proj_b,
              f1W, f1b, f2W, f2b, f3W, f3b):
    inp = dict(x=x, edge_attr=edge_attr,
               cell_composition=cell_composition,
               microenv_features=microenv_features,
               pathml_features=pathml_features,
               emb1=emb1, Wh1=Wh1, bh1=bh1, Wg1=Wg1, bg1=bg1, root1=root1, bias1=bias1,
               emb2=emb2, Wh2=Wh2, bh2=bh2, Wg2=Wg2, bg2=bg2, root2=root2, bias2=bias2,
               emb3=emb3, Wh3=Wh3, bh3=bh3, Wg3=Wg3, bg3=bg3, root3=root3, bias3=bias3,
               pte=pte, Wc=Wc, bc=bc, Wm=Wm, bm=bm, Wp=Wp, bp=bp,
               in_proj_w=in_proj_w, in_proj_b=in_proj_b,
               out_proj_w=out_proj_w, out_proj_b=out_proj_b,
               f1W=f1W, f1b=f1b, f2W=f2W, f2b=f2b, f3W=f3W, f3b=f3b)
    return _forward(inp, edge_index, cell_type, batch_vec, patch_type)

if __name__ == "__main__":
    import jax
    _d = setup_inputs()
    print(jax.jit(kernel)(*tuple(_d.values())))

</pallas_src>

<mosaic_0001>
#map = affine_map<(d0, d1) -> (0, 0)>
#map1 = affine_map<(d0, d1) -> (0, 0, 0)>
module attributes {stable_mosaic.version = 14 : i64} {
  func.func @k(%arg0: i32, %arg1: i32, %arg2: memref<160000x128xf32, #tpu.memory_space<hbm>>, %arg3: memref<32x40x125xi32, #tpu.memory_space<hbm>>, %arg4: memref<640x16xf32, #tpu.memory_space<hbm>>, %arg5: memref<2x10000x16xf32, #tpu.memory_space<hbm>>, %arg6: memref<40x125xi32, #tpu.memory_space<vmem>>, %arg7: memref<2x625x16xf32, #tpu.memory_space<vmem>>, %arg8: memref<10000x16xf32, #tpu.memory_space<vmem_shared>>, %arg9: memref<!tpu.dma_semaphore, #tpu.memory_space<semaphore_mem>>, %arg10: memref<!tpu.dma_semaphore, #tpu.memory_space<semaphore_mem>>) attributes {dimension_semantics = [#tpu.dimension_semantics<core_parallel>, #tpu.dimension_semantics<subcore_parallel>], iteration_bounds = array<i64: 2, 16>, scalar_prefetch = 0 : i64, scratch_operands = 5 : i64, tpu.core_type = #tpu.core_type<sc_vector_subcore>, window_params = [{transform_indices = #map}, {transform_indices = #map1}, {transform_indices = #map}, {transform_indices = #map1}]} {
    %mul3A = arith.constant 2 : i32
    %mul3A_0 = arith.muli %arg1, %mul3A : i32
    %add3A = arith.addi %mul3A_0, %arg0 : i32
    %mul3A_1 = arith.constant 5000 : i32
    %mul3A_2 = arith.muli %add3A, %mul3A_1 : i32
    %mul3A_3 = arith.constant 624 : i32
    %mul3A_4 = arith.muli %arg1, %mul3A_3 : i32
    "tpu.region"() ({
      %run_scoped3A = tpu.sem_alloc : memref<!tpu.dma_semaphore, #tpu.memory_space<semaphore_mem>>
      %dma_start3A_27 = arith.constant 0 : i32
      %dma_start3A_28 = tpu.memref_slice %arg8[%mul3A_4, %dma_start3A_27] : memref<10000x16xf32, #tpu.memory_space<vmem_shared>> -> memref<640x16xf32, #tpu.memory_space<vmem_shared>>
      tpu.enqueue_dma source(%arg4 : memref<640x16xf32, #tpu.memory_space<hbm>>) target(%dma_start3A_28 : memref<640x16xf32, #tpu.memory_space<vmem_shared>>) target_semaphore(%run_scoped3A : memref<!tpu.dma_semaphore, #tpu.memory_space<semaphore_mem>>)
      %dma_wait3A = arith.constant 0 : i32
      %dma_wait3A_29 = tpu.memref_slice %arg8[%mul3A_4, %dma_wait3A] : memref<10000x16xf32, #tpu.memory_space<vmem_shared>> -> memref<640x16xf32, #tpu.memory_space<vmem_shared>>
      tpu.wait_dma2 semaphore(%run_scoped3A : memref<!tpu.dma_semaphore, #tpu.memory_space<semaphore_mem>>) src(%arg4 : memref<640x16xf32, #tpu.memory_space<hbm>>) dst(%dma_wait3A_29 : memref<640x16xf32, #tpu.memory_space<vmem_shared>>)
      tpu.yield
    }) : () -> ()
    "tpu.region"() ({
      %run_scoped3A = tpu.sem_alloc : memref<!tpu.dma_semaphore, #tpu.memory_space<semaphore_mem>>
      %dma_start3A_27 = arith.constant 0 : i32
      %dma_start3A_28 = arith.constant 0 : i32
      %dma_start3A_29 = tpu.memref_slice %arg3[%add3A, %dma_start3A_27, %dma_start3A_28] : memref<32x40x125xi32, #tpu.memory_space<hbm>> -> memref<1x40x125xi32, #tpu.memory_space<hbm>>
      %dma_start3A_30 = tpu.memref_squeeze %dma_start3A_29 : memref<1x40x125xi32, #tpu.memory_space<hbm>> -> memref<40x125xi32, #tpu.memory_space<hbm>>
      %dma_start3A_31 = arith.constant 0 : i32
      %dma_start3A_32 = arith.constant 0 : i32
      %dma_start3A_33 = tpu.memref_slice %arg3[%add3A, %dma_start3A_31, %dma_start3A_32] : memref<32x40x125xi32, #tpu.memory_space<hbm>> -> memref<1x40x125xi32, #tpu.memory_space<hbm>>
      %dma_start3A_34 = tpu.memref_squeeze %dma_start3A_33 : memref<1x40x125xi32, #tpu.memory_space<hbm>> -> memref<40x125xi32, #tpu.memory_space<hbm>>
      tpu.enqueue_dma source(%dma_start3A_34 : memref<40x125xi32, #tpu.memory_space<hbm>>) target(%arg6 : memref<40x125xi32, #tpu.memory_space<vmem>>) target_semaphore(%run_scoped3A : memref<!tpu.dma_semaphore, #tpu.memory_space<semaphore_mem>>)
      %dma_wait3A = arith.constant 0 : i32
      %dma_wait3A_35 = arith.constant 0 : i32
      %dma_wait3A_36 = tpu.memref_slice %arg3[%add3A, %dma_wait3A, %dma_wait3A_35] : memref<32x40x125xi32, #tpu.memory_space<hbm>> -> memref<1x40x125xi32, #tpu.memory_space<hbm>>
      %dma_wait3A_37 = tpu.memref_squeeze %dma_wait3A_36 : memref<1x40x125xi32, #tpu.memory_space<hbm>> -> memref<40x125xi32, #tpu.memory_space<hbm>>
      %dma_wait3A_38 = arith.constant 0 : i32
      %dma_wait3A_39 = arith.constant 0 : i32
      %dma_wait3A_40 = tpu.memref_slice %arg3[%add3A, %dma_wait3A_38, %dma_wait3A_39] : memref<32x40x125xi32, #tpu.memory_space<hbm>> -> memref<1x40x125xi32, #tpu.memory_space<hbm>>
      %dma_wait3A_41 = tpu.memref_squeeze %dma_wait3A_40 : memref<1x40x125xi32, #tpu.memory_space<hbm>> -> memref<40x125xi32, #tpu.memory_space<hbm>>
      tpu.wait_dma2 semaphore(%run_scoped3A : memref<!tpu.dma_semaphore, #tpu.memory_space<semaphore_mem>>) src(%dma_wait3A_41 : memref<40x125xi32, #tpu.memory_space<hbm>>) dst(%arg6 : memref<40x125xi32, #tpu.memory_space<vmem>>)
      tpu.yield
    }) : () -> ()
    %barrier3A = arith.constant 0 : index
    tpu.barrier barrier_id(%barrier3A)
    %dma_start3A = arith.constant 0 : i32
    %dma_start3A_5 = arith.constant 0 : i32
    %dma_start3A_6 = arith.constant 0 : i32
    %dma_start3A_7 = tpu.memref_slice %arg7[%dma_start3A, %dma_start3A_5, %dma_start3A_6] : memref<2x625x16xf32, #tpu.memory_space<vmem>> -> memref<1x625x16xf32, #tpu.memory_space<vmem>>
    %dma_start3A_8 = tpu.memref_squeeze %dma_start3A_7 : memref<1x625x16xf32, #tpu.memory_space<vmem>> -> memref<625x16xf32, #tpu.memory_space<vmem>>
    %dma_start3A_9 = arith.constant 0 : i32
    %dma_start3A_10 = tpu.memref_slice %arg2[%mul3A_2, %dma_start3A_9] : memref<160000x128xf32, #tpu.memory_space<hbm>> -> memref<625x16xf32, #tpu.memory_space<hbm>>
    %dma_start3A_11 = arith.constant 0 : i32
    %dma_start3A_12 = arith.constant 0 : i32
    %dma_start3A_13 = tpu.memref_slice %arg7[%dma_start3A, %dma_start3A_11, %dma_start3A_12] : memref<2x625x16xf32, #tpu.memory_space<vmem>> -> memref<1x625x16xf32, #tpu.memory_space<vmem>>
    %dma_start3A_14 = tpu.memref_squeeze %dma_start3A_13 : memref<1x625x16xf32, #tpu.memory_space<vmem>> -> memref<625x16xf32, #tpu.memory_space<vmem>>
    %dma_start3A_15 = arith.constant 0 : i32
    %dma_start3A_16 = tpu.memref_slice %arg2[%mul3A_2, %dma_start3A_15] : memref<160000x128xf32, #tpu.memory_space<hbm>> -> memref<625x16xf32, #tpu.memory_space<hbm>>
    tpu.enqueue_dma source(%dma_start3A_16 : memref<625x16xf32, #tpu.memory_space<hbm>>) target(%dma_start3A_14 : memref<625x16xf32, #tpu.memory_space<vmem>>) target_semaphore(%arg9 : memref<!tpu.dma_semaphore, #tpu.memory_space<semaphore_mem>>)
    %scan3A = arith.constant 0 : i32
    %scan3A_17 = arith.constant 0 : i32
    %scan3A_18 = arith.constant 8 : i32
    %scan3A_19 = arith.addi %scan3A_17, %scan3A_18 : i32
    %scan3A_20 = arith.constant 1 : i32
    scf.for %scan3A_27 = %scan3A_17 to %scan3A_19 step %scan3A_20  : i32 {
      %rem3A = arith.constant 2 : i32
      %rem3A_28 = arith.remsi %scan3A_27, %rem3A : i32
      %add3A_29 = arith.constant 1 : i32
      %add3A_30 = arith.addi %scan3A_27, %add3A_29 : i32
      %lt3A = arith.constant 8 : i32
      %lt3A_31 = arith.cmpi slt, %add3A_30, %lt3A : i32
      %convert_element_type3A = arith.extui %lt3A_31 : i1 to i32
      %cond3A = arith.constant 0 : i32
      %cond3A_32 = arith.cmpi ne, %convert_element_type3A, %cond3A : i32
      scf.if %cond3A_32 {
        %add3A_164 = arith.constant 1 : i32
        %add3A_165 = arith.addi %scan3A_27, %add3A_164 : i32
        %mul3A_166 = arith.constant 625 : i32
        %mul3A_167 = arith.muli %add3A_165, %mul3A_166 : i32
        %add3A_168 = arith.addi %mul3A_2, %mul3A_167 : i32
        %sub3A = arith.constant 1 : i32
        %sub3A_169 = arith.subi %sub3A, %rem3A_28 : i32
        %dma_start3A_170 = arith.constant 0 : i32
        %dma_start3A_171 = arith.constant 0 : i32
        %dma_start3A_172 = tpu.memref_slice %arg7[%sub3A_169, %dma_start3A_170, %dma_start3A_171] : memref<2x625x16xf32, #tpu.memory_space<vmem>> -> memref<1x625x16xf32, #tpu.memory_space<vmem>>
        %dma_start3A_173 = tpu.memref_squeeze %dma_start3A_172 : memref<1x625x16xf32, #tpu.memory_space<vmem>> -> memref<625x16xf32, #tpu.memory_space<vmem>>
        %dma_start3A_174 = arith.constant 0 : i32
        %dma_start3A_175 = tpu.memref_slice %arg2[%add3A_168, %dma_start3A_174] : memref<160000x128xf32, #tpu.memory_space<hbm>> -> memref<625x16xf32, #tpu.memory_space<hbm>>
        %dma_start3A_176 = arith.constant 0 : i32
        %dma_start3A_177 = arith.constant 0 : i32
        %dma_start3A_178 = tpu.memref_slice %arg7[%sub3A_169, %dma_start3A_176, %dma_start3A_177] : memref<2x625x16xf32, #tpu.memory_space<vmem>> -> memref<1x625x16xf32, #tpu.memory_space<vmem>>
        %dma_start3A_179 = tpu.memref_squeeze %dma_start3A_178 : memref<1x625x16xf32, #tpu.memory_space<vmem>> -> memref<625x16xf32, #tpu.memory_space<vmem>>
        %dma_start3A_180 = arith.constant 0 : i32
        %dma_start3A_181 = tpu.memref_slice %arg2[%add3A_168, %dma_start3A_180] : memref<160000x128xf32, #tpu.memory_space<hbm>> -> memref<625x16xf32, #tpu.memory_space<hbm>>
        tpu.enqueue_dma source(%dma_start3A_181 : memref<625x16xf32, #tpu.memory_space<hbm>>) target(%dma_start3A_179 : memref<625x16xf32, #tpu.memory_space<vmem>>) target_semaphore(%arg9 : memref<!tpu.dma_semaphore, #tpu.memory_space<semaphore_mem>>)
      } else {
      }
      %dma_wait3A = arith.constant 0 : i32
      %dma_wait3A_33 = arith.constant 0 : i32
      %dma_wait3A_34 = tpu.memref_slice %arg7[%rem3A_28, %dma_wait3A, %dma_wait3A_33] : memref<2x625x16xf32, #tpu.memory_space<vmem>> -> memref<1x625x16xf32, #tpu.memory_space<vmem>>
      %dma_wait3A_35 = tpu.memref_squeeze %dma_wait3A_34 : memref<1x625x16xf32, #tpu.memory_space<vmem>> -> memref<625x16xf32, #tpu.memory_space<vmem>>
      %dma_wait3A_36 = arith.constant 0 : i32
      %dma_wait3A_37 = tpu.memref_slice %arg2[%mul3A_2, %dma_wait3A_36] : memref<160000x128xf32, #tpu.memory_space<hbm>> -> memref<625x16xf32, #tpu.memory_space<hbm>>
      %dma_wait3A_38 = arith.constant 0 : i32
      %dma_wait3A_39 = arith.constant 0 : i32
      %dma_wait3A_40 = tpu.memref_slice %arg7[%rem3A_28, %dma_wait3A_38, %dma_wait3A_39] : memref<2x625x16xf32, #tpu.memory_space<vmem>> -> memref<1x625x16xf32, #tpu.memory_space<vmem>>
      %dma_wait3A_41 = tpu.memref_squeeze %dma_wait3A_40 : memref<1x625x16xf32, #tpu.memory_space<vmem>> -> memref<625x16xf32, #tpu.memory_space<vmem>>
      %dma_wait3A_42 = arith.constant 0 : i32
      %dma_wait3A_43 = tpu.memref_slice %arg2[%mul3A_2, %dma_wait3A_42] : memref<160000x128xf32, #tpu.memory_space<hbm>> -> memref<625x16xf32, #tpu.memory_space<hbm>>
      tpu.wait_dma2 semaphore(%arg9 : memref<!tpu.dma_semaphore, #tpu.memory_space<semaphore_mem>>) src(%dma_wait3A_43 : memref<625x16xf32, #tpu.memory_space<hbm>>) dst(%dma_wait3A_41 : memref<625x16xf32, #tpu.memory_space<vmem>>)
      %mul3A_44 = arith.constant 5 : i32
      %mul3A_45 = arith.muli %scan3A_27, %mul3A_44 : i32
      %add3A_46 = arith.constant 0 : i32
      %add3A_47 = arith.addi %mul3A_45, %add3A_46 : i32
      %dma_start3A_48 = arith.constant 0 : i32
      %dma_start3A_49 = arith.constant 0 : i32
      %dma_start3A_50 = tpu.memref_slice %arg7[%rem3A_28, %dma_start3A_48, %dma_start3A_49] : memref<2x625x16xf32, #tpu.memory_space<vmem>> -> memref<1x125x16xf32, #tpu.memory_space<vmem>>
      %dma_start3A_51 = tpu.memref_squeeze %dma_start3A_50 : memref<1x125x16xf32, #tpu.memory_space<vmem>> -> memref<125x16xf32, #tpu.memory_space<vmem>>
      %dma_start3A_52 = arith.constant 0 : i32
      %dma_start3A_53 = tpu.memref_slice %arg6[%add3A_47, %dma_start3A_52] : memref<40x125xi32, #tpu.memory_space<vmem>> -> memref<1x125xi32, #tpu.memory_space<vmem>>
      %dma_start3A_54 = tpu.memref_squeeze %dma_start3A_53 : memref<1x125xi32, #tpu.memory_space<vmem>> -> memref<125xi32, #tpu.memory_space<vmem>>
      %dma_start3A_55 = arith.constant 0 : i32
      %dma_start3A_56 = arith.constant 0 : i32
      %dma_start3A_57 = tpu.memref_slice %arg8[%dma_start3A_55, %dma_start3A_56] : memref<10000x16xf32, #tpu.memory_space<vmem_shared>> -> memref<10000x16xf32, #tpu.memory_space<vmem_shared>>
      tpu.enqueue_indirect_dma source(%dma_start3A_51 : memref<125x16xf32, #tpu.memory_space<vmem>>) target(%dma_start3A_57 : memref<10000x16xf32, #tpu.memory_space<vmem_shared>>) offsets(%dma_start3A_54 : memref<125xi32, #tpu.memory_space<vmem>>) semaphore(%arg10 : memref<!tpu.dma_semaphore, #tpu.memory_space<semaphore_mem>>) {add = true}
      %mul3A_58 = arith.constant 5 : i32
      %mul3A_59 = arith.muli %scan3A_27, %mul3A_58 : i32
      %add3A_60 = arith.constant 1 : i32
      %add3A_61 = arith.addi %mul3A_59, %add3A_60 : i32
      %dma_start3A_62 = arith.constant 125 : i32
      %dma_start3A_63 = arith.constant 0 : i32
      %dma_start3A_64 = tpu.memref_slice %arg7[%rem3A_28, %dma_start3A_62, %dma_start3A_63] : memref<2x625x16xf32, #tpu.memory_space<vmem>> -> memref<1x125x16xf32, #tpu.memory_space<vmem>>
      %dma_start3A_65 = tpu.memref_squeeze %dma_start3A_64 : memref<1x125x16xf32, #tpu.memory_space<vmem>> -> memref<125x16xf32, #tpu.memory_space<vmem>>
      %dma_start3A_66 = arith.constant 0 : i32
      %dma_start3A_67 = tpu.memref_slice %arg6[%add3A_61, %dma_start3A_66] : memref<40x125xi32, #tpu.memory_space<vmem>> -> memref<1x125xi32, #tpu.memory_space<vmem>>
      %dma_start3A_68 = tpu.memref_squeeze %dma_start3A_67 : memref<1x125xi32, #tpu.memory_space<vmem>> -> memref<125xi32, #tpu.memory_space<vmem>>
      %dma_start3A_69 = arith.constant 0 : i32
      %dma_start3A_70 = arith.constant 0 : i32
      %dma_start3A_71 = tpu.memref_slice %arg8[%dma_start3A_69, %dma_start3A_70] : memref<10000x16xf32, #tpu.memory_space<vmem_shared>> -> memref<10000x16xf32, #tpu.memory_space<vmem_shared>>
      tpu.enqueue_indirect_dma source(%dma_start3A_65 : memref<125x16xf32, #tpu.memory_space<vmem>>) target(%dma_start3A_71 : memref<10000x16xf32, #tpu.memory_space<vmem_shared>>) offsets(%dma_start3A_68 : memref<125xi32, #tpu.memory_space<vmem>>) semaphore(%arg10 : memref<!tpu.dma_semaphore, #tpu.memory_space<semaphore_mem>>) {add = true}
      %mul3A_72 = arith.constant 5 : i32
      %mul3A_73 = arith.muli %scan3A_27, %mul3A_72 : i32
      %add3A_74 = arith.constant 2 : i32
      %add3A_75 = arith.addi %mul3A_73, %add3A_74 : i32
      %dma_start3A_76 = arith.constant 250 : i32
      %dma_start3A_77 = arith.constant 0 : i32
      %dma_start3A_78 = tpu.memref_slice %arg7[%rem3A_28, %dma_start3A_76, %dma_start3A_77] : memref<2x625x16xf32, #tpu.memory_space<vmem>> -> memref<1x125x16xf32, #tpu.memory_space<vmem>>
      %dma_start3A_79 = tpu.memref_squeeze %dma_start3A_78 : memref<1x125x16xf32, #tpu.memory_space<vmem>> -> memref<125x16xf32, #tpu.memory_space<vmem>>
      %dma_start3A_80 = arith.constant 0 : i32
      %dma_start3A_81 = tpu.memref_slice %arg6[%add3A_75, %dma_start3A_80] : memref<40x125xi32, #tpu.memory_space<vmem>> -> memref<1x125xi32, #tpu.memory_space<vmem>>
      %dma_start3A_82 = tpu.memref_squeeze %dma_start3A_81 : memref<1x125xi32, #tpu.memory_space<vmem>> -> memref<125xi32, #tpu.memory_space<vmem>>
      %dma_start3A_83 = arith.constant 0 : i32
      %dma_start3A_84 = arith.constant 0 : i32
      %dma_start3A_85 = tpu.memref_slice %arg8[%dma_start3A_83, %dma_start3A_84] : memref<10000x16xf32, #tpu.memory_space<vmem_shared>> -> memref<10000x16xf32, #tpu.memory_space<vmem_shared>>
      tpu.enqueue_indirect_dma source(%dma_start3A_79 : memref<125x16xf32, #tpu.memory_space<vmem>>) target(%dma_start3A_85 : memref<10000x16xf32, #tpu.memory_space<vmem_shared>>) offsets(%dma_start3A_82 : memref<125xi32, #tpu.memory_space<vmem>>) semaphore(%arg10 : memref<!tpu.dma_semaphore, #tpu.memory_space<semaphore_mem>>) {add = true}
      %mul3A_86 = arith.constant 5 : i32
      %mul3A_87 = arith.muli %scan3A_27, %mul3A_86 : i32
      %add3A_88 = arith.constant 3 : i32
      %add3A_89 = arith.addi %mul3A_87, %add3A_88 : i32
      %dma_start3A_90 = arith.constant 375 : i32
      %dma_start3A_91 = arith.constant 0 : i32
      %dma_start3A_92 = tpu.memref_slice %arg7[%rem3A_28, %dma_start3A_90, %dma_start3A_91] : memref<2x625x16xf32, #tpu.memory_space<vmem>> -> memref<1x125x16xf32, #tpu.memory_space<vmem>>
      %dma_start3A_93 = tpu.memref_squeeze %dma_start3A_92 : memref<1x125x16xf32, #tpu.memory_space<vmem>> -> memref<125x16xf32, #tpu.memory_space<vmem>>
      %dma_start3A_94 = arith.constant 0 : i32
      %dma_start3A_95 = tpu.memref_slice %arg6[%add3A_89, %dma_start3A_94] : memref<40x125xi32, #tpu.memory_space<vmem>> -> memref<1x125xi32, #tpu.memory_space<vmem>>
      %dma_start3A_96 = tpu.memref_squeeze %dma_start3A_95 : memref<1x125xi32, #tpu.memory_space<vmem>> -> memref<125xi32, #tpu.memory_space<vmem>>
      %dma_start3A_97 = arith.constant 0 : i32
      %dma_start3A_98 = arith.constant 0 : i32
      %dma_start3A_99 = tpu.memref_slice %arg8[%dma_start3A_97, %dma_start3A_98] : memref<10000x16xf32, #tpu.memory_space<vmem_shared>> -> memref<10000x16xf32, #tpu.memory_space<vmem_shared>>
      tpu.enqueue_indirect_dma source(%dma_start3A_93 : memref<125x16xf32, #tpu.memory_space<vmem>>) target(%dma_start3A_99 : memref<10000x16xf32, #tpu.memory_space<vmem_shared>>) offsets(%dma_start3A_96 : memref<125xi32, #tpu.memory_space<vmem>>) semaphore(%arg10 : memref<!tpu.dma_semaphore, #tpu.memory_space<semaphore_mem>>) {add = true}
      %mul3A_100 = arith.constant 5 : i32
      %mul3A_101 = arith.muli %scan3A_27, %mul3A_100 : i32
      %add3A_102 = arith.constant 4 : i32
      %add3A_103 = arith.addi %mul3A_101, %add3A_102 : i32
      %dma_start3A_104 = arith.constant 500 : i32
      %dma_start3A_105 = arith.constant 0 : i32
      %dma_start3A_106 = tpu.memref_slice %arg7[%rem3A_28, %dma_start3A_104, %dma_start3A_105] : memref<2x625x16xf32, #tpu.memory_space<vmem>> -> memref<1x125x16xf32, #tpu.memory_space<vmem>>
      %dma_start3A_107 = tpu.memref_squeeze %dma_start3A_106 : memref<1x125x16xf32, #tpu.memory_space<vmem>> -> memref<125x16xf32, #tpu.memory_space<vmem>>
      %dma_start3A_108 = arith.constant 0 : i32
      %dma_start3A_109 = tpu.memref_slice %arg6[%add3A_103, %dma_start3A_108] : memref<40x125xi32, #tpu.memory_space<vmem>> -> memref<1x125xi32, #tpu.memory_space<vmem>>
      %dma_start3A_110 = tpu.memref_squeeze %dma_start3A_109 : memref<1x125xi32, #tpu.memory_space<vmem>> -> memref<125xi32, #tpu.memory_space<vmem>>
      %dma_start3A_111 = arith.constant 0 : i32
      %dma_start3A_112 = arith.constant 0 : i32
      %dma_start3A_113 = tpu.memref_slice %arg8[%dma_start3A_111, %dma_start3A_112] : memref<10000x16xf32, #tpu.memory_space<vmem_shared>> -> memref<10000x16xf32, #tpu.memory_space<vmem_shared>>
      tpu.enqueue_indirect_dma source(%dma_start3A_107 : memref<125x16xf32, #tpu.memory_space<vmem>>) target(%dma_start3A_113 : memref<10000x16xf32, #tpu.memory_space<vmem_shared>>) offsets(%dma_start3A_110 : memref<125xi32, #tpu.memory_space<vmem>>) semaphore(%arg10 : memref<!tpu.dma_semaphore, #tpu.memory_space<semaphore_mem>>) {add = true}
      %dma_wait3A_114 = arith.constant 0 : i32
      %dma_wait3A_115 = arith.constant 0 : i32
      %dma_wait3A_116 = tpu.memref_slice %arg7[%rem3A_28, %dma_wait3A_114, %dma_wait3A_115] : memref<2x625x16xf32, #tpu.memory_space<vmem>> -> memref<1x125x16xf32, #tpu.memory_space<vmem>>
      %dma_wait3A_117 = tpu.memref_squeeze %dma_wait3A_116 : memref<1x125x16xf32, #tpu.memory_space<vmem>> -> memref<125x16xf32, #tpu.memory_space<vmem>>
      %dma_wait3A_118 = arith.constant 0 : i32
      %dma_wait3A_119 = tpu.memref_slice %arg6[%add3A_47, %dma_wait3A_118] : memref<40x125xi32, #tpu.memory_space<vmem>> -> memref<1x125xi32, #tpu.memory_space<vmem>>
      %dma_wait3A_120 = tpu.memref_squeeze %dma_wait3A_119 : memref<1x125xi32, #tpu.memory_space<vmem>> -> memref<125xi32, #tpu.memory_space<vmem>>
      %dma_wait3A_121 = arith.constant 0 : i32
      %dma_wait3A_122 = arith.constant 0 : i32
      %dma_wait3A_123 = tpu.memref_slice %arg8[%dma_wait3A_121, %dma_wait3A_122] : memref<10000x16xf32, #tpu.memory_space<vmem_shared>> -> memref<10000x16xf32, #tpu.memory_space<vmem_shared>>
      tpu.wait_indirect_dma semaphore(%arg10 : memref<!tpu.dma_semaphore, #tpu.memory_space<semaphore_mem>>) src(%dma_wait3A_117 : memref<125x16xf32, #tpu.memory_space<vmem>>) dst(%dma_wait3A_123 : memref<10000x16xf32, #tpu.memory_space<vmem_shared>>)
      %dma_wait3A_124 = arith.constant 125 : i32
      %dma_wait3A_125 = arith.constant 0 : i32
      %dma_wait3A_126 = tpu.memref_slice %arg7[%rem3A_28, %dma_wait3A_124, %dma_wait3A_125] : memref<2x625x16xf32, #tpu.memory_space<vmem>> -> memref<1x125x16xf32, #tpu.memory_space<vmem>>
      %dma_wait3A_127 = tpu.memref_squeeze %dma_wait3A_126 : memref<1x125x16xf32, #tpu.memory_space<vmem>> -> memref<125x16xf32, #tpu.memory_space<vmem>>
      %dma_wait3A_128 = arith.constant 0 : i32
      %dma_wait3A_129 = tpu.memref_slice %arg6[%add3A_61, %dma_wait3A_128] : memref<40x125xi32, #tpu.memory_space<vmem>> -> memref<1x125xi32, #tpu.memory_space<vmem>>
      %dma_wait3A_130 = tpu.memref_squeeze %dma_wait3A_129 : memref<1x125xi32, #tpu.memory_space<vmem>> -> memref<125xi32, #tpu.memory_space<vmem>>
      %dma_wait3A_131 = arith.constant 0 : i32
      %dma_wait3A_132 = arith.constant 0 : i32
      %dma_wait3A_133 = tpu.memref_slice %arg8[%dma_wait3A_131, %dma_wait3A_132] : memref<10000x16xf32, #tpu.memory_space<vmem_shared>> -> memref<10000x16xf32, #tpu.memory_space<vmem_shared>>
      tpu.wait_indirect_dma semaphore(%arg10 : memref<!tpu.dma_semaphore, #tpu.memory_space<semaphore_mem>>) src(%dma_wait3A_127 : memref<125x16xf32, #tpu.memory_space<vmem>>) dst(%dma_wait3A_133 : memref<10000x16xf32, #tpu.memory_space<vmem_shared>>)
      %dma_wait3A_134 = arith.constant 250 : i32
      %dma_wait3A_135 = arith.constant 0 : i32
      %dma_wait3A_136 = tpu.memref_slice %arg7[%rem3A_28, %dma_wait3A_134, %dma_wait3A_135] : memref<2x625x16xf32, #tpu.memory_space<vmem>> -> memref<1x125x16xf32, #tpu.memory_space<vmem>>
      %dma_wait3A_137 = tpu.memref_squeeze %dma_wait3A_136 : memref<1x125x16xf32, #tpu.memory_space<vmem>> -> memref<125x16xf32, #tpu.memory_space<vmem>>
      %dma_wait3A_138 = arith.constant 0 : i32
      %dma_wait3A_139 = tpu.memref_slice %arg6[%add3A_75, %dma_wait3A_138] : memref<40x125xi32, #tpu.memory_space<vmem>> -> memref<1x125xi32, #tpu.memory_space<vmem>>
      %dma_wait3A_140 = tpu.memref_squeeze %dma_wait3A_139 : memref<1x125xi32, #tpu.memory_space<vmem>> -> memref<125xi32, #tpu.memory_space<vmem>>
      %dma_wait3A_141 = arith.constant 0 : i32
      %dma_wait3A_142 = arith.constant 0 : i32
      %dma_wait3A_143 = tpu.memref_slice %arg8[%dma_wait3A_141, %dma_wait3A_142] : memref<10000x16xf32, #tpu.memory_space<vmem_shared>> -> memref<10000x16xf32, #tpu.memory_space<vmem_shared>>
      tpu.wait_indirect_dma semaphore(%arg10 : memref<!tpu.dma_semaphore, #tpu.memory_space<semaphore_mem>>) src(%dma_wait3A_137 : memref<125x16xf32, #tpu.memory_space<vmem>>) dst(%dma_wait3A_143 : memref<10000x16xf32, #tpu.memory_space<vmem_shared>>)
      %dma_wait3A_144 = arith.constant 375 : i32
      %dma_wait3A_145 = arith.constant 0 : i32
      %dma_wait3A_146 = tpu.memref_slice %arg7[%rem3A_28, %dma_wait3A_144, %dma_wait3A_145] : memref<2x625x16xf32, #tpu.memory_space<vmem>> -> memref<1x125x16xf32, #tpu.memory_space<vmem>>
      %dma_wait3A_147 = tpu.memref_squeeze %dma_wait3A_146 : memref<1x125x16xf32, #tpu.memory_space<vmem>> -> memref<125x16xf32, #tpu.memory_space<vmem>>
      %dma_wait3A_148 = arith.constant 0 : i32
      %dma_wait3A_149 = tpu.memref_slice %arg6[%add3A_89, %dma_wait3A_148] : memref<40x125xi32, #tpu.memory_space<vmem>> -> memref<1x125xi32, #tpu.memory_space<vmem>>
      %dma_wait3A_150 = tpu.memref_squeeze %dma_wait3A_149 : memref<1x125xi32, #tpu.memory_space<vmem>> -> memref<125xi32, #tpu.memory_space<vmem>>
      %dma_wait3A_151 = arith.constant 0 : i32
      %dma_wait3A_152 = arith.constant 0 : i32
      %dma_wait3A_153 = tpu.memref_slice %arg8[%dma_wait3A_151, %dma_wait3A_152] : memref<10000x16xf32, #tpu.memory_space<vmem_shared>> -> memref<10000x16xf32, #tpu.memory_space<vmem_shared>>
      tpu.wait_indirect_dma semaphore(%arg10 : memref<!tpu.dma_semaphore, #tpu.memory_space<semaphore_mem>>) src(%dma_wait3A_147 : memref<125x16xf32, #tpu.memory_space<vmem>>) dst(%dma_wait3A_153 : memref<10000x16xf32, #tpu.memory_space<vmem_shared>>)
      %dma_wait3A_154 = arith.constant 500 : i32
      %dma_wait3A_155 = arith.constant 0 : i32
      %dma_wait3A_156 = tpu.memref_slice %arg7[%rem3A_28, %dma_wait3A_154, %dma_wait3A_155] : memref<2x625x16xf32, #tpu.memory_space<vmem>> -> memref<1x125x16xf32, #tpu.memory_space<vmem>>
      %dma_wait3A_157 = tpu.memref_squeeze %dma_wait3A_156 : memref<1x125x16xf32, #tpu.memory_space<vmem>> -> memref<125x16xf32, #tpu.memory_space<vmem>>
      %dma_wait3A_158 = arith.constant 0 : i32
      %dma_wait3A_159 = tpu.memref_slice %arg6[%add3A_103, %dma_wait3A_158] : memref<40x125xi32, #tpu.memory_space<vmem>> -> memref<1x125xi32, #tpu.memory_space<vmem>>
      %dma_wait3A_160 = tpu.memref_squeeze %dma_wait3A_159 : memref<1x125xi32, #tpu.memory_space<vmem>> -> memref<125xi32, #tpu.memory_space<vmem>>
      %dma_wait3A_161 = arith.constant 0 : i32
      %dma_wait3A_162 = arith.constant 0 : i32
      %dma_wait3A_163 = tpu.memref_slice %arg8[%dma_wait3A_161, %dma_wait3A_162] : memref<10000x16xf32, #tpu.memory_space<vmem_shared>> -> memref<10000x16xf32, #tpu.memory_space<vmem_shared>>
      tpu.wait_indirect_dma semaphore(%arg10 : memref<!tpu.dma_semaphore, #tpu.memory_space<semaphore_mem>>) src(%dma_wait3A_157 : memref<125x16xf32, #tpu.memory_space<vmem>>) dst(%dma_wait3A_163 : memref<10000x16xf32, #tpu.memory_space<vmem_shared>>)
    }
    %scan3A_21 = arith.constant 8 : i32
    %barrier3A_22 = arith.constant 0 : index
    tpu.barrier barrier_id(%barrier3A_22)
    %mul3A_23 = arith.constant 624 : i32
    %mul3A_24 = arith.muli %arg1, %mul3A_23 : i32
    %mul3A_25 = arith.constant 624 : i32
    %mul3A_26 = arith.muli %arg1, %mul3A_25 : i32
    "tpu.region"() ({
      %run_scoped3A = tpu.sem_alloc : memref<!tpu.dma_semaphore, #tpu.memory_space<semaphore_mem>>
      %dma_start3A_27 = arith.constant 0 : i32
      %dma_start3A_28 = tpu.memref_slice %arg5[%arg0, %mul3A_26, %dma_start3A_27] : memref<2x10000x16xf32, #tpu.memory_space<hbm>> -> memref<1x640x16xf32, #tpu.memory_space<hbm>>
      %dma_start3A_29 = tpu.memref_squeeze %dma_start3A_28 : memref<1x640x16xf32, #tpu.memory_space<hbm>> -> memref<640x16xf32, #tpu.memory_space<hbm>>
      %dma_start3A_30 = arith.constant 0 : i32
      %dma_start3A_31 = tpu.memref_slice %arg8[%mul3A_24, %dma_start3A_30] : memref<10000x16xf32, #tpu.memory_space<vmem_shared>> -> memref<640x16xf32, #tpu.memory_space<vmem_shared>>
      tpu.enqueue_dma source(%dma_start3A_31 : memref<640x16xf32, #tpu.memory_space<vmem_shared>>) target(%dma_start3A_29 : memref<640x16xf32, #tpu.memory_space<hbm>>) target_semaphore(%run_scoped3A : memref<!tpu.dma_semaphore, #tpu.memory_space<semaphore_mem>>)
      %dma_wait3A = arith.constant 0 : i32
      %dma_wait3A_32 = tpu.memref_slice %arg5[%arg0, %mul3A_26, %dma_wait3A] : memref<2x10000x16xf32, #tpu.memory_space<hbm>> -> memref<1x640x16xf32, #tpu.memory_space<hbm>>
      %dma_wait3A_33 = tpu.memref_squeeze %dma_wait3A_32 : memref<1x640x16xf32, #tpu.memory_space<hbm>> -> memref<640x16xf32, #tpu.memory_space<hbm>>
      %dma_wait3A_34 = arith.constant 0 : i32
      %dma_wait3A_35 = tpu.memref_slice %arg8[%mul3A_24, %dma_wait3A_34] : memref<10000x16xf32, #tpu.memory_space<vmem_shared>> -> memref<640x16xf32, #tpu.memory_space<vmem_shared>>
      tpu.wait_dma2 semaphore(%run_scoped3A : memref<!tpu.dma_semaphore, #tpu.memory_space<semaphore_mem>>) src(%dma_wait3A_35 : memref<640x16xf32, #tpu.memory_space<vmem_shared>>) dst(%dma_wait3A_33 : memref<640x16xf32, #tpu.memory_space<hbm>>)
      tpu.yield
    }) : () -> ()
    return
  }
}

#map = affine_map<(d0, d1) -> (0, 0)>
#map1 = affine_map<(d0, d1) -> (0, 0, 0)>
module attributes {stable_mosaic.version = 14 : i64} {
  func.func @k(%arg0: i32, %arg1: i32, %arg2: memref<10000x32xf32, #tpu.memory_space<hbm>>, %arg3: memref<32x40x125xi32, #tpu.memory_space<hbm>>, %arg4: memref<160000x128xf32, #tpu.memory_space<hbm>>, %arg5: memref<40x125xi32, #tpu.memory_space<vmem>>, %arg6: memref<2x625x32xf32, #tpu.memory_space<vmem>>, %arg7: memref<!tpu.dma_semaphore, #tpu.memory_space<semaphore_mem>>) attributes {dimension_semantics = [#tpu.dimension_semantics<core_parallel>, #tpu.dimension_semantics<subcore_parallel>], iteration_bounds = array<i64: 2, 16>, scalar_prefetch = 0 : i64, scratch_operands = 3 : i64, tpu.core_type = #tpu.core_type<sc_vector_subcore>, window_params = [{transform_indices = #map}, {transform_indices = #map1}, {transform_indices = #map}]} {
    %mul3A = arith.constant 2 : i32
    %mul3A_0 = arith.muli %arg1, %mul3A : i32
    %add3A = arith.addi %mul3A_0, %arg0 : i32
    "tpu.region"() ({
      %run_scoped3A = tpu.sem_alloc : memref<!tpu.dma_semaphore, #tpu.memory_space<semaphore_mem>>
      %dma_start3A_67 = arith.constant 0 : i32
      %dma_start3A_68 = arith.constant 0 : i32
      %dma_start3A_69 = tpu.memref_slice %arg3[%add3A, %dma_start3A_67, %dma_start3A_68] : memref<32x40x125xi32, #tpu.memory_space<hbm>> -> memref<1x40x125xi32, #tpu.memory_space<hbm>>
      %dma_start3A_70 = tpu.memref_squeeze %dma_start3A_69 : memref<1x40x125xi32, #tpu.memory_space<hbm>> -> memref<40x125xi32, #tpu.memory_space<hbm>>
      %dma_start3A_71 = arith.constant 0 : i32
      %dma_start3A_72 = arith.constant 0 : i32
      %dma_start3A_73 = tpu.memref_slice %arg3[%add3A, %dma_start3A_71, %dma_start3A_72] : memref<32x40x125xi32, #tpu.memory_space<hbm>> -> memref<1x40x125xi32, #tpu.memory_space<hbm>>
      %dma_start3A_74 = tpu.memref_squeeze %dma_start3A_73 : memref<1x40x125xi32, #tpu.memory_space<hbm>> -> memref<40x125xi32, #tpu.memory_space<hbm>>
      tpu.enqueue_dma source(%dma_start3A_74 : memref<40x125xi32, #tpu.memory_space<hbm>>) target(%arg5 : memref<40x125xi32, #tpu.memory_space<vmem>>) target_semaphore(%run_scoped3A : memref<!tpu.dma_semaphore, #tpu.memory_space<semaphore_mem>>)
      %dma_wait3A = arith.constant 0 : i32
      %dma_wait3A_75 = arith.constant 0 : i32
      %dma_wait3A_76 = tpu.memref_slice %arg3[%add3A, %dma_wait3A, %dma_wait3A_75] : memref<32x40x125xi32, #tpu.memory_space<hbm>> -> memref<1x40x125xi32, #tpu.memory_space<hbm>>
      %dma_wait3A_77 = tpu.memref_squeeze %dma_wait3A_76 : memref<1x40x125xi32, #tpu.memory_space<hbm>> -> memref<40x125xi32, #tpu.memory_space<hbm>>
      %dma_wait3A_78 = arith.constant 0 : i32
      %dma_wait3A_79 = arith.constant 0 : i32
      %dma_wait3A_80 = tpu.memref_slice %arg3[%add3A, %dma_wait3A_78, %dma_wait3A_79] : memref<32x40x125xi32, #tpu.memory_space<hbm>> -> memref<1x40x125xi32, #tpu.memory_space<hbm>>
      %dma_wait3A_81 = tpu.memref_squeeze %dma_wait3A_80 : memref<1x40x125xi32, #tpu.memory_space<hbm>> -> memref<40x125xi32, #tpu.memory_space<hbm>>
      tpu.wait_dma2 semaphore(%run_scoped3A : memref<!tpu.dma_semaphore, #tpu.memory_space<semaphore_mem>>) src(%dma_wait3A_81 : memref<40x125xi32, #tpu.memory_space<hbm>>) dst(%arg5 : memref<40x125xi32, #tpu.memory_space<vmem>>)
      tpu.yield
    }) : () -> ()
    %mul3A_1 = arith.constant 5000 : i32
    %mul3A_2 = arith.muli %add3A, %mul3A_1 : i32
    %dma_start3A = arith.constant 0 : i32
    %dma_start3A_3 = arith.constant 0 : i32
    %dma_start3A_4 = arith.constant 0 : i32
    %dma_start3A_5 = arith.constant 0 : i32
    %dma_start3A_6 = tpu.memref_slice %arg6[%dma_start3A_3, %dma_start3A_4, %dma_start3A_5] : memref<2x625x32xf32, #tpu.memory_space<vmem>> -> memref<1x125x32xf32, #tpu.memory_space<vmem>>
    %dma_start3A_7 = tpu.memref_squeeze %dma_start3A_6 : memref<1x125x32xf32, #tpu.memory_space<vmem>> -> memref<125x32xf32, #tpu.memory_space<vmem>>
    %dma_start3A_8 = arith.constant 0 : i32
    %dma_start3A_9 = tpu.memref_slice %arg5[%dma_start3A, %dma_start3A_8] : memref<40x125xi32, #tpu.memory_space<vmem>> -> memref<1x125xi32, #tpu.memory_space<vmem>>
    %dma_start3A_10 = tpu.memref_squeeze %dma_start3A_9 : memref<1x125xi32, #tpu.memory_space<vmem>> -> memref<125xi32, #tpu.memory_space<vmem>>
    %dma_start3A_11 = arith.constant 0 : i32
    %dma_start3A_12 = arith.constant 0 : i32
    %dma_start3A_13 = tpu.memref_slice %arg2[%dma_start3A_11, %dma_start3A_12] : memref<10000x32xf32, #tpu.memory_space<hbm>> -> memref<10000x32xf32, #tpu.memory_space<hbm>>
    tpu.enqueue_indirect_dma source(%dma_start3A_13 : memref<10000x32xf32, #tpu.memory_space<hbm>>) target(%dma_start3A_7 : memref<125x32xf32, #tpu.memory_space<vmem>>) offsets(%dma_start3A_10 : memref<125xi32, #tpu.memory_space<vmem>>) semaphore(%arg7 : memref<!tpu.dma_semaphore, #tpu.memory_space<semaphore_mem>>)
    %dma_start3A_14 = arith.constant 1 : i32
    %dma_start3A_15 = arith.constant 0 : i32
    %dma_start3A_16 = arith.constant 125 : i32
    %dma_start3A_17 = arith.constant 0 : i32
    %dma_start3A_18 = tpu.memref_slice %arg6[%dma_start3A_15, %dma_start3A_16, %dma_start3A_17] : memref<2x625x32xf32, #tpu.memory_space<vmem>> -> memref<1x125x32xf32, #tpu.memory_space<vmem>>
    %dma_start3A_19 = tpu.memref_squeeze %dma_start3A_18 : memref<1x125x32xf32, #tpu.memory_space<vmem>> -> memref<125x32xf32, #tpu.memory_space<vmem>>
    %dma_start3A_20 = arith.constant 0 : i32
    %dma_start3A_21 = tpu.memref_slice %arg5[%dma_start3A_14, %dma_start3A_20] : memref<40x125xi32, #tpu.memory_space<vmem>> -> memref<1x125xi32, #tpu.memory_space<vmem>>
    %dma_start3A_22 = tpu.memref_squeeze %dma_start3A_21 : memref<1x125xi32, #tpu.memory_space<vmem>> -> memref<125xi32, #tpu.memory_space<vmem>>
    %dma_start3A_23 = arith.constant 0 : i32
    %dma_start3A_24 = arith.constant 0 : i32
    %dma_start3A_25 = tpu.memref_slice %arg2[%dma_start3A_23, %dma_start3A_24] : memref<10000x32xf32, #tpu.memory_space<hbm>> -> memref<10000x32xf32, #tpu.memory_space<hbm>>
    tpu.enqueue_indirect_dma source(%dma_start3A_25 : memref<10000x32xf32, #tpu.memory_space<hbm>>) target(%dma_start3A_19 : memref<125x32xf32, #tpu.memory_space<vmem>>) offsets(%dma_start3A_22 : memref<125xi32, #tpu.memory_space<vmem>>) semaphore(%arg7 : memref<!tpu.dma_semaphore, #tpu.memory_space<semaphore_mem>>)
    %dma_start3A_26 = arith.constant 2 : i32
    %dma_start3A_27 = arith.constant 0 : i32
    %dma_start3A_28 = arith.constant 250 : i32
    %dma_start3A_29 = arith.constant 0 : i32
    %dma_start3A_30 = tpu.memref_slice %arg6[%dma_start3A_27, %dma_start3A_28, %dma_start3A_29] : memref<2x625x32xf32, #tpu.memory_space<vmem>> -> memref<1x125x32xf32, #tpu.memory_space<vmem>>
    %dma_start3A_31 = tpu.memref_squeeze %dma_start3A_30 : memref<1x125x32xf32, #tpu.memory_space<vmem>> -> memref<125x32xf32, #tpu.memory_space<vmem>>
    %dma_start3A_32 = arith.constant 0 : i32
    %dma_start3A_33 = tpu.memref_slice %arg5[%dma_start3A_26, %dma_start3A_32] : memref<40x125xi32, #tpu.memory_space<vmem>> -> memref<1x125xi32, #tpu.memory_space<vmem>>
    %dma_start3A_34 = tpu.memref_squeeze %dma_start3A_33 : memref<1x125xi32, #tpu.memory_space<vmem>> -> memref<125xi32, #tpu.memory_space<vmem>>
    %dma_start3A_35 = arith.constant 0 : i32
    %dma_start3A_36 = arith.constant 0 : i32
    %dma_start3A_37 = tpu.memref_slice %arg2[%dma_start3A_35, %dma_start3A_36] : memref<10000x32xf32, #tpu.memory_space<hbm>> -> memref<10000x32xf32, #tpu.memory_space<hbm>>
    tpu.enqueue_indirect_dma source(%dma_start3A_37 : memref<10000x32xf32, #tpu.memory_space<hbm>>) target(%dma_start3A_31 : memref<125x32xf32, #tpu.memory_space<vmem>>) offsets(%dma_start3A_34 : memref<125xi32, #tpu.memory_space<vmem>>) semaphore(%arg7 : memref<!tpu.dma_semaphore, #tpu.memory_space<semaphore_mem>>)
    %dma_start3A_38 = arith.constant 3 : i32
    %dma_start3A_39 = arith.constant 0 : i32
    %dma_start3A_40 = arith.constant 375 : i32
    %dma_start3A_41 = arith.constant 0 : i32
    %dma_start3A_42 = tpu.memref_slice %arg6[%dma_start3A_39, %dma_start3A_40, %dma_start3A_41] : memref<2x625x32xf32, #tpu.memory_space<vmem>> -> memref<1x125x32xf32, #tpu.memory_space<vmem>>
    %dma_start3A_43 = tpu.memref_squeeze %dma_start3A_42 : memref<1x125x32xf32, #tpu.memory_space<vmem>> -> memref<125x32xf32, #tpu.memory_space<vmem>>
    %dma_start3A_44 = arith.constant 0 : i32
    %dma_start3A_45 = tpu.memref_slice %arg5[%dma_start3A_38, %dma_start3A_44] : memref<40x125xi32, #tpu.memory_space<vmem>> -> memref<1x125xi32, #tpu.memory_space<vmem>>
    %dma_start3A_46 = tpu.memref_squeeze %dma_start3A_45 : memref<1x125xi32, #tpu.memory_space<vmem>> -> memref<125xi32, #tpu.memory_space<vmem>>
    %dma_start3A_47 = arith.constant 0 : i32
    %dma_start3A_48 = arith.constant 0 : i32
    %dma_start3A_49 = tpu.memref_slice %arg2[%dma_start3A_47, %dma_start3A_48] : memref<10000x32xf32, #tpu.memory_space<hbm>> -> memref<10000x32xf32, #tpu.memory_space<hbm>>
    tpu.enqueue_indirect_dma source(%dma_start3A_49 : memref<10000x32xf32, #tpu.memory_space<hbm>>) target(%dma_start3A_43 : memref<125x32xf32, #tpu.memory_space<vmem>>) offsets(%dma_start3A_46 : memref<125xi32, #tpu.memory_space<vmem>>) semaphore(%arg7 : memref<!tpu.dma_semaphore, #tpu.memory_space<semaphore_mem>>)
    %dma_start3A_50 = arith.constant 4 : i32
    %dma_start3A_51 = arith.constant 0 : i32
    %dma_start3A_52 = arith.constant 500 : i32
    %dma_start3A_53 = arith.constant 0 : i32
    %dma_start3A_54 = tpu.memref_slice %arg6[%dma_start3A_51, %dma_start3A_52, %dma_start3A_53] : memref<2x625x32xf32, #tpu.memory_space<vmem>> -> memref<1x125x32xf32, #tpu.memory_space<vmem>>
    %dma_start3A_55 = tpu.memref_squeeze %dma_start3A_54 : memref<1x125x32xf32, #tpu.memory_space<vmem>> -> memref<125x32xf32, #tpu.memory_space<vmem>>
    %dma_start3A_56 = arith.constant 0 : i32
    %dma_start3A_57 = tpu.memref_slice %arg5[%dma_start3A_50, %dma_start3A_56] : memref<40x125xi32, #tpu.memory_space<vmem>> -> memref<1x125xi32, #tpu.memory_space<vmem>>
    %dma_start3A_58 = tpu.memref_squeeze %dma_start3A_57 : memref<1x125xi32, #tpu.memory_space<vmem>> -> memref<125xi32, #tpu.memory_space<vmem>>
    %dma_start3A_59 = arith.constant 0 : i32
    %dma_start3A_60 = arith.constant 0 : i32
    %dma_start3A_61 = tpu.memref_slice %arg2[%dma_start3A_59, %dma_start3A_60] : memref<10000x32xf32, #tpu.memory_space<hbm>> -> memref<10000x32xf32, #tpu.memory_space<hbm>>
    tpu.enqueue_indirect_dma source(%dma_start3A_61 : memref<10000x32xf32, #tpu.memory_space<hbm>>) target(%dma_start3A_55 : memref<125x32xf32, #tpu.memory_space<vmem>>) offsets(%dma_start3A_58 : memref<125xi32, #tpu.memory_space<vmem>>) semaphore(%arg7 : memref<!tpu.dma_semaphore, #tpu.memory_space<semaphore_mem>>)
    %scan3A = arith.constant 0 : i32
    %scan3A_62 = arith.constant 0 : i32
    %scan3A_63 = arith.constant 8 : i32
    %scan3A_64 = arith.addi %scan3A_62, %scan3A_63 : i32
    %scan3A_65 = arith.constant 1 : i32
    scf.for %scan3A_67 = %scan3A_62 to %scan3A_64 step %scan3A_65  : i32 {
      %rem3A = arith.constant 2 : i32
      %rem3A_68 = arith.remsi %scan3A_67, %rem3A : i32
      %add3A_69 = arith.constant 1 : i32
      %add3A_70 = arith.addi %scan3A_67, %add3A_69 : i32
      %lt3A = arith.constant 8 : i32
      %lt3A_71 = arith.cmpi slt, %add3A_70, %lt3A : i32
      %convert_element_type3A = arith.extui %lt3A_71 : i1 to i32
      %cond3A = arith.constant 0 : i32
      %cond3A_72 = arith.cmpi ne, %convert_element_type3A, %cond3A : i32
      scf.if %cond3A_72 {
        %add3A_130 = arith.constant 1 : i32
        %add3A_131 = arith.addi %scan3A_67, %add3A_130 : i32
        %sub3A = arith.constant 1 : i32
        %sub3A_132 = arith.subi %sub3A, %rem3A_68 : i32
        %mul3A_133 = arith.constant 5 : i32
        %mul3A_134 = arith.muli %add3A_131, %mul3A_133 : i32
        %add3A_135 = arith.constant 0 : i32
        %add3A_136 = arith.addi %mul3A_134, %add3A_135 : i32
        %dma_start3A_137 = arith.constant 0 : i32
        %dma_start3A_138 = arith.constant 0 : i32
        %dma_start3A_139 = tpu.memref_slice %arg6[%sub3A_132, %dma_start3A_137, %dma_start3A_138] : memref<2x625x32xf32, #tpu.memory_space<vmem>> -> memref<1x125x32xf32, #tpu.memory_space<vmem>>
        %dma_start3A_140 = tpu.memref_squeeze %dma_start3A_139 : memref<1x125x32xf32, #tpu.memory_space<vmem>> -> memref<125x32xf32, #tpu.memory_space<vmem>>
        %dma_start3A_141 = arith.constant 0 : i32
        %dma_start3A_142 = tpu.memref_slice %arg5[%add3A_136, %dma_start3A_141] : memref<40x125xi32, #tpu.memory_space<vmem>> -> memref<1x125xi32, #tpu.memory_space<vmem>>
        %dma_start3A_143 = tpu.memref_squeeze %dma_start3A_142 : memref<1x125xi32, #tpu.memory_space<vmem>> -> memref<125xi32, #tpu.memory_space<vmem>>
        %dma_start3A_144 = arith.constant 0 : i32
        %dma_start3A_145 = arith.constant 0 : i32
        %dma_start3A_146 = tpu.memref_slice %arg2[%dma_start3A_144, %dma_start3A_145] : memref<10000x32xf32, #tpu.memory_space<hbm>> -> memref<10000x32xf32, #tpu.memory_space<hbm>>
        tpu.enqueue_indirect_dma source(%dma_start3A_146 : memref<10000x32xf32, #tpu.memory_space<hbm>>) target(%dma_start3A_140 : memref<125x32xf32, #tpu.memory_space<vmem>>) offsets(%dma_start3A_143 : memref<125xi32, #tpu.memory_space<vmem>>) semaphore(%arg7 : memref<!tpu.dma_semaphore, #tpu.memory_space<semaphore_mem>>)
        %mul3A_147 = arith.constant 5 : i32
        %mul3A_148 = arith.muli %add3A_131, %mul3A_147 : i32
        %add3A_149 = arith.constant 1 : i32
        %add3A_150 = arith.addi %mul3A_148, %add3A_149 : i32
        %dma_start3A_151 = arith.constant 125 : i32
        %dma_start3A_152 = arith.constant 0 : i32
        %dma_start3A_153 = tpu.memref_slice %arg6[%sub3A_132, %dma_start3A_151, %dma_start3A_152] : memref<2x625x32xf32, #tpu.memory_space<vmem>> -> memref<1x125x32xf32, #tpu.memory_space<vmem>>
        %dma_start3A_154 = tpu.memref_squeeze %dma_start3A_153 : memref<1x125x32xf32, #tpu.memory_space<vmem>> -> memref<125x32xf32, #tpu.memory_space<vmem>>
        %dma_start3A_155 = arith.constant 0 : i32
        %dma_start3A_156 = tpu.memref_slice %arg5[%add3A_150, %dma_start3A_155] : memref<40x125xi32, #tpu.memory_space<vmem>> -> memref<1x125xi32, #tpu.memory_space<vmem>>
        %dma_start3A_157 = tpu.memref_squeeze %dma_start3A_156 : memref<1x125xi32, #tpu.memory_space<vmem>> -> memref<125xi32, #tpu.memory_space<vmem>>
        %dma_start3A_158 = arith.constant 0 : i32
        %dma_start3A_159 = arith.constant 0 : i32
        %dma_start3A_160 = tpu.memref_slice %arg2[%dma_start3A_158, %dma_start3A_159] : memref<10000x32xf32, #tpu.memory_space<hbm>> -> memref<10000x32xf32, #tpu.memory_space<hbm>>
        tpu.enqueue_indirect_dma source(%dma_start3A_160 : memref<10000x32xf32, #tpu.memory_space<hbm>>) target(%dma_start3A_154 : memref<125x32xf32, #tpu.memory_space<vmem>>) offsets(%dma_start3A_157 : memref<125xi32, #tpu.memory_space<vmem>>) semaphore(%arg7 : memref<!tpu.dma_semaphore, #tpu.memory_space<semaphore_mem>>)
        %mul3A_161 = arith.constant 5 : i32
        %mul3A_162 = arith.muli %add3A_131, %mul3A_161 : i32
        %add3A_163 = arith.constant 2 : i32
        %add3A_164 = arith.addi %mul3A_162, %add3A_163 : i32
        %dma_start3A_165 = arith.constant 250 : i32
        %dma_start3A_166 = arith.constant 0 : i32
        %dma_start3A_167 = tpu.memref_slice %arg6[%sub3A_132, %dma_start3A_165, %dma_start3A_166] : memref<2x625x32xf32, #tpu.memory_space<vmem>> -> memref<1x125x32xf32, #tpu.memory_space<vmem>>
        %dma_start3A_168 = tpu.memref_squeeze %dma_start3A_167 : memref<1x125x32xf32, #tpu.memory_space<vmem>> -> memref<125x32xf32, #tpu.memory_space<vmem>>
        %dma_start3A_169 = arith.constant 0 : i32
        %dma_start3A_170 = tpu.memref_slice %arg5[%add3A_164, %dma_start3A_169] : memref<40x125xi32, #tpu.memory_space<vmem>> -> memref<1x125xi32, #tpu.memory_space<vmem>>
        %dma_start3A_171 = tpu.memref_squeeze %dma_start3A_170 : memref<1x125xi32, #tpu.memory_space<vmem>> -> memref<125xi32, #tpu.memory_space<vmem>>
        %dma_start3A_172 = arith.constant 0 : i32
        %dma_start3A_173 = arith.constant 0 : i32
        %dma_start3A_174 = tpu.memref_slice %arg2[%dma_start3A_172, %dma_start3A_173] : memref<10000x32xf32, #tpu.memory_space<hbm>> -> memref<10000x32xf32, #tpu.memory_space<hbm>>
        tpu.enqueue_indirect_dma source(%dma_start3A_174 : memref<10000x32xf32, #tpu.memory_space<hbm>>) target(%dma_start3A_168 : memref<125x32xf32, #tpu.memory_space<vmem>>) offsets(%dma_start3A_171 : memref<125xi32, #tpu.memory_space<vmem>>) semaphore(%arg7 : memref<!tpu.dma_semaphore, #tpu.memory_space<semaphore_mem>>)
        %mul3A_175 = arith.constant 5 : i32
        %mul3A_176 = arith.muli %add3A_131, %mul3A_175 : i32
        %add3A_177 = arith.constant 3 : i32
        %add3A_178 = arith.addi %mul3A_176, %add3A_177 : i32
        %dma_start3A_179 = arith.constant 375 : i32
        %dma_start3A_180 = arith.constant 0 : i32
        %dma_start3A_181 = tpu.memref_slice %arg6[%sub3A_132, %dma_start3A_179, %dma_start3A_180] : memref<2x625x32xf32, #tpu.memory_space<vmem>> -> memref<1x125x32xf32, #tpu.memory_space<vmem>>
        %dma_start3A_182 = tpu.memref_squeeze %dma_start3A_181 : memref<1x125x32xf32, #tpu.memory_space<vmem>> -> memref<125x32xf32, #tpu.memory_space<vmem>>
        %dma_start3A_183 = arith.constant 0 : i32
        %dma_start3A_184 = tpu.memref_slice %arg5[%add3A_178, %dma_start3A_183] : memref<40x125xi32, #tpu.memory_space<vmem>> -> memref<1x125xi32, #tpu.memory_space<vmem>>
        %dma_start3A_185 = tpu.memref_squeeze %dma_start3A_184 : memref<1x125xi32, #tpu.memory_space<vmem>> -> memref<125xi32, #tpu.memory_space<vmem>>
        %dma_start3A_186 = arith.constant 0 : i32
        %dma_start3A_187 = arith.constant 0 : i32
        %dma_start3A_188 = tpu.memref_slice %arg2[%dma_start3A_186, %dma_start3A_187] : memref<10000x32xf32, #tpu.memory_space<hbm>> -> memref<10000x32xf32, #tpu.memory_space<hbm>>
        tpu.enqueue_indirect_dma source(%dma_start3A_188 : memref<10000x32xf32, #tpu.memory_space<hbm>>) target(%dma_start3A_182 : memref<125x32xf32, #tpu.memory_space<vmem>>) offsets(%dma_start3A_185 : memref<125xi32, #tpu.memory_space<vmem>>) semaphore(%arg7 : memref<!tpu.dma_semaphore, #tpu.memory_space<semaphore_mem>>)
        %mul3A_189 = arith.constant 5 : i32
        %mul3A_190 = arith.muli %add3A_131, %mul3A_189 : i32
        %add3A_191 = arith.constant 4 : i32
        %add3A_192 = arith.addi %mul3A_190, %add3A_191 : i32
        %dma_start3A_193 = arith.constant 500 : i32
        %dma_start3A_194 = arith.constant 0 : i32
        %dma_start3A_195 = tpu.memref_slice %arg6[%sub3A_132, %dma_start3A_193, %dma_start3A_194] : memref<2x625x32xf32, #tpu.memory_space<vmem>> -> memref<1x125x32xf32, #tpu.memory_space<vmem>>
        %dma_start3A_196 = tpu.memref_squeeze %dma_start3A_195 : memref<1x125x32xf32, #tpu.memory_space<vmem>> -> memref<125x32xf32, #tpu.memory_space<vmem>>
        %dma_start3A_197 = arith.constant 0 : i32
        %dma_start3A_198 = tpu.memref_slice %arg5[%add3A_192, %dma_start3A_197] : memref<40x125xi32, #tpu.memory_space<vmem>> -> memref<1x125xi32, #tpu.memory_space<vmem>>
        %dma_start3A_199 = tpu.memref_squeeze %dma_start3A_198 : memref<1x125xi32, #tpu.memory_space<vmem>> -> memref<125xi32, #tpu.memory_space<vmem>>
        %dma_start3A_200 = arith.constant 0 : i32
        %dma_start3A_201 = arith.constant 0 : i32
        %dma_start3A_202 = tpu.memref_slice %arg2[%dma_start3A_200, %dma_start3A_201] : memref<10000x32xf32, #tpu.memory_space<hbm>> -> memref<10000x32xf32, #tpu.memory_space<hbm>>
        tpu.enqueue_indirect_dma source(%dma_start3A_202 : memref<10000x32xf32, #tpu.memory_space<hbm>>) target(%dma_start3A_196 : memref<125x32xf32, #tpu.memory_space<vmem>>) offsets(%dma_start3A_199 : memref<125xi32, #tpu.memory_space<vmem>>) semaphore(%arg7 : memref<!tpu.dma_semaphore, #tpu.memory_space<semaphore_mem>>)
      } else {
      }
      %dma_wait3A = arith.constant 0 : i32
      %dma_wait3A_73 = arith.constant 0 : i32
      %dma_wait3A_74 = arith.constant 0 : i32
      %dma_wait3A_75 = tpu.memref_slice %arg6[%rem3A_68, %dma_wait3A_73, %dma_wait3A_74] : memref<2x625x32xf32, #tpu.memory_space<vmem>> -> memref<1x125x32xf32, #tpu.memory_space<vmem>>
      %dma_wait3A_76 = tpu.memref_squeeze %dma_wait3A_75 : memref<1x125x32xf32, #tpu.memory_space<vmem>> -> memref<125x32xf32, #tpu.memory_space<vmem>>
      %dma_wait3A_77 = arith.constant 0 : i32
      %dma_wait3A_78 = tpu.memref_slice %arg5[%dma_wait3A, %dma_wait3A_77] : memref<40x125xi32, #tpu.memory_space<vmem>> -> memref<1x125xi32, #tpu.memory_space<vmem>>
      %dma_wait3A_79 = tpu.memref_squeeze %dma_wait3A_78 : memref<1x125xi32, #tpu.memory_space<vmem>> -> memref<125xi32, #tpu.memory_space<vmem>>
      %dma_wait3A_80 = arith.constant 0 : i32
      %dma_wait3A_81 = arith.constant 0 : i32
      %dma_wait3A_82 = tpu.memref_slice %arg2[%dma_wait3A_80, %dma_wait3A_81] : memref<10000x32xf32, #tpu.memory_space<hbm>> -> memref<10000x32xf32, #tpu.memory_space<hbm>>
      tpu.wait_indirect_dma semaphore(%arg7 : memref<!tpu.dma_semaphore, #tpu.memory_space<semaphore_mem>>) src(%dma_wait3A_82 : memref<10000x32xf32, #tpu.memory_space<hbm>>) dst(%dma_wait3A_76 : memref<125x32xf32, #tpu.memory_space<vmem>>)
      %dma_wait3A_83 = arith.constant 0 : i32
      %dma_wait3A_84 = arith.constant 125 : i32
      %dma_wait3A_85 = arith.constant 0 : i32
      %dma_wait3A_86 = tpu.memref_slice %arg6[%rem3A_68, %dma_wait3A_84, %dma_wait3A_85] : memref<2x625x32xf32, #tpu.memory_space<vmem>> -> memref<1x125x32xf32, #tpu.memory_space<vmem>>
      %dma_wait3A_87 = tpu.memref_squeeze %dma_wait3A_86 : memref<1x125x32xf32, #tpu.memory_space<vmem>> -> memref<125x32xf32, #tpu.memory_space<vmem>>
      %dma_wait3A_88 = arith.constant 0 : i32
      %dma_wait3A_89 = tpu.memref_slice %arg5[%dma_wait3A_83, %dma_wait3A_88] : memref<40x125xi32, #tpu.memory_space<vmem>> -> memref<1x125xi32, #tpu.memory_space<vmem>>
      %dma_wait3A_90 = tpu.memref_squeeze %dma_wait3A_89 : memref<1x125xi32, #tpu.memory_space<vmem>> -> memref<125xi32, #tpu.memory_space<vmem>>
      %dma_wait3A_91 = arith.constant 0 : i32
      %dma_wait3A_92 = arith.constant 0 : i32
      %dma_wait3A_93 = tpu.memref_slice %arg2[%dma_wait3A_91, %dma_wait3A_92] : memref<10000x32xf32, #tpu.memory_space<hbm>> -> memref<10000x32xf32, #tpu.memory_space<hbm>>
      tpu.wait_indirect_dma semaphore(%arg7 : memref<!tpu.dma_semaphore, #tpu.memory_space<semaphore_mem>>) src(%dma_wait3A_93 : memref<10000x32xf32, #tpu.memory_space<hbm>>) dst(%dma_wait3A_87 : memref<125x32xf32, #tpu.memory_space<vmem>>)
      %dma_wait3A_94 = arith.constant 0 : i32
      %dma_wait3A_95 = arith.constant 250 : i32
      %dma_wait3A_96 = arith.constant 0 : i32
      %dma_wait3A_97 = tpu.memref_slice %arg6[%rem3A_68, %dma_wait3A_95, %dma_wait3A_96] : memref<2x625x32xf32, #tpu.memory_space<vmem>> -> memref<1x125x32xf32, #tpu.memory_space<vmem>>
      %dma_wait3A_98 = tpu.memref_squeeze %dma_wait3A_97 : memref<1x125x32xf32, #tpu.memory_space<vmem>> -> memref<125x32xf32, #tpu.memory_space<vmem>>
      %dma_wait3A_99 = arith.constant 0 : i32
      %dma_wait3A_100 = tpu.memref_slice %arg5[%dma_wait3A_94, %dma_wait3A_99] : memref<40x125xi32, #tpu.memory_space<vmem>> -> memref<1x125xi32, #tpu.memory_space<vmem>>
      %dma_wait3A_101 = tpu.memref_squeeze %dma_wait3A_100 : memref<1x125xi32, #tpu.memory_space<vmem>> -> memref<125xi32, #tpu.memory_space<vmem>>
      %dma_wait3A_102 = arith.constant 0 : i32
      %dma_wait3A_103 = arith.constant 0 : i32
      %dma_wait3A_104 = tpu.memref_slice %arg2[%dma_wait3A_102, %dma_wait3A_103] : memref<10000x32xf32, #tpu.memory_space<hbm>> -> memref<10000x32xf32, #tpu.memory_space<hbm>>
      tpu.wait_indirect_dma semaphore(%arg7 : memref<!tpu.dma_semaphore, #tpu.memory_space<semaphore_mem>>) src(%dma_wait3A_104 : memref<10000x32xf32, #tpu.memory_space<hbm>>) dst(%dma_wait3A_98 : memref<125x32xf32, #tpu.memory_space<vmem>>)
      %dma_wait3A_105 = arith.constant 0 : i32
      %dma_wait3A_106 = arith.constant 375 : i32
      %dma_wait3A_107 = arith.constant 0 : i32
      %dma_wait3A_108 = tpu.memref_slice %arg6[%rem3A_68, %dma_wait3A_106, %dma_wait3A_107] : memref<2x625x32xf32, #tpu.memory_space<vmem>> -> memref<1x125x32xf32, #tpu.memory_space<vmem>>
      %dma_wait3A_109 = tpu.memref_squeeze %dma_wait3A_108 : memref<1x125x32xf32, #tpu.memory_space<vmem>> -> memref<125x32xf32, #tpu.memory_space<vmem>>
      %dma_wait3A_110 = arith.constant 0 : i32
      %dma_wait3A_111 = tpu.memref_slice %arg5[%dma_wait3A_105, %dma_wait3A_110] : memref<40x125xi32, #tpu.memory_space<vmem>> -> memref<1x125xi32, #tpu.memory_space<vmem>>
      %dma_wait3A_112 = tpu.memref_squeeze %dma_wait3A_111 : memref<1x125xi32, #tpu.memory_space<vmem>> -> memref<125xi32, #tpu.memory_space<vmem>>
      %dma_wait3A_113 = arith.constant 0 : i32
      %dma_wait3A_114 = arith.constant 0 : i32
      %dma_wait3A_115 = tpu.memref_slice %arg2[%dma_wait3A_113, %dma_wait3A_114] : memref<10000x32xf32, #tpu.memory_space<hbm>> -> memref<10000x32xf32, #tpu.memory_space<hbm>>
      tpu.wait_indirect_dma semaphore(%arg7 : memref<!tpu.dma_semaphore, #tpu.memory_space<semaphore_mem>>) src(%dma_wait3A_115 : memref<10000x32xf32, #tpu.memory_space<hbm>>) dst(%dma_wait3A_109 : memref<125x32xf32, #tpu.memory_space<vmem>>)
      %dma_wait3A_116 = arith.constant 0 : i32
      %dma_wait3A_117 = arith.constant 500 : i32
      %dma_wait3A_118 = arith.constant 0 : i32
      %dma_wait3A_119 = tpu.memref_slice %arg6[%rem3A_68, %dma_wait3A_117, %dma_wait3A_118] : memref<2x625x32xf32, #tpu.memory_space<vmem>> -> memref<1x125x32xf32, #tpu.memory_space<vmem>>
      %dma_wait3A_120 = tpu.memref_squeeze %dma_wait3A_119 : memref<1x125x32xf32, #tpu.memory_space<vmem>> -> memref<125x32xf32, #tpu.memory_space<vmem>>
      %dma_wait3A_121 = arith.constant 0 : i32
      %dma_wait3A_122 = tpu.memref_slice %arg5[%dma_wait3A_116, %dma_wait3A_121] : memref<40x125xi32, #tpu.memory_space<vmem>> -> memref<1x125xi32, #tpu.memory_space<vmem>>
      %dma_wait3A_123 = tpu.memref_squeeze %dma_wait3A_122 : memref<1x125xi32, #tpu.memory_space<vmem>> -> memref<125xi32, #tpu.memory_space<vmem>>
      %dma_wait3A_124 = arith.constant 0 : i32
      %dma_wait3A_125 = arith.constant 0 : i32
      %dma_wait3A_126 = tpu.memref_slice %arg2[%dma_wait3A_124, %dma_wait3A_125] : memref<10000x32xf32, #tpu.memory_space<hbm>> -> memref<10000x32xf32, #tpu.memory_space<hbm>>
      tpu.wait_indirect_dma semaphore(%arg7 : memref<!tpu.dma_semaphore, #tpu.memory_space<semaphore_mem>>) src(%dma_wait3A_126 : memref<10000x32xf32, #tpu.memory_space<hbm>>) dst(%dma_wait3A_120 : memref<125x32xf32, #tpu.memory_space<vmem>>)
      %mul3A_127 = arith.constant 625 : i32
      %mul3A_128 = arith.muli %scan3A_67, %mul3A_127 : i32
      %add3A_129 = arith.addi %mul3A_2, %mul3A_128 : i32
      "tpu.region"() ({
        %run_scoped3A = tpu.sem_alloc : memref<!tpu.dma_semaphore, #tpu.memory_space<semaphore_mem>>
        %dma_start3A_130 = arith.constant 0 : i32
        %dma_start3A_131 = arith.constant 0 : i32
        %dma_start3A_132 = tpu.memref_slice %arg6[%rem3A_68, %dma_start3A_130, %dma_start3A_131] : memref<2x625x32xf32, #tpu.memory_space<vmem>> -> memref<1x625x32xf32, #tpu.memory_space<vmem>>
        %dma_start3A_133 = tpu.memref_squeeze %dma_start3A_132 : memref<1x625x32xf32, #tpu.memory_space<vmem>> -> memref<625x32xf32, #tpu.memory_space<vmem>>
        %dma_start3A_134 = arith.constant 0 : i32
        %dma_start3A_135 = tpu.memref_slice %arg4[%add3A_129, %dma_start3A_134] : memref<160000x128xf32, #tpu.memory_space<hbm>> -> memref<625x32xf32, #tpu.memory_space<hbm>>
        %dma_start3A_136 = arith.constant 0 : i32
        %dma_start3A_137 = tpu.memref_slice %arg4[%add3A_129, %dma_start3A_136] : memref<160000x128xf32, #tpu.memory_space<hbm>> -> memref<625x32xf32, #tpu.memory_space<hbm>>
        %dma_start3A_138 = arith.constant 0 : i32
        %dma_start3A_139 = arith.constant 0 : i32
        %dma_start3A_140 = tpu.memref_slice %arg6[%rem3A_68, %dma_start3A_138, %dma_start3A_139] : memref<2x625x32xf32, #tpu.memory_space<vmem>> -> memref<1x625x32xf32, #tpu.memory_space<vmem>>
        %dma_start3A_141 = tpu.memref_squeeze %dma_start3A_140 : memref<1x625x32xf32, #tpu.memory_space<vmem>> -> memref<625x32xf32, #tpu.memory_space<vmem>>
        tpu.enqueue_dma source(%dma_start3A_141 : memref<625x32xf32, #tpu.memory_space<vmem>>) target(%dma_start3A_137 : memref<625x32xf32, #tpu.memory_space<hbm>>) target_semaphore(%run_scoped3A : memref<!tpu.dma_semaphore, #tpu.memory_space<semaphore_mem>>)
        %dma_wait3A_142 = arith.constant 0 : i32
        %dma_wait3A_143 = arith.constant 0 : i32
        %dma_wait3A_144 = tpu.memref_slice %arg6[%rem3A_68, %dma_wait3A_142, %dma_wait3A_143] : memref<2x625x32xf32, #tpu.memory_space<vmem>> -> memref<1x625x32xf32, #tpu.memory_space<vmem>>
        %dma_wait3A_145 = tpu.memref_squeeze %dma_wait3A_144 : memref<1x625x32xf32, #tpu.memory_space<vmem>> -> memref<625x32xf32, #tpu.memory_space<vmem>>
        %dma_wait3A_146 = arith.constant 0 : i32
        %dma_wait3A_147 = tpu.memref_slice %arg4[%add3A_129, %dma_wait3A_146] : memref<160000x128xf32, #tpu.memory_space<hbm>> -> memref<625x32xf32, #tpu.memory_space<hbm>>
        %dma_wait3A_148 = arith.constant 0 : i32
        %dma_wait3A_149 = tpu.memref_slice %arg4[%add3A_129, %dma_wait3A_148] : memref<160000x128xf32, #tpu.memory_space<hbm>> -> memref<625x32xf32, #tpu.memory_space<hbm>>
        %dma_wait3A_150 = arith.constant 0 : i32
        %dma_wait3A_151 = arith.constant 0 : i32
        %dma_wait3A_152 = tpu.memref_slice %arg6[%rem3A_68, %dma_wait3A_150, %dma_wait3A_151] : memref<2x625x32xf32, #tpu.memory_space<vmem>> -> memref<1x625x32xf32, #tpu.memory_space<vmem>>
        %dma_wait3A_153 = tpu.memref_squeeze %dma_wait3A_152 : memref<1x625x32xf32, #tpu.memory_space<vmem>> -> memref<625x32xf32, #tpu.memory_space<vmem>>
        tpu.wait_dma2 semaphore(%run_scoped3A : memref<!tpu.dma_semaphore, #tpu.memory_space<semaphore_mem>>) src(%dma_wait3A_153 : memref<625x32xf32, #tpu.memory_space<vmem>>) dst(%dma_wait3A_149 : memref<625x32xf32, #tpu.memory_space<hbm>>)
        tpu.yield
      }) : () -> ()
    }
    %scan3A_66 = arith.constant 8 : i32
    return
  }
}

#map = affine_map<(d0, d1) -> (0, 0)>
#map1 = affine_map<(d0, d1) -> (0, 0, 0)>
module attributes {stable_mosaic.version = 14 : i64} {
  func.func @k(%arg0: i32, %arg1: i32, %arg2: memref<160000x128xf32, #tpu.memory_space<hbm>>, %arg3: memref<32x40x125xi32, #tpu.memory_space<hbm>>, %arg4: memref<640x16xf32, #tpu.memory_space<hbm>>, %arg5: memref<2x10000x16xf32, #tpu.memory_space<hbm>>, %arg6: memref<40x125xi32, #tpu.memory_space<vmem>>, %arg7: memref<2x625x16xf32, #tpu.memory_space<vmem>>, %arg8: memref<10000x16xf32, #tpu.memory_space<vmem_shared>>, %arg9: memref<!tpu.dma_semaphore, #tpu.memory_space<semaphore_mem>>, %arg10: memref<!tpu.dma_semaphore, #tpu.memory_space<semaphore_mem>>) attributes {dimension_semantics = [#tpu.dimension_semantics<core_parallel>, #tpu.dimension_semantics<subcore_parallel>], iteration_bounds = array<i64: 2, 16>, scalar_prefetch = 0 : i64, scratch_operands = 5 : i64, tpu.core_type = #tpu.core_type<sc_vector_subcore>, window_params = [{transform_indices = #map}, {transform_indices = #map1}, {transform_indices = #map}, {transform_indices = #map1}]} {
    %mul3A = arith.constant 2 : i32
    %mul3A_0 = arith.muli %arg1, %mul3A : i32
    %add3A = arith.addi %mul3A_0, %arg0 : i32
    %mul3A_1 = arith.constant 5000 : i32
    %mul3A_2 = arith.muli %add3A, %mul3A_1 : i32
    %mul3A_3 = arith.constant 624 : i32
    %mul3A_4 = arith.muli %arg1, %mul3A_3 : i32
    "tpu.region"() ({
      %run_scoped3A = tpu.sem_alloc : memref<!tpu.dma_semaphore, #tpu.memory_space<semaphore_mem>>
      %dma_start3A_27 = arith.constant 0 : i32
      %dma_start3A_28 = tpu.memref_slice %arg8[%mul3A_4, %dma_start3A_27] : memref<10000x16xf32, #tpu.memory_space<vmem_shared>> -> memref<640x16xf32, #tpu.memory_space<vmem_shared>>
      tpu.enqueue_dma source(%arg4 : memref<640x16xf32, #tpu.memory_space<hbm>>) target(%dma_start3A_28 : memref<640x16xf32, #tpu.memory_space<vmem_shared>>) target_semaphore(%run_scoped3A : memref<!tpu.dma_semaphore, #tpu.memory_space<semaphore_mem>>)
      %dma_wait3A = arith.constant 0 : i32
      %dma_wait3A_29 = tpu.memref_slice %arg8[%mul3A_4, %dma_wait3A] : memref<10000x16xf32, #tpu.memory_space<vmem_shared>> -> memref<640x16xf32, #tpu.memory_space<vmem_shared>>
      tpu.wait_dma2 semaphore(%run_scoped3A : memref<!tpu.dma_semaphore, #tpu.memory_space<semaphore_mem>>) src(%arg4 : memref<640x16xf32, #tpu.memory_space<hbm>>) dst(%dma_wait3A_29 : memref<640x16xf32, #tpu.memory_space<vmem_shared>>)
      tpu.yield
    }) : () -> ()
    "tpu.region"() ({
      %run_scoped3A = tpu.sem_alloc : memref<!tpu.dma_semaphore, #tpu.memory_space<semaphore_mem>>
      %dma_start3A_27 = arith.constant 0 : i32
      %dma_start3A_28 = arith.constant 0 : i32
      %dma_start3A_29 = tpu.memref_slice %arg3[%add3A, %dma_start3A_27, %dma_start3A_28] : memref<32x40x125xi32, #tpu.memory_space<hbm>> -> memref<1x40x125xi32, #tpu.memory_space<hbm>>
      %dma_start3A_30 = tpu.memref_squeeze %dma_start3A_29 : memref<1x40x125xi32, #tpu.memory_space<hbm>> -> memref<40x125xi32, #tpu.memory_space<hbm>>
      %dma_start3A_31 = arith.constant 0 : i32
      %dma_start3A_32 = arith.constant 0 : i32
      %dma_start3A_33 = tpu.memref_slice %arg3[%add3A, %dma_start3A_31, %dma_start3A_32] : memref<32x40x125xi32, #tpu.memory_space<hbm>> -> memref<1x40x125xi32, #tpu.memory_space<hbm>>
      %dma_start3A_34 = tpu.memref_squeeze %dma_start3A_33 : memref<1x40x125xi32, #tpu.memory_space<hbm>> -> memref<40x125xi32, #tpu.memory_space<hbm>>
      tpu.enqueue_dma source(%dma_start3A_34 : memref<40x125xi32, #tpu.memory_space<hbm>>) target(%arg6 : memref<40x125xi32, #tpu.memory_space<vmem>>) target_semaphore(%run_scoped3A : memref<!tpu.dma_semaphore, #tpu.memory_space<semaphore_mem>>)
      %dma_wait3A = arith.constant 0 : i32
      %dma_wait3A_35 = arith.constant 0 : i32
      %dma_wait3A_36 = tpu.memref_slice %arg3[%add3A, %dma_wait3A, %dma_wait3A_35] : memref<32x40x125xi32, #tpu.memory_space<hbm>> -> memref<1x40x125xi32, #tpu.memory_space<hbm>>
      %dma_wait3A_37 = tpu.memref_squeeze %dma_wait3A_36 : memref<1x40x125xi32, #tpu.memory_space<hbm>> -> memref<40x125xi32, #tpu.memory_space<hbm>>
      %dma_wait3A_38 = arith.constant 0 : i32
      %dma_wait3A_39 = arith.constant 0 : i32
      %dma_wait3A_40 = tpu.memref_slice %arg3[%add3A, %dma_wait3A_38, %dma_wait3A_39] : memref<32x40x125xi32, #tpu.memory_space<hbm>> -> memref<1x40x125xi32, #tpu.memory_space<hbm>>
      %dma_wait3A_41 = tpu.memref_squeeze %dma_wait3A_40 : memref<1x40x125xi32, #tpu.memory_space<hbm>> -> memref<40x125xi32, #tpu.memory_space<hbm>>
      tpu.wait_dma2 semaphore(%run_scoped3A : memref<!tpu.dma_semaphore, #tpu.memory_space<semaphore_mem>>) src(%dma_wait3A_41 : memref<40x125xi32, #tpu.memory_space<hbm>>) dst(%arg6 : memref<40x125xi32, #tpu.memory_space<vmem>>)
      tpu.yield
    }) : () -> ()
    %barrier3A = arith.constant 0 : index
    tpu.barrier barrier_id(%barrier3A)
    %dma_start3A = arith.constant 0 : i32
    %dma_start3A_5 = arith.constant 0 : i32
    %dma_start3A_6 = arith.constant 0 : i32
    %dma_start3A_7 = tpu.memref_slice %arg7[%dma_start3A, %dma_start3A_5, %dma_start3A_6] : memref<2x625x16xf32, #tpu.memory_space<vmem>> -> memref<1x625x16xf32, #tpu.memory_space<vmem>>
    %dma_start3A_8 = tpu.memref_squeeze %dma_start3A_7 : memref<1x625x16xf32, #tpu.memory_space<vmem>> -> memref<625x16xf32, #tpu.memory_space<vmem>>
    %dma_start3A_9 = arith.constant 0 : i32
    %dma_start3A_10 = tpu.memref_slice %arg2[%mul3A_2, %dma_start3A_9] : memref<160000x128xf32, #tpu.memory_space<hbm>> -> memref<625x16xf32, #tpu.memory_space<hbm>>
    %dma_start3A_11 = arith.constant 0 : i32
    %dma_start3A_12 = arith.constant 0 : i32
    %dma_start3A_13 = tpu.memref_slice %arg7[%dma_start3A, %dma_start3A_11, %dma_start3A_12] : memref<2x625x16xf32, #tpu.memory_space<vmem>> -> memref<1x625x16xf32, #tpu.memory_space<vmem>>
    %dma_start3A_14 = tpu.memref_squeeze %dma_start3A_13 : memref<1x625x16xf32, #tpu.memory_space<vmem>> -> memref<625x16xf32, #tpu.memory_space<vmem>>
    %dma_start3A_15 = arith.constant 0 : i32
    %dma_start3A_16 = tpu.memref_slice %arg2[%mul3A_2, %dma_start3A_15] : memref<160000x128xf32, #tpu.memory_space<hbm>> -> memref<625x16xf32, #tpu.memory_space<hbm>>
    tpu.enqueue_dma source(%dma_start3A_16 : memref<625x16xf32, #tpu.memory_space<hbm>>) target(%dma_start3A_14 : memref<625x16xf32, #tpu.memory_space<vmem>>) target_semaphore(%arg9 : memref<!tpu.dma_semaphore, #tpu.memory_space<semaphore_mem>>)
    %scan3A = arith.constant 0 : i32
    %scan3A_17 = arith.constant 0 : i32
    %scan3A_18 = arith.constant 8 : i32
    %scan3A_19 = arith.addi %scan3A_17, %scan3A_18 : i32
    %scan3A_20 = arith.constant 1 : i32
    scf.for %scan3A_27 = %scan3A_17 to %scan3A_19 step %scan3A_20  : i32 {
      %rem3A = arith.constant 2 : i32
      %rem3A_28 = arith.remsi %scan3A_27, %rem3A : i32
      %add3A_29 = arith.constant 1 : i32
      %add3A_30 = arith.addi %scan3A_27, %add3A_29 : i32
      %lt3A = arith.constant 8 : i32
      %lt3A_31 = arith.cmpi slt, %add3A_30, %lt3A : i32
      %convert_element_type3A = arith.extui %lt3A_31 : i1 to i32
      %cond3A = arith.constant 0 : i32
      %cond3A_32 = arith.cmpi ne, %convert_element_type3A, %cond3A : i32
      scf.if %cond3A_32 {
        %add3A_164 = arith.constant 1 : i32
        %add3A_165 = arith.addi %scan3A_27, %add3A_164 : i32
        %mul3A_166 = arith.constant 625 : i32
        %mul3A_167 = arith.muli %add3A_165, %mul3A_166 : i32
        %add3A_168 = arith.addi %mul3A_2, %mul3A_167 : i32
        %sub3A = arith.constant 1 : i32
        %sub3A_169 = arith.subi %sub3A, %rem3A_28 : i32
        %dma_start3A_170 = arith.constant 0 : i32
        %dma_start3A_171 = arith.constant 0 : i32
        %dma_start3A_172 = tpu.memref_slice %arg7[%sub3A_169, %dma_start3A_170, %dma_start3A_171] : memref<2x625x16xf32, #tpu.memory_space<vmem>> -> memref<1x625x16xf32, #tpu.memory_space<vmem>>
        %dma_start3A_173 = tpu.memref_squeeze %dma_start3A_172 : memref<1x625x16xf32, #tpu.memory_space<vmem>> -> memref<625x16xf32, #tpu.memory_space<vmem>>
        %dma_start3A_174 = arith.constant 0 : i32
        %dma_start3A_175 = tpu.memref_slice %arg2[%add3A_168, %dma_start3A_174] : memref<160000x128xf32, #tpu.memory_space<hbm>> -> memref<625x16xf32, #tpu.memory_space<hbm>>
        %dma_start3A_176 = arith.constant 0 : i32
        %dma_start3A_177 = arith.constant 0 : i32
        %dma_start3A_178 = tpu.memref_slice %arg7[%sub3A_169, %dma_start3A_176, %dma_start3A_177] : memref<2x625x16xf32, #tpu.memory_space<vmem>> -> memref<1x625x16xf32, #tpu.memory_space<vmem>>
        %dma_start3A_179 = tpu.memref_squeeze %dma_start3A_178 : memref<1x625x16xf32, #tpu.memory_space<vmem>> -> memref<625x16xf32, #tpu.memory_space<vmem>>
        %dma_start3A_180 = arith.constant 0 : i32
        %dma_start3A_181 = tpu.memref_slice %arg2[%add3A_168, %dma_start3A_180] : memref<160000x128xf32, #tpu.memory_space<hbm>> -> memref<625x16xf32, #tpu.memory_space<hbm>>
        tpu.enqueue_dma source(%dma_start3A_181 : memref<625x16xf32, #tpu.memory_space<hbm>>) target(%dma_start3A_179 : memref<625x16xf32, #tpu.memory_space<vmem>>) target_semaphore(%arg9 : memref<!tpu.dma_semaphore, #tpu.memory_space<semaphore_mem>>)
      } else {
      }
      %dma_wait3A = arith.constant 0 : i32
      %dma_wait3A_33 = arith.constant 0 : i32
      %dma_wait3A_34 = tpu.memref_slice %arg7[%rem3A_28, %dma_wait3A, %dma_wait3A_33] : memref<2x625x16xf32, #tpu.memory_space<vmem>> -> memref<1x625x16xf32, #tpu.memory_space<vmem>>
      %dma_wait3A_35 = tpu.memref_squeeze %dma_wait3A_34 : memref<1x625x16xf32, #tpu.memory_space<vmem>> -> memref<625x16xf32, #tpu.memory_space<vmem>>
      %dma_wait3A_36 = arith.constant 0 : i32
      %dma_wait3A_37 = tpu.memref_slice %arg2[%mul3A_2, %dma_wait3A_36] : memref<160000x128xf32, #tpu.memory_space<hbm>> -> memref<625x16xf32, #tpu.memory_space<hbm>>
      %dma_wait3A_38 = arith.constant 0 : i32
      %dma_wait3A_39 = arith.constant 0 : i32
      %dma_wait3A_40 = tpu.memref_slice %arg7[%rem3A_28, %dma_wait3A_38, %dma_wait3A_39] : memref<2x625x16xf32, #tpu.memory_space<vmem>> -> memref<1x625x16xf32, #tpu.memory_space<vmem>>
      %dma_wait3A_41 = tpu.memref_squeeze %dma_wait3A_40 : memref<1x625x16xf32, #tpu.memory_space<vmem>> -> memref<625x16xf32, #tpu.memory_space<vmem>>
      %dma_wait3A_42 = arith.constant 0 : i32
      %dma_wait3A_43 = tpu.memref_slice %arg2[%mul3A_2, %dma_wait3A_42] : memref<160000x128xf32, #tpu.memory_space<hbm>> -> memref<625x16xf32, #tpu.memory_space<hbm>>
      tpu.wait_dma2 semaphore(%arg9 : memref<!tpu.dma_semaphore, #tpu.memory_space<semaphore_mem>>) src(%dma_wait3A_43 : memref<625x16xf32, #tpu.memory_space<hbm>>) dst(%dma_wait3A_41 : memref<625x16xf32, #tpu.memory_space<vmem>>)
      %mul3A_44 = arith.constant 5 : i32
      %mul3A_45 = arith.muli %scan3A_27, %mul3A_44 : i32
      %add3A_46 = arith.constant 0 : i32
      %add3A_47 = arith.addi %mul3A_45, %add3A_46 : i32
      %dma_start3A_48 = arith.constant 0 : i32
      %dma_start3A_49 = arith.constant 0 : i32
      %dma_start3A_50 = tpu.memref_slice %arg7[%rem3A_28, %dma_start3A_48, %dma_start3A_49] : memref<2x625x16xf32, #tpu.memory_space<vmem>> -> memref<1x125x16xf32, #tpu.memory_space<vmem>>
      %dma_start3A_51 = tpu.memref_squeeze %dma_start3A_50 : memref<1x125x16xf32, #tpu.memory_space<vmem>> -> memref<125x16xf32, #tpu.memory_space<vmem>>
      %dma_start3A_52 = arith.constant 0 : i32
      %dma_start3A_53 = tpu.memref_slice %arg6[%add3A_47, %dma_start3A_52] : memref<40x125xi32, #tpu.memory_space<vmem>> -> memref<1x125xi32, #tpu.memory_space<vmem>>
      %dma_start3A_54 = tpu.memref_squeeze %dma_start3A_53 : memref<1x125xi32, #tpu.memory_space<vmem>> -> memref<125xi32, #tpu.memory_space<vmem>>
      %dma_start3A_55 = arith.constant 0 : i32
      %dma_start3A_56 = arith.constant 0 : i32
      %dma_start3A_57 = tpu.memref_slice %arg8[%dma_start3A_55, %dma_start3A_56] : memref<10000x16xf32, #tpu.memory_space<vmem_shared>> -> memref<10000x16xf32, #tpu.memory_space<vmem_shared>>
      tpu.enqueue_indirect_dma source(%dma_start3A_51 : memref<125x16xf32, #tpu.memory_space<vmem>>) target(%dma_start3A_57 : memref<10000x16xf32, #tpu.memory_space<vmem_shared>>) offsets(%dma_start3A_54 : memref<125xi32, #tpu.memory_space<vmem>>) semaphore(%arg10 : memref<!tpu.dma_semaphore, #tpu.memory_space<semaphore_mem>>) {add = true}
      %mul3A_58 = arith.constant 5 : i32
      %mul3A_59 = arith.muli %scan3A_27, %mul3A_58 : i32
      %add3A_60 = arith.constant 1 : i32
      %add3A_61 = arith.addi %mul3A_59, %add3A_60 : i32
      %dma_start3A_62 = arith.constant 125 : i32
      %dma_start3A_63 = arith.constant 0 : i32
      %dma_start3A_64 = tpu.memref_slice %arg7[%rem3A_28, %dma_start3A_62, %dma_start3A_63] : memref<2x625x16xf32, #tpu.memory_space<vmem>> -> memref<1x125x16xf32, #tpu.memory_space<vmem>>
      %dma_start3A_65 = tpu.memref_squeeze %dma_start3A_64 : memref<1x125x16xf32, #tpu.memory_space<vmem>> -> memref<125x16xf32, #tpu.memory_space<vmem>>
      %dma_start3A_66 = arith.constant 0 : i32
      %dma_start3A_67 = tpu.memref_slice %arg6[%add3A_61, %dma_start3A_66] : memref<40x125xi32, #tpu.memory_space<vmem>> -> memref<1x125xi32, #tpu.memory_space<vmem>>
      %dma_start3A_68 = tpu.memref_squeeze %dma_start3A_67 : memref<1x125xi32, #tpu.memory_space<vmem>> -> memref<125xi32, #tpu.memory_space<vmem>>
      %dma_start3A_69 = arith.constant 0 : i32
      %dma_start3A_70 = arith.constant 0 : i32
      %dma_start3A_71 = tpu.memref_slice %arg8[%dma_start3A_69, %dma_start3A_70] : memref<10000x16xf32, #tpu.memory_space<vmem_shared>> -> memref<10000x16xf32, #tpu.memory_space<vmem_shared>>
      tpu.enqueue_indirect_dma source(%dma_start3A_65 : memref<125x16xf32, #tpu.memory_space<vmem>>) target(%dma_start3A_71 : memref<10000x16xf32, #tpu.memory_space<vmem_shared>>) offsets(%dma_start3A_68 : memref<125xi32, #tpu.memory_space<vmem>>) semaphore(%arg10 : memref<!tpu.dma_semaphore, #tpu.memory_space<semaphore_mem>>) {add = true}
      %mul3A_72 = arith.constant 5 : i32
      %mul3A_73 = arith.muli %scan3A_27, %mul3A_72 : i32
      %add3A_74 = arith.constant 2 : i32
      %add3A_75 = arith.addi %mul3A_73, %add3A_74 : i32
      %dma_start3A_76 = arith.constant 250 : i32
      %dma_start3A_77 = arith.constant 0 : i32
      %dma_start3A_78 = tpu.memref_slice %arg7[%rem3A_28, %dma_start3A_76, %dma_start3A_77] : memref<2x625x16xf32, #tpu.memory_space<vmem>> -> memref<1x125x16xf32, #tpu.memory_space<vmem>>
      %dma_start3A_79 = tpu.memref_squeeze %dma_start3A_78 : memref<1x125x16xf32, #tpu.memory_space<vmem>> -> memref<125x16xf32, #tpu.memory_space<vmem>>
      %dma_start3A_80 = arith.constant 0 : i32
      %dma_start3A_81 = tpu.memref_slice %arg6[%add3A_75, %dma_start3A_80] : memref<40x125xi32, #tpu.memory_space<vmem>> -> memref<1x125xi32, #tpu.memory_space<vmem>>
      %dma_start3A_82 = tpu.memref_squeeze %dma_start3A_81 : memref<1x125xi32, #tpu.memory_space<vmem>> -> memref<125xi32, #tpu.memory_space<vmem>>
      %dma_start3A_83 = arith.constant 0 : i32
      %dma_start3A_84 = arith.constant 0 : i32
      %dma_start3A_85 = tpu.memref_slice %arg8[%dma_start3A_83, %dma_start3A_84] : memref<10000x16xf32, #tpu.memory_space<vmem_shared>> -> memref<10000x16xf32, #tpu.memory_space<vmem_shared>>
      tpu.enqueue_indirect_dma source(%dma_start3A_79 : memref<125x16xf32, #tpu.memory_space<vmem>>) target(%dma_start3A_85 : memref<10000x16xf32, #tpu.memory_space<vmem_shared>>) offsets(%dma_start3A_82 : memref<125xi32, #tpu.memory_space<vmem>>) semaphore(%arg10 : memref<!tpu.dma_semaphore, #tpu.memory_space<semaphore_mem>>) {add = true}
      %mul3A_86 = arith.constant 5 : i32
      %mul3A_87 = arith.muli %scan3A_27, %mul3A_86 : i32
      %add3A_88 = arith.constant 3 : i32
      %add3A_89 = arith.addi %mul3A_87, %add3A_88 : i32
      %dma_start3A_90 = arith.constant 375 : i32
      %dma_start3A_91 = arith.constant 0 : i32
      %dma_start3A_92 = tpu.memref_slice %arg7[%rem3A_28, %dma_start3A_90, %dma_start3A_91] : memref<2x625x16xf32, #tpu.memory_space<vmem>> -> memref<1x125x16xf32, #tpu.memory_space<vmem>>
      %dma_start3A_93 = tpu.memref_squeeze %dma_start3A_92 : memref<1x125x16xf32, #tpu.memory_space<vmem>> -> memref<125x16xf32, #tpu.memory_space<vmem>>
      %dma_start3A_94 = arith.constant 0 : i32
      %dma_start3A_95 = tpu.memref_slice %arg6[%add3A_89, %dma_start3A_94] : memref<40x125xi32, #tpu.memory_space<vmem>> -> memref<1x125xi32, #tpu.memory_space<vmem>>
      %dma_start3A_96 = tpu.memref_squeeze %dma_start3A_95 : memref<1x125xi32, #tpu.memory_space<vmem>> -> memref<125xi32, #tpu.memory_space<vmem>>
      %dma_start3A_97 = arith.constant 0 : i32
      %dma_start3A_98 = arith.constant 0 : i32
      %dma_start3A_99 = tpu.memref_slice %arg8[%dma_start3A_97, %dma_start3A_98] : memref<10000x16xf32, #tpu.memory_space<vmem_shared>> -> memref<10000x16xf32, #tpu.memory_space<vmem_shared>>
      tpu.enqueue_indirect_dma source(%dma_start3A_93 : memref<125x16xf32, #tpu.memory_space<vmem>>) target(%dma_start3A_99 : memref<10000x16xf32, #tpu.memory_space<vmem_shared>>) offsets(%dma_start3A_96 : memref<125xi32, #tpu.memory_space<vmem>>) semaphore(%arg10 : memref<!tpu.dma_semaphore, #tpu.memory_space<semaphore_mem>>) {add = true}
      %mul3A_100 = arith.constant 5 : i32
      %mul3A_101 = arith.muli %scan3A_27, %mul3A_100 : i32
      %add3A_102 = arith.constant 4 : i32
      %add3A_103 = arith.addi %mul3A_101, %add3A_102 : i32
      %dma_start3A_104 = arith.constant 500 : i32
      %dma_start3A_105 = arith.constant 0 : i32
      %dma_start3A_106 = tpu.memref_slice %arg7[%rem3A_28, %dma_start3A_104, %dma_start3A_105] : memref<2x625x16xf32, #tpu.memory_space<vmem>> -> memref<1x125x16xf32, #tpu.memory_space<vmem>>
      %dma_start3A_107 = tpu.memref_squeeze %dma_start3A_106 : memref<1x125x16xf32, #tpu.memory_space<vmem>> -> memref<125x16xf32, #tpu.memory_space<vmem>>
      %dma_start3A_108 = arith.constant 0 : i32
      %dma_start3A_109 = tpu.memref_slice %arg6[%add3A_103, %dma_start3A_108] : memref<40x125xi32, #tpu.memory_space<vmem>> -> memref<1x125xi32, #tpu.memory_space<vmem>>
      %dma_start3A_110 = tpu.memref_squeeze %dma_start3A_109 : memref<1x125xi32, #tpu.memory_space<vmem>> -> memref<125xi32, #tpu.memory_space<vmem>>
      %dma_start3A_111 = arith.constant 0 : i32
      %dma_start3A_112 = arith.constant 0 : i32
      %dma_start3A_113 = tpu.memref_slice %arg8[%dma_start3A_111, %dma_start3A_112] : memref<10000x16xf32, #tpu.memory_space<vmem_shared>> -> memref<10000x16xf32, #tpu.memory_space<vmem_shared>>
      tpu.enqueue_indirect_dma source(%dma_start3A_107 : memref<125x16xf32, #tpu.memory_space<vmem>>) target(%dma_start3A_113 : memref<10000x16xf32, #tpu.memory_space<vmem_shared>>) offsets(%dma_start3A_110 : memref<125xi32, #tpu.memory_space<vmem>>) semaphore(%arg10 : memref<!tpu.dma_semaphore, #tpu.memory_space<semaphore_mem>>) {add = true}
      %dma_wait3A_114 = arith.constant 0 : i32
      %dma_wait3A_115 = arith.constant 0 : i32
      %dma_wait3A_116 = tpu.memref_slice %arg7[%rem3A_28, %dma_wait3A_114, %dma_wait3A_115] : memref<2x625x16xf32, #tpu.memory_space<vmem>> -> memref<1x125x16xf32, #tpu.memory_space<vmem>>
      %dma_wait3A_117 = tpu.memref_squeeze %dma_wait3A_116 : memref<1x125x16xf32, #tpu.memory_space<vmem>> -> memref<125x16xf32, #tpu.memory_space<vmem>>
      %dma_wait3A_118 = arith.constant 0 : i32
      %dma_wait3A_119 = tpu.memref_slice %arg6[%add3A_47, %dma_wait3A_118] : memref<40x125xi32, #tpu.memory_space<vmem>> -> memref<1x125xi32, #tpu.memory_space<vmem>>
      %dma_wait3A_120 = tpu.memref_squeeze %dma_wait3A_119 : memref<1x125xi32, #tpu.memory_space<vmem>> -> memref<125xi32, #tpu.memory_space<vmem>>
      %dma_wait3A_121 = arith.constant 0 : i32
      %dma_wait3A_122 = arith.constant 0 : i32
      %dma_wait3A_123 = tpu.memref_slice %arg8[%dma_wait3A_121, %dma_wait3A_122] : memref<10000x16xf32, #tpu.memory_space<vmem_shared>> -> memref<10000x16xf32, #tpu.memory_space<vmem_shared>>
      tpu.wait_indirect_dma semaphore(%arg10 : memref<!tpu.dma_semaphore, #tpu.memory_space<semaphore_mem>>) src(%dma_wait3A_117 : memref<125x16xf32, #tpu.memory_space<vmem>>) dst(%dma_wait3A_123 : memref<10000x16xf32, #tpu.memory_space<vmem_shared>>)
      %dma_wait3A_124 = arith.constant 125 : i32
      %dma_wait3A_125 = arith.constant 0 : i32
      %dma_wait3A_126 = tpu.memref_slice %arg7[%rem3A_28, %dma_wait3A_124, %dma_wait3A_125] : memref<2x625x16xf32, #tpu.memory_space<vmem>> -> memref<1x125x16xf32, #tpu.memory_space<vmem>>
      %dma_wait3A_127 = tpu.memref_squeeze %dma_wait3A_126 : memref<1x125x16xf32, #tpu.memory_space<vmem>> -> memref<125x16xf32, #tpu.memory_space<vmem>>
      %dma_wait3A_128 = arith.constant 0 : i32
      %dma_wait3A_129 = tpu.memref_slice %arg6[%add3A_61, %dma_wait3A_128] : memref<40x125xi32, #tpu.memory_space<vmem>> -> memref<1x125xi32, #tpu.memory_space<vmem>>
      %dma_wait3A_130 = tpu.memref_squeeze %dma_wait3A_129 : memref<1x125xi32, #tpu.memory_space<vmem>> -> memref<125xi32, #tpu.memory_space<vmem>>
      %dma_wait3A_131 = arith.constant 0 : i32
      %dma_wait3A_132 = arith.constant 0 : i32
      %dma_wait3A_133 = tpu.memref_slice %arg8[%dma_wait3A_131, %dma_wait3A_132] : memref<10000x16xf32, #tpu.memory_space<vmem_shared>> -> memref<10000x16xf32, #tpu.memory_space<vmem_shared>>
      tpu.wait_indirect_dma semaphore(%arg10 : memref<!tpu.dma_semaphore, #tpu.memory_space<semaphore_mem>>) src(%dma_wait3A_127 : memref<125x16xf32, #tpu.memory_space<vmem>>) dst(%dma_wait3A_133 : memref<10000x16xf32, #tpu.memory_space<vmem_shared>>)
      %dma_wait3A_134 = arith.constant 250 : i32
      %dma_wait3A_135 = arith.constant 0 : i32
      %dma_wait3A_136 = tpu.memref_slice %arg7[%rem3A_28, %dma_wait3A_134, %dma_wait3A_135] : memref<2x625x16xf32, #tpu.memory_space<vmem>> -> memref<1x125x16xf32, #tpu.memory_space<vmem>>
      %dma_wait3A_137 = tpu.memref_squeeze %dma_wait3A_136 : memref<1x125x16xf32, #tpu.memory_space<vmem>> -> memref<125x16xf32, #tpu.memory_space<vmem>>
      %dma_wait3A_138 = arith.constant 0 : i32
      %dma_wait3A_139 = tpu.memref_slice %arg6[%add3A_75, %dma_wait3A_138] : memref<40x125xi32, #tpu.memory_space<vmem>> -> memref<1x125xi32, #tpu.memory_space<vmem>>
      %dma_wait3A_140 = tpu.memref_squeeze %dma_wait3A_139 : memref<1x125xi32, #tpu.memory_space<vmem>> -> memref<125xi32, #tpu.memory_space<vmem>>
      %dma_wait3A_141 = arith.constant 0 : i32
      %dma_wait3A_142 = arith.constant 0 : i32
      %dma_wait3A_143 = tpu.memref_slice %arg8[%dma_wait3A_141, %dma_wait3A_142] : memref<10000x16xf32, #tpu.memory_space<vmem_shared>> -> memref<10000x16xf32, #tpu.memory_space<vmem_shared>>
      tpu.wait_indirect_dma semaphore(%arg10 : memref<!tpu.dma_semaphore, #tpu.memory_space<semaphore_mem>>) src(%dma_wait3A_137 : memref<125x16xf32, #tpu.memory_space<vmem>>) dst(%dma_wait3A_143 : memref<10000x16xf32, #tpu.memory_space<vmem_shared>>)
      %dma_wait3A_144 = arith.constant 375 : i32
      %dma_wait3A_145 = arith.constant 0 : i32
      %dma_wait3A_146 = tpu.memref_slice %arg7[%rem3A_28, %dma_wait3A_144, %dma_wait3A_145] : memref<2x625x16xf32, #tpu.memory_space<vmem>> -> memref<1x125x16xf32, #tpu.memory_space<vmem>>
      %dma_wait3A_147 = tpu.memref_squeeze %dma_wait3A_146 : memref<1x125x16xf32, #tpu.memory_space<vmem>> -> memref<125x16xf32, #tpu.memory_space<vmem>>
      %dma_wait3A_148 = arith.constant 0 : i32
      %dma_wait3A_149 = tpu.memref_slice %arg6[%add3A_89, %dma_wait3A_148] : memref<40x125xi32, #tpu.memory_space<vmem>> -> memref<1x125xi32, #tpu.memory_space<vmem>>
      %dma_wait3A_150 = tpu.memref_squeeze %dma_wait3A_149 : memref<1x125xi32, #tpu.memory_space<vmem>> -> memref<125xi32, #tpu.memory_space<vmem>>
      %dma_wait3A_151 = arith.constant 0 : i32
      %dma_wait3A_152 = arith.constant 0 : i32
      %dma_wait3A_153 = tpu.memref_slice %arg8[%dma_wait3A_151, %dma_wait3A_152] : memref<10000x16xf32, #tpu.memory_space<vmem_shared>> -> memref<10000x16xf32, #tpu.memory_space<vmem_shared>>
      tpu.wait_indirect_dma semaphore(%arg10 : memref<!tpu.dma_semaphore, #tpu.memory_space<semaphore_mem>>) src(%dma_wait3A_147 : memref<125x16xf32, #tpu.memory_space<vmem>>) dst(%dma_wait3A_153 : memref<10000x16xf32, #tpu.memory_space<vmem_shared>>)
      %dma_wait3A_154 = arith.constant 500 : i32
      %dma_wait3A_155 = arith.constant 0 : i32
      %dma_wait3A_156 = tpu.memref_slice %arg7[%rem3A_28, %dma_wait3A_154, %dma_wait3A_155] : memref<2x625x16xf32, #tpu.memory_space<vmem>> -> memref<1x125x16xf32, #tpu.memory_space<vmem>>
      %dma_wait3A_157 = tpu.memref_squeeze %dma_wait3A_156 : memref<1x125x16xf32, #tpu.memory_space<vmem>> -> memref<125x16xf32, #tpu.memory_space<vmem>>
      %dma_wait3A_158 = arith.constant 0 : i32
      %dma_wait3A_159 = tpu.memref_slice %arg6[%add3A_103, %dma_wait3A_158] : memref<40x125xi32, #tpu.memory_space<vmem>> -> memref<1x125xi32, #tpu.memory_space<vmem>>
      %dma_wait3A_160 = tpu.memref_squeeze %dma_wait3A_159 : memref<1x125xi32, #tpu.memory_space<vmem>> -> memref<125xi32, #tpu.memory_space<vmem>>
      %dma_wait3A_161 = arith.constant 0 : i32
      %dma_wait3A_162 = arith.constant 0 : i32
      %dma_wait3A_163 = tpu.memref_slice %arg8[%dma_wait3A_161, %dma_wait3A_162] : memref<10000x16xf32, #tpu.memory_space<vmem_shared>> -> memref<10000x16xf32, #tpu.memory_space<vmem_shared>>
      tpu.wait_indirect_dma semaphore(%arg10 : memref<!tpu.dma_semaphore, #tpu.memory_space<semaphore_mem>>) src(%dma_wait3A_157 : memref<125x16xf32, #tpu.memory_space<vmem>>) dst(%dma_wait3A_163 : memref<10000x16xf32, #tpu.memory_space<vmem_shared>>)
    }
    %scan3A_21 = arith.constant 8 : i32
    %barrier3A_22 = arith.constant 0 : index
    tpu.barrier barrier_id(%barrier3A_22)
    %mul3A_23 = arith.constant 624 : i32
    %mul3A_24 = arith.muli %arg1, %mul3A_23 : i32
    %mul3A_25 = arith.constant 624 : i32
    %mul3A_26 = arith.muli %arg1, %mul3A_25 : i32
    "tpu.region"() ({
      %run_scoped3A = tpu.sem_alloc : memref<!tpu.dma_semaphore, #tpu.memory_space<semaphore_mem>>
      %dma_start3A_27 = arith.constant 0 : i32
      %dma_start3A_28 = tpu.memref_slice %arg5[%arg0, %mul3A_26, %dma_start3A_27] : memref<2x10000x16xf32, #tpu.memory_space<hbm>> -> memref<1x640x16xf32, #tpu.memory_space<hbm>>
      %dma_start3A_29 = tpu.memref_squeeze %dma_start3A_28 : memref<1x640x16xf32, #tpu.memory_space<hbm>> -> memref<640x16xf32, #tpu.memory_space<hbm>>
      %dma_start3A_30 = arith.constant 0 : i32
      %dma_start3A_31 = tpu.memref_slice %arg8[%mul3A_24, %dma_start3A_30] : memref<10000x16xf32, #tpu.memory_space<vmem_shared>> -> memref<640x16xf32, #tpu.memory_space<vmem_shared>>
      tpu.enqueue_dma source(%dma_start3A_31 : memref<640x16xf32, #tpu.memory_space<vmem_shared>>) target(%dma_start3A_29 : memref<640x16xf32, #tpu.memory_space<hbm>>) target_semaphore(%run_scoped3A : memref<!tpu.dma_semaphore, #tpu.memory_space<semaphore_mem>>)
      %dma_wait3A = arith.constant 0 : i32
      %dma_wait3A_32 = tpu.memref_slice %arg5[%arg0, %mul3A_26, %dma_wait3A] : memref<2x10000x16xf32, #tpu.memory_space<hbm>> -> memref<1x640x16xf32, #tpu.memory_space<hbm>>
      %dma_wait3A_33 = tpu.memref_squeeze %dma_wait3A_32 : memref<1x640x16xf32, #tpu.memory_space<hbm>> -> memref<640x16xf32, #tpu.memory_space<hbm>>
      %dma_wait3A_34 = arith.constant 0 : i32
      %dma_wait3A_35 = tpu.memref_slice %arg8[%mul3A_24, %dma_wait3A_34] : memref<10000x16xf32, #tpu.memory_space<vmem_shared>> -> memref<640x16xf32, #tpu.memory_space<vmem_shared>>
      tpu.wait_dma2 semaphore(%run_scoped3A : memref<!tpu.dma_semaphore, #tpu.memory_space<semaphore_mem>>) src(%dma_wait3A_35 : memref<640x16xf32, #tpu.memory_space<vmem_shared>>) dst(%dma_wait3A_33 : memref<640x16xf32, #tpu.memory_space<hbm>>)
      tpu.yield
    }) : () -> ()
    return
  }
}

#map = affine_map<(d0, d1) -> (0, 0)>
#map1 = affine_map<(d0, d1) -> (0, 0, 0)>
module attributes {stable_mosaic.version = 14 : i64} {
  func.func @k(%arg0: i32, %arg1: i32, %arg2: memref<10000x16xf32, #tpu.memory_space<hbm>>, %arg3: memref<32x40x125xi32, #tpu.memory_space<hbm>>, %arg4: memref<160000x128xf32, #tpu.memory_space<hbm>>, %arg5: memref<40x125xi32, #tpu.memory_space<vmem>>, %arg6: memref<2x625x16xf32, #tpu.memory_space<vmem>>, %arg7: memref<!tpu.dma_semaphore, #tpu.memory_space<semaphore_mem>>) attributes {dimension_semantics = [#tpu.dimension_semantics<core_parallel>, #tpu.dimension_semantics<subcore_parallel>], iteration_bounds = array<i64: 2, 16>, scalar_prefetch = 0 : i64, scratch_operands = 3 : i64, tpu.core_type = #tpu.core_type<sc_vector_subcore>, window_params = [{transform_indices = #map}, {transform_indices = #map1}, {transform_indices = #map}]} {
    %mul3A = arith.constant 2 : i32
    %mul3A_0 = arith.muli %arg1, %mul3A : i32
    %add3A = arith.addi %mul3A_0, %arg0 : i32
    "tpu.region"() ({
      %run_scoped3A = tpu.sem_alloc : memref<!tpu.dma_semaphore, #tpu.memory_space<semaphore_mem>>
      %dma_start3A_67 = arith.constant 0 : i32
      %dma_start3A_68 = arith.constant 0 : i32
      %dma_start3A_69 = tpu.memref_slice %arg3[%add3A, %dma_start3A_67, %dma_start3A_68] : memref<32x40x125xi32, #tpu.memory_space<hbm>> -> memref<1x40x125xi32, #tpu.memory_space<hbm>>
      %dma_start3A_70 = tpu.memref_squeeze %dma_start3A_69 : memref<1x40x125xi32, #tpu.memory_space<hbm>> -> memref<40x125xi32, #tpu.memory_space<hbm>>
      %dma_start3A_71 = arith.constant 0 : i32
      %dma_start3A_72 = arith.constant 0 : i32
      %dma_start3A_73 = tpu.memref_slice %arg3[%add3A, %dma_start3A_71, %dma_start3A_72] : memref<32x40x125xi32, #tpu.memory_space<hbm>> -> memref<1x40x125xi32, #tpu.memory_space<hbm>>
      %dma_start3A_74 = tpu.memref_squeeze %dma_start3A_73 : memref<1x40x125xi32, #tpu.memory_space<hbm>> -> memref<40x125xi32, #tpu.memory_space<hbm>>
      tpu.enqueue_dma source(%dma_start3A_74 : memref<40x125xi32, #tpu.memory_space<hbm>>) target(%arg5 : memref<40x125xi32, #tpu.memory_space<vmem>>) target_semaphore(%run_scoped3A : memref<!tpu.dma_semaphore, #tpu.memory_space<semaphore_mem>>)
      %dma_wait3A = arith.constant 0 : i32
      %dma_wait3A_75 = arith.constant 0 : i32
      %dma_wait3A_76 = tpu.memref_slice %arg3[%add3A, %dma_wait3A, %dma_wait3A_75] : memref<32x40x125xi32, #tpu.memory_space<hbm>> -> memref<1x40x125xi32, #tpu.memory_space<hbm>>
      %dma_wait3A_77 = tpu.memref_squeeze %dma_wait3A_76 : memref<1x40x125xi32, #tpu.memory_space<hbm>> -> memref<40x125xi32, #tpu.memory_space<hbm>>
      %dma_wait3A_78 = arith.constant 0 : i32
      %dma_wait3A_79 = arith.constant 0 : i32
      %dma_wait3A_80 = tpu.memref_slice %arg3[%add3A, %dma_wait3A_78, %dma_wait3A_79] : memref<32x40x125xi32, #tpu.memory_space<hbm>> -> memref<1x40x125xi32, #tpu.memory_space<hbm>>
      %dma_wait3A_81 = tpu.memref_squeeze %dma_wait3A_80 : memref<1x40x125xi32, #tpu.memory_space<hbm>> -> memref<40x125xi32, #tpu.memory_space<hbm>>
      tpu.wait_dma2 semaphore(%run_scoped3A : memref<!tpu.dma_semaphore, #tpu.memory_space<semaphore_mem>>) src(%dma_wait3A_81 : memref<40x125xi32, #tpu.memory_space<hbm>>) dst(%arg5 : memref<40x125xi32, #tpu.memory_space<vmem>>)
      tpu.yield
    }) : () -> ()
    %mul3A_1 = arith.constant 5000 : i32
    %mul3A_2 = arith.muli %add3A, %mul3A_1 : i32
    %dma_start3A = arith.constant 0 : i32
    %dma_start3A_3 = arith.constant 0 : i32
    %dma_start3A_4 = arith.constant 0 : i32
    %dma_start3A_5 = arith.constant 0 : i32
    %dma_start3A_6 = tpu.memref_slice %arg6[%dma_start3A_3, %dma_start3A_4, %dma_start3A_5] : memref<2x625x16xf32, #tpu.memory_space<vmem>> -> memref<1x125x16xf32, #tpu.memory_space<vmem>>
    %dma_start3A_7 = tpu.memref_squeeze %dma_start3A_6 : memref<1x125x16xf32, #tpu.memory_space<vmem>> -> memref<125x16xf32, #tpu.memory_space<vmem>>
    %dma_start3A_8 = arith.constant 0 : i32
    %dma_start3A_9 = tpu.memref_slice %arg5[%dma_start3A, %dma_start3A_8] : memref<40x125xi32, #tpu.memory_space<vmem>> -> memref<1x125xi32, #tpu.memory_space<vmem>>
    %dma_start3A_10 = tpu.memref_squeeze %dma_start3A_9 : memref<1x125xi32, #tpu.memory_space<vmem>> -> memref<125xi32, #tpu.memory_space<vmem>>
    %dma_start3A_11 = arith.constant 0 : i32
    %dma_start3A_12 = arith.constant 0 : i32
    %dma_start3A_13 = tpu.memref_slice %arg2[%dma_start3A_11, %dma_start3A_12] : memref<10000x16xf32, #tpu.memory_space<hbm>> -> memref<10000x16xf32, #tpu.memory_space<hbm>>
    tpu.enqueue_indirect_dma source(%dma_start3A_13 : memref<10000x16xf32, #tpu.memory_space<hbm>>) target(%dma_start3A_7 : memref<125x16xf32, #tpu.memory_space<vmem>>) offsets(%dma_start3A_10 : memref<125xi32, #tpu.memory_space<vmem>>) semaphore(%arg7 : memref<!tpu.dma_semaphore, #tpu.memory_space<semaphore_mem>>)
    %dma_start3A_14 = arith.constant 1 : i32
    %dma_start3A_15 = arith.constant 0 : i32
    %dma_start3A_16 = arith.constant 125 : i32
    %dma_start3A_17 = arith.constant 0 : i32
    %dma_start3A_18 = tpu.memref_slice %arg6[%dma_start3A_15, %dma_start3A_16, %dma_start3A_17] : memref<2x625x16xf32, #tpu.memory_space<vmem>> -> memref<1x125x16xf32, #tpu.memory_space<vmem>>
    %dma_start3A_19 = tpu.memref_squeeze %dma_start3A_18 : memref<1x125x16xf32, #tpu.memory_space<vmem>> -> memref<125x16xf32, #tpu.memory_space<vmem>>
    %dma_start3A_20 = arith.constant 0 : i32
    %dma_start3A_21 = tpu.memref_slice %arg5[%dma_start3A_14, %dma_start3A_20] : memref<40x125xi32, #tpu.memory_space<vmem>> -> memref<1x125xi32, #tpu.memory_space<vmem>>
    %dma_start3A_22 = tpu.memref_squeeze %dma_start3A_21 : memref<1x125xi32, #tpu.memory_space<vmem>> -> memref<125xi32, #tpu.memory_space<vmem>>
    %dma_start3A_23 = arith.constant 0 : i32
    %dma_start3A_24 = arith.constant 0 : i32
    %dma_start3A_25 = tpu.memref_slice %arg2[%dma_start3A_23, %dma_start3A_24] : memref<10000x16xf32, #tpu.memory_space<hbm>> -> memref<10000x16xf32, #tpu.memory_space<hbm>>
    tpu.enqueue_indirect_dma source(%dma_start3A_25 : memref<10000x16xf32, #tpu.memory_space<hbm>>) target(%dma_start3A_19 : memref<125x16xf32, #tpu.memory_space<vmem>>) offsets(%dma_start3A_22 : memref<125xi32, #tpu.memory_space<vmem>>) semaphore(%arg7 : memref<!tpu.dma_semaphore, #tpu.memory_space<semaphore_mem>>)
    %dma_start3A_26 = arith.constant 2 : i32
    %dma_start3A_27 = arith.constant 0 : i32
    %dma_start3A_28 = arith.constant 250 : i32
    %dma_start3A_29 = arith.constant 0 : i32
    %dma_start3A_30 = tpu.memref_slice %arg6[%dma_start3A_27, %dma_start3A_28, %dma_start3A_29] : memref<2x625x16xf32, #tpu.memory_space<vmem>> -> memref<1x125x16xf32, #tpu.memory_space<vmem>>
    %dma_start3A_31 = tpu.memref_squeeze %dma_start3A_30 : memref<1x125x16xf32, #tpu.memory_space<vmem>> -> memref<125x16xf32, #tpu.memory_space<vmem>>
    %dma_start3A_32 = arith.constant 0 : i32
    %dma_start3A_33 = tpu.memref_slice %arg5[%dma_start3A_26, %dma_start3A_32] : memref<40x125xi32, #tpu.memory_space<vmem>> -> memref<1x125xi32, #tpu.memory_space<vmem>>
    %dma_start3A_34 = tpu.memref_squeeze %dma_start3A_33 : memref<1x125xi32, #tpu.memory_space<vmem>> -> memref<125xi32, #tpu.memory_space<vmem>>
    %dma_start3A_35 = arith.constant 0 : i32
    %dma_start3A_36 = arith.constant 0 : i32
    %dma_start3A_37 = tpu.memref_slice %arg2[%dma_start3A_35, %dma_start3A_36] : memref<10000x16xf32, #tpu.memory_space<hbm>> -> memref<10000x16xf32, #tpu.memory_space<hbm>>
    tpu.enqueue_indirect_dma source(%dma_start3A_37 : memref<10000x16xf32, #tpu.memory_space<hbm>>) target(%dma_start3A_31 : memref<125x16xf32, #tpu.memory_space<vmem>>) offsets(%dma_start3A_34 : memref<125xi32, #tpu.memory_space<vmem>>) semaphore(%arg7 : memref<!tpu.dma_semaphore, #tpu.memory_space<semaphore_mem>>)
    %dma_start3A_38 = arith.constant 3 : i32
    %dma_start3A_39 = arith.constant 0 : i32
    %dma_start3A_40 = arith.constant 375 : i32
    %dma_start3A_41 = arith.constant 0 : i32
    %dma_start3A_42 = tpu.memref_slice %arg6[%dma_start3A_39, %dma_start3A_40, %dma_start3A_41] : memref<2x625x16xf32, #tpu.memory_space<vmem>> -> memref<1x125x16xf32, #tpu.memory_space<vmem>>
    %dma_start3A_43 = tpu.memref_squeeze %dma_start3A_42 : memref<1x125x16xf32, #tpu.memory_space<vmem>> -> memref<125x16xf32, #tpu.memory_space<vmem>>
    %dma_start3A_44 = arith.constant 0 : i32
    %dma_start3A_45 = tpu.memref_slice %arg5[%dma_start3A_38, %dma_start3A_44] : memref<40x125xi32, #tpu.memory_space<vmem>> -> memref<1x125xi32, #tpu.memory_space<vmem>>
    %dma_start3A_46 = tpu.memref_squeeze %dma_start3A_45 : memref<1x125xi32, #tpu.memory_space<vmem>> -> memref<125xi32, #tpu.memory_space<vmem>>
    %dma_start3A_47 = arith.constant 0 : i32
    %dma_start3A_48 = arith.constant 0 : i32
    %dma_start3A_49 = tpu.memref_slice %arg2[%dma_start3A_47, %dma_start3A_48] : memref<10000x16xf32, #tpu.memory_space<hbm>> -> memref<10000x16xf32, #tpu.memory_space<hbm>>
    tpu.enqueue_indirect_dma source(%dma_start3A_49 : memref<10000x16xf32, #tpu.memory_space<hbm>>) target(%dma_start3A_43 : memref<125x16xf32, #tpu.memory_space<vmem>>) offsets(%dma_start3A_46 : memref<125xi32, #tpu.memory_space<vmem>>) semaphore(%arg7 : memref<!tpu.dma_semaphore, #tpu.memory_space<semaphore_mem>>)
    %dma_start3A_50 = arith.constant 4 : i32
    %dma_start3A_51 = arith.constant 0 : i32
    %dma_start3A_52 = arith.constant 500 : i32
    %dma_start3A_53 = arith.constant 0 : i32
    %dma_start3A_54 = tpu.memref_slice %arg6[%dma_start3A_51, %dma_start3A_52, %dma_start3A_53] : memref<2x625x16xf32, #tpu.memory_space<vmem>> -> memref<1x125x16xf32, #tpu.memory_space<vmem>>
    %dma_start3A_55 = tpu.memref_squeeze %dma_start3A_54 : memref<1x125x16xf32, #tpu.memory_space<vmem>> -> memref<125x16xf32, #tpu.memory_space<vmem>>
    %dma_start3A_56 = arith.constant 0 : i32
    %dma_start3A_57 = tpu.memref_slice %arg5[%dma_start3A_50, %dma_start3A_56] : memref<40x125xi32, #tpu.memory_space<vmem>> -> memref<1x125xi32, #tpu.memory_space<vmem>>
    %dma_start3A_58 = tpu.memref_squeeze %dma_start3A_57 : memref<1x125xi32, #tpu.memory_space<vmem>> -> memref<125xi32, #tpu.memory_space<vmem>>
    %dma_start3A_59 = arith.constant 0 : i32
    %dma_start3A_60 = arith.constant 0 : i32
    %dma_start3A_61 = tpu.memref_slice %arg2[%dma_start3A_59, %dma_start3A_60] : memref<10000x16xf32, #tpu.memory_space<hbm>> -> memref<10000x16xf32, #tpu.memory_space<hbm>>
    tpu.enqueue_indirect_dma source(%dma_start3A_61 : memref<10000x16xf32, #tpu.memory_space<hbm>>) target(%dma_start3A_55 : memref<125x16xf32, #tpu.memory_space<vmem>>) offsets(%dma_start3A_58 : memref<125xi32, #tpu.memory_space<vmem>>) semaphore(%arg7 : memref<!tpu.dma_semaphore, #tpu.memory_space<semaphore_mem>>)
    %scan3A = arith.constant 0 : i32
    %scan3A_62 = arith.constant 0 : i32
    %scan3A_63 = arith.constant 8 : i32
    %scan3A_64 = arith.addi %scan3A_62, %scan3A_63 : i32
    %scan3A_65 = arith.constant 1 : i32
    scf.for %scan3A_67 = %scan3A_62 to %scan3A_64 step %scan3A_65  : i32 {
      %rem3A = arith.constant 2 : i32
      %rem3A_68 = arith.remsi %scan3A_67, %rem3A : i32
      %add3A_69 = arith.constant 1 : i32
      %add3A_70 = arith.addi %scan3A_67, %add3A_69 : i32
      %lt3A = arith.constant 8 : i32
      %lt3A_71 = arith.cmpi slt, %add3A_70, %lt3A : i32
      %convert_element_type3A = arith.extui %lt3A_71 : i1 to i32
      %cond3A = arith.constant 0 : i32
      %cond3A_72 = arith.cmpi ne, %convert_element_type3A, %cond3A : i32
      scf.if %cond3A_72 {
        %add3A_130 = arith.constant 1 : i32
        %add3A_131 = arith.addi %scan3A_67, %add3A_130 : i32
        %sub3A = arith.constant 1 : i32
        %sub3A_132 = arith.subi %sub3A, %rem3A_68 : i32
        %mul3A_133 = arith.constant 5 : i32
        %mul3A_134 = arith.muli %add3A_131, %mul3A_133 : i32
        %add3A_135 = arith.constant 0 : i32
        %add3A_136 = arith.addi %mul3A_134, %add3A_135 : i32
        %dma_start3A_137 = arith.constant 0 : i32
        %dma_start3A_138 = arith.constant 0 : i32
        %dma_start3A_139 = tpu.memref_slice %arg6[%sub3A_132, %dma_start3A_137, %dma_start3A_138] : memref<2x625x16xf32, #tpu.memory_space<vmem>> -> memref<1x125x16xf32, #tpu.memory_space<vmem>>
        %dma_start3A_140 = tpu.memref_squeeze %dma_start3A_139 : memref<1x125x16xf32, #tpu.memory_space<vmem>> -> memref<125x16xf32, #tpu.memory_space<vmem>>
        %dma_start3A_141 = arith.constant 0 : i32
        %dma_start3A_142 = tpu.memref_slice %arg5[%add3A_136, %dma_start3A_141] : memref<40x125xi32, #tpu.memory_space<vmem>> -> memref<1x125xi32, #tpu.memory_space<vmem>>
        %dma_start3A_143 = tpu.memref_squeeze %dma_start3A_142 : memref<1x125xi32, #tpu.memory_space<vmem>> -> memref<125xi32, #tpu.memory_space<vmem>>
        %dma_start3A_144 = arith.constant 0 : i32
        %dma_start3A_145 = arith.constant 0 : i32
        %dma_start3A_146 = tpu.memref_slice %arg2[%dma_start3A_144, %dma_start3A_145] : memref<10000x16xf32, #tpu.memory_space<hbm>> -> memref<10000x16xf32, #tpu.memory_space<hbm>>
        tpu.enqueue_indirect_dma source(%dma_start3A_146 : memref<10000x16xf32, #tpu.memory_space<hbm>>) target(%dma_start3A_140 : memref<125x16xf32, #tpu.memory_space<vmem>>) offsets(%dma_start3A_143 : memref<125xi32, #tpu.memory_space<vmem>>) semaphore(%arg7 : memref<!tpu.dma_semaphore, #tpu.memory_space<semaphore_mem>>)
        %mul3A_147 = arith.constant 5 : i32
        %mul3A_148 = arith.muli %add3A_131, %mul3A_147 : i32
        %add3A_149 = arith.constant 1 : i32
        %add3A_150 = arith.addi %mul3A_148, %add3A_149 : i32
        %dma_start3A_151 = arith.constant 125 : i32
        %dma_start3A_152 = arith.constant 0 : i32
        %dma_start3A_153 = tpu.memref_slice %arg6[%sub3A_132, %dma_start3A_151, %dma_start3A_152] : memref<2x625x16xf32, #tpu.memory_space<vmem>> -> memref<1x125x16xf32, #tpu.memory_space<vmem>>
        %dma_start3A_154 = tpu.memref_squeeze %dma_start3A_153 : memref<1x125x16xf32, #tpu.memory_space<vmem>> -> memref<125x16xf32, #tpu.memory_space<vmem>>
        %dma_start3A_155 = arith.constant 0 : i32
        %dma_start3A_156 = tpu.memref_slice %arg5[%add3A_150, %dma_start3A_155] : memref<40x125xi32, #tpu.memory_space<vmem>> -> memref<1x125xi32, #tpu.memory_space<vmem>>
        %dma_start3A_157 = tpu.memref_squeeze %dma_start3A_156 : memref<1x125xi32, #tpu.memory_space<vmem>> -> memref<125xi32, #tpu.memory_space<vmem>>
        %dma_start3A_158 = arith.constant 0 : i32
        %dma_start3A_159 = arith.constant 0 : i32
        %dma_start3A_160 = tpu.memref_slice %arg2[%dma_start3A_158, %dma_start3A_159] : memref<10000x16xf32, #tpu.memory_space<hbm>> -> memref<10000x16xf32, #tpu.memory_space<hbm>>
        tpu.enqueue_indirect_dma source(%dma_start3A_160 : memref<10000x16xf32, #tpu.memory_space<hbm>>) target(%dma_start3A_154 : memref<125x16xf32, #tpu.memory_space<vmem>>) offsets(%dma_start3A_157 : memref<125xi32, #tpu.memory_space<vmem>>) semaphore(%arg7 : memref<!tpu.dma_semaphore, #tpu.memory_space<semaphore_mem>>)
        %mul3A_161 = arith.constant 5 : i32
        %mul3A_162 = arith.muli %add3A_131, %mul3A_161 : i32
        %add3A_163 = arith.constant 2 : i32
        %add3A_164 = arith.addi %mul3A_162, %add3A_163 : i32
        %dma_start3A_165 = arith.constant 250 : i32
        %dma_start3A_166 = arith.constant 0 : i32
        %dma_start3A_167 = tpu.memref_slice %arg6[%sub3A_132, %dma_start3A_165, %dma_start3A_166] : memref<2x625x16xf32, #tpu.memory_space<vmem>> -> memref<1x125x16xf32, #tpu.memory_space<vmem>>
        %dma_start3A_168 = tpu.memref_squeeze %dma_start3A_167 : memref<1x125x16xf32, #tpu.memory_space<vmem>> -> memref<125x16xf32, #tpu.memory_space<vmem>>
        %dma_start3A_169 = arith.constant 0 : i32
        %dma_start3A_170 = tpu.memref_slice %arg5[%add3A_164, %dma_start3A_169] : memref<40x125xi32, #tpu.memory_space<vmem>> -> memref<1x125xi32, #tpu.memory_space<vmem>>
        %dma_start3A_171 = tpu.memref_squeeze %dma_start3A_170 : memref<1x125xi32, #tpu.memory_space<vmem>> -> memref<125xi32, #tpu.memory_space<vmem>>
        %dma_start3A_172 = arith.constant 0 : i32
        %dma_start3A_173 = arith.constant 0 : i32
        %dma_start3A_174 = tpu.memref_slice %arg2[%dma_start3A_172, %dma_start3A_173] : memref<10000x16xf32, #tpu.memory_space<hbm>> -> memref<10000x16xf32, #tpu.memory_space<hbm>>
        tpu.enqueue_indirect_dma source(%dma_start3A_174 : memref<10000x16xf32, #tpu.memory_space<hbm>>) target(%dma_start3A_168 : memref<125x16xf32, #tpu.memory_space<vmem>>) offsets(%dma_start3A_171 : memref<125xi32, #tpu.memory_space<vmem>>) semaphore(%arg7 : memref<!tpu.dma_semaphore, #tpu.memory_space<semaphore_mem>>)
        %mul3A_175 = arith.constant 5 : i32
        %mul3A_176 = arith.muli %add3A_131, %mul3A_175 : i32
        %add3A_177 = arith.constant 3 : i32
        %add3A_178 = arith.addi %mul3A_176, %add3A_177 : i32
        %dma_start3A_179 = arith.constant 375 : i32
        %dma_start3A_180 = arith.constant 0 : i32
        %dma_start3A_181 = tpu.memref_slice %arg6[%sub3A_132, %dma_start3A_179, %dma_start3A_180] : memref<2x625x16xf32, #tpu.memory_space<vmem>> -> memref<1x125x16xf32, #tpu.memory_space<vmem>>
        %dma_start3A_182 = tpu.memref_squeeze %dma_start3A_181 : memref<1x125x16xf32, #tpu.memory_space<vmem>> -> memref<125x16xf32, #tpu.memory_space<vmem>>
        %dma_start3A_183 = arith.constant 0 : i32
        %dma_start3A_184 = tpu.memref_slice %arg5[%add3A_178, %dma_start3A_183] : memref<40x125xi32, #tpu.memory_space<vmem>> -> memref<1x125xi32, #tpu.memory_space<vmem>>
        %dma_start3A_185 = tpu.memref_squeeze %dma_start3A_184 : memref<1x125xi32, #tpu.memory_space<vmem>> -> memref<125xi32, #tpu.memory_space<vmem>>
        %dma_start3A_186 = arith.constant 0 : i32
        %dma_start3A_187 = arith.constant 0 : i32
        %dma_start3A_188 = tpu.memref_slice %arg2[%dma_start3A_186, %dma_start3A_187] : memref<10000x16xf32, #tpu.memory_space<hbm>> -> memref<10000x16xf32, #tpu.memory_space<hbm>>
        tpu.enqueue_indirect_dma source(%dma_start3A_188 : memref<10000x16xf32, #tpu.memory_space<hbm>>) target(%dma_start3A_182 : memref<125x16xf32, #tpu.memory_space<vmem>>) offsets(%dma_start3A_185 : memref<125xi32, #tpu.memory_space<vmem>>) semaphore(%arg7 : memref<!tpu.dma_semaphore, #tpu.memory_space<semaphore_mem>>)
        %mul3A_189 = arith.constant 5 : i32
        %mul3A_190 = arith.muli %add3A_131, %mul3A_189 : i32
        %add3A_191 = arith.constant 4 : i32
        %add3A_192 = arith.addi %mul3A_190, %add3A_191 : i32
        %dma_start3A_193 = arith.constant 500 : i32
        %dma_start3A_194 = arith.constant 0 : i32
        %dma_start3A_195 = tpu.memref_slice %arg6[%sub3A_132, %dma_start3A_193, %dma_start3A_194] : memref<2x625x16xf32, #tpu.memory_space<vmem>> -> memref<1x125x16xf32, #tpu.memory_space<vmem>>
        %dma_start3A_196 = tpu.memref_squeeze %dma_start3A_195 : memref<1x125x16xf32, #tpu.memory_space<vmem>> -> memref<125x16xf32, #tpu.memory_space<vmem>>
        %dma_start3A_197 = arith.constant 0 : i32
        %dma_start3A_198 = tpu.memref_slice %arg5[%add3A_192, %dma_start3A_197] : memref<40x125xi32, #tpu.memory_space<vmem>> -> memref<1x125xi32, #tpu.memory_space<vmem>>
        %dma_start3A_199 = tpu.memref_squeeze %dma_start3A_198 : memref<1x125xi32, #tpu.memory_space<vmem>> -> memref<125xi32, #tpu.memory_space<vmem>>
        %dma_start3A_200 = arith.constant 0 : i32
        %dma_start3A_201 = arith.constant 0 : i32
        %dma_start3A_202 = tpu.memref_slice %arg2[%dma_start3A_200, %dma_start3A_201] : memref<10000x16xf32, #tpu.memory_space<hbm>> -> memref<10000x16xf32, #tpu.memory_space<hbm>>
        tpu.enqueue_indirect_dma source(%dma_start3A_202 : memref<10000x16xf32, #tpu.memory_space<hbm>>) target(%dma_start3A_196 : memref<125x16xf32, #tpu.memory_space<vmem>>) offsets(%dma_start3A_199 : memref<125xi32, #tpu.memory_space<vmem>>) semaphore(%arg7 : memref<!tpu.dma_semaphore, #tpu.memory_space<semaphore_mem>>)
      } else {
      }
      %dma_wait3A = arith.constant 0 : i32
      %dma_wait3A_73 = arith.constant 0 : i32
      %dma_wait3A_74 = arith.constant 0 : i32
      %dma_wait3A_75 = tpu.memref_slice %arg6[%rem3A_68, %dma_wait3A_73, %dma_wait3A_74] : memref<2x625x16xf32, #tpu.memory_space<vmem>> -> memref<1x125x16xf32, #tpu.memory_space<vmem>>
      %dma_wait3A_76 = tpu.memref_squeeze %dma_wait3A_75 : memref<1x125x16xf32, #tpu.memory_space<vmem>> -> memref<125x16xf32, #tpu.memory_space<vmem>>
      %dma_wait3A_77 = arith.constant 0 : i32
      %dma_wait3A_78 = tpu.memref_slice %arg5[%dma_wait3A, %dma_wait3A_77] : memref<40x125xi32, #tpu.memory_space<vmem>> -> memref<1x125xi32, #tpu.memory_space<vmem>>
      %dma_wait3A_79 = tpu.memref_squeeze %dma_wait3A_78 : memref<1x125xi32, #tpu.memory_space<vmem>> -> memref<125xi32, #tpu.memory_space<vmem>>
      %dma_wait3A_80 = arith.constant 0 : i32
      %dma_wait3A_81 = arith.constant 0 : i32
      %dma_wait3A_82 = tpu.memref_slice %arg2[%dma_wait3A_80, %dma_wait3A_81] : memref<10000x16xf32, #tpu.memory_space<hbm>> -> memref<10000x16xf32, #tpu.memory_space<hbm>>
      tpu.wait_indirect_dma semaphore(%arg7 : memref<!tpu.dma_semaphore, #tpu.memory_space<semaphore_mem>>) src(%dma_wait3A_82 : memref<10000x16xf32, #tpu.memory_space<hbm>>) dst(%dma_wait3A_76 : memref<125x16xf32, #tpu.memory_space<vmem>>)
      %dma_wait3A_83 = arith.constant 0 : i32
      %dma_wait3A_84 = arith.constant 125 : i32
      %dma_wait3A_85 = arith.constant 0 : i32
      %dma_wait3A_86 = tpu.memref_slice %arg6[%rem3A_68, %dma_wait3A_84, %dma_wait3A_85] : memref<2x625x16xf32, #tpu.memory_space<vmem>> -> memref<1x125x16xf32, #tpu.memory_space<vmem>>
      %dma_wait3A_87 = tpu.memref_squeeze %dma_wait3A_86 : memref<1x125x16xf32, #tpu.memory_space<vmem>> -> memref<125x16xf32, #tpu.memory_space<vmem>>
      %dma_wait3A_88 = arith.constant 0 : i32
      %dma_wait3A_89 = tpu.memref_slice %arg5[%dma_wait3A_83, %dma_wait3A_88] : memref<40x125xi32, #tpu.memory_space<vmem>> -> memref<1x125xi32, #tpu.memory_space<vmem>>
      %dma_wait3A_90 = tpu.memref_squeeze %dma_wait3A_89 : memref<1x125xi32, #tpu.memory_space<vmem>> -> memref<125xi32, #tpu.memory_space<vmem>>
      %dma_wait3A_91 = arith.constant 0 : i32
      %dma_wait3A_92 = arith.constant 0 : i32
      %dma_wait3A_93 = tpu.memref_slice %arg2[%dma_wait3A_91, %dma_wait3A_92] : memref<10000x16xf32, #tpu.memory_space<hbm>> -> memref<10000x16xf32, #tpu.memory_space<hbm>>
      tpu.wait_indirect_dma semaphore(%arg7 : memref<!tpu.dma_semaphore, #tpu.memory_space<semaphore_mem>>) src(%dma_wait3A_93 : memref<10000x16xf32, #tpu.memory_space<hbm>>) dst(%dma_wait3A_87 : memref<125x16xf32, #tpu.memory_space<vmem>>)
      %dma_wait3A_94 = arith.constant 0 : i32
      %dma_wait3A_95 = arith.constant 250 : i32
      %dma_wait3A_96 = arith.constant 0 : i32
      %dma_wait3A_97 = tpu.memref_slice %arg6[%rem3A_68, %dma_wait3A_95, %dma_wait3A_96] : memref<2x625x16xf32, #tpu.memory_space<vmem>> -> memref<1x125x16xf32, #tpu.memory_space<vmem>>
      %dma_wait3A_98 = tpu.memref_squeeze %dma_wait3A_97 : memref<1x125x16xf32, #tpu.memory_space<vmem>> -> memref<125x16xf32, #tpu.memory_space<vmem>>
      %dma_wait3A_99 = arith.constant 0 : i32
      %dma_wait3A_100 = tpu.memref_slice %arg5[%dma_wait3A_94, %dma_wait3A_99] : memref<40x125xi32, #tpu.memory_space<vmem>> -> memref<1x125xi32, #tpu.memory_space<vmem>>
      %dma_wait3A_101 = tpu.memref_squeeze %dma_wait3A_100 : memref<1x125xi32, #tpu.memory_space<vmem>> -> memref<125xi32, #tpu.memory_space<vmem>>
      %dma_wait3A_102 = arith.constant 0 : i32
      %dma_wait3A_103 = arith.constant 0 : i32
      %dma_wait3A_104 = tpu.memref_slice %arg2[%dma_wait3A_102, %dma_wait3A_103] : memref<10000x16xf32, #tpu.memory_space<hbm>> -> memref<10000x16xf32, #tpu.memory_space<hbm>>
      tpu.wait_indirect_dma semaphore(%arg7 : memref<!tpu.dma_semaphore, #tpu.memory_space<semaphore_mem>>) src(%dma_wait3A_104 : memref<10000x16xf32, #tpu.memory_space<hbm>>) dst(%dma_wait3A_98 : memref<125x16xf32, #tpu.memory_space<vmem>>)
      %dma_wait3A_105 = arith.constant 0 : i32
      %dma_wait3A_106 = arith.constant 375 : i32
      %dma_wait3A_107 = arith.constant 0 : i32
      %dma_wait3A_108 = tpu.memref_slice %arg6[%rem3A_68, %dma_wait3A_106, %dma_wait3A_107] : memref<2x625x16xf32, #tpu.memory_space<vmem>> -> memref<1x125x16xf32, #tpu.memory_space<vmem>>
      %dma_wait3A_109 = tpu.memref_squeeze %dma_wait3A_108 : memref<1x125x16xf32, #tpu.memory_space<vmem>> -> memref<125x16xf32, #tpu.memory_space<vmem>>
      %dma_wait3A_110 = arith.constant 0 : i32
      %dma_wait3A_111 = tpu.memref_slice %arg5[%dma_wait3A_105, %dma_wait3A_110] : memref<40x125xi32, #tpu.memory_space<vmem>> -> memref<1x125xi32, #tpu.memory_space<vmem>>
      %dma_wait3A_112 = tpu.memref_squeeze %dma_wait3A_111 : memref<1x125xi32, #tpu.memory_space<vmem>> -> memref<125xi32, #tpu.memory_space<vmem>>
      %dma_wait3A_113 = arith.constant 0 : i32
      %dma_wait3A_114 = arith.constant 0 : i32
      %dma_wait3A_115 = tpu.memref_slice %arg2[%dma_wait3A_113, %dma_wait3A_114] : memref<10000x16xf32, #tpu.memory_space<hbm>> -> memref<10000x16xf32, #tpu.memory_space<hbm>>
      tpu.wait_indirect_dma semaphore(%arg7 : memref<!tpu.dma_semaphore, #tpu.memory_space<semaphore_mem>>) src(%dma_wait3A_115 : memref<10000x16xf32, #tpu.memory_space<hbm>>) dst(%dma_wait3A_109 : memref<125x16xf32, #tpu.memory_space<vmem>>)
      %dma_wait3A_116 = arith.constant 0 : i32
      %dma_wait3A_117 = arith.constant 500 : i32
      %dma_wait3A_118 = arith.constant 0 : i32
      %dma_wait3A_119 = tpu.memref_slice %arg6[%rem3A_68, %dma_wait3A_117, %dma_wait3A_118] : memref<2x625x16xf32, #tpu.memory_space<vmem>> -> memref<1x125x16xf32, #tpu.memory_space<vmem>>
      %dma_wait3A_120 = tpu.memref_squeeze %dma_wait3A_119 : memref<1x125x16xf32, #tpu.memory_space<vmem>> -> memref<125x16xf32, #tpu.memory_space<vmem>>
      %dma_wait3A_121 = arith.constant 0 : i32
      %dma_wait3A_122 = tpu.memref_slice %arg5[%dma_wait3A_116, %dma_wait3A_121] : memref<40x125xi32, #tpu.memory_space<vmem>> -> memref<1x125xi32, #tpu.memory_space<vmem>>
      %dma_wait3A_123 = tpu.memref_squeeze %dma_wait3A_122 : memref<1x125xi32, #tpu.memory_space<vmem>> -> memref<125xi32, #tpu.memory_space<vmem>>
      %dma_wait3A_124 = arith.constant 0 : i32
      %dma_wait3A_125 = arith.constant 0 : i32
      %dma_wait3A_126 = tpu.memref_slice %arg2[%dma_wait3A_124, %dma_wait3A_125] : memref<10000x16xf32, #tpu.memory_space<hbm>> -> memref<10000x16xf32, #tpu.memory_space<hbm>>
      tpu.wait_indirect_dma semaphore(%arg7 : memref<!tpu.dma_semaphore, #tpu.memory_space<semaphore_mem>>) src(%dma_wait3A_126 : memref<10000x16xf32, #tpu.memory_space<hbm>>) dst(%dma_wait3A_120 : memref<125x16xf32, #tpu.memory_space<vmem>>)
      %mul3A_127 = arith.constant 625 : i32
      %mul3A_128 = arith.muli %scan3A_67, %mul3A_127 : i32
      %add3A_129 = arith.addi %mul3A_2, %mul3A_128 : i32
      "tpu.region"() ({
        %run_scoped3A = tpu.sem_alloc : memref<!tpu.dma_semaphore, #tpu.memory_space<semaphore_mem>>
        %dma_start3A_130 = arith.constant 0 : i32
        %dma_start3A_131 = arith.constant 0 : i32
        %dma_start3A_132 = tpu.memref_slice %arg6[%rem3A_68, %dma_start3A_130, %dma_start3A_131] : memref<2x625x16xf32, #tpu.memory_space<vmem>> -> memref<1x625x16xf32, #tpu.memory_space<vmem>>
        %dma_start3A_133 = tpu.memref_squeeze %dma_start3A_132 : memref<1x625x16xf32, #tpu.memory_space<vmem>> -> memref<625x16xf32, #tpu.memory_space<vmem>>
        %dma_start3A_134 = arith.constant 0 : i32
        %dma_start3A_135 = tpu.memref_slice %arg4[%add3A_129, %dma_start3A_134] : memref<160000x128xf32, #tpu.memory_space<hbm>> -> memref<625x16xf32, #tpu.memory_space<hbm>>
        %dma_start3A_136 = arith.constant 0 : i32
        %dma_start3A_137 = tpu.memref_slice %arg4[%add3A_129, %dma_start3A_136] : memref<160000x128xf32, #tpu.memory_space<hbm>> -> memref<625x16xf32, #tpu.memory_space<hbm>>
        %dma_start3A_138 = arith.constant 0 : i32
        %dma_start3A_139 = arith.constant 0 : i32
        %dma_start3A_140 = tpu.memref_slice %arg6[%rem3A_68, %dma_start3A_138, %dma_start3A_139] : memref<2x625x16xf32, #tpu.memory_space<vmem>> -> memref<1x625x16xf32, #tpu.memory_space<vmem>>
        %dma_start3A_141 = tpu.memref_squeeze %dma_start3A_140 : memref<1x625x16xf32, #tpu.memory_space<vmem>> -> memref<625x16xf32, #tpu.memory_space<vmem>>
        tpu.enqueue_dma source(%dma_start3A_141 : memref<625x16xf32, #tpu.memory_space<vmem>>) target(%dma_start3A_137 : memref<625x16xf32, #tpu.memory_space<hbm>>) target_semaphore(%run_scoped3A : memref<!tpu.dma_semaphore, #tpu.memory_space<semaphore_mem>>)
        %dma_wait3A_142 = arith.constant 0 : i32
        %dma_wait3A_143 = arith.constant 0 : i32
        %dma_wait3A_144 = tpu.memref_slice %arg6[%rem3A_68, %dma_wait3A_142, %dma_wait3A_143] : memref<2x625x16xf32, #tpu.memory_space<vmem>> -> memref<1x625x16xf32, #tpu.memory_space<vmem>>
        %dma_wait3A_145 = tpu.memref_squeeze %dma_wait3A_144 : memref<1x625x16xf32, #tpu.memory_space<vmem>> -> memref<625x16xf32, #tpu.memory_space<vmem>>
        %dma_wait3A_146 = arith.constant 0 : i32
        %dma_wait3A_147 = tpu.memref_slice %arg4[%add3A_129, %dma_wait3A_146] : memref<160000x128xf32, #tpu.memory_space<hbm>> -> memref<625x16xf32, #tpu.memory_space<hbm>>
        %dma_wait3A_148 = arith.constant 0 : i32
        %dma_wait3A_149 = tpu.memref_slice %arg4[%add3A_129, %dma_wait3A_148] : memref<160000x128xf32, #tpu.memory_space<hbm>> -> memref<625x16xf32, #tpu.memory_space<hbm>>
        %dma_wait3A_150 = arith.constant 0 : i32
        %dma_wait3A_151 = arith.constant 0 : i32
        %dma_wait3A_152 = tpu.memref_slice %arg6[%rem3A_68, %dma_wait3A_150, %dma_wait3A_151] : memref<2x625x16xf32, #tpu.memory_space<vmem>> -> memref<1x625x16xf32, #tpu.memory_space<vmem>>
        %dma_wait3A_153 = tpu.memref_squeeze %dma_wait3A_152 : memref<1x625x16xf32, #tpu.memory_space<vmem>> -> memref<625x16xf32, #tpu.memory_space<vmem>>
        tpu.wait_dma2 semaphore(%run_scoped3A : memref<!tpu.dma_semaphore, #tpu.memory_space<semaphore_mem>>) src(%dma_wait3A_153 : memref<625x16xf32, #tpu.memory_space<vmem>>) dst(%dma_wait3A_149 : memref<625x16xf32, #tpu.memory_space<hbm>>)
        tpu.yield
      }) : () -> ()
    }
    %scan3A_66 = arith.constant 8 : i32
    return
  }
}

#map = affine_map<(d0, d1) -> (0, 0)>
#map1 = affine_map<(d0, d1) -> (0, 0, 0)>
module attributes {stable_mosaic.version = 14 : i64} {
  func.func @k(%arg0: i32, %arg1: i32, %arg2: memref<10000x16xf32, #tpu.memory_space<hbm>>, %arg3: memref<32x40x125xi32, #tpu.memory_space<hbm>>, %arg4: memref<160000x128xf32, #tpu.memory_space<hbm>>, %arg5: memref<40x125xi32, #tpu.memory_space<vmem>>, %arg6: memref<2x625x16xf32, #tpu.memory_space<vmem>>, %arg7: memref<!tpu.dma_semaphore, #tpu.memory_space<semaphore_mem>>) attributes {dimension_semantics = [#tpu.dimension_semantics<core_parallel>, #tpu.dimension_semantics<subcore_parallel>], iteration_bounds = array<i64: 2, 16>, scalar_prefetch = 0 : i64, scratch_operands = 3 : i64, tpu.core_type = #tpu.core_type<sc_vector_subcore>, window_params = [{transform_indices = #map}, {transform_indices = #map1}, {transform_indices = #map}]} {
    %mul3A = arith.constant 2 : i32
    %mul3A_0 = arith.muli %arg1, %mul3A : i32
    %add3A = arith.addi %mul3A_0, %arg0 : i32
    "tpu.region"() ({
      %run_scoped3A = tpu.sem_alloc : memref<!tpu.dma_semaphore, #tpu.memory_space<semaphore_mem>>
      %dma_start3A_67 = arith.constant 0 : i32
      %dma_start3A_68 = arith.constant 0 : i32
      %dma_start3A_69 = tpu.memref_slice %arg3[%add3A, %dma_start3A_67, %dma_start3A_68] : memref<32x40x125xi32, #tpu.memory_space<hbm>> -> memref<1x40x125xi32, #tpu.memory_space<hbm>>
      %dma_start3A_70 = tpu.memref_squeeze %dma_start3A_69 : memref<1x40x125xi32, #tpu.memory_space<hbm>> -> memref<40x125xi32, #tpu.memory_space<hbm>>
      %dma_start3A_71 = arith.constant 0 : i32
      %dma_start3A_72 = arith.constant 0 : i32
      %dma_start3A_73 = tpu.memref_slice %arg3[%add3A, %dma_start3A_71, %dma_start3A_72] : memref<32x40x125xi32, #tpu.memory_space<hbm>> -> memref<1x40x125xi32, #tpu.memory_space<hbm>>
      %dma_start3A_74 = tpu.memref_squeeze %dma_start3A_73 : memref<1x40x125xi32, #tpu.memory_space<hbm>> -> memref<40x125xi32, #tpu.memory_space<hbm>>
      tpu.enqueue_dma source(%dma_start3A_74 : memref<40x125xi32, #tpu.memory_space<hbm>>) target(%arg5 : memref<40x125xi32, #tpu.memory_space<vmem>>) target_semaphore(%run_scoped3A : memref<!tpu.dma_semaphore, #tpu.memory_space<semaphore_mem>>)
      %dma_wait3A = arith.constant 0 : i32
      %dma_wait3A_75 = arith.constant 0 : i32
      %dma_wait3A_76 = tpu.memref_slice %arg3[%add3A, %dma_wait3A, %dma_wait3A_75] : memref<32x40x125xi32, #tpu.memory_space<hbm>> -> memref<1x40x125xi32, #tpu.memory_space<hbm>>
      %dma_wait3A_77 = tpu.memref_squeeze %dma_wait3A_76 : memref<1x40x125xi32, #tpu.memory_space<hbm>> -> memref<40x125xi32, #tpu.memory_space<hbm>>
      %dma_wait3A_78 = arith.constant 0 : i32
      %dma_wait3A_79 = arith.constant 0 : i32
      %dma_wait3A_80 = tpu.memref_slice %arg3[%add3A, %dma_wait3A_78, %dma_wait3A_79] : memref<32x40x125xi32, #tpu.memory_space<hbm>> -> memref<1x40x125xi32, #tpu.memory_space<hbm>>
      %dma_wait3A_81 = tpu.memref_squeeze %dma_wait3A_80 : memref<1x40x125xi32, #tpu.memory_space<hbm>> -> memref<40x125xi32, #tpu.memory_space<hbm>>
      tpu.wait_dma2 semaphore(%run_scoped3A : memref<!tpu.dma_semaphore, #tpu.memory_space<semaphore_mem>>) src(%dma_wait3A_81 : memref<40x125xi32, #tpu.memory_space<hbm>>) dst(%arg5 : memref<40x125xi32, #tpu.memory_space<vmem>>)
      tpu.yield
    }) : () -> ()
    %mul3A_1 = arith.constant 5000 : i32
    %mul3A_2 = arith.muli %add3A, %mul3A_1 : i32
    %dma_start3A = arith.constant 0 : i32
    %dma_start3A_3 = arith.constant 0 : i32
    %dma_start3A_4 = arith.constant 0 : i32
    %dma_start3A_5 = arith.constant 0 : i32
    %dma_start3A_6 = tpu.memref_slice %arg6[%dma_start3A_3, %dma_start3A_4, %dma_start3A_5] : memref<2x625x16xf32, #tpu.memory_space<vmem>> -> memref<1x125x16xf32, #tpu.memory_space<vmem>>
    %dma_start3A_7 = tpu.memref_squeeze %dma_start3A_6 : memref<1x125x16xf32, #tpu.memory_space<vmem>> -> memref<125x16xf32, #tpu.memory_space<vmem>>
    %dma_start3A_8 = arith.constant 0 : i32
    %dma_start3A_9 = tpu.memref_slice %arg5[%dma_start3A, %dma_start3A_8] : memref<40x125xi32, #tpu.memory_space<vmem>> -> memref<1x125xi32, #tpu.memory_space<vmem>>
    %dma_start3A_10 = tpu.memref_squeeze %dma_start3A_9 : memref<1x125xi32, #tpu.memory_space<vmem>> -> memref<125xi32, #tpu.memory_space<vmem>>
    %dma_start3A_11 = arith.constant 0 : i32
    %dma_start3A_12 = arith.constant 0 : i32
    %dma_start3A_13 = tpu.memref_slice %arg2[%dma_start3A_11, %dma_start3A_12] : memref<10000x16xf32, #tpu.memory_space<hbm>> -> memref<10000x16xf32, #tpu.memory_space<hbm>>
    tpu.enqueue_indirect_dma source(%dma_start3A_13 : memref<10000x16xf32, #tpu.memory_space<hbm>>) target(%dma_start3A_7 : memref<125x16xf32, #tpu.memory_space<vmem>>) offsets(%dma_start3A_10 : memref<125xi32, #tpu.memory_space<vmem>>) semaphore(%arg7 : memref<!tpu.dma_semaphore, #tpu.memory_space<semaphore_mem>>)
    %dma_start3A_14 = arith.constant 1 : i32
    %dma_start3A_15 = arith.constant 0 : i32
    %dma_start3A_16 = arith.constant 125 : i32
    %dma_start3A_17 = arith.constant 0 : i32
    %dma_start3A_18 = tpu.memref_slice %arg6[%dma_start3A_15, %dma_start3A_16, %dma_start3A_17] : memref<2x625x16xf32, #tpu.memory_space<vmem>> -> memref<1x125x16xf32, #tpu.memory_space<vmem>>
    %dma_start3A_19 = tpu.memref_squeeze %dma_start3A_18 : memref<1x125x16xf32, #tpu.memory_space<vmem>> -> memref<125x16xf32, #tpu.memory_space<vmem>>
    %dma_start3A_20 = arith.constant 0 : i32
    %dma_start3A_21 = tpu.memref_slice %arg5[%dma_start3A_14, %dma_start3A_20] : memref<40x125xi32, #tpu.memory_space<vmem>> -> memref<1x125xi32, #tpu.memory_space<vmem>>
    %dma_start3A_22 = tpu.memref_squeeze %dma_start3A_21 : memref<1x125xi32, #tpu.memory_space<vmem>> -> memref<125xi32, #tpu.memory_space<vmem>>
    %dma_start3A_23 = arith.constant 0 : i32
    %dma_start3A_24 = arith.constant 0 : i32
    %dma_start3A_25 = tpu.memref_slice %arg2[%dma_start3A_23, %dma_start3A_24] : memref<10000x16xf32, #tpu.memory_space<hbm>> -> memref<10000x16xf32, #tpu.memory_space<hbm>>
    tpu.enqueue_indirect_dma source(%dma_start3A_25 : memref<10000x16xf32, #tpu.memory_space<hbm>>) target(%dma_start3A_19 : memref<125x16xf32, #tpu.memory_space<vmem>>) offsets(%dma_start3A_22 : memref<125xi32, #tpu.memory_space<vmem>>) semaphore(%arg7 : memref<!tpu.dma_semaphore, #tpu.memory_space<semaphore_mem>>)
    %dma_start3A_26 = arith.constant 2 : i32
    %dma_start3A_27 = arith.constant 0 : i32
    %dma_start3A_28 = arith.constant 250 : i32
    %dma_start3A_29 = arith.constant 0 : i32
    %dma_start3A_30 = tpu.memref_slice %arg6[%dma_start3A_27, %dma_start3A_28, %dma_start3A_29] : memref<2x625x16xf32, #tpu.memory_space<vmem>> -> memref<1x125x16xf32, #tpu.memory_space<vmem>>
    %dma_start3A_31 = tpu.memref_squeeze %dma_start3A_30 : memref<1x125x16xf32, #tpu.memory_space<vmem>> -> memref<125x16xf32, #tpu.memory_space<vmem>>
    %dma_start3A_32 = arith.constant 0 : i32
    %dma_start3A_33 = tpu.memref_slice %arg5[%dma_start3A_26, %dma_start3A_32] : memref<40x125xi32, #tpu.memory_space<vmem>> -> memref<1x125xi32, #tpu.memory_space<vmem>>
    %dma_start3A_34 = tpu.memref_squeeze %dma_start3A_33 : memref<1x125xi32, #tpu.memory_space<vmem>> -> memref<125xi32, #tpu.memory_space<vmem>>
    %dma_start3A_35 = arith.constant 0 : i32
    %dma_start3A_36 = arith.constant 0 : i32
    %dma_start3A_37 = tpu.memref_slice %arg2[%dma_start3A_35, %dma_start3A_36] : memref<10000x16xf32, #tpu.memory_space<hbm>> -> memref<10000x16xf32, #tpu.memory_space<hbm>>
    tpu.enqueue_indirect_dma source(%dma_start3A_37 : memref<10000x16xf32, #tpu.memory_space<hbm>>) target(%dma_start3A_31 : memref<125x16xf32, #tpu.memory_space<vmem>>) offsets(%dma_start3A_34 : memref<125xi32, #tpu.memory_space<vmem>>) semaphore(%arg7 : memref<!tpu.dma_semaphore, #tpu.memory_space<semaphore_mem>>)
    %dma_start3A_38 = arith.constant 3 : i32
    %dma_start3A_39 = arith.constant 0 : i32
    %dma_start3A_40 = arith.constant 375 : i32
    %dma_start3A_41 = arith.constant 0 : i32
    %dma_start3A_42 = tpu.memref_slice %arg6[%dma_start3A_39, %dma_start3A_40, %dma_start3A_41] : memref<2x625x16xf32, #tpu.memory_space<vmem>> -> memref<1x125x16xf32, #tpu.memory_space<vmem>>
    %dma_start3A_43 = tpu.memref_squeeze %dma_start3A_42 : memref<1x125x16xf32, #tpu.memory_space<vmem>> -> memref<125x16xf32, #tpu.memory_space<vmem>>
    %dma_start3A_44 = arith.constant 0 : i32
    %dma_start3A_45 = tpu.memref_slice %arg5[%dma_start3A_38, %dma_start3A_44] : memref<40x125xi32, #tpu.memory_space<vmem>> -> memref<1x125xi32, #tpu.memory_space<vmem>>
    %dma_start3A_46 = tpu.memref_squeeze %dma_start3A_45 : memref<1x125xi32, #tpu.memory_space<vmem>> -> memref<125xi32, #tpu.memory_space<vmem>>
    %dma_start3A_47 = arith.constant 0 : i32
    %dma_start3A_48 = arith.constant 0 : i32
    %dma_start3A_49 = tpu.memref_slice %arg2[%dma_start3A_47, %dma_start3A_48] : memref<10000x16xf32, #tpu.memory_space<hbm>> -> memref<10000x16xf32, #tpu.memory_space<hbm>>
    tpu.enqueue_indirect_dma source(%dma_start3A_49 : memref<10000x16xf32, #tpu.memory_space<hbm>>) target(%dma_start3A_43 : memref<125x16xf32, #tpu.memory_space<vmem>>) offsets(%dma_start3A_46 : memref<125xi32, #tpu.memory_space<vmem>>) semaphore(%arg7 : memref<!tpu.dma_semaphore, #tpu.memory_space<semaphore_mem>>)
    %dma_start3A_50 = arith.constant 4 : i32
    %dma_start3A_51 = arith.constant 0 : i32
    %dma_start3A_52 = arith.constant 500 : i32
    %dma_start3A_53 = arith.constant 0 : i32
    %dma_start3A_54 = tpu.memref_slice %arg6[%dma_start3A_51, %dma_start3A_52, %dma_start3A_53] : memref<2x625x16xf32, #tpu.memory_space<vmem>> -> memref<1x125x16xf32, #tpu.memory_space<vmem>>
    %dma_start3A_55 = tpu.memref_squeeze %dma_start3A_54 : memref<1x125x16xf32, #tpu.memory_space<vmem>> -> memref<125x16xf32, #tpu.memory_space<vmem>>
    %dma_start3A_56 = arith.constant 0 : i32
    %dma_start3A_57 = tpu.memref_slice %arg5[%dma_start3A_50, %dma_start3A_56] : memref<40x125xi32, #tpu.memory_space<vmem>> -> memref<1x125xi32, #tpu.memory_space<vmem>>
    %dma_start3A_58 = tpu.memref_squeeze %dma_start3A_57 : memref<1x125xi32, #tpu.memory_space<vmem>> -> memref<125xi32, #tpu.memory_space<vmem>>
    %dma_start3A_59 = arith.constant 0 : i32
    %dma_start3A_60 = arith.constant 0 : i32
    %dma_start3A_61 = tpu.memref_slice %arg2[%dma_start3A_59, %dma_start3A_60] : memref<10000x16xf32, #tpu.memory_space<hbm>> -> memref<10000x16xf32, #tpu.memory_space<hbm>>
    tpu.enqueue_indirect_dma source(%dma_start3A_61 : memref<10000x16xf32, #tpu.memory_space<hbm>>) target(%dma_start3A_55 : memref<125x16xf32, #tpu.memory_space<vmem>>) offsets(%dma_start3A_58 : memref<125xi32, #tpu.memory_space<vmem>>) semaphore(%arg7 : memref<!tpu.dma_semaphore, #tpu.memory_space<semaphore_mem>>)
    %scan3A = arith.constant 0 : i32
    %scan3A_62 = arith.constant 0 : i32
    %scan3A_63 = arith.constant 8 : i32
    %scan3A_64 = arith.addi %scan3A_62, %scan3A_63 : i32
    %scan3A_65 = arith.constant 1 : i32
    scf.for %scan3A_67 = %scan3A_62 to %scan3A_64 step %scan3A_65  : i32 {
      %rem3A = arith.constant 2 : i32
      %rem3A_68 = arith.remsi %scan3A_67, %rem3A : i32
      %add3A_69 = arith.constant 1 : i32
      %add3A_70 = arith.addi %scan3A_67, %add3A_69 : i32
      %lt3A = arith.constant 8 : i32
      %lt3A_71 = arith.cmpi slt, %add3A_70, %lt3A : i32
      %convert_element_type3A = arith.extui %lt3A_71 : i1 to i32
      %cond3A = arith.constant 0 : i32
      %cond3A_72 = arith.cmpi ne, %convert_element_type3A, %cond3A : i32
      scf.if %cond3A_72 {
        %add3A_130 = arith.constant 1 : i32
        %add3A_131 = arith.addi %scan3A_67, %add3A_130 : i32
        %sub3A = arith.constant 1 : i32
        %sub3A_132 = arith.subi %sub3A, %rem3A_68 : i32
        %mul3A_133 = arith.constant 5 : i32
        %mul3A_134 = arith.muli %add3A_131, %mul3A_133 : i32
        %add3A_135 = arith.constant 0 : i32
        %add3A_136 = arith.addi %mul3A_134, %add3A_135 : i32
        %dma_start3A_137 = arith.constant 0 : i32
        %dma_start3A_138 = arith.constant 0 : i32
        %dma_start3A_139 = tpu.memref_slice %arg6[%sub3A_132, %dma_start3A_137, %dma_start3A_138] : memref<2x625x16xf32, #tpu.memory_space<vmem>> -> memref<1x125x16xf32, #tpu.memory_space<vmem>>
        %dma_start3A_140 = tpu.memref_squeeze %dma_start3A_139 : memref<1x125x16xf32, #tpu.memory_space<vmem>> -> memref<125x16xf32, #tpu.memory_space<vmem>>
        %dma_start3A_141 = arith.constant 0 : i32
        %dma_start3A_142 = tpu.memref_slice %arg5[%add3A_136, %dma_start3A_141] : memref<40x125xi32, #tpu.memory_space<vmem>> -> memref<1x125xi32, #tpu.memory_space<vmem>>
        %dma_start3A_143 = tpu.memref_squeeze %dma_start3A_142 : memref<1x125xi32, #tpu.memory_space<vmem>> -> memref<125xi32, #tpu.memory_space<vmem>>
        %dma_start3A_144 = arith.constant 0 : i32
        %dma_start3A_145 = arith.constant 0 : i32
        %dma_start3A_146 = tpu.memref_slice %arg2[%dma_start3A_144, %dma_start3A_145] : memref<10000x16xf32, #tpu.memory_space<hbm>> -> memref<10000x16xf32, #tpu.memory_space<hbm>>
        tpu.enqueue_indirect_dma source(%dma_start3A_146 : memref<10000x16xf32, #tpu.memory_space<hbm>>) target(%dma_start3A_140 : memref<125x16xf32, #tpu.memory_space<vmem>>) offsets(%dma_start3A_143 : memref<125xi32, #tpu.memory_space<vmem>>) semaphore(%arg7 : memref<!tpu.dma_semaphore, #tpu.memory_space<semaphore_mem>>)
        %mul3A_147 = arith.constant 5 : i32
        %mul3A_148 = arith.muli %add3A_131, %mul3A_147 : i32
        %add3A_149 = arith.constant 1 : i32
        %add3A_150 = arith.addi %mul3A_148, %add3A_149 : i32
        %dma_start3A_151 = arith.constant 125 : i32
        %dma_start3A_152 = arith.constant 0 : i32
        %dma_start3A_153 = tpu.memref_slice %arg6[%sub3A_132, %dma_start3A_151, %dma_start3A_152] : memref<2x625x16xf32, #tpu.memory_space<vmem>> -> memref<1x125x16xf32, #tpu.memory_space<vmem>>
        %dma_start3A_154 = tpu.memref_squeeze %dma_start3A_153 : memref<1x125x16xf32, #tpu.memory_space<vmem>> -> memref<125x16xf32, #tpu.memory_space<vmem>>
        %dma_start3A_155 = arith.constant 0 : i32
        %dma_start3A_156 = tpu.memref_slice %arg5[%add3A_150, %dma_start3A_155] : memref<40x125xi32, #tpu.memory_space<vmem>> -> memref<1x125xi32, #tpu.memory_space<vmem>>
        %dma_start3A_157 = tpu.memref_squeeze %dma_start3A_156 : memref<1x125xi32, #tpu.memory_space<vmem>> -> memref<125xi32, #tpu.memory_space<vmem>>
        %dma_start3A_158 = arith.constant 0 : i32
        %dma_start3A_159 = arith.constant 0 : i32
        %dma_start3A_160 = tpu.memref_slice %arg2[%dma_start3A_158, %dma_start3A_159] : memref<10000x16xf32, #tpu.memory_space<hbm>> -> memref<10000x16xf32, #tpu.memory_space<hbm>>
        tpu.enqueue_indirect_dma source(%dma_start3A_160 : memref<10000x16xf32, #tpu.memory_space<hbm>>) target(%dma_start3A_154 : memref<125x16xf32, #tpu.memory_space<vmem>>) offsets(%dma_start3A_157 : memref<125xi32, #tpu.memory_space<vmem>>) semaphore(%arg7 : memref<!tpu.dma_semaphore, #tpu.memory_space<semaphore_mem>>)
        %mul3A_161 = arith.constant 5 : i32
        %mul3A_162 = arith.muli %add3A_131, %mul3A_161 : i32
        %add3A_163 = arith.constant 2 : i32
        %add3A_164 = arith.addi %mul3A_162, %add3A_163 : i32
        %dma_start3A_165 = arith.constant 250 : i32
        %dma_start3A_166 = arith.constant 0 : i32
        %dma_start3A_167 = tpu.memref_slice %arg6[%sub3A_132, %dma_start3A_165, %dma_start3A_166] : memref<2x625x16xf32, #tpu.memory_space<vmem>> -> memref<1x125x16xf32, #tpu.memory_space<vmem>>
        %dma_start3A_168 = tpu.memref_squeeze %dma_start3A_167 : memref<1x125x16xf32, #tpu.memory_space<vmem>> -> memref<125x16xf32, #tpu.memory_space<vmem>>
        %dma_start3A_169 = arith.constant 0 : i32
        %dma_start3A_170 = tpu.memref_slice %arg5[%add3A_164, %dma_start3A_169] : memref<40x125xi32, #tpu.memory_space<vmem>> -> memref<1x125xi32, #tpu.memory_space<vmem>>
        %dma_start3A_171 = tpu.memref_squeeze %dma_start3A_170 : memref<1x125xi32, #tpu.memory_space<vmem>> -> memref<125xi32, #tpu.memory_space<vmem>>
        %dma_start3A_172 = arith.constant 0 : i32
        %dma_start3A_173 = arith.constant 0 : i32
        %dma_start3A_174 = tpu.memref_slice %arg2[%dma_start3A_172, %dma_start3A_173] : memref<10000x16xf32, #tpu.memory_space<hbm>> -> memref<10000x16xf32, #tpu.memory_space<hbm>>
        tpu.enqueue_indirect_dma source(%dma_start3A_174 : memref<10000x16xf32, #tpu.memory_space<hbm>>) target(%dma_start3A_168 : memref<125x16xf32, #tpu.memory_space<vmem>>) offsets(%dma_start3A_171 : memref<125xi32, #tpu.memory_space<vmem>>) semaphore(%arg7 : memref<!tpu.dma_semaphore, #tpu.memory_space<semaphore_mem>>)
        %mul3A_175 = arith.constant 5 : i32
        %mul3A_176 = arith.muli %add3A_131, %mul3A_175 : i32
        %add3A_177 = arith.constant 3 : i32
        %add3A_178 = arith.addi %mul3A_176, %add3A_177 : i32
        %dma_start3A_179 = arith.constant 375 : i32
        %dma_start3A_180 = arith.constant 0 : i32
        %dma_start3A_181 = tpu.memref_slice %arg6[%sub3A_132, %dma_start3A_179, %dma_start3A_180] : memref<2x625x16xf32, #tpu.memory_space<vmem>> -> memref<1x125x16xf32, #tpu.memory_space<vmem>>
        %dma_start3A_182 = tpu.memref_squeeze %dma_start3A_181 : memref<1x125x16xf32, #tpu.memory_space<vmem>> -> memref<125x16xf32, #tpu.memory_space<vmem>>
        %dma_start3A_183 = arith.constant 0 : i32
        %dma_start3A_184 = tpu.memref_slice %arg5[%add3A_178, %dma_start3A_183] : memref<40x125xi32, #tpu.memory_space<vmem>> -> memref<1x125xi32, #tpu.memory_space<vmem>>
        %dma_start3A_185 = tpu.memref_squeeze %dma_start3A_184 : memref<1x125xi32, #tpu.memory_space<vmem>> -> memref<125xi32, #tpu.memory_space<vmem>>
        %dma_start3A_186 = arith.constant 0 : i32
        %dma_start3A_187 = arith.constant 0 : i32
        %dma_start3A_188 = tpu.memref_slice %arg2[%dma_start3A_186, %dma_start3A_187] : memref<10000x16xf32, #tpu.memory_space<hbm>> -> memref<10000x16xf32, #tpu.memory_space<hbm>>
        tpu.enqueue_indirect_dma source(%dma_start3A_188 : memref<10000x16xf32, #tpu.memory_space<hbm>>) target(%dma_start3A_182 : memref<125x16xf32, #tpu.memory_space<vmem>>) offsets(%dma_start3A_185 : memref<125xi32, #tpu.memory_space<vmem>>) semaphore(%arg7 : memref<!tpu.dma_semaphore, #tpu.memory_space<semaphore_mem>>)
        %mul3A_189 = arith.constant 5 : i32
        %mul3A_190 = arith.muli %add3A_131, %mul3A_189 : i32
        %add3A_191 = arith.constant 4 : i32
        %add3A_192 = arith.addi %mul3A_190, %add3A_191 : i32
        %dma_start3A_193 = arith.constant 500 : i32
        %dma_start3A_194 = arith.constant 0 : i32
        %dma_start3A_195 = tpu.memref_slice %arg6[%sub3A_132, %dma_start3A_193, %dma_start3A_194] : memref<2x625x16xf32, #tpu.memory_space<vmem>> -> memref<1x125x16xf32, #tpu.memory_space<vmem>>
        %dma_start3A_196 = tpu.memref_squeeze %dma_start3A_195 : memref<1x125x16xf32, #tpu.memory_space<vmem>> -> memref<125x16xf32, #tpu.memory_space<vmem>>
        %dma_start3A_197 = arith.constant 0 : i32
        %dma_start3A_198 = tpu.memref_slice %arg5[%add3A_192, %dma_start3A_197] : memref<40x125xi32, #tpu.memory_space<vmem>> -> memref<1x125xi32, #tpu.memory_space<vmem>>
        %dma_start3A_199 = tpu.memref_squeeze %dma_start3A_198 : memref<1x125xi32, #tpu.memory_space<vmem>> -> memref<125xi32, #tpu.memory_space<vmem>>
        %dma_start3A_200 = arith.constant 0 : i32
        %dma_start3A_201 = arith.constant 0 : i32
        %dma_start3A_202 = tpu.memref_slice %arg2[%dma_start3A_200, %dma_start3A_201] : memref<10000x16xf32, #tpu.memory_space<hbm>> -> memref<10000x16xf32, #tpu.memory_space<hbm>>
        tpu.enqueue_indirect_dma source(%dma_start3A_202 : memref<10000x16xf32, #tpu.memory_space<hbm>>) target(%dma_start3A_196 : memref<125x16xf32, #tpu.memory_space<vmem>>) offsets(%dma_start3A_199 : memref<125xi32, #tpu.memory_space<vmem>>) semaphore(%arg7 : memref<!tpu.dma_semaphore, #tpu.memory_space<semaphore_mem>>)
      } else {
      }
      %dma_wait3A = arith.constant 0 : i32
      %dma_wait3A_73 = arith.constant 0 : i32
      %dma_wait3A_74 = arith.constant 0 : i32
      %dma_wait3A_75 = tpu.memref_slice %arg6[%rem3A_68, %dma_wait3A_73, %dma_wait3A_74] : memref<2x625x16xf32, #tpu.memory_space<vmem>> -> memref<1x125x16xf32, #tpu.memory_space<vmem>>
      %dma_wait3A_76 = tpu.memref_squeeze %dma_wait3A_75 : memref<1x125x16xf32, #tpu.memory_space<vmem>> -> memref<125x16xf32, #tpu.memory_space<vmem>>
      %dma_wait3A_77 = arith.constant 0 : i32
      %dma_wait3A_78 = tpu.memref_slice %arg5[%dma_wait3A, %dma_wait3A_77] : memref<40x125xi32, #tpu.memory_space<vmem>> -> memref<1x125xi32, #tpu.memory_space<vmem>>
      %dma_wait3A_79 = tpu.memref_squeeze %dma_wait3A_78 : memref<1x125xi32, #tpu.memory_space<vmem>> -> memref<125xi32, #tpu.memory_space<vmem>>
      %dma_wait3A_80 = arith.constant 0 : i32
      %dma_wait3A_81 = arith.constant 0 : i32
      %dma_wait3A_82 = tpu.memref_slice %arg2[%dma_wait3A_80, %dma_wait3A_81] : memref<10000x16xf32, #tpu.memory_space<hbm>> -> memref<10000x16xf32, #tpu.memory_space<hbm>>
      tpu.wait_indirect_dma semaphore(%arg7 : memref<!tpu.dma_semaphore, #tpu.memory_space<semaphore_mem>>) src(%dma_wait3A_82 : memref<10000x16xf32, #tpu.memory_space<hbm>>) dst(%dma_wait3A_76 : memref<125x16xf32, #tpu.memory_space<vmem>>)
      %dma_wait3A_83 = arith.constant 0 : i32
      %dma_wait3A_84 = arith.constant 125 : i32
      %dma_wait3A_85 = arith.constant 0 : i32
      %dma_wait3A_86 = tpu.memref_slice %arg6[%rem3A_68, %dma_wait3A_84, %dma_wait3A_85] : memref<2x625x16xf32, #tpu.memory_space<vmem>> -> memref<1x125x16xf32, #tpu.memory_space<vmem>>
      %dma_wait3A_87 = tpu.memref_squeeze %dma_wait3A_86 : memref<1x125x16xf32, #tpu.memory_space<vmem>> -> memref<125x16xf32, #tpu.memory_space<vmem>>
      %dma_wait3A_88 = arith.constant 0 : i32
      %dma_wait3A_89 = tpu.memref_slice %arg5[%dma_wait3A_83, %dma_wait3A_88] : memref<40x125xi32, #tpu.memory_space<vmem>> -> memref<1x125xi32, #tpu.memory_space<vmem>>
      %dma_wait3A_90 = tpu.memref_squeeze %dma_wait3A_89 : memref<1x125xi32, #tpu.memory_space<vmem>> -> memref<125xi32, #tpu.memory_space<vmem>>
      %dma_wait3A_91 = arith.constant 0 : i32
      %dma_wait3A_92 = arith.constant 0 : i32
      %dma_wait3A_93 = tpu.memref_slice %arg2[%dma_wait3A_91, %dma_wait3A_92] : memref<10000x16xf32, #tpu.memory_space<hbm>> -> memref<10000x16xf32, #tpu.memory_space<hbm>>
      tpu.wait_indirect_dma semaphore(%arg7 : memref<!tpu.dma_semaphore, #tpu.memory_space<semaphore_mem>>) src(%dma_wait3A_93 : memref<10000x16xf32, #tpu.memory_space<hbm>>) dst(%dma_wait3A_87 : memref<125x16xf32, #tpu.memory_space<vmem>>)
      %dma_wait3A_94 = arith.constant 0 : i32
      %dma_wait3A_95 = arith.constant 250 : i32
      %dma_wait3A_96 = arith.constant 0 : i32
      %dma_wait3A_97 = tpu.memref_slice %arg6[%rem3A_68, %dma_wait3A_95, %dma_wait3A_96] : memref<2x625x16xf32, #tpu.memory_space<vmem>> -> memref<1x125x16xf32, #tpu.memory_space<vmem>>
      %dma_wait3A_98 = tpu.memref_squeeze %dma_wait3A_97 : memref<1x125x16xf32, #tpu.memory_space<vmem>> -> memref<125x16xf32, #tpu.memory_space<vmem>>
      %dma_wait3A_99 = arith.constant 0 : i32
      %dma_wait3A_100 = tpu.memref_slice %arg5[%dma_wait3A_94, %dma_wait3A_99] : memref<40x125xi32, #tpu.memory_space<vmem>> -> memref<1x125xi32, #tpu.memory_space<vmem>>
      %dma_wait3A_101 = tpu.memref_squeeze %dma_wait3A_100 : memref<1x125xi32, #tpu.memory_space<vmem>> -> memref<125xi32, #tpu.memory_space<vmem>>
      %dma_wait3A_102 = arith.constant 0 : i32
      %dma_wait3A_103 = arith.constant 0 : i32
      %dma_wait3A_104 = tpu.memref_slice %arg2[%dma_wait3A_102, %dma_wait3A_103] : memref<10000x16xf32, #tpu.memory_space<hbm>> -> memref<10000x16xf32, #tpu.memory_space<hbm>>
      tpu.wait_indirect_dma semaphore(%arg7 : memref<!tpu.dma_semaphore, #tpu.memory_space<semaphore_mem>>) src(%dma_wait3A_104 : memref<10000x16xf32, #tpu.memory_space<hbm>>) dst(%dma_wait3A_98 : memref<125x16xf32, #tpu.memory_space<vmem>>)
      %dma_wait3A_105 = arith.constant 0 : i32
      %dma_wait3A_106 = arith.constant 375 : i32
      %dma_wait3A_107 = arith.constant 0 : i32
      %dma_wait3A_108 = tpu.memref_slice %arg6[%rem3A_68, %dma_wait3A_106, %dma_wait3A_107] : memref<2x625x16xf32, #tpu.memory_space<vmem>> -> memref<1x125x16xf32, #tpu.memory_space<vmem>>
      %dma_wait3A_109 = tpu.memref_squeeze %dma_wait3A_108 : memref<1x125x16xf32, #tpu.memory_space<vmem>> -> memref<125x16xf32, #tpu.memory_space<vmem>>
      %dma_wait3A_110 = arith.constant 0 : i32
      %dma_wait3A_111 = tpu.memref_slice %arg5[%dma_wait3A_105, %dma_wait3A_110] : memref<40x125xi32, #tpu.memory_space<vmem>> -> memref<1x125xi32, #tpu.memory_space<vmem>>
      %dma_wait3A_112 = tpu.memref_squeeze %dma_wait3A_111 : memref<1x125xi32, #tpu.memory_space<vmem>> -> memref<125xi32, #tpu.memory_space<vmem>>
      %dma_wait3A_113 = arith.constant 0 : i32
      %dma_wait3A_114 = arith.constant 0 : i32
      %dma_wait3A_115 = tpu.memref_slice %arg2[%dma_wait3A_113, %dma_wait3A_114] : memref<10000x16xf32, #tpu.memory_space<hbm>> -> memref<10000x16xf32, #tpu.memory_space<hbm>>
      tpu.wait_indirect_dma semaphore(%arg7 : memref<!tpu.dma_semaphore, #tpu.memory_space<semaphore_mem>>) src(%dma_wait3A_115 : memref<10000x16xf32, #tpu.memory_space<hbm>>) dst(%dma_wait3A_109 : memref<125x16xf32, #tpu.memory_space<vmem>>)
      %dma_wait3A_116 = arith.constant 0 : i32
      %dma_wait3A_117 = arith.constant 500 : i32
      %dma_wait3A_118 = arith.constant 0 : i32
      %dma_wait3A_119 = tpu.memref_slice %arg6[%rem3A_68, %dma_wait3A_117, %dma_wait3A_118] : memref<2x625x16xf32, #tpu.memory_space<vmem>> -> memref<1x125x16xf32, #tpu.memory_space<vmem>>
      %dma_wait3A_120 = tpu.memref_squeeze %dma_wait3A_119 : memref<1x125x16xf32, #tpu.memory_space<vmem>> -> memref<125x16xf32, #tpu.memory_space<vmem>>
      %dma_wait3A_121 = arith.constant 0 : i32
      %dma_wait3A_122 = tpu.memref_slice %arg5[%dma_wait3A_116, %dma_wait3A_121] : memref<40x125xi32, #tpu.memory_space<vmem>> -> memref<1x125xi32, #tpu.memory_space<vmem>>
      %dma_wait3A_123 = tpu.memref_squeeze %dma_wait3A_122 : memref<1x125xi32, #tpu.memory_space<vmem>> -> memref<125xi32, #tpu.memory_space<vmem>>
      %dma_wait3A_124 = arith.constant 0 : i32
      %dma_wait3A_125 = arith.constant 0 : i32
      %dma_wait3A_126 = tpu.memref_slice %arg2[%dma_wait3A_124, %dma_wait3A_125] : memref<10000x16xf32, #tpu.memory_space<hbm>> -> memref<10000x16xf32, #tpu.memory_space<hbm>>
      tpu.wait_indirect_dma semaphore(%arg7 : memref<!tpu.dma_semaphore, #tpu.memory_space<semaphore_mem>>) src(%dma_wait3A_126 : memref<10000x16xf32, #tpu.memory_space<hbm>>) dst(%dma_wait3A_120 : memref<125x16xf32, #tpu.memory_space<vmem>>)
      %mul3A_127 = arith.constant 625 : i32
      %mul3A_128 = arith.muli %scan3A_67, %mul3A_127 : i32
      %add3A_129 = arith.addi %mul3A_2, %mul3A_128 : i32
      "tpu.region"() ({
        %run_scoped3A = tpu.sem_alloc : memref<!tpu.dma_semaphore, #tpu.memory_space<semaphore_mem>>
        %dma_start3A_130 = arith.constant 0 : i32
        %dma_start3A_131 = arith.constant 0 : i32
        %dma_start3A_132 = tpu.memref_slice %arg6[%rem3A_68, %dma_start3A_130, %dma_start3A_131] : memref<2x625x16xf32, #tpu.memory_space<vmem>> -> memref<1x625x16xf32, #tpu.memory_space<vmem>>
        %dma_start3A_133 = tpu.memref_squeeze %dma_start3A_132 : memref<1x625x16xf32, #tpu.memory_space<vmem>> -> memref<625x16xf32, #tpu.memory_space<vmem>>
        %dma_start3A_134 = arith.constant 0 : i32
        %dma_start3A_135 = tpu.memref_slice %arg4[%add3A_129, %dma_start3A_134] : memref<160000x128xf32, #tpu.memory_space<hbm>> -> memref<625x16xf32, #tpu.memory_space<hbm>>
        %dma_start3A_136 = arith.constant 0 : i32
        %dma_start3A_137 = tpu.memref_slice %arg4[%add3A_129, %dma_start3A_136] : memref<160000x128xf32, #tpu.memory_space<hbm>> -> memref<625x16xf32, #tpu.memory_space<hbm>>
        %dma_start3A_138 = arith.constant 0 : i32
        %dma_start3A_139 = arith.constant 0 : i32
        %dma_start3A_140 = tpu.memref_slice %arg6[%rem3A_68, %dma_start3A_138, %dma_start3A_139] : memref<2x625x16xf32, #tpu.memory_space<vmem>> -> memref<1x625x16xf32, #tpu.memory_space<vmem>>
        %dma_start3A_141 = tpu.memref_squeeze %dma_start3A_140 : memref<1x625x16xf32, #tpu.memory_space<vmem>> -> memref<625x16xf32, #tpu.memory_space<vmem>>
        tpu.enqueue_dma source(%dma_start3A_141 : memref<625x16xf32, #tpu.memory_space<vmem>>) target(%dma_start3A_137 : memref<625x16xf32, #tpu.memory_space<hbm>>) target_semaphore(%run_scoped3A : memref<!tpu.dma_semaphore, #tpu.memory_space<semaphore_mem>>)
        %dma_wait3A_142 = arith.constant 0 : i32
        %dma_wait3A_143 = arith.constant 0 : i32
        %dma_wait3A_144 = tpu.memref_slice %arg6[%rem3A_68, %dma_wait3A_142, %dma_wait3A_143] : memref<2x625x16xf32, #tpu.memory_space<vmem>> -> memref<1x625x16xf32, #tpu.memory_space<vmem>>
        %dma_wait3A_145 = tpu.memref_squeeze %dma_wait3A_144 : memref<1x625x16xf32, #tpu.memory_space<vmem>> -> memref<625x16xf32, #tpu.memory_space<vmem>>
        %dma_wait3A_146 = arith.constant 0 : i32
        %dma_wait3A_147 = tpu.memref_slice %arg4[%add3A_129, %dma_wait3A_146] : memref<160000x128xf32, #tpu.memory_space<hbm>> -> memref<625x16xf32, #tpu.memory_space<hbm>>
        %dma_wait3A_148 = arith.constant 0 : i32
        %dma_wait3A_149 = tpu.memref_slice %arg4[%add3A_129, %dma_wait3A_148] : memref<160000x128xf32, #tpu.memory_space<hbm>> -> memref<625x16xf32, #tpu.memory_space<hbm>>
        %dma_wait3A_150 = arith.constant 0 : i32
        %dma_wait3A_151 = arith.constant 0 : i32
        %dma_wait3A_152 = tpu.memref_slice %arg6[%rem3A_68, %dma_wait3A_150, %dma_wait3A_151] : memref<2x625x16xf32, #tpu.memory_space<vmem>> -> memref<1x625x16xf32, #tpu.memory_space<vmem>>
        %dma_wait3A_153 = tpu.memref_squeeze %dma_wait3A_152 : memref<1x625x16xf32, #tpu.memory_space<vmem>> -> memref<625x16xf32, #tpu.memory_space<vmem>>
        tpu.wait_dma2 semaphore(%run_scoped3A : memref<!tpu.dma_semaphore, #tpu.memory_space<semaphore_mem>>) src(%dma_wait3A_153 : memref<625x16xf32, #tpu.memory_space<vmem>>) dst(%dma_wait3A_149 : memref<625x16xf32, #tpu.memory_space<hbm>>)
        tpu.yield
      }) : () -> ()
    }
    %scan3A_66 = arith.constant 8 : i32
    return
  }
}

#map = affine_map<(d0, d1) -> (0, 0)>
#map1 = affine_map<(d0, d1) -> (0, 0, 0)>
module attributes {stable_mosaic.version = 14 : i64} {
  func.func @k(%arg0: i32, %arg1: i32, %arg2: memref<160000x128xf32, #tpu.memory_space<hbm>>, %arg3: memref<32x40x125xi32, #tpu.memory_space<hbm>>, %arg4: memref<640x32xf32, #tpu.memory_space<hbm>>, %arg5: memref<2x10000x32xf32, #tpu.memory_space<hbm>>, %arg6: memref<40x125xi32, #tpu.memory_space<vmem>>, %arg7: memref<2x625x32xf32, #tpu.memory_space<vmem>>, %arg8: memref<10000x32xf32, #tpu.memory_space<vmem_shared>>, %arg9: memref<!tpu.dma_semaphore, #tpu.memory_space<semaphore_mem>>, %arg10: memref<!tpu.dma_semaphore, #tpu.memory_space<semaphore_mem>>) attributes {dimension_semantics = [#tpu.dimension_semantics<core_parallel>, #tpu.dimension_semantics<subcore_parallel>], iteration_bounds = array<i64: 2, 16>, scalar_prefetch = 0 : i64, scratch_operands = 5 : i64, tpu.core_type = #tpu.core_type<sc_vector_subcore>, window_params = [{transform_indices = #map}, {transform_indices = #map1}, {transform_indices = #map}, {transform_indices = #map1}]} {
    %mul3A = arith.constant 2 : i32
    %mul3A_0 = arith.muli %arg1, %mul3A : i32
    %add3A = arith.addi %mul3A_0, %arg0 : i32
    %mul3A_1 = arith.constant 5000 : i32
    %mul3A_2 = arith.muli %add3A, %mul3A_1 : i32
    %mul3A_3 = arith.constant 624 : i32
    %mul3A_4 = arith.muli %arg1, %mul3A_3 : i32
    "tpu.region"() ({
      %run_scoped3A = tpu.sem_alloc : memref<!tpu.dma_semaphore, #tpu.memory_space<semaphore_mem>>
      %dma_start3A_27 = arith.constant 0 : i32
      %dma_start3A_28 = tpu.memref_slice %arg8[%mul3A_4, %dma_start3A_27] : memref<10000x32xf32, #tpu.memory_space<vmem_shared>> -> memref<640x32xf32, #tpu.memory_space<vmem_shared>>
      tpu.enqueue_dma source(%arg4 : memref<640x32xf32, #tpu.memory_space<hbm>>) target(%dma_start3A_28 : memref<640x32xf32, #tpu.memory_space<vmem_shared>>) target_semaphore(%run_scoped3A : memref<!tpu.dma_semaphore, #tpu.memory_space<semaphore_mem>>)
      %dma_wait3A = arith.constant 0 : i32
      %dma_wait3A_29 = tpu.memref_slice %arg8[%mul3A_4, %dma_wait3A] : memref<10000x32xf32, #tpu.memory_space<vmem_shared>> -> memref<640x32xf32, #tpu.memory_space<vmem_shared>>
      tpu.wait_dma2 semaphore(%run_scoped3A : memref<!tpu.dma_semaphore, #tpu.memory_space<semaphore_mem>>) src(%arg4 : memref<640x32xf32, #tpu.memory_space<hbm>>) dst(%dma_wait3A_29 : memref<640x32xf32, #tpu.memory_space<vmem_shared>>)
      tpu.yield
    }) : () -> ()
    "tpu.region"() ({
      %run_scoped3A = tpu.sem_alloc : memref<!tpu.dma_semaphore, #tpu.memory_space<semaphore_mem>>
      %dma_start3A_27 = arith.constant 0 : i32
      %dma_start3A_28 = arith.constant 0 : i32
      %dma_start3A_29 = tpu.memref_slice %arg3[%add3A, %dma_start3A_27, %dma_start3A_28] : memref<32x40x125xi32, #tpu.memory_space<hbm>> -> memref<1x40x125xi32, #tpu.memory_space<hbm>>
      %dma_start3A_30 = tpu.memref_squeeze %dma_start3A_29 : memref<1x40x125xi32, #tpu.memory_space<hbm>> -> memref<40x125xi32, #tpu.memory_space<hbm>>
      %dma_start3A_31 = arith.constant 0 : i32
      %dma_start3A_32 = arith.constant 0 : i32
      %dma_start3A_33 = tpu.memref_slice %arg3[%add3A, %dma_start3A_31, %dma_start3A_32] : memref<32x40x125xi32, #tpu.memory_space<hbm>> -> memref<1x40x125xi32, #tpu.memory_space<hbm>>
      %dma_start3A_34 = tpu.memref_squeeze %dma_start3A_33 : memref<1x40x125xi32, #tpu.memory_space<hbm>> -> memref<40x125xi32, #tpu.memory_space<hbm>>
      tpu.enqueue_dma source(%dma_start3A_34 : memref<40x125xi32, #tpu.memory_space<hbm>>) target(%arg6 : memref<40x125xi32, #tpu.memory_space<vmem>>) target_semaphore(%run_scoped3A : memref<!tpu.dma_semaphore, #tpu.memory_space<semaphore_mem>>)
      %dma_wait3A = arith.constant 0 : i32
      %dma_wait3A_35 = arith.constant 0 : i32
      %dma_wait3A_36 = tpu.memref_slice %arg3[%add3A, %dma_wait3A, %dma_wait3A_35] : memref<32x40x125xi32, #tpu.memory_space<hbm>> -> memref<1x40x125xi32, #tpu.memory_space<hbm>>
      %dma_wait3A_37 = tpu.memref_squeeze %dma_wait3A_36 : memref<1x40x125xi32, #tpu.memory_space<hbm>> -> memref<40x125xi32, #tpu.memory_space<hbm>>
      %dma_wait3A_38 = arith.constant 0 : i32
      %dma_wait3A_39 = arith.constant 0 : i32
      %dma_wait3A_40 = tpu.memref_slice %arg3[%add3A, %dma_wait3A_38, %dma_wait3A_39] : memref<32x40x125xi32, #tpu.memory_space<hbm>> -> memref<1x40x125xi32, #tpu.memory_space<hbm>>
      %dma_wait3A_41 = tpu.memref_squeeze %dma_wait3A_40 : memref<1x40x125xi32, #tpu.memory_space<hbm>> -> memref<40x125xi32, #tpu.memory_space<hbm>>
      tpu.wait_dma2 semaphore(%run_scoped3A : memref<!tpu.dma_semaphore, #tpu.memory_space<semaphore_mem>>) src(%dma_wait3A_41 : memref<40x125xi32, #tpu.memory_space<hbm>>) dst(%arg6 : memref<40x125xi32, #tpu.memory_space<vmem>>)
      tpu.yield
    }) : () -> ()
    %barrier3A = arith.constant 0 : index
    tpu.barrier barrier_id(%barrier3A)
    %dma_start3A = arith.constant 0 : i32
    %dma_start3A_5 = arith.constant 0 : i32
    %dma_start3A_6 = arith.constant 0 : i32
    %dma_start3A_7 = tpu.memref_slice %arg7[%dma_start3A, %dma_start3A_5, %dma_start3A_6] : memref<2x625x32xf32, #tpu.memory_space<vmem>> -> memref<1x625x32xf32, #tpu.memory_space<vmem>>
    %dma_start3A_8 = tpu.memref_squeeze %dma_start3A_7 : memref<1x625x32xf32, #tpu.memory_space<vmem>> -> memref<625x32xf32, #tpu.memory_space<vmem>>
    %dma_start3A_9 = arith.constant 0 : i32
    %dma_start3A_10 = tpu.memref_slice %arg2[%mul3A_2, %dma_start3A_9] : memref<160000x128xf32, #tpu.memory_space<hbm>> -> memref<625x32xf32, #tpu.memory_space<hbm>>
    %dma_start3A_11 = arith.constant 0 : i32
    %dma_start3A_12 = arith.constant 0 : i32
    %dma_start3A_13 = tpu.memref_slice %arg7[%dma_start3A, %dma_start3A_11, %dma_start3A_12] : memref<2x625x32xf32, #tpu.memory_space<vmem>> -> memref<1x625x32xf32, #tpu.memory_space<vmem>>
    %dma_start3A_14 = tpu.memref_squeeze %dma_start3A_13 : memref<1x625x32xf32, #tpu.memory_space<vmem>> -> memref<625x32xf32, #tpu.memory_space<vmem>>
    %dma_start3A_15 = arith.constant 0 : i32
    %dma_start3A_16 = tpu.memref_slice %arg2[%mul3A_2, %dma_start3A_15] : memref<160000x128xf32, #tpu.memory_space<hbm>> -> memref<625x32xf32, #tpu.memory_space<hbm>>
    tpu.enqueue_dma source(%dma_start3A_16 : memref<625x32xf32, #tpu.memory_space<hbm>>) target(%dma_start3A_14 : memref<625x32xf32, #tpu.memory_space<vmem>>) target_semaphore(%arg9 : memref<!tpu.dma_semaphore, #tpu.memory_space<semaphore_mem>>)
    %scan3A = arith.constant 0 : i32
    %scan3A_17 = arith.constant 0 : i32
    %scan3A_18 = arith.constant 8 : i32
    %scan3A_19 = arith.addi %scan3A_17, %scan3A_18 : i32
    %scan3A_20 = arith.constant 1 : i32
    scf.for %scan3A_27 = %scan3A_17 to %scan3A_19 step %scan3A_20  : i32 {
      %rem3A = arith.constant 2 : i32
      %rem3A_28 = arith.remsi %scan3A_27, %rem3A : i32
      %add3A_29 = arith.constant 1 : i32
      %add3A_30 = arith.addi %scan3A_27, %add3A_29 : i32
      %lt3A = arith.constant 8 : i32
      %lt3A_31 = arith.cmpi slt, %add3A_30, %lt3A : i32
      %convert_element_type3A = arith.extui %lt3A_31 : i1 to i32
      %cond3A = arith.constant 0 : i32
      %cond3A_32 = arith.cmpi ne, %convert_element_type3A, %cond3A : i32
      scf.if %cond3A_32 {
        %add3A_164 = arith.constant 1 : i32
        %add3A_165 = arith.addi %scan3A_27, %add3A_164 : i32
        %mul3A_166 = arith.constant 625 : i32
        %mul3A_167 = arith.muli %add3A_165, %mul3A_166 : i32
        %add3A_168 = arith.addi %mul3A_2, %mul3A_167 : i32
        %sub3A = arith.constant 1 : i32
        %sub3A_169 = arith.subi %sub3A, %rem3A_28 : i32
        %dma_start3A_170 = arith.constant 0 : i32
        %dma_start3A_171 = arith.constant 0 : i32
        %dma_start3A_172 = tpu.memref_slice %arg7[%sub3A_169, %dma_start3A_170, %dma_start3A_171] : memref<2x625x32xf32, #tpu.memory_space<vmem>> -> memref<1x625x32xf32, #tpu.memory_space<vmem>>
        %dma_start3A_173 = tpu.memref_squeeze %dma_start3A_172 : memref<1x625x32xf32, #tpu.memory_space<vmem>> -> memref<625x32xf32, #tpu.memory_space<vmem>>
        %dma_start3A_174 = arith.constant 0 : i32
        %dma_start3A_175 = tpu.memref_slice %arg2[%add3A_168, %dma_start3A_174] : memref<160000x128xf32, #tpu.memory_space<hbm>> -> memref<625x32xf32, #tpu.memory_space<hbm>>
        %dma_start3A_176 = arith.constant 0 : i32
        %dma_start3A_177 = arith.constant 0 : i32
        %dma_start3A_178 = tpu.memref_slice %arg7[%sub3A_169, %dma_start3A_176, %dma_start3A_177] : memref<2x625x32xf32, #tpu.memory_space<vmem>> -> memref<1x625x32xf32, #tpu.memory_space<vmem>>
        %dma_start3A_179 = tpu.memref_squeeze %dma_start3A_178 : memref<1x625x32xf32, #tpu.memory_space<vmem>> -> memref<625x32xf32, #tpu.memory_space<vmem>>
        %dma_start3A_180 = arith.constant 0 : i32
        %dma_start3A_181 = tpu.memref_slice %arg2[%add3A_168, %dma_start3A_180] : memref<160000x128xf32, #tpu.memory_space<hbm>> -> memref<625x32xf32, #tpu.memory_space<hbm>>
        tpu.enqueue_dma source(%dma_start3A_181 : memref<625x32xf32, #tpu.memory_space<hbm>>) target(%dma_start3A_179 : memref<625x32xf32, #tpu.memory_space<vmem>>) target_semaphore(%arg9 : memref<!tpu.dma_semaphore, #tpu.memory_space<semaphore_mem>>)
      } else {
      }
      %dma_wait3A = arith.constant 0 : i32
      %dma_wait3A_33 = arith.constant 0 : i32
      %dma_wait3A_34 = tpu.memref_slice %arg7[%rem3A_28, %dma_wait3A, %dma_wait3A_33] : memref<2x625x32xf32, #tpu.memory_space<vmem>> -> memref<1x625x32xf32, #tpu.memory_space<vmem>>
      %dma_wait3A_35 = tpu.memref_squeeze %dma_wait3A_34 : memref<1x625x32xf32, #tpu.memory_space<vmem>> -> memref<625x32xf32, #tpu.memory_space<vmem>>
      %dma_wait3A_36 = arith.constant 0 : i32
      %dma_wait3A_37 = tpu.memref_slice %arg2[%mul3A_2, %dma_wait3A_36] : memref<160000x128xf32, #tpu.memory_space<hbm>> -> memref<625x32xf32, #tpu.memory_space<hbm>>
      %dma_wait3A_38 = arith.constant 0 : i32
      %dma_wait3A_39 = arith.constant 0 : i32
      %dma_wait3A_40 = tpu.memref_slice %arg7[%rem3A_28, %dma_wait3A_38, %dma_wait3A_39] : memref<2x625x32xf32, #tpu.memory_space<vmem>> -> memref<1x625x32xf32, #tpu.memory_space<vmem>>
      %dma_wait3A_41 = tpu.memref_squeeze %dma_wait3A_40 : memref<1x625x32xf32, #tpu.memory_space<vmem>> -> memref<625x32xf32, #tpu.memory_space<vmem>>
      %dma_wait3A_42 = arith.constant 0 : i32
      %dma_wait3A_43 = tpu.memref_slice %arg2[%mul3A_2, %dma_wait3A_42] : memref<160000x128xf32, #tpu.memory_space<hbm>> -> memref<625x32xf32, #tpu.memory_space<hbm>>
      tpu.wait_dma2 semaphore(%arg9 : memref<!tpu.dma_semaphore, #tpu.memory_space<semaphore_mem>>) src(%dma_wait3A_43 : memref<625x32xf32, #tpu.memory_space<hbm>>) dst(%dma_wait3A_41 : memref<625x32xf32, #tpu.memory_space<vmem>>)
      %mul3A_44 = arith.constant 5 : i32
      %mul3A_45 = arith.muli %scan3A_27, %mul3A_44 : i32
      %add3A_46 = arith.constant 0 : i32
      %add3A_47 = arith.addi %mul3A_45, %add3A_46 : i32
      %dma_start3A_48 = arith.constant 0 : i32
      %dma_start3A_49 = arith.constant 0 : i32
      %dma_start3A_50 = tpu.memref_slice %arg7[%rem3A_28, %dma_start3A_48, %dma_start3A_49] : memref<2x625x32xf32, #tpu.memory_space<vmem>> -> memref<1x125x32xf32, #tpu.memory_space<vmem>>
      %dma_start3A_51 = tpu.memref_squeeze %dma_start3A_50 : memref<1x125x32xf32, #tpu.memory_space<vmem>> -> memref<125x32xf32, #tpu.memory_space<vmem>>
      %dma_start3A_52 = arith.constant 0 : i32
      %dma_start3A_53 = tpu.memref_slice %arg6[%add3A_47, %dma_start3A_52] : memref<40x125xi32, #tpu.memory_space<vmem>> -> memref<1x125xi32, #tpu.memory_space<vmem>>
      %dma_start3A_54 = tpu.memref_squeeze %dma_start3A_53 : memref<1x125xi32, #tpu.memory_space<vmem>> -> memref<125xi32, #tpu.memory_space<vmem>>
      %dma_start3A_55 = arith.constant 0 : i32
      %dma_start3A_56 = arith.constant 0 : i32
      %dma_start3A_57 = tpu.memref_slice %arg8[%dma_start3A_55, %dma_start3A_56] : memref<10000x32xf32, #tpu.memory_space<vmem_shared>> -> memref<10000x32xf32, #tpu.memory_space<vmem_shared>>
      tpu.enqueue_indirect_dma source(%dma_start3A_51 : memref<125x32xf32, #tpu.memory_space<vmem>>) target(%dma_start3A_57 : memref<10000x32xf32, #tpu.memory_space<vmem_shared>>) offsets(%dma_start3A_54 : memref<125xi32, #tpu.memory_space<vmem>>) semaphore(%arg10 : memref<!tpu.dma_semaphore, #tpu.memory_space<semaphore_mem>>) {add = true}
      %mul3A_58 = arith.constant 5 : i32
      %mul3A_59 = arith.muli %scan3A_27, %mul3A_58 : i32
      %add3A_60 = arith.constant 1 : i32
      %add3A_61 = arith.addi %mul3A_59, %add3A_60 : i32
      %dma_start3A_62 = arith.constant 125 : i32
      %dma_start3A_63 = arith.constant 0 : i32
      %dma_start3A_64 = tpu.memref_slice %arg7[%rem3A_28, %dma_start3A_62, %dma_start3A_63] : memref<2x625x32xf32, #tpu.memory_space<vmem>> -> memref<1x125x32xf32, #tpu.memory_space<vmem>>
      %dma_start3A_65 = tpu.memref_squeeze %dma_start3A_64 : memref<1x125x32xf32, #tpu.memory_space<vmem>> -> memref<125x32xf32, #tpu.memory_space<vmem>>
      %dma_start3A_66 = arith.constant 0 : i32
      %dma_start3A_67 = tpu.memref_slice %arg6[%add3A_61, %dma_start3A_66] : memref<40x125xi32, #tpu.memory_space<vmem>> -> memref<1x125xi32, #tpu.memory_space<vmem>>
      %dma_start3A_68 = tpu.memref_squeeze %dma_start3A_67 : memref<1x125xi32, #tpu.memory_space<vmem>> -> memref<125xi32, #tpu.memory_space<vmem>>
      %dma_start3A_69 = arith.constant 0 : i32
      %dma_start3A_70 = arith.constant 0 : i32
      %dma_start3A_71 = tpu.memref_slice %arg8[%dma_start3A_69, %dma_start3A_70] : memref<10000x32xf32, #tpu.memory_space<vmem_shared>> -> memref<10000x32xf32, #tpu.memory_space<vmem_shared>>
      tpu.enqueue_indirect_dma source(%dma_start3A_65 : memref<125x32xf32, #tpu.memory_space<vmem>>) target(%dma_start3A_71 : memref<10000x32xf32, #tpu.memory_space<vmem_shared>>) offsets(%dma_start3A_68 : memref<125xi32, #tpu.memory_space<vmem>>) semaphore(%arg10 : memref<!tpu.dma_semaphore, #tpu.memory_space<semaphore_mem>>) {add = true}
      %mul3A_72 = arith.constant 5 : i32
      %mul3A_73 = arith.muli %scan3A_27, %mul3A_72 : i32
      %add3A_74 = arith.constant 2 : i32
      %add3A_75 = arith.addi %mul3A_73, %add3A_74 : i32
      %dma_start3A_76 = arith.constant 250 : i32
      %dma_start3A_77 = arith.constant 0 : i32
      %dma_start3A_78 = tpu.memref_slice %arg7[%rem3A_28, %dma_start3A_76, %dma_start3A_77] : memref<2x625x32xf32, #tpu.memory_space<vmem>> -> memref<1x125x32xf32, #tpu.memory_space<vmem>>
      %dma_start3A_79 = tpu.memref_squeeze %dma_start3A_78 : memref<1x125x32xf32, #tpu.memory_space<vmem>> -> memref<125x32xf32, #tpu.memory_space<vmem>>
      %dma_start3A_80 = arith.constant 0 : i32
      %dma_start3A_81 = tpu.memref_slice %arg6[%add3A_75, %dma_start3A_80] : memref<40x125xi32, #tpu.memory_space<vmem>> -> memref<1x125xi32, #tpu.memory_space<vmem>>
      %dma_start3A_82 = tpu.memref_squeeze %dma_start3A_81 : memref<1x125xi32, #tpu.memory_space<vmem>> -> memref<125xi32, #tpu.memory_space<vmem>>
      %dma_start3A_83 = arith.constant 0 : i32
      %dma_start3A_84 = arith.constant 0 : i32
      %dma_start3A_85 = tpu.memref_slice %arg8[%dma_start3A_83, %dma_start3A_84] : memref<10000x32xf32, #tpu.memory_space<vmem_shared>> -> memref<10000x32xf32, #tpu.memory_space<vmem_shared>>
      tpu.enqueue_indirect_dma source(%dma_start3A_79 : memref<125x32xf32, #tpu.memory_space<vmem>>) target(%dma_start3A_85 : memref<10000x32xf32, #tpu.memory_space<vmem_shared>>) offsets(%dma_start3A_82 : memref<125xi32, #tpu.memory_space<vmem>>) semaphore(%arg10 : memref<!tpu.dma_semaphore, #tpu.memory_space<semaphore_mem>>) {add = true}
      %mul3A_86 = arith.constant 5 : i32
      %mul3A_87 = arith.muli %scan3A_27, %mul3A_86 : i32
      %add3A_88 = arith.constant 3 : i32
      %add3A_89 = arith.addi %mul3A_87, %add3A_88 : i32
      %dma_start3A_90 = arith.constant 375 : i32
      %dma_start3A_91 = arith.constant 0 : i32
      %dma_start3A_92 = tpu.memref_slice %arg7[%rem3A_28, %dma_start3A_90, %dma_start3A_91] : memref<2x625x32xf32, #tpu.memory_space<vmem>> -> memref<1x125x32xf32, #tpu.memory_space<vmem>>
      %dma_start3A_93 = tpu.memref_squeeze %dma_start3A_92 : memref<1x125x32xf32, #tpu.memory_space<vmem>> -> memref<125x32xf32, #tpu.memory_space<vmem>>
      %dma_start3A_94 = arith.constant 0 : i32
      %dma_start3A_95 = tpu.memref_slice %arg6[%add3A_89, %dma_start3A_94] : memref<40x125xi32, #tpu.memory_space<vmem>> -> memref<1x125xi32, #tpu.memory_space<vmem>>
      %dma_start3A_96 = tpu.memref_squeeze %dma_start3A_95 : memref<1x125xi32, #tpu.memory_space<vmem>> -> memref<125xi32, #tpu.memory_space<vmem>>
      %dma_start3A_97 = arith.constant 0 : i32
      %dma_start3A_98 = arith.constant 0 : i32
      %dma_start3A_99 = tpu.memref_slice %arg8[%dma_start3A_97, %dma_start3A_98] : memref<10000x32xf32, #tpu.memory_space<vmem_shared>> -> memref<10000x32xf32, #tpu.memory_space<vmem_shared>>
      tpu.enqueue_indirect_dma source(%dma_start3A_93 : memref<125x32xf32, #tpu.memory_space<vmem>>) target(%dma_start3A_99 : memref<10000x32xf32, #tpu.memory_space<vmem_shared>>) offsets(%dma_start3A_96 : memref<125xi32, #tpu.memory_space<vmem>>) semaphore(%arg10 : memref<!tpu.dma_semaphore, #tpu.memory_space<semaphore_mem>>) {add = true}
      %mul3A_100 = arith.constant 5 : i32
      %mul3A_101 = arith.muli %scan3A_27, %mul3A_100 : i32
      %add3A_102 = arith.constant 4 : i32
      %add3A_103 = arith.addi %mul3A_101, %add3A_102 : i32
      %dma_start3A_104 = arith.constant 500 : i32
      %dma_start3A_105 = arith.constant 0 : i32
      %dma_start3A_106 = tpu.memref_slice %arg7[%rem3A_28, %dma_start3A_104, %dma_start3A_105] : memref<2x625x32xf32, #tpu.memory_space<vmem>> -> memref<1x125x32xf32, #tpu.memory_space<vmem>>
      %dma_start3A_107 = tpu.memref_squeeze %dma_start3A_106 : memref<1x125x32xf32, #tpu.memory_space<vmem>> -> memref<125x32xf32, #tpu.memory_space<vmem>>
      %dma_start3A_108 = arith.constant 0 : i32
      %dma_start3A_109 = tpu.memref_slice %arg6[%add3A_103, %dma_start3A_108] : memref<40x125xi32, #tpu.memory_space<vmem>> -> memref<1x125xi32, #tpu.memory_space<vmem>>
      %dma_start3A_110 = tpu.memref_squeeze %dma_start3A_109 : memref<1x125xi32, #tpu.memory_space<vmem>> -> memref<125xi32, #tpu.memory_space<vmem>>
      %dma_start3A_111 = arith.constant 0 : i32
      %dma_start3A_112 = arith.constant 0 : i32
      %dma_start3A_113 = tpu.memref_slice %arg8[%dma_start3A_111, %dma_start3A_112] : memref<10000x32xf32, #tpu.memory_space<vmem_shared>> -> memref<10000x32xf32, #tpu.memory_space<vmem_shared>>
      tpu.enqueue_indirect_dma source(%dma_start3A_107 : memref<125x32xf32, #tpu.memory_space<vmem>>) target(%dma_start3A_113 : memref<10000x32xf32, #tpu.memory_space<vmem_shared>>) offsets(%dma_start3A_110 : memref<125xi32, #tpu.memory_space<vmem>>) semaphore(%arg10 : memref<!tpu.dma_semaphore, #tpu.memory_space<semaphore_mem>>) {add = true}
      %dma_wait3A_114 = arith.constant 0 : i32
      %dma_wait3A_115 = arith.constant 0 : i32
      %dma_wait3A_116 = tpu.memref_slice %arg7[%rem3A_28, %dma_wait3A_114, %dma_wait3A_115] : memref<2x625x32xf32, #tpu.memory_space<vmem>> -> memref<1x125x32xf32, #tpu.memory_space<vmem>>
      %dma_wait3A_117 = tpu.memref_squeeze %dma_wait3A_116 : memref<1x125x32xf32, #tpu.memory_space<vmem>> -> memref<125x32xf32, #tpu.memory_space<vmem>>
      %dma_wait3A_118 = arith.constant 0 : i32
      %dma_wait3A_119 = tpu.memref_slice %arg6[%add3A_47, %dma_wait3A_118] : memref<40x125xi32, #tpu.memory_space<vmem>> -> memref<1x125xi32, #tpu.memory_space<vmem>>
      %dma_wait3A_120 = tpu.memref_squeeze %dma_wait3A_119 : memref<1x125xi32, #tpu.memory_space<vmem>> -> memref<125xi32, #tpu.memory_space<vmem>>
      %dma_wait3A_121 = arith.constant 0 : i32
      %dma_wait3A_122 = arith.constant 0 : i32
      %dma_wait3A_123 = tpu.memref_slice %arg8[%dma_wait3A_121, %dma_wait3A_122] : memref<10000x32xf32, #tpu.memory_space<vmem_shared>> -> memref<10000x32xf32, #tpu.memory_space<vmem_shared>>
      tpu.wait_indirect_dma semaphore(%arg10 : memref<!tpu.dma_semaphore, #tpu.memory_space<semaphore_mem>>) src(%dma_wait3A_117 : memref<125x32xf32, #tpu.memory_space<vmem>>) dst(%dma_wait3A_123 : memref<10000x32xf32, #tpu.memory_space<vmem_shared>>)
      %dma_wait3A_124 = arith.constant 125 : i32
      %dma_wait3A_125 = arith.constant 0 : i32
      %dma_wait3A_126 = tpu.memref_slice %arg7[%rem3A_28, %dma_wait3A_124, %dma_wait3A_125] : memref<2x625x32xf32, #tpu.memory_space<vmem>> -> memref<1x125x32xf32, #tpu.memory_space<vmem>>
      %dma_wait3A_127 = tpu.memref_squeeze %dma_wait3A_126 : memref<1x125x32xf32, #tpu.memory_space<vmem>> -> memref<125x32xf32, #tpu.memory_space<vmem>>
      %dma_wait3A_128 = arith.constant 0 : i32
      %dma_wait3A_129 = tpu.memref_slice %arg6[%add3A_61, %dma_wait3A_128] : memref<40x125xi32, #tpu.memory_space<vmem>> -> memref<1x125xi32, #tpu.memory_space<vmem>>
      %dma_wait3A_130 = tpu.memref_squeeze %dma_wait3A_129 : memref<1x125xi32, #tpu.memory_space<vmem>> -> memref<125xi32, #tpu.memory_space<vmem>>
      %dma_wait3A_131 = arith.constant 0 : i32
      %dma_wait3A_132 = arith.constant 0 : i32
      %dma_wait3A_133 = tpu.memref_slice %arg8[%dma_wait3A_131, %dma_wait3A_132] : memref<10000x32xf32, #tpu.memory_space<vmem_shared>> -> memref<10000x32xf32, #tpu.memory_space<vmem_shared>>
      tpu.wait_indirect_dma semaphore(%arg10 : memref<!tpu.dma_semaphore, #tpu.memory_space<semaphore_mem>>) src(%dma_wait3A_127 : memref<125x32xf32, #tpu.memory_space<vmem>>) dst(%dma_wait3A_133 : memref<10000x32xf32, #tpu.memory_space<vmem_shared>>)
      %dma_wait3A_134 = arith.constant 250 : i32
      %dma_wait3A_135 = arith.constant 0 : i32
      %dma_wait3A_136 = tpu.memref_slice %arg7[%rem3A_28, %dma_wait3A_134, %dma_wait3A_135] : memref<2x625x32xf32, #tpu.memory_space<vmem>> -> memref<1x125x32xf32, #tpu.memory_space<vmem>>
      %dma_wait3A_137 = tpu.memref_squeeze %dma_wait3A_136 : memref<1x125x32xf32, #tpu.memory_space<vmem>> -> memref<125x32xf32, #tpu.memory_space<vmem>>
      %dma_wait3A_138 = arith.constant 0 : i32
      %dma_wait3A_139 = tpu.memref_slice %arg6[%add3A_75, %dma_wait3A_138] : memref<40x125xi32, #tpu.memory_space<vmem>> -> memref<1x125xi32, #tpu.memory_space<vmem>>
      %dma_wait3A_140 = tpu.memref_squeeze %dma_wait3A_139 : memref<1x125xi32, #tpu.memory_space<vmem>> -> memref<125xi32, #tpu.memory_space<vmem>>
      %dma_wait3A_141 = arith.constant 0 : i32
      %dma_wait3A_142 = arith.constant 0 : i32
      %dma_wait3A_143 = tpu.memref_slice %arg8[%dma_wait3A_141, %dma_wait3A_142] : memref<10000x32xf32, #tpu.memory_space<vmem_shared>> -> memref<10000x32xf32, #tpu.memory_space<vmem_shared>>
      tpu.wait_indirect_dma semaphore(%arg10 : memref<!tpu.dma_semaphore, #tpu.memory_space<semaphore_mem>>) src(%dma_wait3A_137 : memref<125x32xf32, #tpu.memory_space<vmem>>) dst(%dma_wait3A_143 : memref<10000x32xf32, #tpu.memory_space<vmem_shared>>)
      %dma_wait3A_144 = arith.constant 375 : i32
      %dma_wait3A_145 = arith.constant 0 : i32
      %dma_wait3A_146 = tpu.memref_slice %arg7[%rem3A_28, %dma_wait3A_144, %dma_wait3A_145] : memref<2x625x32xf32, #tpu.memory_space<vmem>> -> memref<1x125x32xf32, #tpu.memory_space<vmem>>
      %dma_wait3A_147 = tpu.memref_squeeze %dma_wait3A_146 : memref<1x125x32xf32, #tpu.memory_space<vmem>> -> memref<125x32xf32, #tpu.memory_space<vmem>>
      %dma_wait3A_148 = arith.constant 0 : i32
      %dma_wait3A_149 = tpu.memref_slice %arg6[%add3A_89, %dma_wait3A_148] : memref<40x125xi32, #tpu.memory_space<vmem>> -> memref<1x125xi32, #tpu.memory_space<vmem>>
      %dma_wait3A_150 = tpu.memref_squeeze %dma_wait3A_149 : memref<1x125xi32, #tpu.memory_space<vmem>> -> memref<125xi32, #tpu.memory_space<vmem>>
      %dma_wait3A_151 = arith.constant 0 : i32
      %dma_wait3A_152 = arith.constant 0 : i32
      %dma_wait3A_153 = tpu.memref_slice %arg8[%dma_wait3A_151, %dma_wait3A_152] : memref<10000x32xf32, #tpu.memory_space<vmem_shared>> -> memref<10000x32xf32, #tpu.memory_space<vmem_shared>>
      tpu.wait_indirect_dma semaphore(%arg10 : memref<!tpu.dma_semaphore, #tpu.memory_space<semaphore_mem>>) src(%dma_wait3A_147 : memref<125x32xf32, #tpu.memory_space<vmem>>) dst(%dma_wait3A_153 : memref<10000x32xf32, #tpu.memory_space<vmem_shared>>)
      %dma_wait3A_154 = arith.constant 500 : i32
      %dma_wait3A_155 = arith.constant 0 : i32
      %dma_wait3A_156 = tpu.memref_slice %arg7[%rem3A_28, %dma_wait3A_154, %dma_wait3A_155] : memref<2x625x32xf32, #tpu.memory_space<vmem>> -> memref<1x125x32xf32, #tpu.memory_space<vmem>>
      %dma_wait3A_157 = tpu.memref_squeeze %dma_wait3A_156 : memref<1x125x32xf32, #tpu.memory_space<vmem>> -> memref<125x32xf32, #tpu.memory_space<vmem>>
      %dma_wait3A_158 = arith.constant 0 : i32
      %dma_wait3A_159 = tpu.memref_slice %arg6[%add3A_103, %dma_wait3A_158] : memref<40x125xi32, #tpu.memory_space<vmem>> -> memref<1x125xi32, #tpu.memory_space<vmem>>
      %dma_wait3A_160 = tpu.memref_squeeze %dma_wait3A_159 : memref<1x125xi32, #tpu.memory_space<vmem>> -> memref<125xi32, #tpu.memory_space<vmem>>
      %dma_wait3A_161 = arith.constant 0 : i32
      %dma_wait3A_162 = arith.constant 0 : i32
      %dma_wait3A_163 = tpu.memref_slice %arg8[%dma_wait3A_161, %dma_wait3A_162] : memref<10000x32xf32, #tpu.memory_space<vmem_shared>> -> memref<10000x32xf32, #tpu.memory_space<vmem_shared>>
      tpu.wait_indirect_dma semaphore(%arg10 : memref<!tpu.dma_semaphore, #tpu.memory_space<semaphore_mem>>) src(%dma_wait3A_157 : memref<125x32xf32, #tpu.memory_space<vmem>>) dst(%dma_wait3A_163 : memref<10000x32xf32, #tpu.memory_space<vmem_shared>>)
    }
    %scan3A_21 = arith.constant 8 : i32
    %barrier3A_22 = arith.constant 0 : index
    tpu.barrier barrier_id(%barrier3A_22)
    %mul3A_23 = arith.constant 624 : i32
    %mul3A_24 = arith.muli %arg1, %mul3A_23 : i32
    %mul3A_25 = arith.constant 624 : i32
    %mul3A_26 = arith.muli %arg1, %mul3A_25 : i32
    "tpu.region"() ({
      %run_scoped3A = tpu.sem_alloc : memref<!tpu.dma_semaphore, #tpu.memory_space<semaphore_mem>>
      %dma_start3A_27 = arith.constant 0 : i32
      %dma_start3A_28 = tpu.memref_slice %arg5[%arg0, %mul3A_26, %dma_start3A_27] : memref<2x10000x32xf32, #tpu.memory_space<hbm>> -> memref<1x640x32xf32, #tpu.memory_space<hbm>>
      %dma_start3A_29 = tpu.memref_squeeze %dma_start3A_28 : memref<1x640x32xf32, #tpu.memory_space<hbm>> -> memref<640x32xf32, #tpu.memory_space<hbm>>
      %dma_start3A_30 = arith.constant 0 : i32
      %dma_start3A_31 = tpu.memref_slice %arg8[%mul3A_24, %dma_start3A_30] : memref<10000x32xf32, #tpu.memory_space<vmem_shared>> -> memref<640x32xf32, #tpu.memory_space<vmem_shared>>
      tpu.enqueue_dma source(%dma_start3A_31 : memref<640x32xf32, #tpu.memory_space<vmem_shared>>) target(%dma_start3A_29 : memref<640x32xf32, #tpu.memory_space<hbm>>) target_semaphore(%run_scoped3A : memref<!tpu.dma_semaphore, #tpu.memory_space<semaphore_mem>>)
      %dma_wait3A = arith.constant 0 : i32
      %dma_wait3A_32 = tpu.memref_slice %arg5[%arg0, %mul3A_26, %dma_wait3A] : memref<2x10000x32xf32, #tpu.memory_space<hbm>> -> memref<1x640x32xf32, #tpu.memory_space<hbm>>
      %dma_wait3A_33 = tpu.memref_squeeze %dma_wait3A_32 : memref<1x640x32xf32, #tpu.memory_space<hbm>> -> memref<640x32xf32, #tpu.memory_space<hbm>>
      %dma_wait3A_34 = arith.constant 0 : i32
      %dma_wait3A_35 = tpu.memref_slice %arg8[%mul3A_24, %dma_wait3A_34] : memref<10000x32xf32, #tpu.memory_space<vmem_shared>> -> memref<640x32xf32, #tpu.memory_space<vmem_shared>>
      tpu.wait_dma2 semaphore(%run_scoped3A : memref<!tpu.dma_semaphore, #tpu.memory_space<semaphore_mem>>) src(%dma_wait3A_35 : memref<640x32xf32, #tpu.memory_space<vmem_shared>>) dst(%dma_wait3A_33 : memref<640x32xf32, #tpu.memory_space<hbm>>)
      tpu.yield
    }) : () -> ()
    return
  }
}

module attributes {stable_mosaic.version = 14 : i64} {
  func.func @_edge_body(%arg0: i32, %arg1: memref<6400x128xf32, #tpu.memory_space<vmem>>, %arg2: memref<5x6400xf32, #tpu.memory_space<vmem>>, %arg3: memref<8x128xbf16, #tpu.memory_space<vmem>>, %arg4: memref<128x320xbf16, #tpu.memory_space<vmem>>, %arg5: memref<128x320xbf16, #tpu.memory_space<vmem>>, %arg6: memref<320x128xbf16, #tpu.memory_space<vmem>>, %arg7: memref<6400x128xf32, #tpu.memory_space<vmem>>) attributes {dimension_semantics = [#tpu.dimension_semantics<arbitrary>], iteration_bounds = array<i64: 25>, scalar_prefetch = 0 : i64, scratch_operands = 0 : i64, tpu.core_type = #tpu.core_type<tc>, window_params = [{transform_indices = @transform_0, window_bounds = array<i64: 6400, 128>}, {transform_indices = @transform_1, window_bounds = array<i64: 5, 6400>}, {pipeline_mode = #tpu.pipeline_mode<synchronous>, transform_indices = @transform_2, window_bounds = array<i64: 8, 128>}, {pipeline_mode = #tpu.pipeline_mode<synchronous>, transform_indices = @transform_3, window_bounds = array<i64: 128, 320>}, {pipeline_mode = #tpu.pipeline_mode<synchronous>, transform_indices = @transform_4, window_bounds = array<i64: 128, 320>}, {pipeline_mode = #tpu.pipeline_mode<synchronous>, transform_indices = @transform_5, window_bounds = array<i64: 320, 128>}, {transform_indices = @transform_6, window_bounds = array<i64: 6400, 128>}]} {
    %get3A = arith.constant 0 : index
    %get3A_0 = arith.constant 0 : index
    %get3A_1 = vector.load %arg2[%get3A, %get3A_0] : memref<5x6400xf32, #tpu.memory_space<vmem>>, vector<5x6400xf32>
    %broadcast_in_dim3A = arith.constant 1.000000e+00 : f32
    %broadcast_in_dim3A_2 = vector.broadcast %broadcast_in_dim3A : f32 to vector<1x6400xf32>
    %broadcast_in_dim3A_3 = arith.constant 0.000000e+00 : f32
    %broadcast_in_dim3A_4 = vector.broadcast %broadcast_in_dim3A_3 : f32 to vector<2x6400xf32>
    %concatenate3A = tpu.concatenate %get3A_1, %broadcast_in_dim3A_2, %broadcast_in_dim3A_4 in 0 : vector<5x6400xf32>, vector<1x6400xf32>, vector<2x6400xf32> -> vector<8x6400xf32>
    %transpose3A = tpu.transpose %concatenate3A, [1, 0] : vector<8x6400xf32> -> vector<6400x8xf32>
    %slice3A = vector.extract_strided_slice %transpose3A {offsets = [0, 0], sizes = [6400, 1], strides = [1, 1]} : vector<6400x8xf32> to vector<6400x1xf32>
    %iota3A = tpu.iota {dimensions = array<i32: 1>} : vector<6400x128xi32>
    %convert_element_type3A = arith.truncf %transpose3A : vector<6400x8xf32> to vector<6400x8xbf16>
    %get3A_5 = arith.constant 0 : index
    %get3A_6 = arith.constant 0 : index
    %get3A_7 = vector.load %arg3[%get3A_5, %get3A_6] : memref<8x128xbf16, #tpu.memory_space<vmem>>, vector<8x128xbf16>
    %dot_general3A = arith.constant dense<0.000000e+00> : vector<6400x128xf32>
    %dot_general3A_8 = tpu.matmul %convert_element_type3A, %get3A_7, %dot_general3A {dimension_numbers = #tpu.dot_dimension_numbers<[1], [0], [0], [1], [0, 0, 1, 1], [], []>, transpose_lhs_hint = false} : vector<6400x8xbf16>, vector<8x128xbf16>, vector<6400x128xf32> -> vector<6400x128xf32>
    %jit3A = arith.constant 5 : i32
    %div3A = vector.broadcast %jit3A : i32 to vector<6400x128xi32>
    %div3A_9 = arith.divsi %iota3A, %div3A : vector<6400x128xi32>
    %sign3A = arith.constant 0 : i32
    %sign3A_10 = vector.broadcast %sign3A : i32 to vector<6400x128xi32>
    %sign3A_11 = arith.cmpi sgt, %iota3A, %sign3A_10 : vector<6400x128xi32>
    %sign3A_12 = arith.extui %sign3A_11 : vector<6400x128xi1> to vector<6400x128xi32>
    %sign3A_13 = arith.constant 0 : i32
    %sign3A_14 = vector.broadcast %sign3A_13 : i32 to vector<6400x128xi32>
    %sign3A_15 = arith.cmpi slt, %iota3A, %sign3A_14 : vector<6400x128xi32>
    %sign3A_16 = arith.extui %sign3A_15 : vector<6400x128xi1> to vector<6400x128xi32>
    %sign3A_17 = arith.subi %sign3A_12, %sign3A_16 : vector<6400x128xi32>
    %sign3A_18 = arith.constant 0 : i32
    %sign3A_19 = arith.cmpi sgt, %jit3A, %sign3A_18 : i32
    %sign3A_20 = arith.extui %sign3A_19 : i1 to i32
    %sign3A_21 = arith.constant 0 : i32
    %sign3A_22 = arith.cmpi slt, %jit3A, %sign3A_21 : i32
    %sign3A_23 = arith.extui %sign3A_22 : i1 to i32
    %sign3A_24 = arith.subi %sign3A_20, %sign3A_23 : i32
    %ne3A = vector.broadcast %sign3A_24 : i32 to vector<6400x128xi32>
    %ne3A_25 = arith.cmpi ne, %sign3A_17, %ne3A : vector<6400x128xi32>
    %rem3A = vector.broadcast %jit3A : i32 to vector<6400x128xi32>
    %rem3A_26 = arith.remsi %iota3A, %rem3A : vector<6400x128xi32>
    %ne3A_27 = arith.constant 0 : i32
    %ne3A_28 = vector.broadcast %ne3A_27 : i32 to vector<6400x128xi32>
    %ne3A_29 = arith.cmpi ne, %rem3A_26, %ne3A_28 : vector<6400x128xi32>
    %and3A = arith.andi %ne3A_25, %ne3A_29 : vector<6400x128xi1>
    %sub3A = arith.constant 1 : i32
    %sub3A_30 = vector.broadcast %sub3A : i32 to vector<6400x128xi32>
    %sub3A_31 = arith.subi %div3A_9, %sub3A_30 : vector<6400x128xi32>
    %select_n3A = arith.select %and3A, %sub3A_31, %div3A_9 : vector<6400x128xi1>, vector<6400x128xi32>
    %convert_element_type3A_32 = arith.fptosi %slice3A : vector<6400x1xf32> to vector<6400x1xi32>
    %eq3A = vector.broadcast %convert_element_type3A_32 : vector<6400x1xi32> to vector<6400x128xi32>
    %eq3A_33 = arith.cmpi eq, %select_n3A, %eq3A : vector<6400x128xi32>
    %jit3A_34 = arith.constant 0.000000e+00 : f32
    %broadcast_in_dim3A_35 = vector.broadcast %jit3A_34 : f32 to vector<6400x128xf32>
    %select_n3A_36 = arith.select %eq3A_33, %dot_general3A_8, %broadcast_in_dim3A_35 : vector<6400x128xi1>, vector<6400x128xf32>
    %convert_element_type3A_37 = arith.truncf %select_n3A_36 : vector<6400x128xf32> to vector<6400x128xbf16>
    %get3A_38 = arith.constant 0 : index
    %get3A_39 = arith.constant 0 : index
    %get3A_40 = vector.load %arg4[%get3A_38, %get3A_39] : memref<128x320xbf16, #tpu.memory_space<vmem>>, vector<128x320xbf16>
    %dot_general3A_41 = arith.constant dense<0.000000e+00> : vector<6400x320xf32>
    %dot_general3A_42 = tpu.matmul %convert_element_type3A_37, %get3A_40, %dot_general3A_41 {dimension_numbers = #tpu.dot_dimension_numbers<[1], [0], [0], [1], [0, 0, 1, 1], [], []>, transpose_lhs_hint = false} : vector<6400x128xbf16>, vector<128x320xbf16>, vector<6400x320xf32> -> vector<6400x320xf32>
    %convert_element_type3A_43 = arith.truncf %dot_general3A_42 : vector<6400x320xf32> to vector<6400x320xbf16>
    %max3A = arith.constant 0.000000e+00 : bf16
    %max3A_44 = vector.broadcast %max3A : bf16 to vector<6400x320xbf16>
    %max3A_45 = arith.maximumf %convert_element_type3A_43, %max3A_44 : vector<6400x320xbf16>
    %lt3A = arith.constant 32 : i32
    %lt3A_46 = vector.broadcast %lt3A : i32 to vector<6400x128xi32>
    %lt3A_47 = arith.cmpi slt, %iota3A, %lt3A_46 : vector<6400x128xi32>
    %get3A_48 = arith.constant 0 : index
    %get3A_49 = arith.constant 0 : index
    %get3A_50 = vector.load %arg1[%get3A_48, %get3A_49] : memref<6400x128xf32, #tpu.memory_space<vmem>>, vector<6400x128xf32>
    %jit3A_51 = arith.constant 0.000000e+00 : f32
    %broadcast_in_dim3A_52 = vector.broadcast %jit3A_51 : f32 to vector<6400x128xf32>
    %select_n3A_53 = arith.select %lt3A_47, %get3A_50, %broadcast_in_dim3A_52 : vector<6400x128xi1>, vector<6400x128xf32>
    %convert_element_type3A_54 = arith.truncf %select_n3A_53 : vector<6400x128xf32> to vector<6400x128xbf16>
    %get3A_55 = arith.constant 0 : index
    %get3A_56 = arith.constant 0 : index
    %get3A_57 = vector.load %arg5[%get3A_55, %get3A_56] : memref<128x320xbf16, #tpu.memory_space<vmem>>, vector<128x320xbf16>
    %dot_general3A_58 = arith.constant dense<0.000000e+00> : vector<6400x320xf32>
    %dot_general3A_59 = tpu.matmul %convert_element_type3A_54, %get3A_57, %dot_general3A_58 {dimension_numbers = #tpu.dot_dimension_numbers<[1], [0], [0], [1], [0, 0, 1, 1], [], []>, transpose_lhs_hint = false} : vector<6400x128xbf16>, vector<128x320xbf16>, vector<6400x320xf32> -> vector<6400x320xf32>
    %convert_element_type3A_60 = arith.truncf %dot_general3A_59 : vector<6400x320xf32> to vector<6400x320xbf16>
    %mul3A = arith.mulf %max3A_45, %convert_element_type3A_60 : vector<6400x320xbf16>
    %get3A_61 = arith.constant 0 : index
    %get3A_62 = arith.constant 0 : index
    %get3A_63 = vector.load %arg6[%get3A_61, %get3A_62] : memref<320x128xbf16, #tpu.memory_space<vmem>>, vector<320x128xbf16>
    %dot_general3A_64 = arith.constant dense<0.000000e+00> : vector<6400x128xf32>
    %dot_general3A_65 = tpu.matmul %mul3A, %get3A_63, %dot_general3A_64 {dimension_numbers = #tpu.dot_dimension_numbers<[1], [0], [0], [1], [0, 0, 1, 1], [], []>, transpose_lhs_hint = false} : vector<6400x320xbf16>, vector<320x128xbf16>, vector<6400x128xf32> -> vector<6400x128xf32>
    %eq3A_66 = arith.constant 10 : i32
    %eq3A_67 = vector.broadcast %eq3A_66 : i32 to vector<6400x128xi32>
    %eq3A_68 = arith.cmpi eq, %iota3A, %eq3A_67 : vector<6400x128xi32>
    %convert_element_type3A_69 = arith.extui %eq3A_68 : vector<6400x128xi1> to vector<6400x128xi32>
    %convert_element_type3A_70 = arith.sitofp %convert_element_type3A_69 : vector<6400x128xi32> to vector<6400x128xf32>
    %add3A = arith.addf %dot_general3A_65, %convert_element_type3A_70 : vector<6400x128xf32>
    %swap3A = arith.constant 0 : index
    %swap3A_71 = arith.constant 0 : index
    %swap3A_72 = vector.load %arg7[%swap3A, %swap3A_71] : memref<6400x128xf32, #tpu.memory_space<vmem>>, vector<6400x128xf32>
    tpu.vector_store %arg7[%swap3A, %swap3A_71], %add3A {strides = array<i32>} : memref<6400x128xf32, #tpu.memory_space<vmem>>, vector<6400x128xf32>,
    return
  }
  func.func @transform_0(%arg0: i32) -> (i32, i32) {
    %c0_i32 = arith.constant 0 : i32
    %c0_i32_0 = arith.constant 0 : i32
    return %arg0, %c0_i32 : i32, i32
  }
  func.func @transform_1(%arg0: i32) -> (i32, i32) {
    %add3A = arith.constant 0 : i32
    %add3A_0 = arith.addi %arg0, %add3A : i32
    %c0_i32 = arith.constant 0 : i32
    %c0_i32_1 = arith.constant 0 : i32
    return %c0_i32, %add3A_0 : i32, i32
  }
  func.func @transform_2(%arg0: i32) -> (i32, i32) {
    %c0_i32 = arith.constant 0 : i32
    %c0_i32_0 = arith.constant 0 : i32
    %c0_i32_1 = arith.constant 0 : i32
    return %c0_i32, %c0_i32_0 : i32, i32
  }
  func.func @transform_3(%arg0: i32) -> (i32, i32) {
    %c0_i32 = arith.constant 0 : i32
    %c0_i32_0 = arith.constant 0 : i32
    %c0_i32_1 = arith.constant 0 : i32
    return %c0_i32, %c0_i32_0 : i32, i32
  }
  func.func @transform_4(%arg0: i32) -> (i32, i32) {
    %c0_i32 = arith.constant 0 : i32
    %c0_i32_0 = arith.constant 0 : i32
    %c0_i32_1 = arith.constant 0 : i32
    return %c0_i32, %c0_i32_0 : i32, i32
  }
  func.func @transform_5(%arg0: i32) -> (i32, i32) {
    %c0_i32 = arith.constant 0 : i32
    %c0_i32_0 = arith.constant 0 : i32
    %c0_i32_1 = arith.constant 0 : i32
    return %c0_i32, %c0_i32_0 : i32, i32
  }
  func.func @transform_6(%arg0: i32) -> (i32, i32) {
    %c0_i32 = arith.constant 0 : i32
    %c0_i32_0 = arith.constant 0 : i32
    return %arg0, %c0_i32 : i32, i32
  }
}

module attributes {stable_mosaic.version = 14 : i64} {
  func.func @_update1_body(%arg0: i32, %arg1: memref<2x2000x16xf32, #tpu.memory_space<vmem>>, %arg2: memref<2000x32xf32, #tpu.memory_space<vmem>>, %arg3: memref<32x16xf32, #tpu.memory_space<vmem>>, %arg4: memref<1x16xf32, #tpu.memory_space<vmem>>, %arg5: memref<2000x16xf32, #tpu.memory_space<vmem>>, %arg6: memref<2000x16xf32, #tpu.memory_space<vmem>>) attributes {dimension_semantics = [#tpu.dimension_semantics<arbitrary>], iteration_bounds = array<i64: 5>, scalar_prefetch = 0 : i64, scratch_operands = 0 : i64, tpu.core_type = #tpu.core_type<tc>, window_params = [{transform_indices = @transform_0, window_bounds = array<i64: 2, 2000, 16>}, {transform_indices = @transform_1, window_bounds = array<i64: 2000, 32>}, {pipeline_mode = #tpu.pipeline_mode<synchronous>, transform_indices = @transform_2, window_bounds = array<i64: 32, 16>}, {pipeline_mode = #tpu.pipeline_mode<synchronous>, transform_indices = @transform_3, window_bounds = array<i64: 1, 16>}, {transform_indices = @transform_4, window_bounds = array<i64: 2000, 16>}, {transform_indices = @transform_5, window_bounds = array<i64: 2000, 16>}]} {
    %get3A = arith.constant 0 : index
    %get3A_0 = arith.constant 0 : index
    %get3A_1 = arith.constant 0 : index
    %get3A_2 = vector.load %arg1[%get3A, %get3A_0, %get3A_1] : memref<2x2000x16xf32, #tpu.memory_space<vmem>>, vector<1x2000x16xf32>
    %get3A_3 = vector.shape_cast %get3A_2 : vector<1x2000x16xf32> to vector<2000x16xf32>
    %get3A_4 = arith.constant 1 : index
    %get3A_5 = arith.constant 0 : index
    %get3A_6 = arith.constant 0 : index
    %get3A_7 = vector.load %arg1[%get3A_4, %get3A_5, %get3A_6] : memref<2x2000x16xf32, #tpu.memory_space<vmem>>, vector<1x2000x16xf32>
    %get3A_8 = vector.shape_cast %get3A_7 : vector<1x2000x16xf32> to vector<2000x16xf32>
    %add3A = arith.addf %get3A_3, %get3A_8 : vector<2000x16xf32>
    %slice3A = vector.extract_strided_slice %add3A {offsets = [0, 10], sizes = [2000, 1], strides = [1, 1]} : vector<2000x16xf32> to vector<2000x1xf32>
    %broadcast_in_dim3A = vector.shape_cast %slice3A : vector<2000x1xf32> to vector<2000x1xf32>
    %broadcast_in_dim3A_9 = vector.broadcast %broadcast_in_dim3A : vector<2000x1xf32> to vector<2000x16xf32>
    %get3A_10 = arith.constant 0 : index
    %get3A_11 = arith.constant 0 : index
    %get3A_12 = vector.load %arg2[%get3A_10, %get3A_11] : memref<2000x32xf32, #tpu.memory_space<vmem>>, vector<2000x32xf32>
    %get3A_13 = arith.constant 0 : index
    %get3A_14 = arith.constant 0 : index
    %get3A_15 = vector.load %arg3[%get3A_13, %get3A_14] : memref<32x16xf32, #tpu.memory_space<vmem>>, vector<32x16xf32>
    %dot_general3A = arith.constant dense<0.000000e+00> : vector<2000x16xf32>
    %dot_general3A_16 = tpu.matmul %get3A_12, %get3A_15, %dot_general3A {dimension_numbers = #tpu.dot_dimension_numbers<[1], [0], [0], [1], [0, 0, 1, 1], [], []>, transpose_lhs_hint = false} : vector<2000x32xf32>, vector<32x16xf32>, vector<2000x16xf32> -> vector<2000x16xf32>
    %max3A = arith.constant 1.000000e+00 : f32
    %max3A_17 = vector.broadcast %max3A : f32 to vector<2000x16xf32>
    %max3A_18 = arith.maximumf %broadcast_in_dim3A_9, %max3A_17 : vector<2000x16xf32>
    %div3A = arith.divf %add3A, %max3A_18 : vector<2000x16xf32>
    %add3A_19 = arith.addf %div3A, %dot_general3A_16 : vector<2000x16xf32>
    %get3A_20 = arith.constant 0 : index
    %get3A_21 = arith.constant 0 : index
    %get3A_22 = vector.load %arg4[%get3A_20, %get3A_21] : memref<1x16xf32, #tpu.memory_space<vmem>>, vector<1x16xf32>
    %add3A_23 = vector.broadcast %get3A_22 : vector<1x16xf32> to vector<2000x16xf32>
    %add3A_24 = arith.addf %add3A_19, %add3A_23 : vector<2000x16xf32>
    %max3A_25 = arith.constant 0.000000e+00 : f32
    %max3A_26 = vector.broadcast %max3A_25 : f32 to vector<2000x16xf32>
    %max3A_27 = arith.maximumf %add3A_24, %max3A_26 : vector<2000x16xf32>
    %swap3A = arith.constant 0 : index
    %swap3A_28 = arith.constant 0 : index
    %swap3A_29 = vector.load %arg5[%swap3A, %swap3A_28] : memref<2000x16xf32, #tpu.memory_space<vmem>>, vector<2000x16xf32>
    tpu.vector_store %arg5[%swap3A, %swap3A_28], %max3A_27 {strides = array<i32>} : memref<2000x16xf32, #tpu.memory_space<vmem>>, vector<2000x16xf32>,
    %swap3A_30 = arith.constant 0 : index
    %swap3A_31 = arith.constant 0 : index
    %swap3A_32 = vector.load %arg6[%swap3A_30, %swap3A_31] : memref<2000x16xf32, #tpu.memory_space<vmem>>, vector<2000x16xf32>
    tpu.vector_store %arg6[%swap3A_30, %swap3A_31], %broadcast_in_dim3A_9 {strides = array<i32>} : memref<2000x16xf32, #tpu.memory_space<vmem>>, vector<2000x16xf32>,
    return
  }
  func.func @transform_0(%arg0: i32) -> (i32, i32, i32) {
    %c0_i32 = arith.constant 0 : i32
    %c0_i32_0 = arith.constant 0 : i32
    %c0_i32_1 = arith.constant 0 : i32
    return %c0_i32, %arg0, %c0_i32_0 : i32, i32, i32
  }
  func.func @transform_1(%arg0: i32) -> (i32, i32) {
    %c0_i32 = arith.constant 0 : i32
    %c0_i32_0 = arith.constant 0 : i32
    return %arg0, %c0_i32 : i32, i32
  }
  func.func @transform_2(%arg0: i32) -> (i32, i32) {
    %c0_i32 = arith.constant 0 : i32
    %c0_i32_0 = arith.constant 0 : i32
    %c0_i32_1 = arith.constant 0 : i32
    return %c0_i32, %c0_i32_0 : i32, i32
  }
  func.func @transform_3(%arg0: i32) -> (i32, i32) {
    %c0_i32 = arith.constant 0 : i32
    %c0_i32_0 = arith.constant 0 : i32
    %c0_i32_1 = arith.constant 0 : i32
    return %c0_i32, %c0_i32_0 : i32, i32
  }
  func.func @transform_4(%arg0: i32) -> (i32, i32) {
    %c0_i32 = arith.constant 0 : i32
    %c0_i32_0 = arith.constant 0 : i32
    return %arg0, %c0_i32 : i32, i32
  }
  func.func @transform_5(%arg0: i32) -> (i32, i32) {
    %c0_i32 = arith.constant 0 : i32
    %c0_i32_0 = arith.constant 0 : i32
    return %arg0, %c0_i32 : i32, i32
  }
}

module attributes {stable_mosaic.version = 14 : i64} {
  func.func @_edge_body(%arg0: i32, %arg1: memref<6400x128xf32, #tpu.memory_space<vmem>>, %arg2: memref<5x6400xf32, #tpu.memory_space<vmem>>, %arg3: memref<8x128xbf16, #tpu.memory_space<vmem>>, %arg4: memref<128x100xbf16, #tpu.memory_space<vmem>>, %arg5: memref<128x100xbf16, #tpu.memory_space<vmem>>, %arg6: memref<100x128xbf16, #tpu.memory_space<vmem>>, %arg7: memref<6400x128xf32, #tpu.memory_space<vmem>>) attributes {dimension_semantics = [#tpu.dimension_semantics<arbitrary>], iteration_bounds = array<i64: 25>, scalar_prefetch = 0 : i64, scratch_operands = 0 : i64, tpu.core_type = #tpu.core_type<tc>, window_params = [{transform_indices = @transform_0, window_bounds = array<i64: 6400, 128>}, {transform_indices = @transform_1, window_bounds = array<i64: 5, 6400>}, {pipeline_mode = #tpu.pipeline_mode<synchronous>, transform_indices = @transform_2, window_bounds = array<i64: 8, 128>}, {pipeline_mode = #tpu.pipeline_mode<synchronous>, transform_indices = @transform_3, window_bounds = array<i64: 128, 100>}, {pipeline_mode = #tpu.pipeline_mode<synchronous>, transform_indices = @transform_4, window_bounds = array<i64: 128, 100>}, {pipeline_mode = #tpu.pipeline_mode<synchronous>, transform_indices = @transform_5, window_bounds = array<i64: 100, 128>}, {transform_indices = @transform_6, window_bounds = array<i64: 6400, 128>}]} {
    %get3A = arith.constant 0 : index
    %get3A_0 = arith.constant 0 : index
    %get3A_1 = vector.load %arg2[%get3A, %get3A_0] : memref<5x6400xf32, #tpu.memory_space<vmem>>, vector<5x6400xf32>
    %broadcast_in_dim3A = arith.constant 1.000000e+00 : f32
    %broadcast_in_dim3A_2 = vector.broadcast %broadcast_in_dim3A : f32 to vector<1x6400xf32>
    %broadcast_in_dim3A_3 = arith.constant 0.000000e+00 : f32
    %broadcast_in_dim3A_4 = vector.broadcast %broadcast_in_dim3A_3 : f32 to vector<2x6400xf32>
    %concatenate3A = tpu.concatenate %get3A_1, %broadcast_in_dim3A_2, %broadcast_in_dim3A_4 in 0 : vector<5x6400xf32>, vector<1x6400xf32>, vector<2x6400xf32> -> vector<8x6400xf32>
    %transpose3A = tpu.transpose %concatenate3A, [1, 0] : vector<8x6400xf32> -> vector<6400x8xf32>
    %slice3A = vector.extract_strided_slice %transpose3A {offsets = [0, 0], sizes = [6400, 1], strides = [1, 1]} : vector<6400x8xf32> to vector<6400x1xf32>
    %iota3A = tpu.iota {dimensions = array<i32: 1>} : vector<6400x128xi32>
    %convert_element_type3A = arith.truncf %transpose3A : vector<6400x8xf32> to vector<6400x8xbf16>
    %get3A_5 = arith.constant 0 : index
    %get3A_6 = arith.constant 0 : index
    %get3A_7 = vector.load %arg3[%get3A_5, %get3A_6] : memref<8x128xbf16, #tpu.memory_space<vmem>>, vector<8x128xbf16>
    %dot_general3A = arith.constant dense<0.000000e+00> : vector<6400x128xf32>
    %dot_general3A_8 = tpu.matmul %convert_element_type3A, %get3A_7, %dot_general3A {dimension_numbers = #tpu.dot_dimension_numbers<[1], [0], [0], [1], [0, 0, 1, 1], [], []>, transpose_lhs_hint = false} : vector<6400x8xbf16>, vector<8x128xbf16>, vector<6400x128xf32> -> vector<6400x128xf32>
    %jit3A = arith.constant 5 : i32
    %div3A = vector.broadcast %jit3A : i32 to vector<6400x128xi32>
    %div3A_9 = arith.divsi %iota3A, %div3A : vector<6400x128xi32>
    %sign3A = arith.constant 0 : i32
    %sign3A_10 = vector.broadcast %sign3A : i32 to vector<6400x128xi32>
    %sign3A_11 = arith.cmpi sgt, %iota3A, %sign3A_10 : vector<6400x128xi32>
    %sign3A_12 = arith.extui %sign3A_11 : vector<6400x128xi1> to vector<6400x128xi32>
    %sign3A_13 = arith.constant 0 : i32
    %sign3A_14 = vector.broadcast %sign3A_13 : i32 to vector<6400x128xi32>
    %sign3A_15 = arith.cmpi slt, %iota3A, %sign3A_14 : vector<6400x128xi32>
    %sign3A_16 = arith.extui %sign3A_15 : vector<6400x128xi1> to vector<6400x128xi32>
    %sign3A_17 = arith.subi %sign3A_12, %sign3A_16 : vector<6400x128xi32>
    %sign3A_18 = arith.constant 0 : i32
    %sign3A_19 = arith.cmpi sgt, %jit3A, %sign3A_18 : i32
    %sign3A_20 = arith.extui %sign3A_19 : i1 to i32
    %sign3A_21 = arith.constant 0 : i32
    %sign3A_22 = arith.cmpi slt, %jit3A, %sign3A_21 : i32
    %sign3A_23 = arith.extui %sign3A_22 : i1 to i32
    %sign3A_24 = arith.subi %sign3A_20, %sign3A_23 : i32
    %ne3A = vector.broadcast %sign3A_24 : i32 to vector<6400x128xi32>
    %ne3A_25 = arith.cmpi ne, %sign3A_17, %ne3A : vector<6400x128xi32>
    %rem3A = vector.broadcast %jit3A : i32 to vector<6400x128xi32>
    %rem3A_26 = arith.remsi %iota3A, %rem3A : vector<6400x128xi32>
    %ne3A_27 = arith.constant 0 : i32
    %ne3A_28 = vector.broadcast %ne3A_27 : i32 to vector<6400x128xi32>
    %ne3A_29 = arith.cmpi ne, %rem3A_26, %ne3A_28 : vector<6400x128xi32>
    %and3A = arith.andi %ne3A_25, %ne3A_29 : vector<6400x128xi1>
    %sub3A = arith.constant 1 : i32
    %sub3A_30 = vector.broadcast %sub3A : i32 to vector<6400x128xi32>
    %sub3A_31 = arith.subi %div3A_9, %sub3A_30 : vector<6400x128xi32>
    %select_n3A = arith.select %and3A, %sub3A_31, %div3A_9 : vector<6400x128xi1>, vector<6400x128xi32>
    %convert_element_type3A_32 = arith.fptosi %slice3A : vector<6400x1xf32> to vector<6400x1xi32>
    %eq3A = vector.broadcast %convert_element_type3A_32 : vector<6400x1xi32> to vector<6400x128xi32>
    %eq3A_33 = arith.cmpi eq, %select_n3A, %eq3A : vector<6400x128xi32>
    %jit3A_34 = arith.constant 0.000000e+00 : f32
    %broadcast_in_dim3A_35 = vector.broadcast %jit3A_34 : f32 to vector<6400x128xf32>
    %select_n3A_36 = arith.select %eq3A_33, %dot_general3A_8, %broadcast_in_dim3A_35 : vector<6400x128xi1>, vector<6400x128xf32>
    %convert_element_type3A_37 = arith.truncf %select_n3A_36 : vector<6400x128xf32> to vector<6400x128xbf16>
    %get3A_38 = arith.constant 0 : index
    %get3A_39 = arith.constant 0 : index
    %get3A_40 = vector.load %arg4[%get3A_38, %get3A_39] : memref<128x100xbf16, #tpu.memory_space<vmem>>, vector<128x100xbf16>
    %dot_general3A_41 = arith.constant dense<0.000000e+00> : vector<6400x100xf32>
    %dot_general3A_42 = tpu.matmul %convert_element_type3A_37, %get3A_40, %dot_general3A_41 {dimension_numbers = #tpu.dot_dimension_numbers<[1], [0], [0], [1], [0, 0, 1, 1], [], []>, transpose_lhs_hint = false} : vector<6400x128xbf16>, vector<128x100xbf16>, vector<6400x100xf32> -> vector<6400x100xf32>
    %convert_element_type3A_43 = arith.truncf %dot_general3A_42 : vector<6400x100xf32> to vector<6400x100xbf16>
    %max3A = arith.constant 0.000000e+00 : bf16
    %max3A_44 = vector.broadcast %max3A : bf16 to vector<6400x100xbf16>
    %max3A_45 = arith.maximumf %convert_element_type3A_43, %max3A_44 : vector<6400x100xbf16>
    %lt3A = arith.constant 10 : i32
    %lt3A_46 = vector.broadcast %lt3A : i32 to vector<6400x128xi32>
    %lt3A_47 = arith.cmpi slt, %iota3A, %lt3A_46 : vector<6400x128xi32>
    %get3A_48 = arith.constant 0 : index
    %get3A_49 = arith.constant 0 : index
    %get3A_50 = vector.load %arg1[%get3A_48, %get3A_49] : memref<6400x128xf32, #tpu.memory_space<vmem>>, vector<6400x128xf32>
    %jit3A_51 = arith.constant 0.000000e+00 : f32
    %broadcast_in_dim3A_52 = vector.broadcast %jit3A_51 : f32 to vector<6400x128xf32>
    %select_n3A_53 = arith.select %lt3A_47, %get3A_50, %broadcast_in_dim3A_52 : vector<6400x128xi1>, vector<6400x128xf32>
    %convert_element_type3A_54 = arith.truncf %select_n3A_53 : vector<6400x128xf32> to vector<6400x128xbf16>
    %get3A_55 = arith.constant 0 : index
    %get3A_56 = arith.constant 0 : index
    %get3A_57 = vector.load %arg5[%get3A_55, %get3A_56] : memref<128x100xbf16, #tpu.memory_space<vmem>>, vector<128x100xbf16>
    %dot_general3A_58 = arith.constant dense<0.000000e+00> : vector<6400x100xf32>
    %dot_general3A_59 = tpu.matmul %convert_element_type3A_54, %get3A_57, %dot_general3A_58 {dimension_numbers = #tpu.dot_dimension_numbers<[1], [0], [0], [1], [0, 0, 1, 1], [], []>, transpose_lhs_hint = false} : vector<6400x128xbf16>, vector<128x100xbf16>, vector<6400x100xf32> -> vector<6400x100xf32>
    %convert_element_type3A_60 = arith.truncf %dot_general3A_59 : vector<6400x100xf32> to vector<6400x100xbf16>
    %mul3A = arith.mulf %max3A_45, %convert_element_type3A_60 : vector<6400x100xbf16>
    %get3A_61 = arith.constant 0 : index
    %get3A_62 = arith.constant 0 : index
    %get3A_63 = vector.load %arg6[%get3A_61, %get3A_62] : memref<100x128xbf16, #tpu.memory_space<vmem>>, vector<100x128xbf16>
    %dot_general3A_64 = arith.constant dense<0.000000e+00> : vector<6400x128xf32>
    %dot_general3A_65 = tpu.matmul %mul3A, %get3A_63, %dot_general3A_64 {dimension_numbers = #tpu.dot_dimension_numbers<[1], [0], [0], [1], [0, 0, 1, 1], [], []>, transpose_lhs_hint = false} : vector<6400x100xbf16>, vector<100x128xbf16>, vector<6400x128xf32> -> vector<6400x128xf32>
    %swap3A = arith.constant 0 : index
    %swap3A_66 = arith.constant 0 : index
    %swap3A_67 = vector.load %arg7[%swap3A, %swap3A_66] : memref<6400x128xf32, #tpu.memory_space<vmem>>, vector<6400x128xf32>
    tpu.vector_store %arg7[%swap3A, %swap3A_66], %dot_general3A_65 {strides = array<i32>} : memref<6400x128xf32, #tpu.memory_space<vmem>>, vector<6400x128xf32>,
    return
  }
  func.func @transform_0(%arg0: i32) -> (i32, i32) {
    %c0_i32 = arith.constant 0 : i32
    %c0_i32_0 = arith.constant 0 : i32
    return %arg0, %c0_i32 : i32, i32
  }
  func.func @transform_1(%arg0: i32) -> (i32, i32) {
    %add3A = arith.constant 0 : i32
    %add3A_0 = arith.addi %arg0, %add3A : i32
    %c0_i32 = arith.constant 0 : i32
    %c0_i32_1 = arith.constant 0 : i32
    return %c0_i32, %add3A_0 : i32, i32
  }
  func.func @transform_2(%arg0: i32) -> (i32, i32) {
    %c0_i32 = arith.constant 0 : i32
    %c0_i32_0 = arith.constant 0 : i32
    %c0_i32_1 = arith.constant 0 : i32
    return %c0_i32, %c0_i32_0 : i32, i32
  }
  func.func @transform_3(%arg0: i32) -> (i32, i32) {
    %c0_i32 = arith.constant 0 : i32
    %c0_i32_0 = arith.constant 0 : i32
    %c0_i32_1 = arith.constant 0 : i32
    return %c0_i32, %c0_i32_0 : i32, i32
  }
  func.func @transform_4(%arg0: i32) -> (i32, i32) {
    %c0_i32 = arith.constant 0 : i32
    %c0_i32_0 = arith.constant 0 : i32
    %c0_i32_1 = arith.constant 0 : i32
    return %c0_i32, %c0_i32_0 : i32, i32
  }
  func.func @transform_5(%arg0: i32) -> (i32, i32) {
    %c0_i32 = arith.constant 0 : i32
    %c0_i32_0 = arith.constant 0 : i32
    %c0_i32_1 = arith.constant 0 : i32
    return %c0_i32, %c0_i32_0 : i32, i32
  }
  func.func @transform_6(%arg0: i32) -> (i32, i32) {
    %c0_i32 = arith.constant 0 : i32
    %c0_i32_0 = arith.constant 0 : i32
    return %arg0, %c0_i32 : i32, i32
  }
}

module attributes {stable_mosaic.version = 14 : i64} {
  func.func @_update_body(%arg0: i32, %arg1: memref<2x2000x16xf32, #tpu.memory_space<vmem>>, %arg2: memref<2000x16xf32, #tpu.memory_space<vmem>>, %arg3: memref<2000x16xf32, #tpu.memory_space<vmem>>, %arg4: memref<16x16xf32, #tpu.memory_space<vmem>>, %arg5: memref<1x16xf32, #tpu.memory_space<vmem>>, %arg6: memref<2000x16xf32, #tpu.memory_space<vmem>>) attributes {dimension_semantics = [#tpu.dimension_semantics<arbitrary>], iteration_bounds = array<i64: 5>, scalar_prefetch = 0 : i64, scratch_operands = 0 : i64, tpu.core_type = #tpu.core_type<tc>, window_params = [{transform_indices = @transform_0, window_bounds = array<i64: 2, 2000, 16>}, {transform_indices = @transform_1, window_bounds = array<i64: 2000, 16>}, {transform_indices = @transform_2, window_bounds = array<i64: 2000, 16>}, {pipeline_mode = #tpu.pipeline_mode<synchronous>, transform_indices = @transform_3, window_bounds = array<i64: 16, 16>}, {pipeline_mode = #tpu.pipeline_mode<synchronous>, transform_indices = @transform_4, window_bounds = array<i64: 1, 16>}, {transform_indices = @transform_5, window_bounds = array<i64: 2000, 16>}]} {
    %get3A = arith.constant 0 : index
    %get3A_0 = arith.constant 0 : index
    %get3A_1 = arith.constant 0 : index
    %get3A_2 = vector.load %arg1[%get3A, %get3A_0, %get3A_1] : memref<2x2000x16xf32, #tpu.memory_space<vmem>>, vector<1x2000x16xf32>
    %get3A_3 = vector.shape_cast %get3A_2 : vector<1x2000x16xf32> to vector<2000x16xf32>
    %get3A_4 = arith.constant 1 : index
    %get3A_5 = arith.constant 0 : index
    %get3A_6 = arith.constant 0 : index
    %get3A_7 = vector.load %arg1[%get3A_4, %get3A_5, %get3A_6] : memref<2x2000x16xf32, #tpu.memory_space<vmem>>, vector<1x2000x16xf32>
    %get3A_8 = vector.shape_cast %get3A_7 : vector<1x2000x16xf32> to vector<2000x16xf32>
    %add3A = arith.addf %get3A_3, %get3A_8 : vector<2000x16xf32>
    %get3A_9 = arith.constant 0 : index
    %get3A_10 = arith.constant 0 : index
    %get3A_11 = vector.load %arg2[%get3A_9, %get3A_10] : memref<2000x16xf32, #tpu.memory_space<vmem>>, vector<2000x16xf32>
    %get3A_12 = arith.constant 0 : index
    %get3A_13 = arith.constant 0 : index
    %get3A_14 = vector.load %arg3[%get3A_12, %get3A_13] : memref<2000x16xf32, #tpu.memory_space<vmem>>, vector<2000x16xf32>
    %get3A_15 = arith.constant 0 : index
    %get3A_16 = arith.constant 0 : index
    %get3A_17 = vector.load %arg4[%get3A_15, %get3A_16] : memref<16x16xf32, #tpu.memory_space<vmem>>, vector<16x16xf32>
    %dot_general3A = arith.constant dense<0.000000e+00> : vector<2000x16xf32>
    %dot_general3A_18 = tpu.matmul %get3A_14, %get3A_17, %dot_general3A {dimension_numbers = #tpu.dot_dimension_numbers<[1], [0], [0], [1], [0, 0, 1, 1], [], []>, transpose_lhs_hint = false} : vector<2000x16xf32>, vector<16x16xf32>, vector<2000x16xf32> -> vector<2000x16xf32>
    %max3A = arith.constant 1.000000e+00 : f32
    %max3A_19 = vector.broadcast %max3A : f32 to vector<2000x16xf32>
    %max3A_20 = arith.maximumf %get3A_11, %max3A_19 : vector<2000x16xf32>
    %div3A = arith.divf %add3A, %max3A_20 : vector<2000x16xf32>
    %add3A_21 = arith.addf %div3A, %dot_general3A_18 : vector<2000x16xf32>
    %get3A_22 = arith.constant 0 : index
    %get3A_23 = arith.constant 0 : index
    %get3A_24 = vector.load %arg5[%get3A_22, %get3A_23] : memref<1x16xf32, #tpu.memory_space<vmem>>, vector<1x16xf32>
    %add3A_25 = vector.broadcast %get3A_24 : vector<1x16xf32> to vector<2000x16xf32>
    %add3A_26 = arith.addf %add3A_21, %add3A_25 : vector<2000x16xf32>
    %max3A_27 = arith.constant 0.000000e+00 : f32
    %max3A_28 = vector.broadcast %max3A_27 : f32 to vector<2000x16xf32>
    %max3A_29 = arith.maximumf %add3A_26, %max3A_28 : vector<2000x16xf32>
    %swap3A = arith.constant 0 : index
    %swap3A_30 = arith.constant 0 : index
    %swap3A_31 = vector.load %arg6[%swap3A, %swap3A_30] : memref<2000x16xf32, #tpu.memory_space<vmem>>, vector<2000x16xf32>
    tpu.vector_store %arg6[%swap3A, %swap3A_30], %max3A_29 {strides = array<i32>} : memref<2000x16xf32, #tpu.memory_space<vmem>>, vector<2000x16xf32>,
    return
  }
  func.func @transform_0(%arg0: i32) -> (i32, i32, i32) {
    %c0_i32 = arith.constant 0 : i32
    %c0_i32_0 = arith.constant 0 : i32
    %c0_i32_1 = arith.constant 0 : i32
    return %c0_i32, %arg0, %c0_i32_0 : i32, i32, i32
  }
  func.func @transform_1(%arg0: i32) -> (i32, i32) {
    %c0_i32 = arith.constant 0 : i32
    %c0_i32_0 = arith.constant 0 : i32
    return %arg0, %c0_i32 : i32, i32
  }
  func.func @transform_2(%arg0: i32) -> (i32, i32) {
    %c0_i32 = arith.constant 0 : i32
    %c0_i32_0 = arith.constant 0 : i32
    return %arg0, %c0_i32 : i32, i32
  }
  func.func @transform_3(%arg0: i32) -> (i32, i32) {
    %c0_i32 = arith.constant 0 : i32
    %c0_i32_0 = arith.constant 0 : i32
    %c0_i32_1 = arith.constant 0 : i32
    return %c0_i32, %c0_i32_0 : i32, i32
  }
  func.func @transform_4(%arg0: i32) -> (i32, i32) {
    %c0_i32 = arith.constant 0 : i32
    %c0_i32_0 = arith.constant 0 : i32
    %c0_i32_1 = arith.constant 0 : i32
    return %c0_i32, %c0_i32_0 : i32, i32
  }
  func.func @transform_5(%arg0: i32) -> (i32, i32) {
    %c0_i32 = arith.constant 0 : i32
    %c0_i32_0 = arith.constant 0 : i32
    return %arg0, %c0_i32 : i32, i32
  }
}

module attributes {stable_mosaic.version = 14 : i64} {
  func.func @_edge_body(%arg0: i32, %arg1: memref<6400x128xf32, #tpu.memory_space<vmem>>, %arg2: memref<5x6400xf32, #tpu.memory_space<vmem>>, %arg3: memref<8x128xbf16, #tpu.memory_space<vmem>>, %arg4: memref<128x320xbf16, #tpu.memory_space<vmem>>, %arg5: memref<128x320xbf16, #tpu.memory_space<vmem>>, %arg6: memref<320x128xbf16, #tpu.memory_space<vmem>>, %arg7: memref<6400x128xf32, #tpu.memory_space<vmem>>) attributes {dimension_semantics = [#tpu.dimension_semantics<arbitrary>], iteration_bounds = array<i64: 25>, scalar_prefetch = 0 : i64, scratch_operands = 0 : i64, tpu.core_type = #tpu.core_type<tc>, window_params = [{transform_indices = @transform_0, window_bounds = array<i64: 6400, 128>}, {transform_indices = @transform_1, window_bounds = array<i64: 5, 6400>}, {pipeline_mode = #tpu.pipeline_mode<synchronous>, transform_indices = @transform_2, window_bounds = array<i64: 8, 128>}, {pipeline_mode = #tpu.pipeline_mode<synchronous>, transform_indices = @transform_3, window_bounds = array<i64: 128, 320>}, {pipeline_mode = #tpu.pipeline_mode<synchronous>, transform_indices = @transform_4, window_bounds = array<i64: 128, 320>}, {pipeline_mode = #tpu.pipeline_mode<synchronous>, transform_indices = @transform_5, window_bounds = array<i64: 320, 128>}, {transform_indices = @transform_6, window_bounds = array<i64: 6400, 128>}]} {
    %get3A = arith.constant 0 : index
    %get3A_0 = arith.constant 0 : index
    %get3A_1 = vector.load %arg2[%get3A, %get3A_0] : memref<5x6400xf32, #tpu.memory_space<vmem>>, vector<5x6400xf32>
    %broadcast_in_dim3A = arith.constant 1.000000e+00 : f32
    %broadcast_in_dim3A_2 = vector.broadcast %broadcast_in_dim3A : f32 to vector<1x6400xf32>
    %broadcast_in_dim3A_3 = arith.constant 0.000000e+00 : f32
    %broadcast_in_dim3A_4 = vector.broadcast %broadcast_in_dim3A_3 : f32 to vector<2x6400xf32>
    %concatenate3A = tpu.concatenate %get3A_1, %broadcast_in_dim3A_2, %broadcast_in_dim3A_4 in 0 : vector<5x6400xf32>, vector<1x6400xf32>, vector<2x6400xf32> -> vector<8x6400xf32>
    %transpose3A = tpu.transpose %concatenate3A, [1, 0] : vector<8x6400xf32> -> vector<6400x8xf32>
    %slice3A = vector.extract_strided_slice %transpose3A {offsets = [0, 0], sizes = [6400, 1], strides = [1, 1]} : vector<6400x8xf32> to vector<6400x1xf32>
    %iota3A = tpu.iota {dimensions = array<i32: 1>} : vector<6400x128xi32>
    %convert_element_type3A = arith.truncf %transpose3A : vector<6400x8xf32> to vector<6400x8xbf16>
    %get3A_5 = arith.constant 0 : index
    %get3A_6 = arith.constant 0 : index
    %get3A_7 = vector.load %arg3[%get3A_5, %get3A_6] : memref<8x128xbf16, #tpu.memory_space<vmem>>, vector<8x128xbf16>
    %dot_general3A = arith.constant dense<0.000000e+00> : vector<6400x128xf32>
    %dot_general3A_8 = tpu.matmul %convert_element_type3A, %get3A_7, %dot_general3A {dimension_numbers = #tpu.dot_dimension_numbers<[1], [0], [0], [1], [0, 0, 1, 1], [], []>, transpose_lhs_hint = false} : vector<6400x8xbf16>, vector<8x128xbf16>, vector<6400x128xf32> -> vector<6400x128xf32>
    %jit3A = arith.constant 5 : i32
    %div3A = vector.broadcast %jit3A : i32 to vector<6400x128xi32>
    %div3A_9 = arith.divsi %iota3A, %div3A : vector<6400x128xi32>
    %sign3A = arith.constant 0 : i32
    %sign3A_10 = vector.broadcast %sign3A : i32 to vector<6400x128xi32>
    %sign3A_11 = arith.cmpi sgt, %iota3A, %sign3A_10 : vector<6400x128xi32>
    %sign3A_12 = arith.extui %sign3A_11 : vector<6400x128xi1> to vector<6400x128xi32>
    %sign3A_13 = arith.constant 0 : i32
    %sign3A_14 = vector.broadcast %sign3A_13 : i32 to vector<6400x128xi32>
    %sign3A_15 = arith.cmpi slt, %iota3A, %sign3A_14 : vector<6400x128xi32>
    %sign3A_16 = arith.extui %sign3A_15 : vector<6400x128xi1> to vector<6400x128xi32>
    %sign3A_17 = arith.subi %sign3A_12, %sign3A_16 : vector<6400x128xi32>
    %sign3A_18 = arith.constant 0 : i32
    %sign3A_19 = arith.cmpi sgt, %jit3A, %sign3A_18 : i32
    %sign3A_20 = arith.extui %sign3A_19 : i1 to i32
    %sign3A_21 = arith.constant 0 : i32
    %sign3A_22 = arith.cmpi slt, %jit3A, %sign3A_21 : i32
    %sign3A_23 = arith.extui %sign3A_22 : i1 to i32
    %sign3A_24 = arith.subi %sign3A_20, %sign3A_23 : i32
    %ne3A = vector.broadcast %sign3A_24 : i32 to vector<6400x128xi32>
    %ne3A_25 = arith.cmpi ne, %sign3A_17, %ne3A : vector<6400x128xi32>
    %rem3A = vector.broadcast %jit3A : i32 to vector<6400x128xi32>
    %rem3A_26 = arith.remsi %iota3A, %rem3A : vector<6400x128xi32>
    %ne3A_27 = arith.constant 0 : i32
    %ne3A_28 = vector.broadcast %ne3A_27 : i32 to vector<6400x128xi32>
    %ne3A_29 = arith.cmpi ne, %rem3A_26, %ne3A_28 : vector<6400x128xi32>
    %and3A = arith.andi %ne3A_25, %ne3A_29 : vector<6400x128xi1>
    %sub3A = arith.constant 1 : i32
    %sub3A_30 = vector.broadcast %sub3A : i32 to vector<6400x128xi32>
    %sub3A_31 = arith.subi %div3A_9, %sub3A_30 : vector<6400x128xi32>
    %select_n3A = arith.select %and3A, %sub3A_31, %div3A_9 : vector<6400x128xi1>, vector<6400x128xi32>
    %convert_element_type3A_32 = arith.fptosi %slice3A : vector<6400x1xf32> to vector<6400x1xi32>
    %eq3A = vector.broadcast %convert_element_type3A_32 : vector<6400x1xi32> to vector<6400x128xi32>
    %eq3A_33 = arith.cmpi eq, %select_n3A, %eq3A : vector<6400x128xi32>
    %jit3A_34 = arith.constant 0.000000e+00 : f32
    %broadcast_in_dim3A_35 = vector.broadcast %jit3A_34 : f32 to vector<6400x128xf32>
    %select_n3A_36 = arith.select %eq3A_33, %dot_general3A_8, %broadcast_in_dim3A_35 : vector<6400x128xi1>, vector<6400x128xf32>
    %convert_element_type3A_37 = arith.truncf %select_n3A_36 : vector<6400x128xf32> to vector<6400x128xbf16>
    %get3A_38 = arith.constant 0 : index
    %get3A_39 = arith.constant 0 : index
    %get3A_40 = vector.load %arg4[%get3A_38, %get3A_39] : memref<128x320xbf16, #tpu.memory_space<vmem>>, vector<128x320xbf16>
    %dot_general3A_41 = arith.constant dense<0.000000e+00> : vector<6400x320xf32>
    %dot_general3A_42 = tpu.matmul %convert_element_type3A_37, %get3A_40, %dot_general3A_41 {dimension_numbers = #tpu.dot_dimension_numbers<[1], [0], [0], [1], [0, 0, 1, 1], [], []>, transpose_lhs_hint = false} : vector<6400x128xbf16>, vector<128x320xbf16>, vector<6400x320xf32> -> vector<6400x320xf32>
    %convert_element_type3A_43 = arith.truncf %dot_general3A_42 : vector<6400x320xf32> to vector<6400x320xbf16>
    %max3A = arith.constant 0.000000e+00 : bf16
    %max3A_44 = vector.broadcast %max3A : bf16 to vector<6400x320xbf16>
    %max3A_45 = arith.maximumf %convert_element_type3A_43, %max3A_44 : vector<6400x320xbf16>
    %lt3A = arith.constant 10 : i32
    %lt3A_46 = vector.broadcast %lt3A : i32 to vector<6400x128xi32>
    %lt3A_47 = arith.cmpi slt, %iota3A, %lt3A_46 : vector<6400x128xi32>
    %get3A_48 = arith.constant 0 : index
    %get3A_49 = arith.constant 0 : index
    %get3A_50 = vector.load %arg1[%get3A_48, %get3A_49] : memref<6400x128xf32, #tpu.memory_space<vmem>>, vector<6400x128xf32>
    %jit3A_51 = arith.constant 0.000000e+00 : f32
    %broadcast_in_dim3A_52 = vector.broadcast %jit3A_51 : f32 to vector<6400x128xf32>
    %select_n3A_53 = arith.select %lt3A_47, %get3A_50, %broadcast_in_dim3A_52 : vector<6400x128xi1>, vector<6400x128xf32>
    %convert_element_type3A_54 = arith.truncf %select_n3A_53 : vector<6400x128xf32> to vector<6400x128xbf16>
    %get3A_55 = arith.constant 0 : index
    %get3A_56 = arith.constant 0 : index
    %get3A_57 = vector.load %arg5[%get3A_55, %get3A_56] : memref<128x320xbf16, #tpu.memory_space<vmem>>, vector<128x320xbf16>
    %dot_general3A_58 = arith.constant dense<0.000000e+00> : vector<6400x320xf32>
    %dot_general3A_59 = tpu.matmul %convert_element_type3A_54, %get3A_57, %dot_general3A_58 {dimension_numbers = #tpu.dot_dimension_numbers<[1], [0], [0], [1], [0, 0, 1, 1], [], []>, transpose_lhs_hint = false} : vector<6400x128xbf16>, vector<128x320xbf16>, vector<6400x320xf32> -> vector<6400x320xf32>
    %convert_element_type3A_60 = arith.truncf %dot_general3A_59 : vector<6400x320xf32> to vector<6400x320xbf16>
    %mul3A = arith.mulf %max3A_45, %convert_element_type3A_60 : vector<6400x320xbf16>
    %get3A_61 = arith.constant 0 : index
    %get3A_62 = arith.constant 0 : index
    %get3A_63 = vector.load %arg6[%get3A_61, %get3A_62] : memref<320x128xbf16, #tpu.memory_space<vmem>>, vector<320x128xbf16>
    %dot_general3A_64 = arith.constant dense<0.000000e+00> : vector<6400x128xf32>
    %dot_general3A_65 = tpu.matmul %mul3A, %get3A_63, %dot_general3A_64 {dimension_numbers = #tpu.dot_dimension_numbers<[1], [0], [0], [1], [0, 0, 1, 1], [], []>, transpose_lhs_hint = false} : vector<6400x320xbf16>, vector<320x128xbf16>, vector<6400x128xf32> -> vector<6400x128xf32>
    %swap3A = arith.constant 0 : index
    %swap3A_66 = arith.constant 0 : index
    %swap3A_67 = vector.load %arg7[%swap3A, %swap3A_66] : memref<6400x128xf32, #tpu.memory_space<vmem>>, vector<6400x128xf32>
    tpu.vector_store %arg7[%swap3A, %swap3A_66], %dot_general3A_65 {strides = array<i32>} : memref<6400x128xf32, #tpu.memory_space<vmem>>, vector<6400x128xf32>,
    return
  }
  func.func @transform_0(%arg0: i32) -> (i32, i32) {
    %c0_i32 = arith.constant 0 : i32
    %c0_i32_0 = arith.constant 0 : i32
    return %arg0, %c0_i32 : i32, i32
  }
  func.func @transform_1(%arg0: i32) -> (i32, i32) {
    %add3A = arith.constant 0 : i32
    %add3A_0 = arith.addi %arg0, %add3A : i32
    %c0_i32 = arith.constant 0 : i32
    %c0_i32_1 = arith.constant 0 : i32
    return %c0_i32, %add3A_0 : i32, i32
  }
  func.func @transform_2(%arg0: i32) -> (i32, i32) {
    %c0_i32 = arith.constant 0 : i32
    %c0_i32_0 = arith.constant 0 : i32
    %c0_i32_1 = arith.constant 0 : i32
    return %c0_i32, %c0_i32_0 : i32, i32
  }
  func.func @transform_3(%arg0: i32) -> (i32, i32) {
    %c0_i32 = arith.constant 0 : i32
    %c0_i32_0 = arith.constant 0 : i32
    %c0_i32_1 = arith.constant 0 : i32
    return %c0_i32, %c0_i32_0 : i32, i32
  }
  func.func @transform_4(%arg0: i32) -> (i32, i32) {
    %c0_i32 = arith.constant 0 : i32
    %c0_i32_0 = arith.constant 0 : i32
    %c0_i32_1 = arith.constant 0 : i32
    return %c0_i32, %c0_i32_0 : i32, i32
  }
  func.func @transform_5(%arg0: i32) -> (i32, i32) {
    %c0_i32 = arith.constant 0 : i32
    %c0_i32_0 = arith.constant 0 : i32
    %c0_i32_1 = arith.constant 0 : i32
    return %c0_i32, %c0_i32_0 : i32, i32
  }
  func.func @transform_6(%arg0: i32) -> (i32, i32) {
    %c0_i32 = arith.constant 0 : i32
    %c0_i32_0 = arith.constant 0 : i32
    return %arg0, %c0_i32 : i32, i32
  }
}

module attributes {stable_mosaic.version = 14 : i64} {
  func.func @_update_body(%arg0: i32, %arg1: memref<2x2000x32xf32, #tpu.memory_space<vmem>>, %arg2: memref<2000x16xf32, #tpu.memory_space<vmem>>, %arg3: memref<2000x16xf32, #tpu.memory_space<vmem>>, %arg4: memref<16x32xf32, #tpu.memory_space<vmem>>, %arg5: memref<1x32xf32, #tpu.memory_space<vmem>>, %arg6: memref<2000x32xf32, #tpu.memory_space<vmem>>) attributes {dimension_semantics = [#tpu.dimension_semantics<arbitrary>], iteration_bounds = array<i64: 5>, scalar_prefetch = 0 : i64, scratch_operands = 0 : i64, tpu.core_type = #tpu.core_type<tc>, window_params = [{transform_indices = @transform_0, window_bounds = array<i64: 2, 2000, 32>}, {transform_indices = @transform_1, window_bounds = array<i64: 2000, 16>}, {transform_indices = @transform_2, window_bounds = array<i64: 2000, 16>}, {pipeline_mode = #tpu.pipeline_mode<synchronous>, transform_indices = @transform_3, window_bounds = array<i64: 16, 32>}, {pipeline_mode = #tpu.pipeline_mode<synchronous>, transform_indices = @transform_4, window_bounds = array<i64: 1, 32>}, {transform_indices = @transform_5, window_bounds = array<i64: 2000, 32>}]} {
    %get3A = arith.constant 0 : index
    %get3A_0 = arith.constant 0 : index
    %get3A_1 = arith.constant 0 : index
    %get3A_2 = vector.load %arg1[%get3A, %get3A_0, %get3A_1] : memref<2x2000x32xf32, #tpu.memory_space<vmem>>, vector<1x2000x32xf32>
    %get3A_3 = vector.shape_cast %get3A_2 : vector<1x2000x32xf32> to vector<2000x32xf32>
    %get3A_4 = arith.constant 1 : index
    %get3A_5 = arith.constant 0 : index
    %get3A_6 = arith.constant 0 : index
    %get3A_7 = vector.load %arg1[%get3A_4, %get3A_5, %get3A_6] : memref<2x2000x32xf32, #tpu.memory_space<vmem>>, vector<1x2000x32xf32>
    %get3A_8 = vector.shape_cast %get3A_7 : vector<1x2000x32xf32> to vector<2000x32xf32>
    %add3A = arith.addf %get3A_3, %get3A_8 : vector<2000x32xf32>
    %get3A_9 = arith.constant 0 : index
    %get3A_10 = arith.constant 0 : index
    %get3A_11 = vector.load %arg2[%get3A_9, %get3A_10] : memref<2000x16xf32, #tpu.memory_space<vmem>>, vector<2000x16xf32>
    %concatenate3A = tpu.concatenate %get3A_11, %get3A_11 in 1 : vector<2000x16xf32>, vector<2000x16xf32> -> vector<2000x32xf32>
    %get3A_12 = arith.constant 0 : index
    %get3A_13 = arith.constant 0 : index
    %get3A_14 = vector.load %arg3[%get3A_12, %get3A_13] : memref<2000x16xf32, #tpu.memory_space<vmem>>, vector<2000x16xf32>
    %get3A_15 = arith.constant 0 : index
    %get3A_16 = arith.constant 0 : index
    %get3A_17 = vector.load %arg4[%get3A_15, %get3A_16] : memref<16x32xf32, #tpu.memory_space<vmem>>, vector<16x32xf32>
    %dot_general3A = arith.constant dense<0.000000e+00> : vector<2000x32xf32>
    %dot_general3A_18 = tpu.matmul %get3A_14, %get3A_17, %dot_general3A {dimension_numbers = #tpu.dot_dimension_numbers<[1], [0], [0], [1], [0, 0, 1, 1], [], []>, transpose_lhs_hint = false} : vector<2000x16xf32>, vector<16x32xf32>, vector<2000x32xf32> -> vector<2000x32xf32>
    %max3A = arith.constant 1.000000e+00 : f32
    %max3A_19 = vector.broadcast %max3A : f32 to vector<2000x32xf32>
    %max3A_20 = arith.maximumf %concatenate3A, %max3A_19 : vector<2000x32xf32>
    %div3A = arith.divf %add3A, %max3A_20 : vector<2000x32xf32>
    %add3A_21 = arith.addf %div3A, %dot_general3A_18 : vector<2000x32xf32>
    %get3A_22 = arith.constant 0 : index
    %get3A_23 = arith.constant 0 : index
    %get3A_24 = vector.load %arg5[%get3A_22, %get3A_23] : memref<1x32xf32, #tpu.memory_space<vmem>>, vector<1x32xf32>
    %add3A_25 = vector.broadcast %get3A_24 : vector<1x32xf32> to vector<2000x32xf32>
    %add3A_26 = arith.addf %add3A_21, %add3A_25 : vector<2000x32xf32>
    %max3A_27 = arith.constant 0.000000e+00 : f32
    %max3A_28 = vector.broadcast %max3A_27 : f32 to vector<2000x32xf32>
    %max3A_29 = arith.maximumf %add3A_26, %max3A_28 : vector<2000x32xf32>
    %swap3A = arith.constant 0 : index
    %swap3A_30 = arith.constant 0 : index
    %swap3A_31 = vector.load %arg6[%swap3A, %swap3A_30] : memref<2000x32xf32, #tpu.memory_space<vmem>>, vector<2000x32xf32>
    tpu.vector_store %arg6[%swap3A, %swap3A_30], %max3A_29 {strides = array<i32>} : memref<2000x32xf32, #tpu.memory_space<vmem>>, vector<2000x32xf32>,
    return
  }
  func.func @transform_0(%arg0: i32) -> (i32, i32, i32) {
    %c0_i32 = arith.constant 0 : i32
    %c0_i32_0 = arith.constant 0 : i32
    %c0_i32_1 = arith.constant 0 : i32
    return %c0_i32, %arg0, %c0_i32_0 : i32, i32, i32
  }
  func.func @transform_1(%arg0: i32) -> (i32, i32) {
    %c0_i32 = arith.constant 0 : i32
    %c0_i32_0 = arith.constant 0 : i32
    return %arg0, %c0_i32 : i32, i32
  }
  func.func @transform_2(%arg0: i32) -> (i32, i32) {
    %c0_i32 = arith.constant 0 : i32
    %c0_i32_0 = arith.constant 0 : i32
    return %arg0, %c0_i32 : i32, i32
  }
  func.func @transform_3(%arg0: i32) -> (i32, i32) {
    %c0_i32 = arith.constant 0 : i32
    %c0_i32_0 = arith.constant 0 : i32
    %c0_i32_1 = arith.constant 0 : i32
    return %c0_i32, %c0_i32_0 : i32, i32
  }
  func.func @transform_4(%arg0: i32) -> (i32, i32) {
    %c0_i32 = arith.constant 0 : i32
    %c0_i32_0 = arith.constant 0 : i32
    %c0_i32_1 = arith.constant 0 : i32
    return %c0_i32, %c0_i32_0 : i32, i32
  }
  func.func @transform_5(%arg0: i32) -> (i32, i32) {
    %c0_i32 = arith.constant 0 : i32
    %c0_i32_0 = arith.constant 0 : i32
    return %arg0, %c0_i32 : i32, i32
  }
}

module attributes {stable_mosaic.version = 14 : i64} {
  func.func @_head_body(%arg0: i32, %arg1: memref<2000x32xf32, #tpu.memory_space<vmem>>, %arg2: memref<2000x8xf32, #tpu.memory_space<vmem>>, %arg3: memref<16x8xf32, #tpu.memory_space<vmem>>, %arg4: memref<8x16xf32, #tpu.memory_space<vmem>>, %arg5: memref<16x8xf32, #tpu.memory_space<vmem>>, %arg6: memref<8x16xf32, #tpu.memory_space<vmem>>, %arg7: memref<1x16xf32, #tpu.memory_space<vmem>>, %arg8: memref<16x40xf32, #tpu.memory_space<vmem>>, %arg9: memref<40x16xf32, #tpu.memory_space<vmem>>, %arg10: memref<1x16xf32, #tpu.memory_space<vmem>>, %arg11: memref<16x16xf32, #tpu.memory_space<vmem>>, %arg12: memref<16x16xf32, #tpu.memory_space<vmem>>, %arg13: memref<1x16xf32, #tpu.memory_space<vmem>>, %arg14: memref<96x96xf32, #tpu.memory_space<vmem>>, %arg15: memref<1x96xf32, #tpu.memory_space<vmem>>, %arg16: memref<96x96xf32, #tpu.memory_space<vmem>>, %arg17: memref<1x96xf32, #tpu.memory_space<vmem>>, %arg18: memref<96x128xf32, #tpu.memory_space<vmem>>, %arg19: memref<1x128xf32, #tpu.memory_space<vmem>>, %arg20: memref<128x64xf32, #tpu.memory_space<vmem>>, %arg21: memref<1x64xf32, #tpu.memory_space<vmem>>, %arg22: memref<64x32xf32, #tpu.memory_space<vmem>>, %arg23: memref<1x32xf32, #tpu.memory_space<vmem>>, %arg24: memref<16x32xf32, #tpu.memory_space<vmem>>, %arg25: memref<16x48xf32, #tpu.memory_space<vmem>>) attributes {dimension_semantics = [#tpu.dimension_semantics<arbitrary>], iteration_bounds = array<i64: 5>, scalar_prefetch = 0 : i64, scratch_operands = 1 : i64, tpu.core_type = #tpu.core_type<tc>, window_params = [{transform_indices = @transform_0, window_bounds = array<i64: 2000, 32>}, {transform_indices = @transform_1, window_bounds = array<i64: 2000, 8>}, {pipeline_mode = #tpu.pipeline_mode<synchronous>, transform_indices = @transform_2, window_bounds = array<i64: 16, 8>}, {pipeline_mode = #tpu.pipeline_mode<synchronous>, transform_indices = @transform_3, window_bounds = array<i64: 8, 16>}, {pipeline_mode = #tpu.pipeline_mode<synchronous>, transform_indices = @transform_4, window_bounds = array<i64: 16, 8>}, {pipeline_mode = #tpu.pipeline_mode<synchronous>, transform_indices = @transform_5, window_bounds = array<i64: 8, 16>}, {pipeline_mode = #tpu.pipeline_mode<synchronous>, transform_indices = @transform_6, window_bounds = array<i64: 1, 16>}, {pipeline_mode = #tpu.pipeline_mode<synchronous>, transform_indices = @transform_7, window_bounds = array<i64: 16, 40>}, {pipeline_mode = #tpu.pipeline_mode<synchronous>, transform_indices = @transform_8, window_bounds = array<i64: 40, 16>}, {pipeline_mode = #tpu.pipeline_mode<synchronous>, transform_indices = @transform_9, window_bounds = array<i64: 1, 16>}, {pipeline_mode = #tpu.pipeline_mode<synchronous>, transform_indices = @transform_10, window_bounds = array<i64: 16, 16>}, {pipeline_mode = #tpu.pipeline_mode<synchronous>, transform_indices = @transform_11, window_bounds = array<i64: 16, 16>}, {pipeline_mode = #tpu.pipeline_mode<synchronous>, transform_indices = @transform_12, window_bounds = array<i64: 1, 16>}, {pipeline_mode = #tpu.pipeline_mode<synchronous>, transform_indices = @transform_13, window_bounds = array<i64: 96, 96>}, {pipeline_mode = #tpu.pipeline_mode<synchronous>, transform_indices = @transform_14, window_bounds = array<i64: 1, 96>}, {pipeline_mode = #tpu.pipeline_mode<synchronous>, transform_indices = @transform_15, window_bounds = array<i64: 96, 96>}, {pipeline_mode = #tpu.pipeline_mode<synchronous>, transform_indices = @transform_16, window_bounds = array<i64: 1, 96>}, {pipeline_mode = #tpu.pipeline_mode<synchronous>, transform_indices = @transform_17, window_bounds = array<i64: 96, 128>}, {pipeline_mode = #tpu.pipeline_mode<synchronous>, transform_indices = @transform_18, window_bounds = array<i64: 1, 128>}, {pipeline_mode = #tpu.pipeline_mode<synchronous>, transform_indices = @transform_19, window_bounds = array<i64: 128, 64>}, {pipeline_mode = #tpu.pipeline_mode<synchronous>, transform_indices = @transform_20, window_bounds = array<i64: 1, 64>}, {pipeline_mode = #tpu.pipeline_mode<synchronous>, transform_indices = @transform_21, window_bounds = array<i64: 64, 32>}, {pipeline_mode = #tpu.pipeline_mode<synchronous>, transform_indices = @transform_22, window_bounds = array<i64: 1, 32>}, {pipeline_mode = #tpu.pipeline_mode<synchronous>, transform_indices = @transform_23, window_bounds = array<i64: 16, 32>}]} {
    %eq3A = arith.constant 0 : i32
    %eq3A_0 = arith.cmpi eq, %arg0, %eq3A : i32
    %convert_element_type3A = arith.extui %eq3A_0 : i1 to i32
    %cond3A = arith.constant 0 : i32
    %cond3A_1 = arith.cmpi ne, %convert_element_type3A, %cond3A : i32
    scf.if %cond3A_1 {
      %broadcast_in_dim3A_26 = arith.constant 0.000000e+00 : f32
      %broadcast_in_dim3A_27 = vector.broadcast %broadcast_in_dim3A_26 : f32 to vector<16x48xf32>
      %swap3A_28 = arith.constant 0 : index
      %swap3A_29 = arith.constant 0 : index
      %swap3A_30 = vector.load %arg25[%swap3A_28, %swap3A_29] : memref<16x48xf32, #tpu.memory_space<vmem>>, vector<16x48xf32>
      tpu.vector_store %arg25[%swap3A_28, %swap3A_29], %broadcast_in_dim3A_27 {strides = array<i32>} : memref<16x48xf32, #tpu.memory_space<vmem>>, vector<16x48xf32>,
    } else {
    }
    %get3A = arith.constant 0 : index
    %get3A_2 = arith.constant 0 : index
    %get3A_3 = vector.load %arg2[%get3A, %get3A_2] : memref<2000x8xf32, #tpu.memory_space<vmem>>, vector<2000x8xf32>
    %slice3A = vector.extract_strided_slice %get3A_3 {offsets = [0, 0], sizes = [2000, 1], strides = [1, 1]} : vector<2000x8xf32> to vector<2000x1xf32>
    %convert_element_type3A_4 = arith.fptosi %slice3A : vector<2000x1xf32> to vector<2000x1xi32>
    %iota3A = tpu.iota {dimensions = array<i32: 1>} : vector<2000x16xi32>
    %sub3A = arith.constant 1 : i32
    %sub3A_5 = vector.broadcast %sub3A : i32 to vector<2000x1xi32>
    %sub3A_6 = arith.subi %convert_element_type3A_4, %sub3A_5 : vector<2000x1xi32>
    %eq3A_7 = vector.broadcast %sub3A_6 : vector<2000x1xi32> to vector<2000x16xi32>
    %eq3A_8 = arith.cmpi eq, %iota3A, %eq3A_7 : vector<2000x16xi32>
    %convert_element_type3A_9 = arith.extui %eq3A_8 : vector<2000x16xi1> to vector<2000x16xi32>
    %convert_element_type3A_10 = arith.sitofp %convert_element_type3A_9 : vector<2000x16xi32> to vector<2000x16xf32>
    %get3A_11 = arith.constant 0 : index
    %get3A_12 = arith.constant 0 : index
    %get3A_13 = vector.load %arg1[%get3A_11, %get3A_12] : memref<2000x32xf32, #tpu.memory_space<vmem>>, vector<2000x32xf32>
    %broadcast_in_dim3A = arith.constant 1.000000e+00 : f32
    %broadcast_in_dim3A_14 = vector.broadcast %broadcast_in_dim3A : f32 to vector<2000x16xf32>
    %concatenate3A = tpu.concatenate %get3A_13, %broadcast_in_dim3A_14 in 1 : vector<2000x32xf32>, vector<2000x16xf32> -> vector<2000x48xf32>
    %get3A_15 = arith.constant 0 : index
    %get3A_16 = arith.constant 0 : index
    %get3A_17 = vector.load %arg25[%get3A_15, %get3A_16] : memref<16x48xf32, #tpu.memory_space<vmem>>, vector<16x48xf32>
    %dot_general3A = arith.constant dense<0.000000e+00> : vector<16x48xf32>
    %dot_general3A_18 = tpu.matmul %convert_element_type3A_10, %concatenate3A, %dot_general3A {dimension_numbers = #tpu.dot_dimension_numbers<[0], [0], [1], [1], [0, 1, 1, 1], [], []>, transpose_lhs_hint = false} : vector<2000x16xf32>, vector<2000x48xf32>, vector<16x48xf32> -> vector<16x48xf32>
    %add3A = arith.addf %get3A_17, %dot_general3A_18 : vector<16x48xf32>
    %swap3A = arith.constant 0 : index
    %swap3A_19 = arith.constant 0 : index
    %swap3A_20 = vector.load %arg25[%swap3A, %swap3A_19] : memref<16x48xf32, #tpu.memory_space<vmem>>, vector<16x48xf32>
    tpu.vector_store %arg25[%swap3A, %swap3A_19], %add3A {strides = array<i32>} : memref<16x48xf32, #tpu.memory_space<vmem>>, vector<16x48xf32>,
    %eq3A_21 = arith.constant 4 : i32
    %eq3A_22 = arith.cmpi eq, %arg0, %eq3A_21 : i32
    %convert_element_type3A_23 = arith.extui %eq3A_22 : i1 to i32
    %cond3A_24 = arith.constant 0 : i32
    %cond3A_25 = arith.cmpi ne, %convert_element_type3A_23, %cond3A_24 : i32
    scf.if %cond3A_25 {
      %get3A_26 = arith.constant 0 : index
      %get3A_27 = arith.constant 0 : index
      %get3A_28 = vector.load %arg25[%get3A_26, %get3A_27] : memref<16x48xf32, #tpu.memory_space<vmem>>, vector<16x48xf32>
      %slice3A_29 = vector.extract_strided_slice %get3A_28 {offsets = [0, 0], sizes = [16, 32], strides = [1, 1]} : vector<16x48xf32> to vector<16x32xf32>
      %slice3A_30 = vector.extract_strided_slice %get3A_28 {offsets = [0, 32], sizes = [16, 1], strides = [1, 1]} : vector<16x48xf32> to vector<16x1xf32>
      %max3A = arith.constant 1.000000e+00 : f32
      %max3A_31 = vector.broadcast %max3A : f32 to vector<16x1xf32>
      %max3A_32 = arith.maximumf %slice3A_30, %max3A_31 : vector<16x1xf32>
      %div3A = vector.broadcast %max3A_32 : vector<16x1xf32> to vector<16x32xf32>
      %div3A_33 = arith.divf %slice3A_29, %div3A : vector<16x32xf32>
      %iota3A_34 = tpu.iota {dimensions = array<i32: 1>} : vector<16x8xi32>
      %get3A_35 = arith.constant 0 : index
      %get3A_36 = arith.constant 0 : index
      %get3A_37 = vector.load %arg3[%get3A_35, %get3A_36] : memref<16x8xf32, #tpu.memory_space<vmem>>, vector<16x8xf32>
      %slice3A_38 = vector.extract_strided_slice %get3A_37 {offsets = [0, 0], sizes = [16, 1], strides = [1, 1]} : vector<16x8xf32> to vector<16x1xf32>
      %convert_element_type3A_39 = arith.fptosi %slice3A_38 : vector<16x1xf32> to vector<16x1xi32>
      %eq3A_40 = vector.broadcast %convert_element_type3A_39 : vector<16x1xi32> to vector<16x8xi32>
      %eq3A_41 = arith.cmpi eq, %iota3A_34, %eq3A_40 : vector<16x8xi32>
      %convert_element_type3A_42 = arith.extui %eq3A_41 : vector<16x8xi1> to vector<16x8xi32>
      %convert_element_type3A_43 = arith.sitofp %convert_element_type3A_42 : vector<16x8xi32> to vector<16x8xf32>
      %get3A_44 = arith.constant 0 : index
      %get3A_45 = arith.constant 0 : index
      %get3A_46 = vector.load %arg4[%get3A_44, %get3A_45] : memref<8x16xf32, #tpu.memory_space<vmem>>, vector<8x16xf32>
      %dot_general3A_47 = arith.constant dense<0.000000e+00> : vector<16x16xf32>
      %dot_general3A_48 = tpu.matmul %convert_element_type3A_43, %get3A_46, %dot_general3A_47 {dimension_numbers = #tpu.dot_dimension_numbers<[1], [0], [0], [1], [0, 0, 1, 1], [], []>, transpose_lhs_hint = false} : vector<16x8xf32>, vector<8x16xf32>, vector<16x16xf32> -> vector<16x16xf32>
      %get3A_49 = arith.constant 0 : index
      %get3A_50 = arith.constant 0 : index
      %get3A_51 = vector.load %arg5[%get3A_49, %get3A_50] : memref<16x8xf32, #tpu.memory_space<vmem>>, vector<16x8xf32>
      %get3A_52 = arith.constant 0 : index
      %get3A_53 = arith.constant 0 : index
      %get3A_54 = vector.load %arg6[%get3A_52, %get3A_53] : memref<8x16xf32, #tpu.memory_space<vmem>>, vector<8x16xf32>
      %dot_general3A_55 = arith.constant dense<0.000000e+00> : vector<16x16xf32>
      %dot_general3A_56 = tpu.matmul %get3A_51, %get3A_54, %dot_general3A_55 {dimension_numbers = #tpu.dot_dimension_numbers<[1], [0], [0], [1], [0, 0, 1, 1], [], []>, transpose_lhs_hint = false} : vector<16x8xf32>, vector<8x16xf32>, vector<16x16xf32> -> vector<16x16xf32>
      %get3A_57 = arith.constant 0 : index
      %get3A_58 = arith.constant 0 : index
      %get3A_59 = vector.load %arg7[%get3A_57, %get3A_58] : memref<1x16xf32, #tpu.memory_space<vmem>>, vector<1x16xf32>
      %add3A_60 = vector.broadcast %get3A_59 : vector<1x16xf32> to vector<16x16xf32>
      %add3A_61 = arith.addf %dot_general3A_56, %add3A_60 : vector<16x16xf32>
      %get3A_62 = arith.constant 0 : index
      %get3A_63 = arith.constant 0 : index
      %get3A_64 = vector.load %arg8[%get3A_62, %get3A_63] : memref<16x40xf32, #tpu.memory_space<vmem>>, vector<16x40xf32>
      %get3A_65 = arith.constant 0 : index
      %get3A_66 = arith.constant 0 : index
      %get3A_67 = vector.load %arg9[%get3A_65, %get3A_66] : memref<40x16xf32, #tpu.memory_space<vmem>>, vector<40x16xf32>
      %dot_general3A_68 = arith.constant dense<0.000000e+00> : vector<16x16xf32>
      %dot_general3A_69 = tpu.matmul %get3A_64, %get3A_67, %dot_general3A_68 {dimension_numbers = #tpu.dot_dimension_numbers<[1], [0], [0], [1], [0, 0, 1, 1], [], []>, transpose_lhs_hint = false} : vector<16x40xf32>, vector<40x16xf32>, vector<16x16xf32> -> vector<16x16xf32>
      %get3A_70 = arith.constant 0 : index
      %get3A_71 = arith.constant 0 : index
      %get3A_72 = vector.load %arg10[%get3A_70, %get3A_71] : memref<1x16xf32, #tpu.memory_space<vmem>>, vector<1x16xf32>
      %add3A_73 = vector.broadcast %get3A_72 : vector<1x16xf32> to vector<16x16xf32>
      %add3A_74 = arith.addf %dot_general3A_69, %add3A_73 : vector<16x16xf32>
      %get3A_75 = arith.constant 0 : index
      %get3A_76 = arith.constant 0 : index
      %get3A_77 = vector.load %arg11[%get3A_75, %get3A_76] : memref<16x16xf32, #tpu.memory_space<vmem>>, vector<16x16xf32>
      %get3A_78 = arith.constant 0 : index
      %get3A_79 = arith.constant 0 : index
      %get3A_80 = vector.load %arg12[%get3A_78, %get3A_79] : memref<16x16xf32, #tpu.memory_space<vmem>>, vector<16x16xf32>
      %dot_general3A_81 = arith.constant dense<0.000000e+00> : vector<16x16xf32>
      %dot_general3A_82 = tpu.matmul %get3A_77, %get3A_80, %dot_general3A_81 {dimension_numbers = #tpu.dot_dimension_numbers<[1], [0], [0], [1], [0, 0, 1, 1], [], []>, transpose_lhs_hint = false} : vector<16x16xf32>, vector<16x16xf32>, vector<16x16xf32> -> vector<16x16xf32>
      %get3A_83 = arith.constant 0 : index
      %get3A_84 = arith.constant 0 : index
      %get3A_85 = vector.load %arg13[%get3A_83, %get3A_84] : memref<1x16xf32, #tpu.memory_space<vmem>>, vector<1x16xf32>
      %add3A_86 = vector.broadcast %get3A_85 : vector<1x16xf32> to vector<16x16xf32>
      %add3A_87 = arith.addf %dot_general3A_82, %add3A_86 : vector<16x16xf32>
      %concatenate3A_88 = tpu.concatenate %div3A_33, %dot_general3A_48, %add3A_61, %add3A_74, %add3A_87 in 1 : vector<16x32xf32>, vector<16x16xf32>, vector<16x16xf32>, vector<16x16xf32>, vector<16x16xf32> -> vector<16x96xf32>
      %get3A_89 = arith.constant 0 : index
      %get3A_90 = arith.constant 0 : index
      %get3A_91 = vector.load %arg14[%get3A_89, %get3A_90] : memref<96x96xf32, #tpu.memory_space<vmem>>, vector<96x96xf32>
      %dot_general3A_92 = arith.constant dense<0.000000e+00> : vector<16x96xf32>
      %dot_general3A_93 = tpu.matmul %concatenate3A_88, %get3A_91, %dot_general3A_92 {dimension_numbers = #tpu.dot_dimension_numbers<[1], [0], [0], [1], [0, 0, 1, 1], [], []>, transpose_lhs_hint = false} : vector<16x96xf32>, vector<96x96xf32>, vector<16x96xf32> -> vector<16x96xf32>
      %get3A_94 = arith.constant 0 : index
      %get3A_95 = arith.constant 0 : index
      %get3A_96 = vector.load %arg15[%get3A_94, %get3A_95] : memref<1x96xf32, #tpu.memory_space<vmem>>, vector<1x96xf32>
      %add3A_97 = vector.broadcast %get3A_96 : vector<1x96xf32> to vector<16x96xf32>
      %add3A_98 = arith.addf %dot_general3A_93, %add3A_97 : vector<16x96xf32>
      %get3A_99 = arith.constant 0 : index
      %get3A_100 = arith.constant 0 : index
      %get3A_101 = vector.load %arg16[%get3A_99, %get3A_100] : memref<96x96xf32, #tpu.memory_space<vmem>>, vector<96x96xf32>
      %dot_general3A_102 = arith.constant dense<0.000000e+00> : vector<16x96xf32>
      %dot_general3A_103 = tpu.matmul %add3A_98, %get3A_101, %dot_general3A_102 {dimension_numbers = #tpu.dot_dimension_numbers<[1], [0], [0], [1], [0, 0, 1, 1], [], []>, transpose_lhs_hint = false} : vector<16x96xf32>, vector<96x96xf32>, vector<16x96xf32> -> vector<16x96xf32>
      %get3A_104 = arith.constant 0 : index
      %get3A_105 = arith.constant 0 : index
      %get3A_106 = vector.load %arg17[%get3A_104, %get3A_105] : memref<1x96xf32, #tpu.memory_space<vmem>>, vector<1x96xf32>
      %add3A_107 = vector.broadcast %get3A_106 : vector<1x96xf32> to vector<16x96xf32>
      %add3A_108 = arith.addf %dot_general3A_103, %add3A_107 : vector<16x96xf32>
      %get3A_109 = arith.constant 0 : index
      %get3A_110 = arith.constant 0 : index
      %get3A_111 = vector.load %arg18[%get3A_109, %get3A_110] : memref<96x128xf32, #tpu.memory_space<vmem>>, vector<96x128xf32>
      %dot_general3A_112 = arith.constant dense<0.000000e+00> : vector<16x128xf32>
      %dot_general3A_113 = tpu.matmul %add3A_108, %get3A_111, %dot_general3A_112 {dimension_numbers = #tpu.dot_dimension_numbers<[1], [0], [0], [1], [0, 0, 1, 1], [], []>, transpose_lhs_hint = false} : vector<16x96xf32>, vector<96x128xf32>, vector<16x128xf32> -> vector<16x128xf32>
      %get3A_114 = arith.constant 0 : index
      %get3A_115 = arith.constant 0 : index
      %get3A_116 = vector.load %arg19[%get3A_114, %get3A_115] : memref<1x128xf32, #tpu.memory_space<vmem>>, vector<1x128xf32>
      %add3A_117 = vector.broadcast %get3A_116 : vector<1x128xf32> to vector<16x128xf32>
      %add3A_118 = arith.addf %dot_general3A_113, %add3A_117 : vector<16x128xf32>
      %max3A_119 = arith.constant 0.000000e+00 : f32
      %max3A_120 = vector.broadcast %max3A_119 : f32 to vector<16x128xf32>
      %max3A_121 = arith.maximumf %add3A_118, %max3A_120 : vector<16x128xf32>
      %get3A_122 = arith.constant 0 : index
      %get3A_123 = arith.constant 0 : index
      %get3A_124 = vector.load %arg20[%get3A_122, %get3A_123] : memref<128x64xf32, #tpu.memory_space<vmem>>, vector<128x64xf32>
      %dot_general3A_125 = arith.constant dense<0.000000e+00> : vector<16x64xf32>
      %dot_general3A_126 = tpu.matmul %max3A_121, %get3A_124, %dot_general3A_125 {dimension_numbers = #tpu.dot_dimension_numbers<[1], [0], [0], [1], [0, 0, 1, 1], [], []>, transpose_lhs_hint = false} : vector<16x128xf32>, vector<128x64xf32>, vector<16x64xf32> -> vector<16x64xf32>
      %get3A_127 = arith.constant 0 : index
      %get3A_128 = arith.constant 0 : index
      %get3A_129 = vector.load %arg21[%get3A_127, %get3A_128] : memref<1x64xf32, #tpu.memory_space<vmem>>, vector<1x64xf32>
      %add3A_130 = vector.broadcast %get3A_129 : vector<1x64xf32> to vector<16x64xf32>
      %add3A_131 = arith.addf %dot_general3A_126, %add3A_130 : vector<16x64xf32>
      %max3A_132 = arith.constant 0.000000e+00 : f32
      %max3A_133 = vector.broadcast %max3A_132 : f32 to vector<16x64xf32>
      %max3A_134 = arith.maximumf %add3A_131, %max3A_133 : vector<16x64xf32>
      %get3A_135 = arith.constant 0 : index
      %get3A_136 = arith.constant 0 : index
      %get3A_137 = vector.load %arg22[%get3A_135, %get3A_136] : memref<64x32xf32, #tpu.memory_space<vmem>>, vector<64x32xf32>
      %dot_general3A_138 = arith.constant dense<0.000000e+00> : vector<16x32xf32>
      %dot_general3A_139 = tpu.matmul %max3A_134, %get3A_137, %dot_general3A_138 {dimension_numbers = #tpu.dot_dimension_numbers<[1], [0], [0], [1], [0, 0, 1, 1], [], []>, transpose_lhs_hint = false} : vector<16x64xf32>, vector<64x32xf32>, vector<16x32xf32> -> vector<16x32xf32>
      %get3A_140 = arith.constant 0 : index
      %get3A_141 = arith.constant 0 : index
      %get3A_142 = vector.load %arg23[%get3A_140, %get3A_141] : memref<1x32xf32, #tpu.memory_space<vmem>>, vector<1x32xf32>
      %add3A_143 = vector.broadcast %get3A_142 : vector<1x32xf32> to vector<16x32xf32>
      %add3A_144 = arith.addf %dot_general3A_139, %add3A_143 : vector<16x32xf32>
      %swap3A_145 = arith.constant 0 : index
      %swap3A_146 = arith.constant 0 : index
      %swap3A_147 = vector.load %arg24[%swap3A_145, %swap3A_146] : memref<16x32xf32, #tpu.memory_space<vmem>>, vector<16x32xf32>
      tpu.vector_store %arg24[%swap3A_145, %swap3A_146], %add3A_144 {strides = array<i32>} : memref<16x32xf32, #tpu.memory_space<vmem>>, vector<16x32xf32>,
    } else {
    }
    return
  }
  func.func @transform_0(%arg0: i32) -> (i32, i32) {
    %c0_i32 = arith.constant 0 : i32
    %c0_i32_0 = arith.constant 0 : i32
    return %arg0, %c0_i32 : i32, i32
  }
  func.func @transform_1(%arg0: i32) -> (i32, i32) {
    %c0_i32 = arith.constant 0 : i32
    %c0_i32_0 = arith.constant 0 : i32
    return %arg0, %c0_i32 : i32, i32
  }
  func.func @transform_2(%arg0: i32) -> (i32, i32) {
    %c0_i32 = arith.constant 0 : i32
    %c0_i32_0 = arith.constant 0 : i32
    %c0_i32_1 = arith.constant 0 : i32
    return %c0_i32, %c0_i32_0 : i32, i32
  }
  func.func @transform_3(%arg0: i32) -> (i32, i32) {
    %c0_i32 = arith.constant 0 : i32
    %c0_i32_0 = arith.constant 0 : i32
    %c0_i32_1 = arith.constant 0 : i32
    return %c0_i32, %c0_i32_0 : i32, i32
  }
  func.func @transform_4(%arg0: i32) -> (i32, i32) {
    %c0_i32 = arith.constant 0 : i32
    %c0_i32_0 = arith.constant 0 : i32
    %c0_i32_1 = arith.constant 0 : i32
    return %c0_i32, %c0_i32_0 : i32, i32
  }
  func.func @transform_5(%arg0: i32) -> (i32, i32) {
    %c0_i32 = arith.constant 0 : i32
    %c0_i32_0 = arith.constant 0 : i32
    %c0_i32_1 = arith.constant 0 : i32
    return %c0_i32, %c0_i32_0 : i32, i32
  }
  func.func @transform_6(%arg0: i32) -> (i32, i32) {
    %c0_i32 = arith.constant 0 : i32
    %c0_i32_0 = arith.constant 0 : i32
    %c0_i32_1 = arith.constant 0 : i32
    return %c0_i32, %c0_i32_0 : i32, i32
  }
  func.func @transform_7(%arg0: i32) -> (i32, i32) {
    %c0_i32 = arith.constant 0 : i32
    %c0_i32_0 = arith.constant 0 : i32
    %c0_i32_1 = arith.constant 0 : i32
    return %c0_i32, %c0_i32_0 : i32, i32
  }
  func.func @transform_8(%arg0: i32) -> (i32, i32) {
    %c0_i32 = arith.constant 0 : i32
    %c0_i32_0 = arith.constant 0 : i32
    %c0_i32_1 = arith.constant 0 : i32
    return %c0_i32, %c0_i32_0 : i32, i32
  }
  func.func @transform_9(%arg0: i32) -> (i32, i32) {
    %c0_i32 = arith.constant 0 : i32
    %c0_i32_0 = arith.constant 0 : i32
    %c0_i32_1 = arith.constant 0 : i32
    return %c0_i32, %c0_i32_0 : i32, i32
  }
  func.func @transform_10(%arg0: i32) -> (i32, i32) {
    %c0_i32 = arith.constant 0 : i32
    %c0_i32_0 = arith.constant 0 : i32
    %c0_i32_1 = arith.constant 0 : i32
    return %c0_i32, %c0_i32_0 : i32, i32
  }
  func.func @transform_11(%arg0: i32) -> (i32, i32) {
    %c0_i32 = arith.constant 0 : i32
    %c0_i32_0 = arith.constant 0 : i32
    %c0_i32_1 = arith.constant 0 : i32
    return %c0_i32, %c0_i32_0 : i32, i32
  }
  func.func @transform_12(%arg0: i32) -> (i32, i32) {
    %c0_i32 = arith.constant 0 : i32
    %c0_i32_0 = arith.constant 0 : i32
    %c0_i32_1 = arith.constant 0 : i32
    return %c0_i32, %c0_i32_0 : i32, i32
  }
  func.func @transform_13(%arg0: i32) -> (i32, i32) {
    %c0_i32 = arith.constant 0 : i32
    %c0_i32_0 = arith.constant 0 : i32
    %c0_i32_1 = arith.constant 0 : i32
    return %c0_i32, %c0_i32_0 : i32, i32
  }
  func.func @transform_14(%arg0: i32) -> (i32, i32) {
    %c0_i32 = arith.constant 0 : i32
    %c0_i32_0 = arith.constant 0 : i32
    %c0_i32_1 = arith.constant 0 : i32
    return %c0_i32, %c0_i32_0 : i32, i32
  }
  func.func @transform_15(%arg0: i32) -> (i32, i32) {
    %c0_i32 = arith.constant 0 : i32
    %c0_i32_0 = arith.constant 0 : i32
    %c0_i32_1 = arith.constant 0 : i32
    return %c0_i32, %c0_i32_0 : i32, i32
  }
  func.func @transform_16(%arg0: i32) -> (i32, i32) {
    %c0_i32 = arith.constant 0 : i32
    %c0_i32_0 = arith.constant 0 : i32
    %c0_i32_1 = arith.constant 0 : i32
    return %c0_i32, %c0_i32_0 : i32, i32
  }
  func.func @transform_17(%arg0: i32) -> (i32, i32) {
    %c0_i32 = arith.constant 0 : i32
    %c0_i32_0 = arith.constant 0 : i32
    %c0_i32_1 = arith.constant 0 : i32
    return %c0_i32, %c0_i32_0 : i32, i32
  }
  func.func @transform_18(%arg0: i32) -> (i32, i32) {
    %c0_i32 = arith.constant 0 : i32
    %c0_i32_0 = arith.constant 0 : i32
    %c0_i32_1 = arith.constant 0 : i32
    return %c0_i32, %c0_i32_0 : i32, i32
  }
  func.func @transform_19(%arg0: i32) -> (i32, i32) {
    %c0_i32 = arith.constant 0 : i32
    %c0_i32_0 = arith.constant 0 : i32
    %c0_i32_1 = arith.constant 0 : i32
    return %c0_i32, %c0_i32_0 : i32, i32
  }
  func.func @transform_20(%arg0: i32) -> (i32, i32) {
    %c0_i32 = arith.constant 0 : i32
    %c0_i32_0 = arith.constant 0 : i32
    %c0_i32_1 = arith.constant 0 : i32
    return %c0_i32, %c0_i32_0 : i32, i32
  }
  func.func @transform_21(%arg0: i32) -> (i32, i32) {
    %c0_i32 = arith.constant 0 : i32
    %c0_i32_0 = arith.constant 0 : i32
    %c0_i32_1 = arith.constant 0 : i32
    return %c0_i32, %c0_i32_0 : i32, i32
  }
  func.func @transform_22(%arg0: i32) -> (i32, i32) {
    %c0_i32 = arith.constant 0 : i32
    %c0_i32_0 = arith.constant 0 : i32
    %c0_i32_1 = arith.constant 0 : i32
    return %c0_i32, %c0_i32_0 : i32, i32
  }
  func.func @transform_23(%arg0: i32) -> (i32, i32) {
    %c0_i32 = arith.constant 0 : i32
    %c0_i32_0 = arith.constant 0 : i32
    %c0_i32_1 = arith.constant 0 : i32
    return %c0_i32, %c0_i32_0 : i32, i32
  }
}

</mosaic_0001>

<sc_bundles>
// kernel: kernel.15.cloned.1.call-start
scs
__scs_entry_jumppad:
0x0: {  	(pc) =	sbr.rel $0x88, $3  }
0x1: {  	(tag) =	ssettag $0x0;
	lr =	simm.s32 $0x1  }
0x2: {  	[smem:$0x3F72] =	sst lr;
	_ =	strace $0xD0000000  }
0x3: {  	_ = 	snop  }
0x4: {  	_ = 	snop  }
0x5: {  	_ = 	snop  }
0x6: {  	_ = 	snop  }
0x7: {  	_ = 	snop  }
__scs_overlays_trampoline_lowered:
0x8: {  	[smem:$0x3F81] =	sst s0  }
0x9: {  	[smem:$0x3F82] =	sst s1  }
0xa: {  	[smem:$0x3F83] =	sst s2  }
0xb: {  	[smem:$0x3F84] =	sst s3  }
0xc: {  	[smem:$0x3F85] =	sst s4  }
0xd: {  	[smem:$0x3F86] =	sst s5  }
0xe: {  	[smem:$0x3F87] =	sst s6  }
0xf: {  	[smem:$0x3F88] =	sst s7  }
0x10: {  	[smem:$0x3F89] =	sst s8  }
0x11: {  	[smem:$0x3F8A] =	sst s9;
	s0 =	simm.s32 @!p0 $0x0  }
0x12: {  	s1 =	sld [smem:$0x3F70];
	s0 =	simm.s32 @p0 $0x1  }
0x13: {  	[smem:$0x3F8B] =	sst s0;
	s0 =	simm.s32 @!p1 $0x0  }
0x14: {  	s2 =	sld [smem:$0x3F6F];
	s0 =	simm.s32 @p1 $0x1  }
0x15: {  	[smem:$0x3F8C] =	sst s0;
	s0 =	simm.s32 @!p2 $0x0  }
0x16: {  	s3 =	sld [smem:$0x3FDB];
	s0 =	simm.s32 @p2 $0x1  }
0x17: {  	s4 =	simm.s32 $0x1BF5;
	[smem:$0x3F8E] =	sst s0  }
0x18: {  	s0 =	sld [smem:$0x3F71];
	_ =	swait.ge [sflag:s4], $0x0  }
0x19: {  	s7 =	sld [smem:$0x3F72]  }
0x1a: {  	s8 =	sadd.s32 $0xFFFFE003, lr  }
0x1b: {  	s9 =	sadd.s32 $0xFFFFFEF7, lr;
	s5 =	simm.s32 $0xFFFFFFFF;
	p2 =	slt.u32 s8, $0xFFFFF086  }
0x1c: {  	p1 =	slt.u32 s9, $0xF7A;
	s5 =	simm.s32 @!p2 $0x0  }
0x1d: {  	s5 =	simm.s32 @p1 $0x1;
	p0 =	seq.s32 s7, s2  }
0x1e: {  	s7 =	smul.u32 @!p0 $0xF7A, s2;
	p2 =	seq.s32 @!p0 s5, $0x0  }
0x1f: {  	s9 =	smul.u32 $0xF7A, s1;
	s8 =	simm.s32 @!p0 $0x1BF5;
	p2 =	por !p2, p0  }
0x20: {  	[sflag:s8] =	ssyncset.s32 @!p0 $0xFFFFF086;
	s6 =	sadd.s32 @!p0 s3, s7;
	s7 =	simm.s32 @!p0 $0x108  }
0x21: {  	s3 =	sadd.s32 s3, s9;
	s6 =	sadd.s32 @!p0 $0x88, s6;
	s7 =	simm.s32 @p2 $0x1082  }
0x22: {  	[simem:s7], [sflag:s8] =	dma.local @!p0 [hbm:s6], $0xF7A  }
0x23: {  	s9 =	sor.u32 $0xD0000000, s2;
	s6 =	simm.s32 $0x108;
	_ =	swait.ge @!p0 [sflag:s8], $0x0  }
0x24: {  	s3 =	sadd.s32 $0x88, s3;
	s6 =	simm.s32 @!p1 $0x1082;
	[sflag:s4] =	ssyncset.s32 $0xFFFFF086  }
0x25: {  	[simem:s6], [sflag:s4] =	dma.local [hbm:s3], $0xF7A  }
0x26: {  	[smem:$0x3F72] =	sst s1;
	(tag) =	ssettag s2;
	_ =	strace s9  }
0x27: {  	s1 =	sld [smem:$0x3F82]  }
0x28: {  	s2 =	sld [smem:$0x3F83]  }
0x29: {  	s4 =	sld [smem:$0x3F85]  }
0x2a: {  	p0 =	seq.s32 s5, $0x0;
	s5 =	sld [smem:$0x3F86]  }
0x2b: {  	s6 =	sld [smem:$0x3F87]  }
0x2c: {  	s7 =	sld [smem:$0x3F88]  }
0x2d: {  	s3 =	simm.s32 $0x108;
	s8 =	sld [smem:$0x3F89]  }
0x2e: {  	s3 =	simm.s32 @!p0 $0x1082;
	s9 =	sld [smem:$0x3F8A]  }
0x2f: {  	lr =	sadd.s32 s0, s3;
	s0 =	sld [smem:$0x3F81]  }
0x30: {  	s3 =	sld [smem:$0x3F84]  }
0x31: {  	[smem:$0x3F8D] =	sst s10  }
0x32: {  	s10 =	sld [smem:$0x3F8B];
	_ =	sdelay $0x3  }
0x33: {  	p0 =	seq.s32 s10, $0x1;
	s10 =	sld [smem:$0x3F8D];
	_ =	sdelay $0x3  }
0x34: {  	[smem:$0x3F8D] =	sst s10  }
0x35: {  	s10 =	sld [smem:$0x3F8C];
	_ =	sdelay $0x3  }
0x36: {  	p1 =	seq.s32 s10, $0x1;
	s10 =	sld [smem:$0x3F8D];
	_ =	sdelay $0x3  }
0x37: {  	[smem:$0x3F8D] =	sst s10  }
0x38: {  	s10 =	sld [smem:$0x3F8E]  }
0x39: {  	_ = 	snop;
	(pc) =	sbr.ind lr, $3  }
0x3a: {  	_ = 	snop  }
0x3b: {  	_ = 	snop  }
0x3c: {  	p2 =	seq.s32 s10, $0x1;
	s10 =	sld [smem:$0x3F8D]  }
0x3d: {  	_ =	shalt  }
0x3e: {  	_ =	shalt  }
0x3f: {  	_ =	shalt  }
0x40: {  	_ =	shalt  }
0x41: {  	_ =	shalt  }
0x42: {  	_ =	shalt  }
0x43: {  	_ =	shalt  }
0x44: {  	_ =	shalt  }
0x45: {  	_ =	shalt  }
0x46: {  	_ =	shalt  }
0x47: {  	_ =	shalt  }
0x48: {  	_ =	shalt  }
0x49: {  	_ =	shalt  }
0x4a: {  	_ =	shalt  }
0x4b: {  	_ =	shalt  }
0x4c: {  	_ =	shalt  }
0x4d: {  	_ =	shalt  }
0x4e: {  	_ =	shalt  }
0x4f: {  	_ =	shalt  }
0x50: {  	_ =	shalt  }
0x51: {  	_ =	shalt  }
0x52: {  	_ =	shalt  }
0x53: {  	_ =	shalt  }
0x54: {  	_ =	shalt  }
0x55: {  	_ =	shalt  }
0x56: {  	_ =	shalt  }
0x57: {  	_ =	shalt  }
0x58: {  	_ =	shalt  }
0x59: {  	_ =	shalt  }
0x5a: {  	_ =	shalt  }
0x5b: {  	_ =	shalt  }
0x5c: {  	_ =	shalt  }
0x5d: {  	_ =	shalt  }
0x5e: {  	_ =	shalt  }
0x5f: {  	_ =	shalt  }
0x60: {  	_ =	shalt  }
0x61: {  	_ =	shalt  }
0x62: {  	_ =	shalt  }
0x63: {  	_ =	shalt  }
0x64: {  	_ =	shalt  }
0x65: {  	_ =	shalt  }
0x66: {  	_ =	shalt  }
0x67: {  	_ =	shalt  }
0x68: {  	_ =	shalt  }
0x69: {  	_ =	shalt  }
0x6a: {  	_ =	shalt  }
0x6b: {  	_ =	shalt  }
0x6c: {  	_ =	shalt  }
0x6d: {  	_ =	shalt  }
0x6e: {  	_ =	shalt  }
0x6f: {  	_ =	shalt  }
0x70: {  	_ =	shalt  }
0x71: {  	_ =	shalt  }
0x72: {  	_ =	shalt  }
0x73: {  	_ =	shalt  }
0x74: {  	_ =	shalt  }
0x75: {  	_ =	shalt  }
0x76: {  	_ =	shalt  }
0x77: {  	_ =	shalt  }
0x78: {  	_ =	shalt  }
0x79: {  	_ =	shalt  }
0x7a: {  	_ =	shalt  }
0x7b: {  	_ =	shalt  }
0x7c: {  	_ =	shalt  }
0x7d: {  	_ =	shalt  }
0x7e: {  	_ =	shalt  }
0x7f: {  	_ =	shalt  }
0x80: {  	_ =	shalt  }
0x81: {  	_ =	shalt  }
0x82: {  	_ =	shalt  }
0x83: {  	_ =	shalt  }
0x84: {  	_ =	shalt  }
0x85: {  	_ =	shalt  }
0x86: {  	_ =	shalt  }
0x87: {  	_ =	shalt  }
.Lfunc_end0:
.L_simem_size_0:
called_computation_lowered:
.L_overlay_start_0:
0x88: {  	s2 =	sld [smem:$0x3FD9]  }
0x89: {  	s3 =	sld [smem:$0x3FFE];
	_ =	sdelay $0x1  }
0x8a: {  	s1 =	srdreg.scid  }
0x8b: {  	s0 =	sand.u32 $0x1, s1  }
0x8c: {  	s16 =	sshll.u32 s0, $0xA;
	s2 =	sadd.s32 s3, s2  }
0x8d: {  	s2 =	sadd.s32 s2, s16  }
0x8e: {  	[smem:$0x3F99] =	sst s2  }
0x8f: {  	_ = 	snop  }
0x90: {  	(tm) =	ssettm $0x1  }
0x91: {  	s17 =	sld [smem:$0x3FFB];
	_ =	sdelay $0x3  }
0x92: {  	_ =	strace s17  }
0x93: {  	s2 =	sld [smem:$0x3FFC];
	_ =	sdelay $0x3  }
0x94: {  	_ =	strace s2  }
0x95: {  	s2 =	sld [smem:$0x3FFD];
	_ =	sdelay $0x3  }
0x96: {  	_ =	strace s2  }
0x97: {  	_ =	strace $0x8FFFFFFF  }
0x98: {  	s18 =	sld [smem:$0x3FDB];
	_ =	sdelay $0x1  }
0x99: {  	s19 =	simm.s32 $_scs_section_size  }
0x9a: {  	s4 =	simm.s32 $_size__tile_overlayer_lowered;
	s5 =	simm.s32 $_tile_overlayer_lowered  }
0x9b: {  	s22 =	simm.s32 $0x1BFF;
	s21 =	sshll.u32 s5, $0x1;
	s2 =	sadd.s32 s19, s18  }
0x9c: {  	s6 =	simm.s32 $0x0;
	s20 =	sshll.u32 s4, $0x1;
	s4 =	sadd.s32 s21, s2  }
0x9d: {  	[timem:s6], [sflag:s22] =	dma.local [hbm:s4], s20  }
0x9e: {  	_ =	swait.ge [sflag:s22], s20  }
0x9f: {  	s3 =	ssub.s32 $0x0, s20;
	[sflag:s22] =	ssyncset.done $0x0  }
0xa0: {  	[sflag:s22] =	ssyncadd.s32 s3;
	_ =	sdelay $0x1  }
0xa1: {  	s23 =	simm.s32 $0x1B8B  }
0xa2: {  	_ =	swait.ge [sflag:s23], $0x1  }
0xa3: {  	[sflag:s23] =	ssyncset.done $0x0  }
0xa4: {  	s25 =	simm.s32 $0x1B8E;
	s24 =	sld [smem:$0x3FFE];
	[sflag:s23] =	ssyncadd.s32 $0xFFFFFFFF  }
0xa5: {  	s26 =	simm.s32 $execute0_lowered;
	[smem:$0x3FD2] =	sst s25  }
0xa6: {  	s4 =	sshll.u32 s26, $0x1;
	_ =	strace $0x80000046;
	[dreg:$0x1] =	wrdreg $0xFFFFFFFF  }
0xa7: {  	s28 =	simm.s32 $_size_execute0_lowered;
	s2 =	sadd.s32 s2, s4;
	[dreg:$0x0] =	wrdreg $0x0  }
0xa8: {  	s4 =	sshll.u32 s28, $0x1;
	[dreg:$0x2] =	wrdreg s2  }
0xa9: {  	[dreg:$0x3] =	wrdreg s4  }
0xaa: {  	[dreg:$0x4] =	wrdreg $0xC0  }
0xab: {  	_ =	task [dreg:s6], $0x5FFFF  }
0xac: {  	[dreg:$0x1] =	wrdreg $0xFFFFFFFF  }
0xad: {  	[dreg:$0x0] =	wrdreg $0x60  }
0xae: {  	[dreg:$0x2] =	wrdreg s24  }
0xaf: {  	[dreg:$0x3] =	wrdreg $0x9  }
0xb0: {  	_ =	task.clear_ibuf [dreg:s6], $0x4FFFF;
	_ =	strace $0x90000046  }
0xb1: {  	s29 =	simm.s32 $0x9;
	_ =	strace $0x80000048  }
0xb2: {  	_ =	swait.ge [sflag:s29], $0x1  }
0xb3: {  	[sflag:s29] =	ssyncadd.s32 $0xFFFFFFFF  }
0xb4: {  	_ =	strace $0x90000048  }
0xb5: {  	_ =	sfence  }
0xb6: {  	s30 =	sld [smem:$0x0];
	_ =	sdelay $0x2  }
0xb7: {  	s31 =	sshll.u32 s1, $0xD;
	s1 =	sshrl.u32 s1, $0x2  }
0xb8: {  	s3 =	sand.u32 $0x4000, s31;
	s1 =	sadd.s32 s1, s30  }
0xb9: {  	s0 =	sor.u32 s3, s0;
	s1 =	sshll.u32 s1, $0x11  }
0xba: {  	s0 =	sor.u32 s1, s0  }
0xbb: {  	s0 =	sadd.s32 $0x8F2B, s0  }
0xbc: {  	[sflag:s0] =	ssyncadd.remote.s32 $0x1  }
0xbd: {  	_ =	sfence.sel $0xFFFF  }
0xbe: {  	[dreg:$0x0] =	wrdreg $0xFFFFFFFF;
	(pc) =	sbr.abs _section_cstart, $3  }
0xbf: {  	[dreg:$0x1] =	wrdreg $0xFFFFFFFF  }
0xc0: {  	_ =	task.clear_ibuf [dreg:s6], $0x2FFFF;
	_ =	strace $0x9FFFFFFF  }
0xc1: {  	(tm) =	ssettm $0x7FFFFFFF  }
tec
execute0_lowered:
.L_overlay_start_1:
0x0: {  	(tag) =	ssettag $0x1  }
0x1: {  	s4 =	rddreg [dreg:$0x0]  }
0x2: {  	s3 =	srdreg.scid;
	s0 =	stileid.u32  }
0x3: {  	s2 =	simm.s32 $0x0;
	s12 =	simm.s32 $0x23A0;
	s13 =	simm.s32 $0x100  }
0x4: {  	s14 =	simm.s32 $0x3340;
	s15 =	simm.s32 $0x180;
	s16 =	simm.s32 $0x42E0  }
0x5: {  	s17 =	simm.s32 $0x200;
	s18 =	simm.s32 $0x5280;
	s19 =	simm.s32 $0x1  }
0x6: {  	s20 =	simm.s32 $0x20;
	s21 =	simm.s32 $0x6220;
	s22 =	simm.s32 $0x0  }
0x7: {  	s5 =	sand.u32 $0x1, s3;
	s29 =	sshll.u32 s0, $0x1;
	[smem:$0x7FF] =	sst s2  }
0x8: {  	s3 =	sadd.s32 $0x33600, s4;
	s10 =	smul.u32 $0x27100, s0;
	s6 =	sor.u32 s5, s29  }
0x9: {  	s11 =	sadd.s32 $0x42400, s4;
	s8 =	ssub.s32 $0x2, s5;
	s7 =	smul.u32 $0x280, s6  }
0xa: {  	_ =	strace $0x80000047;
	s6 =	smul.u32 $0x13880, s6;
	s9 =	sshrl.u32 s8, $0x1  }
0xb: {  	s30 =	smul.u32 $0x13880, s5;
	s31 =	sadd.s32 s10, s11;
	s8 =	ssub.s32 s8, s9  }
0xc: {  	s9 =	simm.s32 $0x7D;
	s7 =	sadd.s32 s7, s4;
	s6 =	sadd.s32 s11, s6  }
0xd: {  	s5 =	smax.u32 s8, $0x1;
	s8 =	simm.s32 $0x2;
	s11 =	simm.s32 $0x80  }
0xe: {  	s4 =	sadd.s32 $0x3D400, s7;
	s6 =	sadd.s32 $0x11170, s6;
	s7 =	sadd.s32 s30, s31  }
.LBB2_1:
0xf: {  	[tilespmem:s2], [sflag:$0x2] =	stream.linear.gather [hbm4b:s4+s2], $0x1400, $0x38;
	[tilespmem:$0xB040] =	vst v63  }
0x10: {  	_ =	swait.ge [sflag:s8], $0x1400  }
0x11: {  	[sflag:s8] =	ssyncset.done $0x0  }
0x12: {  	s0 =	simm.s32 $0x1400;
	[sflag:s8] =	ssyncadd.s32 $0xFFFFEC00  }
0x13: {  	[tilespmem:s0], [sflag:$0x1] =	stream.indirect.gather [hbm4b:s3+s9], $0x20, s2, s9, $0xb8;
	[tilespmem:$0xB040] =	vst v63  }
0x14: {  	s23 =	sand.u32 $0x1, s2  }
0x15: {  	[tilespmem:s12], [sflag:$0x1] =	stream.indirect.gather [hbm4b:s3+s9], $0x20, s11, s9, $0xb8;
	[tilespmem:$0xB040] =	vst v63  }
0x16: {  	s24 =	sxor.u32 $0x1, s23  }
0x17: {  	[tilespmem:s14], [sflag:$0x1] =	stream.indirect.gather [hbm4b:s3+s9], $0x20, s13, s9, $0xb8;
	[tilespmem:$0xB040] =	vst v63  }
0x18: {  	s24 =	smul.u32 $0x13880, s24  }
0x19: {  	[tilespmem:s16], [sflag:$0x1] =	stream.indirect.gather [hbm4b:s3+s9], $0x20, s15, s9, $0xb8;
	[tilespmem:$0xB040] =	vst v63  }
0x1a: {  	s24 =	sshrl.u32 s24, $0x2  }
0x1b: {  	[tilespmem:s18], [sflag:$0x1] =	stream.indirect.gather [hbm4b:s3+s9], $0x20, s17, s9, $0xb8;
	[tilespmem:$0xB040] =	vst v63  }
0x1c: {  	s26 =	simm.s32 $0x280;
	s25 =	sadd.s32 $0x1400, s24  }
0x1d: {  	[tilespmem:s25], [sflag:$0x1] =	stream.indirect.gather [hbm4b:s3+s9], $0x20, s26, s9, $0xb8;
	[tilespmem:$0xB040] =	vst v63  }
0x1e: {  	s28 =	simm.s32 $0x300;
	s26 =	sadd.s32 $0x23A0, s24  }
0x1f: {  	[tilespmem:s26], [sflag:$0x1] =	stream.indirect.gather [hbm4b:s3+s9], $0x20, s28, s9, $0xb8;
	[tilespmem:$0xB040] =	vst v63  }
0x20: {  	s0 =	simm.s32 $0x380;
	s29 =	sadd.s32 $0x3340, s24  }
0x21: {  	[tilespmem:s29], [sflag:$0x1] =	stream.indirect.gather [hbm4b:s3+s9], $0x20, s0, s9, $0xb8;
	[tilespmem:$0xB040] =	vst v63  }
0x22: {  	s10 =	simm.s32 $0x400;
	s1 =	sadd.s32 $0x42E0, s24  }
0x23: {  	[tilespmem:s1], [sflag:$0x1] =	stream.indirect.gather [hbm4b:s3+s9], $0x20, s10, s9, $0xb8;
	[tilespmem:$0xB040] =	vst v63  }
0x24: {  	s24 =	sadd.s32 $0x5280, s24;
	s26 =	simm.s32 $0x480  }
0x25: {  	[tilespmem:s24], [sflag:$0x1] =	stream.indirect.gather [hbm4b:s3+s9], $0x20, s26, s9, $0xb8;
	[tilespmem:$0xB040] =	vst v63  }
0x26: {  	_ =	swait.ge [sflag:s19], $0xFA0  }
0x27: {  	[sflag:s19] =	ssyncset.done $0x0  }
0x28: {  	[sflag:s19] =	ssyncadd.s32 $0xFFFFF060  }
0x29: {  	_ =	swait.ge [sflag:s19], $0xFA0  }
0x2a: {  	[sflag:s19] =	ssyncset.done $0x0  }
0x2b: {  	[sflag:s19] =	ssyncadd.s32 $0xFFFFF060  }
0x2c: {  	_ =	swait.ge [sflag:s19], $0xFA0  }
0x2d: {  	[sflag:s19] =	ssyncset.done $0x0  }
0x2e: {  	[sflag:s19] =	ssyncadd.s32 $0xFFFFF060  }
0x2f: {  	s25 =	simm.s32 $0x1;
	_ =	swait.ge [sflag:s19], $0xFA0  }
0x30: {  	s23 =	smul.u32 $0x13880, s23;
	s28 =	sand.u32 $0x1, s25;
	[sflag:s19] =	ssyncset.done $0x0  }
0x31: {  	s29 =	sxor.u32 $0x1, s28;
	s24 =	smul.u32 $0x13880, s28;
	[sflag:s19] =	ssyncadd.s32 $0xFFFFF060  }
0x32: {  	s23 =	sshrl.u32 s23, $0x2;
	s28 =	smul.u32 $0x13880, s29;
	_ =	swait.ge [sflag:s19], $0xFA0  }
0x33: {  	s31 =	simm.s32 $0x1400;
	s23 =	sadd.s32 $0x1400, s23;
	[sflag:s19] =	ssyncset.done $0x0  }
0x34: {  	s26 =	simm.s32 $0xA00;
	s30 =	sshrl.u32 s28, $0x2;
	[sflag:s19] =	ssyncadd.s32 $0xFFFFF060  }
0x35: {  	[hbm4b:s7+s20] =	stream.strided.scatter [tilespmem:s23], [sflag:$0x2], $0x4E20, s11, s20, $0x38;
	[tilespmem:$0xB040] =	vst v63  }
0x36: {  	s24 =	sshrl.u32 s24, $0x2;
	s23 =	sadd.s32 $0x2710, s7;
	_ =	swait.ge [sflag:s8], $0x4E20  }
.LBB2_2:
0x37: {  	s0 =	sadd.s32 $0x1400, s30;
	s1 =	sshra.s32 s26, $0x2  }
0x38: {  	[sflag:s8] =	ssyncset.done $0x0;
	s26 =	smov.u32 s31;
	s29 =	smov.u32 s23  }
0x39: {  	s28 =	sadd.s32 $0xA00, s31;
	s10 =	sadd.s32 $0x280, s1;
	[sflag:s8] =	ssyncadd.s32 $0xFFFFB1E0  }
0x3a: {  	[tilespmem:s0], [sflag:$0x1] =	stream.indirect.gather [hbm4b:s3+s9], $0x20, s10, s9, $0xb8;
	[tilespmem:$0xB040] =	vst v63  }
0x3b: {  	p0 =	sne.s32 s31, $0x3C00;
	s0 =	sadd.s32 $0x23A0, s30;
	s10 =	sadd.s32 $0x300, s1  }
0x3c: {  	[tilespmem:s0], [sflag:$0x1] =	stream.indirect.gather [hbm4b:s3+s9], $0x20, s10, s9, $0xb8;
	[tilespmem:$0xB040] =	vst v63  }
0x3d: {  	s0 =	sadd.s32 $0x3340, s30;
	s10 =	sadd.s32 $0x380, s1  }
0x3e: {  	[tilespmem:s0], [sflag:$0x1] =	stream.indirect.gather [hbm4b:s3+s9], $0x20, s10, s9, $0xb8;
	[tilespmem:$0xB040] =	vst v63  }
0x3f: {  	s0 =	sadd.s32 $0x42E0, s30;
	s10 =	sadd.s32 $0x400, s1  }
0x40: {  	[tilespmem:s0], [sflag:$0x1] =	stream.indirect.gather [hbm4b:s3+s9], $0x20, s10, s9, $0xb8;
	[tilespmem:$0xB040] =	vst v63  }
0x41: {  	s1 =	sadd.s32 $0x480, s1;
	s0 =	sadd.s32 $0x5280, s30  }
0x42: {  	[tilespmem:s0], [sflag:$0x1] =	stream.indirect.gather [hbm4b:s3+s9], $0x20, s1, s9, $0xb8;
	[tilespmem:$0xB040] =	vst v63  }
0x43: {  	_ =	swait.ge [sflag:s19], $0xFA0  }
0x44: {  	[sflag:s19] =	ssyncset.done $0x0  }
0x45: {  	[sflag:s19] =	ssyncadd.s32 $0xFFFFF060  }
0x46: {  	_ =	swait.ge [sflag:s19], $0xFA0  }
0x47: {  	[sflag:s19] =	ssyncset.done $0x0  }
0x48: {  	[sflag:s19] =	ssyncadd.s32 $0xFFFFF060  }
0x49: {  	_ =	swait.ge [sflag:s19], $0xFA0  }
0x4a: {  	[sflag:s19] =	ssyncset.done $0x0  }
0x4b: {  	[sflag:s19] =	ssyncadd.s32 $0xFFFFF060  }
0x4c: {  	_ =	swait.ge [sflag:s19], $0xFA0  }
0x4d: {  	s25 =	sadd.s32 $0x1, s25;
	[sflag:s19] =	ssyncset.done $0x0  }
0x4e: {  	s23 =	sadd.s32 $0x2710, s23;
	s0 =	sadd.s32 $0x1400, s24;
	[sflag:s19] =	ssyncadd.s32 $0xFFFFF060  }
.Ltmp0:
0x4f: {  	s1 =	sand.u32 $0x1, s25;
	_ =	swait.ge [sflag:s19], $0xFA0;
	(pc) =	sbr.rel @p0 .LBB2_2-.Ltmp0, $4  }
0x50: {  	s10 =	sxor.u32 $0x1, s1;
	s1 =	smul.u32 $0x13880, s1;
	[sflag:s19] =	ssyncset.done $0x0  }
0x51: {  	s31 =	smov.u32 s28;
	s10 =	smul.u32 $0x13880, s10;
	[sflag:s19] =	ssyncadd.s32 $0xFFFFF060  }
0x52: {  	[hbm4b:s29+s20] =	stream.strided.scatter [tilespmem:s0], [sflag:$0x2], $0x4E20, s11, s20, $0x38;
	[tilespmem:$0xB040] =	vst v63  }
0x53: {  	s24 =	sshrl.u32 s1, $0x2;
	s30 =	sshrl.u32 s10, $0x2;
	_ =	swait.ge [sflag:s8], $0x4E20  }
0x54: {  	s0 =	sshra.s32 s26, $0x2;
	[sflag:s8] =	ssyncset.done $0x0  }
0x55: {  	s1 =	sadd.s32 $0x1400, s30;
	s10 =	sadd.s32 $0x280, s0;
	[sflag:s8] =	ssyncadd.s32 $0xFFFFB1E0  }
0x56: {  	[tilespmem:s1], [sflag:$0x1] =	stream.indirect.gather [hbm4b:s3+s9], $0x20, s10, s9, $0xb8;
	[tilespmem:$0xB040] =	vst v63  }
0x57: {  	s29 =	sadd.s32 $0x23A0, s30;
	s31 =	sadd.s32 $0x300, s0  }
0x58: {  	[tilespmem:s29], [sflag:$0x1] =	stream.indirect.gather [hbm4b:s3+s9], $0x20, s31, s9, $0xb8;
	[tilespmem:$0xB040] =	vst v63  }
0x59: {  	s25 =	sadd.s32 $0x3340, s30;
	s26 =	sadd.s32 $0x380, s0  }
0x5a: {  	[tilespmem:s25], [sflag:$0x1] =	stream.indirect.gather [hbm4b:s3+s9], $0x20, s26, s9, $0xb8;
	[tilespmem:$0xB040] =	vst v63  }
0x5b: {  	s28 =	sadd.s32 $0x42E0, s30;
	s29 =	sadd.s32 $0x400, s0  }
0x5c: {  	[tilespmem:s28], [sflag:$0x1] =	stream.indirect.gather [hbm4b:s3+s9], $0x20, s29, s9, $0xb8;
	[tilespmem:$0xB040] =	vst v63  }
0x5d: {  	s30 =	sadd.s32 $0x5280, s30;
	s0 =	sadd.s32 $0x480, s0  }
0x5e: {  	[tilespmem:s30], [sflag:$0x1] =	stream.indirect.gather [hbm4b:s3+s9], $0x20, s0, s9, $0xb8;
	[tilespmem:$0xB040] =	vst v63  }
0x5f: {  	_ =	swait.ge [sflag:s19], $0xFA0  }
0x60: {  	[sflag:s19] =	ssyncset.done $0x0  }
0x61: {  	[sflag:s19] =	ssyncadd.s32 $0xFFFFF060  }
0x62: {  	_ =	swait.ge [sflag:s19], $0xFA0  }
0x63: {  	[sflag:s19] =	ssyncset.done $0x0  }
0x64: {  	[sflag:s19] =	ssyncadd.s32 $0xFFFFF060  }
0x65: {  	_ =	swait.ge [sflag:s19], $0xFA0  }
0x66: {  	[sflag:s19] =	ssyncset.done $0x0  }
0x67: {  	[sflag:s19] =	ssyncadd.s32 $0xFFFFF060  }
0x68: {  	_ =	swait.ge [sflag:s19], $0xFA0  }
0x69: {  	[sflag:s19] =	ssyncset.done $0x0  }
0x6a: {  	[sflag:s19] =	ssyncadd.s32 $0xFFFFF060  }
0x6b: {  	_ =	swait.ge [sflag:s19], $0xFA0  }
0x6c: {  	[sflag:s19] =	ssyncset.done $0x0  }
0x6d: {  	s31 =	sadd.s32 $0x1400, s24;
	[sflag:s19] =	ssyncadd.s32 $0xFFFFF060  }
0x6e: {  	[hbm4b:s23+s20] =	stream.strided.scatter [tilespmem:s31], [sflag:$0x2], $0x4E20, s11, s20, $0x38;
	[tilespmem:$0xB040] =	vst v63  }
0x6f: {  	_ =	swait.ge [sflag:s8], $0x4E20  }
0x70: {  	[sflag:s8] =	ssyncset.done $0x0  }
0x71: {  	[sflag:s8] =	ssyncadd.s32 $0xFFFFB1E0  }
0x72: {  	_ =	swait.ge [sflag:s19], $0xFA0  }
0x73: {  	[sflag:s19] =	ssyncset.done $0x0  }
0x74: {  	[sflag:s19] =	ssyncadd.s32 $0xFFFFF060  }
0x75: {  	_ =	swait.ge [sflag:s19], $0xFA0  }
0x76: {  	[sflag:s19] =	ssyncset.done $0x0  }
0x77: {  	[sflag:s19] =	ssyncadd.s32 $0xFFFFF060  }
0x78: {  	_ =	swait.ge [sflag:s19], $0xFA0  }
0x79: {  	[sflag:s19] =	ssyncset.done $0x0  }
0x7a: {  	[sflag:s19] =	ssyncadd.s32 $0xFFFFF060  }
0x7b: {  	_ =	swait.ge [sflag:s19], $0xFA0  }
0x7c: {  	[sflag:s19] =	ssyncset.done $0x0  }
0x7d: {  	[sflag:s19] =	ssyncadd.s32 $0xFFFFF060  }
0x7e: {  	s22 =	sadd.s32 $0x1, s22;
	_ =	swait.ge [sflag:s19], $0xFA0  }
0x7f: {  	p0 =	sne.s32 s22, s5;
	[sflag:s19] =	ssyncset.done $0x0  }
.Ltmp1:
0x80: {  	[sflag:s19] =	ssyncadd.s32 $0xFFFFF060;
	(pc) =	sbr.rel @p0 .LBB2_1-.Ltmp1, $4  }
0x81: {  	[hbm4b:s6+s20] =	stream.strided.scatter [tilespmem:s21], [sflag:$0x2], $0x4E20, s11, s20, $0x38;
	[tilespmem:$0xB040] =	vst v63  }
0x82: {  	_ =	swait.ge [sflag:s8], $0x4E20  }
0x83: {  	[sflag:s8] =	ssyncset.done $0x0  }
0x84: {  	[sflag:s8] =	ssyncadd.s32 $0xFFFFB1E0  }
0x85: {  	_ =	sfence.sel $0x180000  }
0x86: {  	[bflag:$0x0] =	sbarrier.arrive $0xFFFF  }
0x87: {  	_ =	strace $0x90000047  }
0x88: {  	s0 =	stileid.u32;
	[bflag:$0x2] =	sbarrier.arrive $0xFFFF  }
0x89: {  	p0 =	sne.s32 s0, $0x0;
	s0 =	rddreg [dreg:$0x1]  }
0x8a: {  	s0 =	sadd.s32 @!p0 $0x100000, s0  }
0x8b: {  	[sflag:s0] =	ssyncadd.tile.s32 @!p0 $0x1;
	_ =	shalt  }
.Lfunc_end2:
_tile_overlayer_lowered:
.L_overlay_start_2:
0x8c: {  	(tag) =	ssettag $0x2  }
0x8d: {  	s0 =	rddreg [dreg:$0x0];
	s2 =	stileid.u32  }
0x8e: {  	s1 =	rddreg [dreg:$0x1];
	p0 =	sne.s32 s2, $0x0  }
0x8f: {  	s3 =	rddreg [dreg:$0x2];
	[bflag:$0x3] =	sbarrier.arrive $0xFFFF;
	s2 =	simm.s32 @!p0 $0x1C02  }
0x90: {  	[timem:s3], [sflag:s2] =	dma.local @!p0 [hbm:s0], s1  }
0x91: {  	s0 =	simm.s32 @!p0 $0x2  }
0x92: {  	_ =	swait.ge @!p0 [sflag:s0], s1  }
0x93: {  	s1 =	ssub.s32 @!p0 $0x0, s1;
	[sflag:s0] =	ssyncset.done @!p0 $0x0  }
0x94: {  	[sflag:s0] =	ssyncadd.s32 @!p0 s1  }
0x95: {  	[bflag:$0x3] =	sbarrier.arrive $0xFFFF  }
0x96: {  	_ =	shalt  }

// kernel: kernel.18.cloned.1.call-start
scs
__scs_entry_jumppad:
0x0: {  	(pc) =	sbr.rel $0x88, $3  }
0x1: {  	(tag) =	ssettag $0x0;
	lr =	simm.s32 $0x1  }
0x2: {  	[smem:$0x3F72] =	sst lr;
	_ =	strace $0xD0000000  }
0x3: {  	_ = 	snop  }
0x4: {  	_ = 	snop  }
0x5: {  	_ = 	snop  }
0x6: {  	_ = 	snop  }
0x7: {  	_ = 	snop  }
__scs_overlays_trampoline_lowered:
0x8: {  	[smem:$0x3F81] =	sst s0  }
0x9: {  	[smem:$0x3F82] =	sst s1  }
0xa: {  	[smem:$0x3F83] =	sst s2  }
0xb: {  	[smem:$0x3F84] =	sst s3  }
0xc: {  	[smem:$0x3F85] =	sst s4  }
0xd: {  	[smem:$0x3F86] =	sst s5  }
0xe: {  	[smem:$0x3F87] =	sst s6  }
0xf: {  	[smem:$0x3F88] =	sst s7  }
0x10: {  	[smem:$0x3F89] =	sst s8  }
0x11: {  	[smem:$0x3F8A] =	sst s9;
	s0 =	simm.s32 @!p0 $0x0  }
0x12: {  	s1 =	sld [smem:$0x3F70];
	s0 =	simm.s32 @p0 $0x1  }
0x13: {  	[smem:$0x3F8B] =	sst s0;
	s0 =	simm.s32 @!p1 $0x0  }
0x14: {  	s2 =	sld [smem:$0x3F6F];
	s0 =	simm.s32 @p1 $0x1  }
0x15: {  	[smem:$0x3F8C] =	sst s0;
	s0 =	simm.s32 @!p2 $0x0  }
0x16: {  	s3 =	sld [smem:$0x3FDB];
	s0 =	simm.s32 @p2 $0x1  }
0x17: {  	s4 =	simm.s32 $0x1BF5;
	[smem:$0x3F8E] =	sst s0  }
0x18: {  	s0 =	sld [smem:$0x3F71];
	_ =	swait.ge [sflag:s4], $0x0  }
0x19: {  	s7 =	sld [smem:$0x3F72]  }
0x1a: {  	s8 =	sadd.s32 $0xFFFFE003, lr  }
0x1b: {  	s9 =	sadd.s32 $0xFFFFFEF7, lr;
	s5 =	simm.s32 $0xFFFFFFFF;
	p2 =	slt.u32 s8, $0xFFFFF086  }
0x1c: {  	p1 =	slt.u32 s9, $0xF7A;
	s5 =	simm.s32 @!p2 $0x0  }
0x1d: {  	s5 =	simm.s32 @p1 $0x1;
	p0 =	seq.s32 s7, s2  }
0x1e: {  	s7 =	smul.u32 @!p0 $0xF7A, s2;
	p2 =	seq.s32 @!p0 s5, $0x0  }
0x1f: {  	s9 =	smul.u32 $0xF7A, s1;
	s8 =	simm.s32 @!p0 $0x1BF5;
	p2 =	por !p2, p0  }
0x20: {  	[sflag:s8] =	ssyncset.s32 @!p0 $0xFFFFF086;
	s6 =	sadd.s32 @!p0 s3, s7;
	s7 =	simm.s32 @!p0 $0x108  }
0x21: {  	s3 =	sadd.s32 s3, s9;
	s6 =	sadd.s32 @!p0 $0x88, s6;
	s7 =	simm.s32 @p2 $0x1082  }
0x22: {  	[simem:s7], [sflag:s8] =	dma.local @!p0 [hbm:s6], $0xF7A  }
0x23: {  	s9 =	sor.u32 $0xD0000000, s2;
	s6 =	simm.s32 $0x108;
	_ =	swait.ge @!p0 [sflag:s8], $0x0  }
0x24: {  	s3 =	sadd.s32 $0x88, s3;
	s6 =	simm.s32 @!p1 $0x1082;
	[sflag:s4] =	ssyncset.s32 $0xFFFFF086  }
0x25: {  	[simem:s6], [sflag:s4] =	dma.local [hbm:s3], $0xF7A  }
0x26: {  	[smem:$0x3F72] =	sst s1;
	(tag) =	ssettag s2;
	_ =	strace s9  }
0x27: {  	s1 =	sld [smem:$0x3F82]  }
0x28: {  	s2 =	sld [smem:$0x3F83]  }
0x29: {  	s4 =	sld [smem:$0x3F85]  }
0x2a: {  	p0 =	seq.s32 s5, $0x0;
	s5 =	sld [smem:$0x3F86]  }
0x2b: {  	s6 =	sld [smem:$0x3F87]  }
0x2c: {  	s7 =	sld [smem:$0x3F88]  }
0x2d: {  	s3 =	simm.s32 $0x108;
	s8 =	sld [smem:$0x3F89]  }
0x2e: {  	s3 =	simm.s32 @!p0 $0x1082;
	s9 =	sld [smem:$0x3F8A]  }
0x2f: {  	lr =	sadd.s32 s0, s3;
	s0 =	sld [smem:$0x3F81]  }
0x30: {  	s3 =	sld [smem:$0x3F84]  }
0x31: {  	[smem:$0x3F8D] =	sst s10  }
0x32: {  	s10 =	sld [smem:$0x3F8B];
	_ =	sdelay $0x3  }
0x33: {  	p0 =	seq.s32 s10, $0x1;
	s10 =	sld [smem:$0x3F8D];
	_ =	sdelay $0x3  }
0x34: {  	[smem:$0x3F8D] =	sst s10  }
0x35: {  	s10 =	sld [smem:$0x3F8C];
	_ =	sdelay $0x3  }
0x36: {  	p1 =	seq.s32 s10, $0x1;
	s10 =	sld [smem:$0x3F8D];
	_ =	sdelay $0x3  }
0x37: {  	[smem:$0x3F8D] =	sst s10  }
0x38: {  	s10 =	sld [smem:$0x3F8E]  }
0x39: {  	_ = 	snop;
	(pc) =	sbr.ind lr, $3  }
0x3a: {  	_ = 	snop  }
0x3b: {  	_ = 	snop  }
0x3c: {  	p2 =	seq.s32 s10, $0x1;
	s10 =	sld [smem:$0x3F8D]  }
0x3d: {  	_ =	shalt  }
0x3e: {  	_ =	shalt  }
0x3f: {  	_ =	shalt  }
0x40: {  	_ =	shalt  }
0x41: {  	_ =	shalt  }
0x42: {  	_ =	shalt  }
0x43: {  	_ =	shalt  }
0x44: {  	_ =	shalt  }
0x45: {  	_ =	shalt  }
0x46: {  	_ =	shalt  }
0x47: {  	_ =	shalt  }
0x48: {  	_ =	shalt  }
0x49: {  	_ =	shalt  }
0x4a: {  	_ =	shalt  }
0x4b: {  	_ =	shalt  }
0x4c: {  	_ =	shalt  }
0x4d: {  	_ =	shalt  }
0x4e: {  	_ =	shalt  }
0x4f: {  	_ =	shalt  }
0x50: {  	_ =	shalt  }
0x51: {  	_ =	shalt  }
0x52: {  	_ =	shalt  }
0x53: {  	_ =	shalt  }
0x54: {  	_ =	shalt  }
0x55: {  	_ =	shalt  }
0x56: {  	_ =	shalt  }
0x57: {  	_ =	shalt  }
0x58: {  	_ =	shalt  }
0x59: {  	_ =	shalt  }
0x5a: {  	_ =	shalt  }
0x5b: {  	_ =	shalt  }
0x5c: {  	_ =	shalt  }
0x5d: {  	_ =	shalt  }
0x5e: {  	_ =	shalt  }
0x5f: {  	_ =	shalt  }
0x60: {  	_ =	shalt  }
0x61: {  	_ =	shalt  }
0x62: {  	_ =	shalt  }
0x63: {  	_ =	shalt  }
0x64: {  	_ =	shalt  }
0x65: {  	_ =	shalt  }
0x66: {  	_ =	shalt  }
0x67: {  	_ =	shalt  }
0x68: {  	_ =	shalt  }
0x69: {  	_ =	shalt  }
0x6a: {  	_ =	shalt  }
0x6b: {  	_ =	shalt  }
0x6c: {  	_ =	shalt  }
0x6d: {  	_ =	shalt  }
0x6e: {  	_ =	shalt  }
0x6f: {  	_ =	shalt  }
0x70: {  	_ =	shalt  }
0x71: {  	_ =	shalt  }
0x72: {  	_ =	shalt  }
0x73: {  	_ =	shalt  }
0x74: {  	_ =	shalt  }
0x75: {  	_ =	shalt  }
0x76: {  	_ =	shalt  }
0x77: {  	_ =	shalt  }
0x78: {  	_ =	shalt  }
0x79: {  	_ =	shalt  }
0x7a: {  	_ =	shalt  }
0x7b: {  	_ =	shalt  }
0x7c: {  	_ =	shalt  }
0x7d: {  	_ =	shalt  }
0x7e: {  	_ =	shalt  }
0x7f: {  	_ =	shalt  }
0x80: {  	_ =	shalt  }
0x81: {  	_ =	shalt  }
0x82: {  	_ =	shalt  }
0x83: {  	_ =	shalt  }
0x84: {  	_ =	shalt  }
0x85: {  	_ =	shalt  }
0x86: {  	_ =	shalt  }
0x87: {  	_ =	shalt  }
.Lfunc_end0:
.L_simem_size_0:
called_computation.1_lowered:
.L_overlay_start_0:
0x88: {  	s2 =	sld [smem:$0x3FD9]  }
0x89: {  	s3 =	sld [smem:$0x3FFE];
	_ =	sdelay $0x1  }
0x8a: {  	s1 =	srdreg.scid  }
0x8b: {  	s0 =	sand.u32 $0x1, s1  }
0x8c: {  	s16 =	sshll.u32 s0, $0xA;
	s2 =	sadd.s32 s3, s2  }
0x8d: {  	s2 =	sadd.s32 s2, s16  }
0x8e: {  	[smem:$0x3F99] =	sst s2  }
0x8f: {  	_ = 	snop  }
0x90: {  	(tm) =	ssettm $0x1  }
0x91: {  	s17 =	sld [smem:$0x3FFB];
	_ =	sdelay $0x3  }
0x92: {  	_ =	strace s17  }
0x93: {  	s2 =	sld [smem:$0x3FFC];
	_ =	sdelay $0x3  }
0x94: {  	_ =	strace s2  }
0x95: {  	s2 =	sld [smem:$0x3FFD];
	_ =	sdelay $0x3  }
0x96: {  	_ =	strace s2  }
0x97: {  	_ =	strace $0x8FFFFFFF  }
0x98: {  	s18 =	sld [smem:$0x3FDB];
	_ =	sdelay $0x1  }
0x99: {  	s19 =	simm.s32 $_scs_section_size  }
0x9a: {  	s4 =	simm.s32 $_size__tile_overlayer_lowered;
	s5 =	simm.s32 $_tile_overlayer_lowered  }
0x9b: {  	s22 =	simm.s32 $0x1BFF;
	s21 =	sshll.u32 s5, $0x1;
	s2 =	sadd.s32 s19, s18  }
0x9c: {  	s6 =	simm.s32 $0x0;
	s20 =	sshll.u32 s4, $0x1;
	s4 =	sadd.s32 s21, s2  }
0x9d: {  	[timem:s6], [sflag:s22] =	dma.local [hbm:s4], s20  }
0x9e: {  	_ =	swait.ge [sflag:s22], s20  }
0x9f: {  	s3 =	ssub.s32 $0x0, s20;
	[sflag:s22] =	ssyncset.done $0x0  }
0xa0: {  	[sflag:s22] =	ssyncadd.s32 s3;
	_ =	sdelay $0x1  }
0xa1: {  	s23 =	simm.s32 $0x1B8B  }
0xa2: {  	_ =	swait.ge [sflag:s23], $0x1  }
0xa3: {  	[sflag:s23] =	ssyncset.done $0x0  }
0xa4: {  	s25 =	simm.s32 $0x1B8E;
	s24 =	sld [smem:$0x3FFE];
	[sflag:s23] =	ssyncadd.s32 $0xFFFFFFFF  }
0xa5: {  	s26 =	simm.s32 $execute0_lowered;
	[smem:$0x3FD2] =	sst s25  }
0xa6: {  	s4 =	sshll.u32 s26, $0x1;
	_ =	strace $0x80000049;
	[dreg:$0x1] =	wrdreg $0xFFFFFFFF  }
0xa7: {  	s28 =	simm.s32 $_size_execute0_lowered;
	s2 =	sadd.s32 s2, s4;
	[dreg:$0x0] =	wrdreg $0x0  }
0xa8: {  	s4 =	sshll.u32 s28, $0x1;
	[dreg:$0x2] =	wrdreg s2  }
0xa9: {  	[dreg:$0x3] =	wrdreg s4  }
0xaa: {  	[dreg:$0x4] =	wrdreg $0xC0  }
0xab: {  	_ =	task [dreg:s6], $0x5FFFF  }
0xac: {  	[dreg:$0x1] =	wrdreg $0xFFFFFFFF  }
0xad: {  	[dreg:$0x0] =	wrdreg $0x60  }
0xae: {  	[dreg:$0x2] =	wrdreg s24  }
0xaf: {  	[dreg:$0x3] =	wrdreg $0x62200  }
0xb0: {  	[dreg:$0x4] =	wrdreg $0x9  }
0xb1: {  	_ =	task.clear_ibuf [dreg:s6], $0x5FFFF;
	_ =	strace $0x90000049  }
0xb2: {  	s29 =	simm.s32 $0x9;
	_ =	strace $0x8000004B  }
0xb3: {  	_ =	swait.ge [sflag:s29], $0x1  }
0xb4: {  	[sflag:s29] =	ssyncadd.s32 $0xFFFFFFFF  }
0xb5: {  	_ =	strace $0x9000004B  }
0xb6: {  	_ =	sfence  }
0xb7: {  	s30 =	sld [smem:$0x0];
	_ =	sdelay $0x2  }
0xb8: {  	s31 =	sshll.u32 s1, $0xD;
	s1 =	sshrl.u32 s1, $0x2  }
0xb9: {  	s3 =	sand.u32 $0x4000, s31;
	s1 =	sadd.s32 s1, s30  }
0xba: {  	s0 =	sor.u32 s3, s0;
	s1 =	sshll.u32 s1, $0x11  }
0xbb: {  	s0 =	sor.u32 s1, s0  }
0xbc: {  	s0 =	sadd.s32 $0x8F2B, s0  }
0xbd: {  	[sflag:s0] =	ssyncadd.remote.s32 $0x1  }
0xbe: {  	_ =	sfence.sel $0xFFFF  }
0xbf: {  	[dreg:$0x0] =	wrdreg $0xFFFFFFFF;
	(pc) =	sbr.abs _section_cstart, $3  }
0xc0: {  	[dreg:$0x1] =	wrdreg $0xFFFFFFFF  }
0xc1: {  	_ =	task.clear_ibuf [dreg:s6], $0x2FFFF;
	_ =	strace $0x9FFFFFFF  }
0xc2: {  	(tm) =	ssettm $0x7FFFFFFF  }
0xc3: {  	_ =	shalt  }
tec
execute0_lowered:
.L_overlay_start_1:
0x0: {  	(tag) =	ssettag $0x1  }
0x1: {  	s0 =	srdreg.scid;
	s1 =	rddreg [dreg:$0x0]  }
0x2: {  	s13 =	stileid.u32;
	s2 =	rddreg [dreg:$0x1]  }
0x3: {  	s14 =	simm.s32 $0x80;
	s16 =	simm.s32 $0x1;
	s17 =	simm.s32 $0x7D  }
0x4: {  	s18 =	simm.s32 $0x2;
	s24 =	simm.s32 $0x4AB0;
	s28 =	simm.s32 $0x1380  }
0x5: {  	s29 =	simm.s32 $0x5A50;
	s30 =	simm.s32 $0x0;
	s6 =	smul.u32 $0x2700, s13  }
0x6: {  	s0 =	sand.u32 $0x1, s0;
	s3 =	sshll.u32 s13, $0x1;
	s11 =	smul.u32 $0x2710, s13  }
0x7: {  	s9 =	sadd.s32 $0x2B8400, s1;
	s26 =	sshll.u32 s13, $0x6;
	s7 =	smul.u32 $0x27100, s0  }
0x8: {  	s5 =	sor.u32 s0, s3;
	s10 =	ssub.s32 $0x2, s0;
	s0 =	smul.u32 $0x1388, s0  }
0x9: {  	s13 =	simm.s32 $0x10;
	s3 =	simm.s32 $0x0;
	s4 =	smul.u32 $0x280, s5  }
0xa: {  	[smem:$0x7FF] =	sst s3;
	s12 =	sshrl.u32 s10, $0x1;
	s25 =	sadd.s32 s6, s2  }
0xb: {  	s31 =	smul.u32 $0x13880, s5;
	s5 =	sor.u32 $0x1C03, s26;
	s26 =	simm.s32 $0x5280  }
0xc: {  	_ =	strace $0x8000004A;
	s7 =	sadd.s32 s6, s7;
	s10 =	ssub.s32 s10, s12  }
0xd: {  	s0 =	sadd.s32 s0, s11;
	s11 =	sshrl.u32 s25, $0x3;
	s12 =	simm.s32 $0x3  }
0xe: {  	s25 =	simm.s32 $0x1300;
	s8 =	sadd.s32 s4, s1;
	s7 =	sshrl.u32 s7, $0x3  }
0xf: {  	s4 =	sadd.s32 $0x33600, s1;
	s0 =	sshll.u32 s0, $0x4;
	s1 =	sadd.s32 s7, s1  }
0x10: {  	s6 =	sadd.s32 $0x2B3400, s8;
	s7 =	sadd.s32 s9, s31;
	s0 =	sadd.s32 s0, s9  }
0x11: {  	s9 =	smax.u32 s10, $0x1;
	s8 =	sadd.s32 $0x42400, s1;
	s15 =	sadd.s32 $0x2710, s0  }
.LBB2_1:
0x12: {  	[spmem:s11], [sflag:s5] =	dma.local [hbm:s4], $0x500  }
0x13: {  	_ =	swait.ge [sflag:s12], $0x500  }
0x14: {  	[sflag:s12] =	ssyncset.done $0x0  }
0x15: {  	s0 =	sand.u32 $0x1, s3;
	[sflag:s12] =	ssyncadd.s32 $0xFFFFFB00  }
0x16: {  	[tilespmem:s3], [sflag:$0x3] =	stream.linear.gather [hbm4b:s6+s3], $0x1400, $0x38;
	[tilespmem:$0x8930] =	vst v63  }
0x17: {  	s1 =	sxor.u32 $0x1, s0;
	_ =	swait.ge [sflag:s12], $0x1400  }
0x18: {  	s1 =	smul.u32 $0x9C40, s1;
	[sflag:s12] =	ssyncset.done $0x0  }
0x19: {  	[sflag:s12] =	ssyncadd.s32 $0xFFFFEC00  }
0x1a: {  	s10 =	simm.s32 $0x1400;
	s1 =	sshrl.u32 s1, $0x2;
	[bflag:$0x0] =	sbarrier.arrive $0xFFFF  }
0x1b: {  	[tilespmem:s10], [sflag:$0x1] =	stream.strided.gather [hbm4b:s7+s13], $0x2710, s14, s13, $0x38;
	[tilespmem:$0x8930] =	vst v63  }
0x1c: {  	s0 =	smul.u32 $0x9C40, s0;
	s1 =	sadd.s32 $0x1400, s1  }
0x1d: {  	[tilespmem:s1], [sflag:$0x1] =	stream.strided.gather [hbm4b:s15+s13], $0x2710, s14, s13, $0x38;
	[tilespmem:$0x8930] =	vst v63  }
0x1e: {  	_ =	swait.ge [sflag:s16], $0x2710  }
0x1f: {  	s0 =	sshrl.u32 s0, $0x2;
	[sflag:s16] =	ssyncset.done $0x0  }
0x20: {  	s19 =	simm.s32 $0x0;
	s10 =	sadd.s32 $0x1400, s0;
	[sflag:s16] =	ssyncadd.s32 $0xFFFFD8F0  }
0x21: {  	[spmem:s2] =	stream.indirect.scatter.add.f32 [tilespmem:s10], [sflag:$0x2], $0x10, s19, s17, $0xb8;
	[tilespmem:$0x8930] =	vst v63  }
0x22: {  	s21 =	simm.s32 $0x80;
	s20 =	sadd.s32 $0x1BD0, s0  }
0x23: {  	[spmem:s2] =	stream.indirect.scatter.add.f32 [tilespmem:s20], [sflag:$0x2], $0x10, s21, s17, $0xb8;
	[tilespmem:$0x8930] =	vst v63  }
0x24: {  	s23 =	simm.s32 $0x100;
	s22 =	sadd.s32 $0x23A0, s0  }
0x25: {  	[spmem:s2] =	stream.indirect.scatter.add.f32 [tilespmem:s22], [sflag:$0x2], $0x10, s23, s17, $0xb8;
	[tilespmem:$0x8930] =	vst v63  }
0x26: {  	s10 =	sadd.s32 $0x2B70, s0;
	s19 =	simm.s32 $0x180  }
0x27: {  	[spmem:s2] =	stream.indirect.scatter.add.f32 [tilespmem:s10], [sflag:$0x2], $0x10, s19, s17, $0xb8;
	[tilespmem:$0x8930] =	vst v63  }
0x28: {  	s0 =	sadd.s32 $0x3340, s0;
	s20 =	simm.s32 $0x200  }
0x29: {  	[spmem:s2] =	stream.indirect.scatter.add.f32 [tilespmem:s0], [sflag:$0x2], $0x10, s20, s17, $0xb8;
	[tilespmem:$0x8930] =	vst v63  }
0x2a: {  	_ =	swait.ge [sflag:s18], $0x7D0  }
0x2b: {  	[sflag:s18] =	ssyncset.done $0x0  }
0x2c: {  	[sflag:s18] =	ssyncadd.s32 $0xFFFFF830  }
0x2d: {  	_ =	swait.ge [sflag:s18], $0x7D0  }
0x2e: {  	[sflag:s18] =	ssyncset.done $0x0  }
0x2f: {  	[sflag:s18] =	ssyncadd.s32 $0xFFFFF830  }
0x30: {  	_ =	swait.ge [sflag:s18], $0x7D0  }
0x31: {  	[sflag:s18] =	ssyncset.done $0x0  }
0x32: {  	s31 =	simm.s32 $0x1;
	[sflag:s18] =	ssyncadd.s32 $0xFFFFF830  }
0x33: {  	s21 =	sand.u32 $0x1, s31;
	_ =	swait.ge [sflag:s18], $0x7D0  }
0x34: {  	s22 =	sxor.u32 $0x1, s21;
	s23 =	smul.u32 $0x9C40, s21;
	[sflag:s18] =	ssyncset.done $0x0  }
0x35: {  	s1 =	simm.s32 $0xA00;
	s20 =	smul.u32 $0x9C40, s22;
	[sflag:s18] =	ssyncadd.s32 $0xFFFFF830  }
0x36: {  	s19 =	sshrl.u32 s23, $0x2;
	s10 =	smov.u32 s15;
	_ =	swait.ge [sflag:s18], $0x7D0  }
0x37: {  	s0 =	simm.s32 $0x1400;
	s20 =	sshrl.u32 s20, $0x2;
	[sflag:s18] =	ssyncset.done $0x0  }
.LBB2_2:
0x38: {  	s20 =	sadd.s32 $0x1400, s20  }
0x39: {  	[sflag:s18] =	ssyncadd.s32 $0xFFFFF830;
	s10 =	sadd.s32 $0x2710, s10;
	s21 =	smov.u32 s0  }
0x3a: {  	[tilespmem:s20], [sflag:$0x1] =	stream.strided.gather [hbm4b:s10+s13], $0x2710, s14, s13, $0x38;
	[tilespmem:$0x8930] =	vst v63  }
0x3b: {  	p0 =	sne.s32 s0, $0x3C00;
	s0 =	sadd.s32 $0xA00, s0;
	_ =	swait.ge [sflag:s16], $0x2710  }
0x3c: {  	[sflag:s16] =	ssyncset.done $0x0  }
0x3d: {  	s22 =	sshra.s32 s1, $0x2;
	s20 =	sadd.s32 $0x1400, s19;
	[sflag:s16] =	ssyncadd.s32 $0xFFFFD8F0  }
0x3e: {  	[spmem:s2] =	stream.indirect.scatter.add.f32 [tilespmem:s20], [sflag:$0x2], $0x10, s22, s17, $0xb8;
	[tilespmem:$0x8930] =	vst v63  }
0x3f: {  	s23 =	sadd.s32 $0x80, s22;
	s1 =	smov.u32 s21;
	s20 =	sadd.s32 $0x1BD0, s19  }
0x40: {  	[spmem:s2] =	stream.indirect.scatter.add.f32 [tilespmem:s20], [sflag:$0x2], $0x10, s23, s17, $0xb8;
	[tilespmem:$0x8930] =	vst v63  }
0x41: {  	s21 =	sadd.s32 $0x100, s22;
	s20 =	sadd.s32 $0x23A0, s19  }
0x42: {  	[spmem:s2] =	stream.indirect.scatter.add.f32 [tilespmem:s20], [sflag:$0x2], $0x10, s21, s17, $0xb8;
	[tilespmem:$0x8930] =	vst v63  }
0x43: {  	s20 =	sadd.s32 $0x2B70, s19;
	s21 =	sadd.s32 $0x180, s22  }
0x44: {  	[spmem:s2] =	stream.indirect.scatter.add.f32 [tilespmem:s20], [sflag:$0x2], $0x10, s21, s17, $0xb8;
	[tilespmem:$0x8930] =	vst v63  }
0x45: {  	s19 =	sadd.s32 $0x3340, s19;
	s20 =	sadd.s32 $0x200, s22  }
0x46: {  	[spmem:s2] =	stream.indirect.scatter.add.f32 [tilespmem:s19], [sflag:$0x2], $0x10, s20, s17, $0xb8;
	[tilespmem:$0x8930] =	vst v63  }
0x47: {  	_ =	swait.ge [sflag:s18], $0x7D0  }
0x48: {  	[sflag:s18] =	ssyncset.done $0x0  }
0x49: {  	[sflag:s18] =	ssyncadd.s32 $0xFFFFF830  }
0x4a: {  	_ =	swait.ge [sflag:s18], $0x7D0  }
0x4b: {  	[sflag:s18] =	ssyncset.done $0x0  }
0x4c: {  	[sflag:s18] =	ssyncadd.s32 $0xFFFFF830  }
0x4d: {  	_ =	swait.ge [sflag:s18], $0x7D0  }
0x4e: {  	[sflag:s18] =	ssyncset.done $0x0  }
0x4f: {  	s31 =	sadd.s32 $0x1, s31;
	[sflag:s18] =	ssyncadd.s32 $0xFFFFF830  }
.Ltmp0:
0x50: {  	s19 =	sand.u32 $0x1, s31;
	_ =	swait.ge [sflag:s18], $0x7D0;
	(pc) =	sbr.rel @p0 .LBB2_2-.Ltmp0, $4  }
0x51: {  	s20 =	sxor.u32 $0x1, s19;
	s19 =	smul.u32 $0x9C40, s19;
	[sflag:s18] =	ssyncset.done $0x0  }
0x52: {  	s20 =	smul.u32 $0x9C40, s20;
	[sflag:s18] =	ssyncadd.s32 $0xFFFFF830  }
0x53: {  	s19 =	sshrl.u32 s19, $0x2;
	_ =	swait.ge [sflag:s18], $0x7D0  }
0x54: {  	s20 =	sshrl.u32 s20, $0x2;
	[sflag:s18] =	ssyncset.done $0x0  }
0x55: {  	s0 =	sadd.s32 $0x1400, s20;
	[sflag:s18] =	ssyncadd.s32 $0xFFFFF830;
	s10 =	sadd.s32 $0x2710, s10  }
0x56: {  	[tilespmem:s0], [sflag:$0x1] =	stream.strided.gather [hbm4b:s10+s13], $0x2710, s14, s13, $0x38;
	[tilespmem:$0x8930] =	vst v63  }
0x57: {  	_ =	swait.ge [sflag:s16], $0x2710  }
0x58: {  	[sflag:s16] =	ssyncset.done $0x0  }
0x59: {  	s31 =	sadd.s32 $0x1400, s19;
	s1 =	sshra.s32 s1, $0x2;
	[sflag:s16] =	ssyncadd.s32 $0xFFFFD8F0  }
0x5a: {  	[spmem:s2] =	stream.indirect.scatter.add.f32 [tilespmem:s31], [sflag:$0x2], $0x10, s1, s17, $0xb8;
	[tilespmem:$0x8930] =	vst v63  }
0x5b: {  	s10 =	sadd.s32 $0x1BD0, s19;
	s20 =	sadd.s32 $0x80, s1  }
0x5c: {  	[spmem:s2] =	stream.indirect.scatter.add.f32 [tilespmem:s10], [sflag:$0x2], $0x10, s20, s17, $0xb8;
	[tilespmem:$0x8930] =	vst v63  }
0x5d: {  	s21 =	sadd.s32 $0x23A0, s19;
	s22 =	sadd.s32 $0x100, s1  }
0x5e: {  	[spmem:s2] =	stream.indirect.scatter.add.f32 [tilespmem:s21], [sflag:$0x2], $0x10, s22, s17, $0xb8;
	[tilespmem:$0x8930] =	vst v63  }
0x5f: {  	s23 =	sadd.s32 $0x2B70, s19;
	s31 =	sadd.s32 $0x180, s1  }
0x60: {  	[spmem:s2] =	stream.indirect.scatter.add.f32 [tilespmem:s23], [sflag:$0x2], $0x10, s31, s17, $0xb8;
	[tilespmem:$0x8930] =	vst v63  }
0x61: {  	s19 =	sadd.s32 $0x3340, s19;
	s1 =	sadd.s32 $0x200, s1  }
0x62: {  	[spmem:s2] =	stream.indirect.scatter.add.f32 [tilespmem:s19], [sflag:$0x2], $0x10, s1, s17, $0xb8;
	[tilespmem:$0x8930] =	vst v63  }
0x63: {  	_ =	swait.ge [sflag:s18], $0x7D0  }
0x64: {  	[sflag:s18] =	ssyncset.done $0x0  }
0x65: {  	[sflag:s18] =	ssyncadd.s32 $0xFFFFF830  }
0x66: {  	_ =	swait.ge [sflag:s18], $0x7D0  }
0x67: {  	[sflag:s18] =	ssyncset.done $0x0  }
0x68: {  	[sflag:s18] =	ssyncadd.s32 $0xFFFFF830  }
0x69: {  	_ =	swait.ge [sflag:s18], $0x7D0  }
0x6a: {  	[sflag:s18] =	ssyncset.done $0x0  }
0x6b: {  	[sflag:s18] =	ssyncadd.s32 $0xFFFFF830  }
0x6c: {  	_ =	swait.ge [sflag:s18], $0x7D0  }
0x6d: {  	[sflag:s18] =	ssyncset.done $0x0  }
0x6e: {  	[sflag:s18] =	ssyncadd.s32 $0xFFFFF830  }
0x6f: {  	_ =	swait.ge [sflag:s18], $0x7D0  }
0x70: {  	[sflag:s18] =	ssyncset.done $0x0  }
0x71: {  	[sflag:s18] =	ssyncadd.s32 $0xFFFFF830  }
0x72: {  	_ =	swait.ge [sflag:s16], $0x2710  }
0x73: {  	[sflag:s16] =	ssyncset.done $0x0  }
0x74: {  	s20 =	simm.s32 $0x1180;
	s21 =	simm.s32 $0x3B10;
	[sflag:s16] =	ssyncadd.s32 $0xFFFFD8F0  }
0x75: {  	[spmem:s2] =	stream.indirect.scatter.add.f32 [tilespmem:s21], [sflag:$0x2], $0x10, s20, s17, $0xb8;
	[tilespmem:$0x8930] =	vst v63  }
0x76: {  	s22 =	simm.s32 $0x1200;
	s23 =	simm.s32 $0x42E0  }
0x77: {  	[spmem:s2] =	stream.indirect.scatter.add.f32 [tilespmem:s23], [sflag:$0x2], $0x10, s22, s17, $0xb8;
	[tilespmem:$0x8930] =	vst v63  }
0x78: {  	s31 =	simm.s32 $0x1280  }
0x79: {  	[spmem:s2] =	stream.indirect.scatter.add.f32 [tilespmem:s24], [sflag:$0x2], $0x10, s31, s17, $0xb8;
	[tilespmem:$0x8930] =	vst v63  }
0x7a: {  	_ = 	snop  }
0x7b: {  	[spmem:s2] =	stream.indirect.scatter.add.f32 [tilespmem:s26], [sflag:$0x2], $0x10, s25, s17, $0xb8;
	[tilespmem:$0x8930] =	vst v63  }
0x7c: {  	_ = 	snop  }
0x7d: {  	[spmem:s2] =	stream.indirect.scatter.add.f32 [tilespmem:s29], [sflag:$0x2], $0x10, s28, s17, $0xb8;
	[tilespmem:$0x8930] =	vst v63  }
0x7e: {  	_ =	swait.ge [sflag:s18], $0x7D0  }
0x7f: {  	[sflag:s18] =	ssyncset.done $0x0  }
0x80: {  	[sflag:s18] =	ssyncadd.s32 $0xFFFFF830  }
0x81: {  	_ =	swait.ge [sflag:s18], $0x7D0  }
0x82: {  	[sflag:s18] =	ssyncset.done $0x0  }
0x83: {  	[sflag:s18] =	ssyncadd.s32 $0xFFFFF830  }
0x84: {  	_ =	swait.ge [sflag:s18], $0x7D0  }
0x85: {  	[sflag:s18] =	ssyncset.done $0x0  }
0x86: {  	[sflag:s18] =	ssyncadd.s32 $0xFFFFF830  }
0x87: {  	_ =	swait.ge [sflag:s18], $0x7D0  }
0x88: {  	[sflag:s18] =	ssyncset.done $0x0  }
0x89: {  	[sflag:s18] =	ssyncadd.s32 $0xFFFFF830  }
0x8a: {  	_ =	swait.ge [sflag:s18], $0x7D0  }
0x8b: {  	s30 =	sadd.s32 $0x1, s30;
	[sflag:s18] =	ssyncset.done $0x0  }
0x8c: {  	p0 =	sne.s32 s30, s9;
	[sflag:s18] =	ssyncadd.s32 $0xFFFFF830  }
.Ltmp1:
0x8d: {  	[bflag:$0x0] =	sbarrier.arrive $0xFFFF;
	(pc) =	sbr.rel @p0 .LBB2_1-.Ltmp1, $4  }
0x8e: {  	[hbm:s8], [sflag:s5] =	dma.local [spmem:s11], $0x500  }
0x8f: {  	_ =	swait.ge [sflag:s12], $0x500  }
0x90: {  	[sflag:s12] =	ssyncset.done $0x0  }
0x91: {  	[sflag:s12] =	ssyncadd.s32 $0xFFFFFB00  }
0x92: {  	_ =	sfence.sel $0x180000  }
0x93: {  	[bflag:$0x0] =	sbarrier.arrive $0xFFFF  }
0x94: {  	_ =	strace $0x9000004A  }
0x95: {  	s0 =	stileid.u32;
	[bflag:$0x2] =	sbarrier.arrive $0xFFFF  }
0x96: {  	p0 =	sne.s32 s0, $0x0;
	s0 =	rddreg [dreg:$0x2]  }
0x97: {  	s0 =	sadd.s32 @!p0 $0x100000, s0  }
0x98: {  	[sflag:s0] =	ssyncadd.tile.s32 @!p0 $0x1;
	_ =	shalt  }
.Lfunc_end2:
_tile_overlayer_lowered:
.L_overlay_start_2:
0x99: {  	(tag) =	ssettag $0x2  }
0x9a: {  	s0 =	rddreg [dreg:$0x0];
	s2 =	stileid.u32  }
0x9b: {  	s1 =	rddreg [dreg:$0x1];
	p0 =	sne.s32 s2, $0x0  }
0x9c: {  	s3 =	rddreg [dreg:$0x2];
	[bflag:$0x3] =	sbarrier.arrive $0xFFFF;
	s2 =	simm.s32 @!p0 $0x1C03  }
0x9d: {  	[timem:s3], [sflag:s2] =	dma.local @!p0 [hbm:s0], s1  }
0x9e: {  	s0 =	simm.s32 @!p0 $0x3  }
0x9f: {  	_ =	swait.ge @!p0 [sflag:s0], s1  }
0xa0: {  	s1 =	ssub.s32 @!p0 $0x0, s1;
	[sflag:s0] =	ssyncset.done @!p0 $0x0  }
0xa1: {  	[sflag:s0] =	ssyncadd.s32 @!p0 s1  }
0xa2: {  	[bflag:$0x3] =	sbarrier.arrive $0xFFFF  }
0xa3: {  	_ =	shalt  }

// kernel: kernel.21.cloned.1.call-start
scs
__scs_entry_jumppad:
0x0: {  	(pc) =	sbr.rel $0x88, $3  }
0x1: {  	(tag) =	ssettag $0x0;
	lr =	simm.s32 $0x1  }
0x2: {  	[smem:$0x3F72] =	sst lr;
	_ =	strace $0xD0000000  }
0x3: {  	_ = 	snop  }
0x4: {  	_ = 	snop  }
0x5: {  	_ = 	snop  }
0x6: {  	_ = 	snop  }
0x7: {  	_ = 	snop  }
__scs_overlays_trampoline_lowered:
0x8: {  	[smem:$0x3F81] =	sst s0  }
0x9: {  	[smem:$0x3F82] =	sst s1  }
0xa: {  	[smem:$0x3F83] =	sst s2  }
0xb: {  	[smem:$0x3F84] =	sst s3  }
0xc: {  	[smem:$0x3F85] =	sst s4  }
0xd: {  	[smem:$0x3F86] =	sst s5  }
0xe: {  	[smem:$0x3F87] =	sst s6  }
0xf: {  	[smem:$0x3F88] =	sst s7  }
0x10: {  	[smem:$0x3F89] =	sst s8  }
0x11: {  	[smem:$0x3F8A] =	sst s9;
	s0 =	simm.s32 @!p0 $0x0  }
0x12: {  	s1 =	sld [smem:$0x3F70];
	s0 =	simm.s32 @p0 $0x1  }
0x13: {  	[smem:$0x3F8B] =	sst s0;
	s0 =	simm.s32 @!p1 $0x0  }
0x14: {  	s2 =	sld [smem:$0x3F6F];
	s0 =	simm.s32 @p1 $0x1  }
0x15: {  	[smem:$0x3F8C] =	sst s0;
	s0 =	simm.s32 @!p2 $0x0  }
0x16: {  	s3 =	sld [smem:$0x3FDB];
	s0 =	simm.s32 @p2 $0x1  }
0x17: {  	s4 =	simm.s32 $0x1BF5;
	[smem:$0x3F8E] =	sst s0  }
0x18: {  	s0 =	sld [smem:$0x3F71];
	_ =	swait.ge [sflag:s4], $0x0  }
0x19: {  	s7 =	sld [smem:$0x3F72]  }
0x1a: {  	s8 =	sadd.s32 $0xFFFFE003, lr  }
0x1b: {  	s9 =	sadd.s32 $0xFFFFFEF7, lr;
	s5 =	simm.s32 $0xFFFFFFFF;
	p2 =	slt.u32 s8, $0xFFFFF086  }
0x1c: {  	p1 =	slt.u32 s9, $0xF7A;
	s5 =	simm.s32 @!p2 $0x0  }
0x1d: {  	s5 =	simm.s32 @p1 $0x1;
	p0 =	seq.s32 s7, s2  }
0x1e: {  	s7 =	smul.u32 @!p0 $0xF7A, s2;
	p2 =	seq.s32 @!p0 s5, $0x0  }
0x1f: {  	s9 =	smul.u32 $0xF7A, s1;
	s8 =	simm.s32 @!p0 $0x1BF5;
	p2 =	por !p2, p0  }
0x20: {  	[sflag:s8] =	ssyncset.s32 @!p0 $0xFFFFF086;
	s6 =	sadd.s32 @!p0 s3, s7;
	s7 =	simm.s32 @!p0 $0x108  }
0x21: {  	s3 =	sadd.s32 s3, s9;
	s6 =	sadd.s32 @!p0 $0x88, s6;
	s7 =	simm.s32 @p2 $0x1082  }
0x22: {  	[simem:s7], [sflag:s8] =	dma.local @!p0 [hbm:s6], $0xF7A  }
0x23: {  	s9 =	sor.u32 $0xD0000000, s2;
	s6 =	simm.s32 $0x108;
	_ =	swait.ge @!p0 [sflag:s8], $0x0  }
0x24: {  	s3 =	sadd.s32 $0x88, s3;
	s6 =	simm.s32 @!p1 $0x1082;
	[sflag:s4] =	ssyncset.s32 $0xFFFFF086  }
0x25: {  	[simem:s6], [sflag:s4] =	dma.local [hbm:s3], $0xF7A  }
0x26: {  	[smem:$0x3F72] =	sst s1;
	(tag) =	ssettag s2;
	_ =	strace s9  }
0x27: {  	s1 =	sld [smem:$0x3F82]  }
0x28: {  	s2 =	sld [smem:$0x3F83]  }
0x29: {  	s4 =	sld [smem:$0x3F85]  }
0x2a: {  	p0 =	seq.s32 s5, $0x0;
	s5 =	sld [smem:$0x3F86]  }
0x2b: {  	s6 =	sld [smem:$0x3F87]  }
0x2c: {  	s7 =	sld [smem:$0x3F88]  }
0x2d: {  	s3 =	simm.s32 $0x108;
	s8 =	sld [smem:$0x3F89]  }
0x2e: {  	s3 =	simm.s32 @!p0 $0x1082;
	s9 =	sld [smem:$0x3F8A]  }
0x2f: {  	lr =	sadd.s32 s0, s3;
	s0 =	sld [smem:$0x3F81]  }
0x30: {  	s3 =	sld [smem:$0x3F84]  }
0x31: {  	[smem:$0x3F8D] =	sst s10  }
0x32: {  	s10 =	sld [smem:$0x3F8B];
	_ =	sdelay $0x3  }
0x33: {  	p0 =	seq.s32 s10, $0x1;
	s10 =	sld [smem:$0x3F8D];
	_ =	sdelay $0x3  }
0x34: {  	[smem:$0x3F8D] =	sst s10  }
0x35: {  	s10 =	sld [smem:$0x3F8C];
	_ =	sdelay $0x3  }
0x36: {  	p1 =	seq.s32 s10, $0x1;
	s10 =	sld [smem:$0x3F8D];
	_ =	sdelay $0x3  }
0x37: {  	[smem:$0x3F8D] =	sst s10  }
0x38: {  	s10 =	sld [smem:$0x3F8E]  }
0x39: {  	_ = 	snop;
	(pc) =	sbr.ind lr, $3  }
0x3a: {  	_ = 	snop  }
0x3b: {  	_ = 	snop  }
0x3c: {  	p2 =	seq.s32 s10, $0x1;
	s10 =	sld [smem:$0x3F8D]  }
0x3d: {  	_ =	shalt  }
0x3e: {  	_ =	shalt  }
0x3f: {  	_ =	shalt  }
0x40: {  	_ =	shalt  }
0x41: {  	_ =	shalt  }
0x42: {  	_ =	shalt  }
0x43: {  	_ =	shalt  }
0x44: {  	_ =	shalt  }
0x45: {  	_ =	shalt  }
0x46: {  	_ =	shalt  }
0x47: {  	_ =	shalt  }
0x48: {  	_ =	shalt  }
0x49: {  	_ =	shalt  }
0x4a: {  	_ =	shalt  }
0x4b: {  	_ =	shalt  }
0x4c: {  	_ =	shalt  }
0x4d: {  	_ =	shalt  }
0x4e: {  	_ =	shalt  }
0x4f: {  	_ =	shalt  }
0x50: {  	_ =	shalt  }
0x51: {  	_ =	shalt  }
0x52: {  	_ =	shalt  }
0x53: {  	_ =	shalt  }
0x54: {  	_ =	shalt  }
0x55: {  	_ =	shalt  }
0x56: {  	_ =	shalt  }
0x57: {  	_ =	shalt  }
0x58: {  	_ =	shalt  }
0x59: {  	_ =	shalt  }
0x5a: {  	_ =	shalt  }
0x5b: {  	_ =	shalt  }
0x5c: {  	_ =	shalt  }
0x5d: {  	_ =	shalt  }
0x5e: {  	_ =	shalt  }
0x5f: {  	_ =	shalt  }
0x60: {  	_ =	shalt  }
0x61: {  	_ =	shalt  }
0x62: {  	_ =	shalt  }
0x63: {  	_ =	shalt  }
0x64: {  	_ =	shalt  }
0x65: {  	_ =	shalt  }
0x66: {  	_ =	shalt  }
0x67: {  	_ =	shalt  }
0x68: {  	_ =	shalt  }
0x69: {  	_ =	shalt  }
0x6a: {  	_ =	shalt  }
0x6b: {  	_ =	shalt  }
0x6c: {  	_ =	shalt  }
0x6d: {  	_ =	shalt  }
0x6e: {  	_ =	shalt  }
0x6f: {  	_ =	shalt  }
0x70: {  	_ =	shalt  }
0x71: {  	_ =	shalt  }
0x72: {  	_ =	shalt  }
0x73: {  	_ =	shalt  }
0x74: {  	_ =	shalt  }
0x75: {  	_ =	shalt  }
0x76: {  	_ =	shalt  }
0x77: {  	_ =	shalt  }
0x78: {  	_ =	shalt  }
0x79: {  	_ =	shalt  }
0x7a: {  	_ =	shalt  }
0x7b: {  	_ =	shalt  }
0x7c: {  	_ =	shalt  }
0x7d: {  	_ =	shalt  }
0x7e: {  	_ =	shalt  }
0x7f: {  	_ =	shalt  }
0x80: {  	_ =	shalt  }
0x81: {  	_ =	shalt  }
0x82: {  	_ =	shalt  }
0x83: {  	_ =	shalt  }
0x84: {  	_ =	shalt  }
0x85: {  	_ =	shalt  }
0x86: {  	_ =	shalt  }
0x87: {  	_ =	shalt  }
.Lfunc_end0:
.L_simem_size_0:
called_computation.2_lowered:
.L_overlay_start_0:
0x88: {  	s2 =	sld [smem:$0x3FD9]  }
0x89: {  	s3 =	sld [smem:$0x3FFE];
	_ =	sdelay $0x1  }
0x8a: {  	s1 =	srdreg.scid  }
0x8b: {  	s0 =	sand.u32 $0x1, s1  }
0x8c: {  	s16 =	sshll.u32 s0, $0xA;
	s2 =	sadd.s32 s3, s2  }
0x8d: {  	s2 =	sadd.s32 s2, s16  }
0x8e: {  	[smem:$0x3F99] =	sst s2  }
0x8f: {  	_ = 	snop  }
0x90: {  	(tm) =	ssettm $0x1  }
0x91: {  	s17 =	sld [smem:$0x3FFB];
	_ =	sdelay $0x3  }
0x92: {  	_ =	strace s17  }
0x93: {  	s2 =	sld [smem:$0x3FFC];
	_ =	sdelay $0x3  }
0x94: {  	_ =	strace s2  }
0x95: {  	s2 =	sld [smem:$0x3FFD];
	_ =	sdelay $0x3  }
0x96: {  	_ =	strace s2  }
0x97: {  	_ =	strace $0x8FFFFFFF  }
0x98: {  	s18 =	sld [smem:$0x3FDB];
	_ =	sdelay $0x1  }
0x99: {  	s19 =	simm.s32 $_scs_section_size  }
0x9a: {  	s4 =	simm.s32 $_size__tile_overlayer_lowered;
	s5 =	simm.s32 $_tile_overlayer_lowered  }
0x9b: {  	s22 =	simm.s32 $0x1BFF;
	s21 =	sshll.u32 s5, $0x1;
	s2 =	sadd.s32 s19, s18  }
0x9c: {  	s6 =	simm.s32 $0x0;
	s20 =	sshll.u32 s4, $0x1;
	s4 =	sadd.s32 s21, s2  }
0x9d: {  	[timem:s6], [sflag:s22] =	dma.local [hbm:s4], s20  }
0x9e: {  	_ =	swait.ge [sflag:s22], s20  }
0x9f: {  	s3 =	ssub.s32 $0x0, s20;
	[sflag:s22] =	ssyncset.done $0x0  }
0xa0: {  	[sflag:s22] =	ssyncadd.s32 s3;
	_ =	sdelay $0x1  }
0xa1: {  	s23 =	simm.s32 $0x1B8B  }
0xa2: {  	_ =	swait.ge [sflag:s23], $0x1  }
0xa3: {  	[sflag:s23] =	ssyncset.done $0x0  }
0xa4: {  	s25 =	simm.s32 $0x1B8E;
	s24 =	sld [smem:$0x3FFE];
	[sflag:s23] =	ssyncadd.s32 $0xFFFFFFFF  }
0xa5: {  	s26 =	simm.s32 $execute0_lowered;
	[smem:$0x3FD2] =	sst s25  }
0xa6: {  	s4 =	sshll.u32 s26, $0x1;
	_ =	strace $0x8000004C;
	[dreg:$0x1] =	wrdreg $0xFFFFFFFF  }
0xa7: {  	s28 =	simm.s32 $_size_execute0_lowered;
	s2 =	sadd.s32 s2, s4;
	[dreg:$0x0] =	wrdreg $0x0  }
0xa8: {  	s4 =	sshll.u32 s28, $0x1;
	[dreg:$0x2] =	wrdreg s2  }
0xa9: {  	[dreg:$0x3] =	wrdreg s4  }
0xaa: {  	[dreg:$0x4] =	wrdreg $0xC0  }
0xab: {  	_ =	task [dreg:s6], $0x5FFFF  }
0xac: {  	[dreg:$0x1] =	wrdreg $0xFFFFFFFF  }
0xad: {  	[dreg:$0x0] =	wrdreg $0x60  }
0xae: {  	[dreg:$0x2] =	wrdreg s24  }
0xaf: {  	[dreg:$0x3] =	wrdreg $0x9  }
0xb0: {  	_ =	task.clear_ibuf [dreg:s6], $0x4FFFF;
	_ =	strace $0x9000004C  }
0xb1: {  	s29 =	simm.s32 $0x9;
	_ =	strace $0x8000004E  }
0xb2: {  	_ =	swait.ge [sflag:s29], $0x1  }
0xb3: {  	[sflag:s29] =	ssyncadd.s32 $0xFFFFFFFF  }
0xb4: {  	_ =	strace $0x9000004E  }
0xb5: {  	_ =	sfence  }
0xb6: {  	s30 =	sld [smem:$0x0];
	_ =	sdelay $0x2  }
0xb7: {  	s31 =	sshll.u32 s1, $0xD;
	s1 =	sshrl.u32 s1, $0x2  }
0xb8: {  	s3 =	sand.u32 $0x4000, s31;
	s1 =	sadd.s32 s1, s30  }
0xb9: {  	s0 =	sor.u32 s3, s0;
	s1 =	sshll.u32 s1, $0x11  }
0xba: {  	s0 =	sor.u32 s1, s0  }
0xbb: {  	s0 =	sadd.s32 $0x8F2B, s0  }
0xbc: {  	[sflag:s0] =	ssyncadd.remote.s32 $0x1  }
0xbd: {  	_ =	sfence.sel $0xFFFF  }
0xbe: {  	[dreg:$0x0] =	wrdreg $0xFFFFFFFF;
	(pc) =	sbr.abs _section_cstart, $3  }
0xbf: {  	[dreg:$0x1] =	wrdreg $0xFFFFFFFF  }
0xc0: {  	_ =	task.clear_ibuf [dreg:s6], $0x2FFFF;
	_ =	strace $0x9FFFFFFF  }
0xc1: {  	(tm) =	ssettm $0x7FFFFFFF  }
tec
execute0_lowered:
.L_overlay_start_1:
0x0: {  	(tag) =	ssettag $0x1  }
0x1: {  	s4 =	rddreg [dreg:$0x0]  }
0x2: {  	s3 =	srdreg.scid;
	s0 =	stileid.u32  }
0x3: {  	s2 =	simm.s32 $0x0;
	s12 =	simm.s32 $0x1BD0;
	s13 =	simm.s32 $0x100  }
0x4: {  	s14 =	simm.s32 $0x23A0;
	s15 =	simm.s32 $0x180;
	s16 =	simm.s32 $0x2B70  }
0x5: {  	s17 =	simm.s32 $0x200;
	s18 =	simm.s32 $0x3340;
	s19 =	simm.s32 $0x1  }
0x6: {  	s20 =	simm.s32 $0x10;
	s21 =	simm.s32 $0x3B10;
	s22 =	simm.s32 $0x0  }
0x7: {  	s5 =	sand.u32 $0x1, s3;
	s29 =	sshll.u32 s0, $0x1;
	[smem:$0x7FF] =	sst s2  }
0x8: {  	s3 =	sadd.s32 $0x33C00, s4;
	s10 =	smul.u32 $0x27100, s0;
	s6 =	sor.u32 s5, s29  }
0x9: {  	s11 =	sadd.s32 $0x2B8400, s4;
	s8 =	ssub.s32 $0x2, s5;
	s7 =	smul.u32 $0x280, s6  }
0xa: {  	_ =	strace $0x8000004D;
	s6 =	smul.u32 $0x13880, s6;
	s9 =	sshrl.u32 s8, $0x1  }
0xb: {  	s30 =	smul.u32 $0x13880, s5;
	s31 =	sadd.s32 s10, s11;
	s8 =	ssub.s32 s8, s9  }
0xc: {  	s9 =	simm.s32 $0x7D;
	s7 =	sadd.s32 s7, s4;
	s6 =	sadd.s32 s11, s6  }
0xd: {  	s5 =	smax.u32 s8, $0x1;
	s8 =	simm.s32 $0x2;
	s11 =	simm.s32 $0x80  }
0xe: {  	s4 =	sadd.s32 $0x3D400, s7;
	s6 =	sadd.s32 $0x11170, s6;
	s7 =	sadd.s32 s30, s31  }
.LBB2_1:
0xf: {  	[tilespmem:s2], [sflag:$0x2] =	stream.linear.gather [hbm4b:s4+s2], $0x1400, $0x38;
	[tilespmem:$0x6220] =	vst v63  }
0x10: {  	_ =	swait.ge [sflag:s8], $0x1400  }
0x11: {  	[sflag:s8] =	ssyncset.done $0x0  }
0x12: {  	s0 =	simm.s32 $0x1400;
	[sflag:s8] =	ssyncadd.s32 $0xFFFFEC00  }
0x13: {  	[tilespmem:s0], [sflag:$0x1] =	stream.indirect.gather [hbm4b:s3+s9], $0x10, s2, s9, $0xb8;
	[tilespmem:$0x6220] =	vst v63  }
0x14: {  	s23 =	sand.u32 $0x1, s2  }
0x15: {  	[tilespmem:s12], [sflag:$0x1] =	stream.indirect.gather [hbm4b:s3+s9], $0x10, s11, s9, $0xb8;
	[tilespmem:$0x6220] =	vst v63  }
0x16: {  	s24 =	sxor.u32 $0x1, s23  }
0x17: {  	[tilespmem:s14], [sflag:$0x1] =	stream.indirect.gather [hbm4b:s3+s9], $0x10, s13, s9, $0xb8;
	[tilespmem:$0x6220] =	vst v63  }
0x18: {  	s24 =	smul.u32 $0x9C40, s24  }
0x19: {  	[tilespmem:s16], [sflag:$0x1] =	stream.indirect.gather [hbm4b:s3+s9], $0x10, s15, s9, $0xb8;
	[tilespmem:$0x6220] =	vst v63  }
0x1a: {  	s24 =	sshrl.u32 s24, $0x2  }
0x1b: {  	[tilespmem:s18], [sflag:$0x1] =	stream.indirect.gather [hbm4b:s3+s9], $0x10, s17, s9, $0xb8;
	[tilespmem:$0x6220] =	vst v63  }
0x1c: {  	s26 =	simm.s32 $0x280;
	s25 =	sadd.s32 $0x1400, s24  }
0x1d: {  	[tilespmem:s25], [sflag:$0x1] =	stream.indirect.gather [hbm4b:s3+s9], $0x10, s26, s9, $0xb8;
	[tilespmem:$0x6220] =	vst v63  }
0x1e: {  	s28 =	simm.s32 $0x300;
	s26 =	sadd.s32 $0x1BD0, s24  }
0x1f: {  	[tilespmem:s26], [sflag:$0x1] =	stream.indirect.gather [hbm4b:s3+s9], $0x10, s28, s9, $0xb8;
	[tilespmem:$0x6220] =	vst v63  }
0x20: {  	s0 =	simm.s32 $0x380;
	s29 =	sadd.s32 $0x23A0, s24  }
0x21: {  	[tilespmem:s29], [sflag:$0x1] =	stream.indirect.gather [hbm4b:s3+s9], $0x10, s0, s9, $0xb8;
	[tilespmem:$0x6220] =	vst v63  }
0x22: {  	s10 =	simm.s32 $0x400;
	s1 =	sadd.s32 $0x2B70, s24  }
0x23: {  	[tilespmem:s1], [sflag:$0x1] =	stream.indirect.gather [hbm4b:s3+s9], $0x10, s10, s9, $0xb8;
	[tilespmem:$0x6220] =	vst v63  }
0x24: {  	s24 =	sadd.s32 $0x3340, s24;
	s26 =	simm.s32 $0x480  }
0x25: {  	[tilespmem:s24], [sflag:$0x1] =	stream.indirect.gather [hbm4b:s3+s9], $0x10, s26, s9, $0xb8;
	[tilespmem:$0x6220] =	vst v63  }
0x26: {  	_ =	swait.ge [sflag:s19], $0x7D0  }
0x27: {  	[sflag:s19] =	ssyncset.done $0x0  }
0x28: {  	[sflag:s19] =	ssyncadd.s32 $0xFFFFF830  }
0x29: {  	_ =	swait.ge [sflag:s19], $0x7D0  }
0x2a: {  	[sflag:s19] =	ssyncset.done $0x0  }
0x2b: {  	[sflag:s19] =	ssyncadd.s32 $0xFFFFF830  }
0x2c: {  	_ =	swait.ge [sflag:s19], $0x7D0  }
0x2d: {  	[sflag:s19] =	ssyncset.done $0x0  }
0x2e: {  	[sflag:s19] =	ssyncadd.s32 $0xFFFFF830  }
0x2f: {  	s25 =	simm.s32 $0x1;
	_ =	swait.ge [sflag:s19], $0x7D0  }
0x30: {  	s23 =	smul.u32 $0x9C40, s23;
	s28 =	sand.u32 $0x1, s25;
	[sflag:s19] =	ssyncset.done $0x0  }
0x31: {  	s29 =	sxor.u32 $0x1, s28;
	s24 =	smul.u32 $0x9C40, s28;
	[sflag:s19] =	ssyncadd.s32 $0xFFFFF830  }
0x32: {  	s23 =	sshrl.u32 s23, $0x2;
	s28 =	smul.u32 $0x9C40, s29;
	_ =	swait.ge [sflag:s19], $0x7D0  }
0x33: {  	s31 =	simm.s32 $0x1400;
	s23 =	sadd.s32 $0x1400, s23;
	[sflag:s19] =	ssyncset.done $0x0  }
0x34: {  	s26 =	simm.s32 $0xA00;
	s30 =	sshrl.u32 s28, $0x2;
	[sflag:s19] =	ssyncadd.s32 $0xFFFFF830  }
0x35: {  	[hbm4b:s7+s20] =	stream.strided.scatter [tilespmem:s23], [sflag:$0x2], $0x2710, s11, s20, $0x38;
	[tilespmem:$0x6220] =	vst v63  }
0x36: {  	s24 =	sshrl.u32 s24, $0x2;
	s23 =	sadd.s32 $0x2710, s7;
	_ =	swait.ge [sflag:s8], $0x2710  }
.LBB2_2:
0x37: {  	s0 =	sadd.s32 $0x1400, s30;
	s1 =	sshra.s32 s26, $0x2  }
0x38: {  	[sflag:s8] =	ssyncset.done $0x0;
	s26 =	smov.u32 s31;
	s29 =	smov.u32 s23  }
0x39: {  	s28 =	sadd.s32 $0xA00, s31;
	s10 =	sadd.s32 $0x280, s1;
	[sflag:s8] =	ssyncadd.s32 $0xFFFFD8F0  }
0x3a: {  	[tilespmem:s0], [sflag:$0x1] =	stream.indirect.gather [hbm4b:s3+s9], $0x10, s10, s9, $0xb8;
	[tilespmem:$0x6220] =	vst v63  }
0x3b: {  	p0 =	sne.s32 s31, $0x3C00;
	s0 =	sadd.s32 $0x1BD0, s30;
	s10 =	sadd.s32 $0x300, s1  }
0x3c: {  	[tilespmem:s0], [sflag:$0x1] =	stream.indirect.gather [hbm4b:s3+s9], $0x10, s10, s9, $0xb8;
	[tilespmem:$0x6220] =	vst v63  }
0x3d: {  	s0 =	sadd.s32 $0x23A0, s30;
	s10 =	sadd.s32 $0x380, s1  }
0x3e: {  	[tilespmem:s0], [sflag:$0x1] =	stream.indirect.gather [hbm4b:s3+s9], $0x10, s10, s9, $0xb8;
	[tilespmem:$0x6220] =	vst v63  }
0x3f: {  	s0 =	sadd.s32 $0x2B70, s30;
	s10 =	sadd.s32 $0x400, s1  }
0x40: {  	[tilespmem:s0], [sflag:$0x1] =	stream.indirect.gather [hbm4b:s3+s9], $0x10, s10, s9, $0xb8;
	[tilespmem:$0x6220] =	vst v63  }
0x41: {  	s1 =	sadd.s32 $0x480, s1;
	s0 =	sadd.s32 $0x3340, s30  }
0x42: {  	[tilespmem:s0], [sflag:$0x1] =	stream.indirect.gather [hbm4b:s3+s9], $0x10, s1, s9, $0xb8;
	[tilespmem:$0x6220] =	vst v63  }
0x43: {  	_ =	swait.ge [sflag:s19], $0x7D0  }
0x44: {  	[sflag:s19] =	ssyncset.done $0x0  }
0x45: {  	[sflag:s19] =	ssyncadd.s32 $0xFFFFF830  }
0x46: {  	_ =	swait.ge [sflag:s19], $0x7D0  }
0x47: {  	[sflag:s19] =	ssyncset.done $0x0  }
0x48: {  	[sflag:s19] =	ssyncadd.s32 $0xFFFFF830  }
0x49: {  	_ =	swait.ge [sflag:s19], $0x7D0  }
0x4a: {  	[sflag:s19] =	ssyncset.done $0x0  }
0x4b: {  	[sflag:s19] =	ssyncadd.s32 $0xFFFFF830  }
0x4c: {  	_ =	swait.ge [sflag:s19], $0x7D0  }
0x4d: {  	s25 =	sadd.s32 $0x1, s25;
	[sflag:s19] =	ssyncset.done $0x0  }
0x4e: {  	s23 =	sadd.s32 $0x2710, s23;
	s0 =	sadd.s32 $0x1400, s24;
	[sflag:s19] =	ssyncadd.s32 $0xFFFFF830  }
.Ltmp0:
0x4f: {  	s1 =	sand.u32 $0x1, s25;
	_ =	swait.ge [sflag:s19], $0x7D0;
	(pc) =	sbr.rel @p0 .LBB2_2-.Ltmp0, $4  }
0x50: {  	s10 =	sxor.u32 $0x1, s1;
	s1 =	smul.u32 $0x9C40, s1;
	[sflag:s19] =	ssyncset.done $0x0  }
0x51: {  	s31 =	smov.u32 s28;
	s10 =	smul.u32 $0x9C40, s10;
	[sflag:s19] =	ssyncadd.s32 $0xFFFFF830  }
0x52: {  	[hbm4b:s29+s20] =	stream.strided.scatter [tilespmem:s0], [sflag:$0x2], $0x2710, s11, s20, $0x38;
	[tilespmem:$0x6220] =	vst v63  }
0x53: {  	s24 =	sshrl.u32 s1, $0x2;
	s30 =	sshrl.u32 s10, $0x2;
	_ =	swait.ge [sflag:s8], $0x2710  }
0x54: {  	s0 =	sshra.s32 s26, $0x2;
	[sflag:s8] =	ssyncset.done $0x0  }
0x55: {  	s1 =	sadd.s32 $0x1400, s30;
	s10 =	sadd.s32 $0x280, s0;
	[sflag:s8] =	ssyncadd.s32 $0xFFFFD8F0  }
0x56: {  	[tilespmem:s1], [sflag:$0x1] =	stream.indirect.gather [hbm4b:s3+s9], $0x10, s10, s9, $0xb8;
	[tilespmem:$0x6220] =	vst v63  }
0x57: {  	s29 =	sadd.s32 $0x1BD0, s30;
	s31 =	sadd.s32 $0x300, s0  }
0x58: {  	[tilespmem:s29], [sflag:$0x1] =	stream.indirect.gather [hbm4b:s3+s9], $0x10, s31, s9, $0xb8;
	[tilespmem:$0x6220] =	vst v63  }
0x59: {  	s25 =	sadd.s32 $0x23A0, s30;
	s26 =	sadd.s32 $0x380, s0  }
0x5a: {  	[tilespmem:s25], [sflag:$0x1] =	stream.indirect.gather [hbm4b:s3+s9], $0x10, s26, s9, $0xb8;
	[tilespmem:$0x6220] =	vst v63  }
0x5b: {  	s28 =	sadd.s32 $0x2B70, s30;
	s29 =	sadd.s32 $0x400, s0  }
0x5c: {  	[tilespmem:s28], [sflag:$0x1] =	stream.indirect.gather [hbm4b:s3+s9], $0x10, s29, s9, $0xb8;
	[tilespmem:$0x6220] =	vst v63  }
0x5d: {  	s30 =	sadd.s32 $0x3340, s30;
	s0 =	sadd.s32 $0x480, s0  }
0x5e: {  	[tilespmem:s30], [sflag:$0x1] =	stream.indirect.gather [hbm4b:s3+s9], $0x10, s0, s9, $0xb8;
	[tilespmem:$0x6220] =	vst v63  }
0x5f: {  	_ =	swait.ge [sflag:s19], $0x7D0  }
0x60: {  	[sflag:s19] =	ssyncset.done $0x0  }
0x61: {  	[sflag:s19] =	ssyncadd.s32 $0xFFFFF830  }
0x62: {  	_ =	swait.ge [sflag:s19], $0x7D0  }
0x63: {  	[sflag:s19] =	ssyncset.done $0x0  }
0x64: {  	[sflag:s19] =	ssyncadd.s32 $0xFFFFF830  }
0x65: {  	_ =	swait.ge [sflag:s19], $0x7D0  }
0x66: {  	[sflag:s19] =	ssyncset.done $0x0  }
0x67: {  	[sflag:s19] =	ssyncadd.s32 $0xFFFFF830  }
0x68: {  	_ =	swait.ge [sflag:s19], $0x7D0  }
0x69: {  	[sflag:s19] =	ssyncset.done $0x0  }
0x6a: {  	[sflag:s19] =	ssyncadd.s32 $0xFFFFF830  }
0x6b: {  	_ =	swait.ge [sflag:s19], $0x7D0  }
0x6c: {  	[sflag:s19] =	ssyncset.done $0x0  }
0x6d: {  	s31 =	sadd.s32 $0x1400, s24;
	[sflag:s19] =	ssyncadd.s32 $0xFFFFF830  }
0x6e: {  	[hbm4b:s23+s20] =	stream.strided.scatter [tilespmem:s31], [sflag:$0x2], $0x2710, s11, s20, $0x38;
	[tilespmem:$0x6220] =	vst v63  }
0x6f: {  	_ =	swait.ge [sflag:s8], $0x2710  }
0x70: {  	[sflag:s8] =	ssyncset.done $0x0  }
0x71: {  	[sflag:s8] =	ssyncadd.s32 $0xFFFFD8F0  }
0x72: {  	_ =	swait.ge [sflag:s19], $0x7D0  }
0x73: {  	[sflag:s19] =	ssyncset.done $0x0  }
0x74: {  	[sflag:s19] =	ssyncadd.s32 $0xFFFFF830  }
0x75: {  	_ =	swait.ge [sflag:s19], $0x7D0  }
0x76: {  	[sflag:s19] =	ssyncset.done $0x0  }
0x77: {  	[sflag:s19] =	ssyncadd.s32 $0xFFFFF830  }
0x78: {  	_ =	swait.ge [sflag:s19], $0x7D0  }
0x79: {  	[sflag:s19] =	ssyncset.done $0x0  }
0x7a: {  	[sflag:s19] =	ssyncadd.s32 $0xFFFFF830  }
0x7b: {  	_ =	swait.ge [sflag:s19], $0x7D0  }
0x7c: {  	[sflag:s19] =	ssyncset.done $0x0  }
0x7d: {  	[sflag:s19] =	ssyncadd.s32 $0xFFFFF830  }
0x7e: {  	s22 =	sadd.s32 $0x1, s22;
	_ =	swait.ge [sflag:s19], $0x7D0  }
0x7f: {  	p0 =	sne.s32 s22, s5;
	[sflag:s19] =	ssyncset.done $0x0  }
.Ltmp1:
0x80: {  	[sflag:s19] =	ssyncadd.s32 $0xFFFFF830;
	(pc) =	sbr.rel @p0 .LBB2_1-.Ltmp1, $4  }
0x81: {  	[hbm4b:s6+s20] =	stream.strided.scatter [tilespmem:s21], [sflag:$0x2], $0x2710, s11, s20, $0x38;
	[tilespmem:$0x6220] =	vst v63  }
0x82: {  	_ =	swait.ge [sflag:s8], $0x2710  }
0x83: {  	[sflag:s8] =	ssyncset.done $0x0  }
0x84: {  	[sflag:s8] =	ssyncadd.s32 $0xFFFFD8F0  }
0x85: {  	_ =	sfence.sel $0x180000  }
0x86: {  	[bflag:$0x0] =	sbarrier.arrive $0xFFFF  }
0x87: {  	_ =	strace $0x9000004D  }
0x88: {  	s0 =	stileid.u32;
	[bflag:$0x2] =	sbarrier.arrive $0xFFFF  }
0x89: {  	p0 =	sne.s32 s0, $0x0;
	s0 =	rddreg [dreg:$0x1]  }
0x8a: {  	s0 =	sadd.s32 @!p0 $0x100000, s0  }
0x8b: {  	[sflag:s0] =	ssyncadd.tile.s32 @!p0 $0x1;
	_ =	shalt  }
.Lfunc_end2:
_tile_overlayer_lowered:
.L_overlay_start_2:
0x8c: {  	(tag) =	ssettag $0x2  }
0x8d: {  	s0 =	rddreg [dreg:$0x0];
	s2 =	stileid.u32  }
0x8e: {  	s1 =	rddreg [dreg:$0x1];
	p0 =	sne.s32 s2, $0x0  }
0x8f: {  	s3 =	rddreg [dreg:$0x2];
	[bflag:$0x3] =	sbarrier.arrive $0xFFFF;
	s2 =	simm.s32 @!p0 $0x1C02  }
0x90: {  	[timem:s3], [sflag:s2] =	dma.local @!p0 [hbm:s0], s1  }
0x91: {  	s0 =	simm.s32 @!p0 $0x2  }
0x92: {  	_ =	swait.ge @!p0 [sflag:s0], s1  }
0x93: {  	s1 =	ssub.s32 @!p0 $0x0, s1;
	[sflag:s0] =	ssyncset.done @!p0 $0x0  }
0x94: {  	[sflag:s0] =	ssyncadd.s32 @!p0 s1  }
0x95: {  	[bflag:$0x3] =	sbarrier.arrive $0xFFFF  }
0x96: {  	_ =	shalt  }

// kernel: kernel.24.cloned.1.call-start
scs
__scs_entry_jumppad:
0x0: {  	(pc) =	sbr.rel $0x88, $3  }
0x1: {  	(tag) =	ssettag $0x0;
	lr =	simm.s32 $0x1  }
0x2: {  	[smem:$0x3F72] =	sst lr;
	_ =	strace $0xD0000000  }
0x3: {  	_ = 	snop  }
0x4: {  	_ = 	snop  }
0x5: {  	_ = 	snop  }
0x6: {  	_ = 	snop  }
0x7: {  	_ = 	snop  }
__scs_overlays_trampoline_lowered:
0x8: {  	[smem:$0x3F81] =	sst s0  }
0x9: {  	[smem:$0x3F82] =	sst s1  }
0xa: {  	[smem:$0x3F83] =	sst s2  }
0xb: {  	[smem:$0x3F84] =	sst s3  }
0xc: {  	[smem:$0x3F85] =	sst s4  }
0xd: {  	[smem:$0x3F86] =	sst s5  }
0xe: {  	[smem:$0x3F87] =	sst s6  }
0xf: {  	[smem:$0x3F88] =	sst s7  }
0x10: {  	[smem:$0x3F89] =	sst s8  }
0x11: {  	[smem:$0x3F8A] =	sst s9;
	s0 =	simm.s32 @!p0 $0x0  }
0x12: {  	s1 =	sld [smem:$0x3F70];
	s0 =	simm.s32 @p0 $0x1  }
0x13: {  	[smem:$0x3F8B] =	sst s0;
	s0 =	simm.s32 @!p1 $0x0  }
0x14: {  	s2 =	sld [smem:$0x3F6F];
	s0 =	simm.s32 @p1 $0x1  }
0x15: {  	[smem:$0x3F8C] =	sst s0;
	s0 =	simm.s32 @!p2 $0x0  }
0x16: {  	s3 =	sld [smem:$0x3FDB];
	s0 =	simm.s32 @p2 $0x1  }
0x17: {  	s4 =	simm.s32 $0x1BF5;
	[smem:$0x3F8E] =	sst s0  }
0x18: {  	s0 =	sld [smem:$0x3F71];
	_ =	swait.ge [sflag:s4], $0x0  }
0x19: {  	s7 =	sld [smem:$0x3F72]  }
0x1a: {  	s8 =	sadd.s32 $0xFFFFE003, lr  }
0x1b: {  	s9 =	sadd.s32 $0xFFFFFEF7, lr;
	s5 =	simm.s32 $0xFFFFFFFF;
	p2 =	slt.u32 s8, $0xFFFFF086  }
0x1c: {  	p1 =	slt.u32 s9, $0xF7A;
	s5 =	simm.s32 @!p2 $0x0  }
0x1d: {  	s5 =	simm.s32 @p1 $0x1;
	p0 =	seq.s32 s7, s2  }
0x1e: {  	s7 =	smul.u32 @!p0 $0xF7A, s2;
	p2 =	seq.s32 @!p0 s5, $0x0  }
0x1f: {  	s9 =	smul.u32 $0xF7A, s1;
	s8 =	simm.s32 @!p0 $0x1BF5;
	p2 =	por !p2, p0  }
0x20: {  	[sflag:s8] =	ssyncset.s32 @!p0 $0xFFFFF086;
	s6 =	sadd.s32 @!p0 s3, s7;
	s7 =	simm.s32 @!p0 $0x108  }
0x21: {  	s3 =	sadd.s32 s3, s9;
	s6 =	sadd.s32 @!p0 $0x88, s6;
	s7 =	simm.s32 @p2 $0x1082  }
0x22: {  	[simem:s7], [sflag:s8] =	dma.local @!p0 [hbm:s6], $0xF7A  }
0x23: {  	s9 =	sor.u32 $0xD0000000, s2;
	s6 =	simm.s32 $0x108;
	_ =	swait.ge @!p0 [sflag:s8], $0x0  }
0x24: {  	s3 =	sadd.s32 $0x88, s3;
	s6 =	simm.s32 @!p1 $0x1082;
	[sflag:s4] =	ssyncset.s32 $0xFFFFF086  }
0x25: {  	[simem:s6], [sflag:s4] =	dma.local [hbm:s3], $0xF7A  }
0x26: {  	[smem:$0x3F72] =	sst s1;
	(tag) =	ssettag s2;
	_ =	strace s9  }
0x27: {  	s1 =	sld [smem:$0x3F82]  }
0x28: {  	s2 =	sld [smem:$0x3F83]  }
0x29: {  	s4 =	sld [smem:$0x3F85]  }
0x2a: {  	p0 =	seq.s32 s5, $0x0;
	s5 =	sld [smem:$0x3F86]  }
0x2b: {  	s6 =	sld [smem:$0x3F87]  }
0x2c: {  	s7 =	sld [smem:$0x3F88]  }
0x2d: {  	s3 =	simm.s32 $0x108;
	s8 =	sld [smem:$0x3F89]  }
0x2e: {  	s3 =	simm.s32 @!p0 $0x1082;
	s9 =	sld [smem:$0x3F8A]  }
0x2f: {  	lr =	sadd.s32 s0, s3;
	s0 =	sld [smem:$0x3F81]  }
0x30: {  	s3 =	sld [smem:$0x3F84]  }
0x31: {  	[smem:$0x3F8D] =	sst s10  }
0x32: {  	s10 =	sld [smem:$0x3F8B];
	_ =	sdelay $0x3  }
0x33: {  	p0 =	seq.s32 s10, $0x1;
	s10 =	sld [smem:$0x3F8D];
	_ =	sdelay $0x3  }
0x34: {  	[smem:$0x3F8D] =	sst s10  }
0x35: {  	s10 =	sld [smem:$0x3F8C];
	_ =	sdelay $0x3  }
0x36: {  	p1 =	seq.s32 s10, $0x1;
	s10 =	sld [smem:$0x3F8D];
	_ =	sdelay $0x3  }
0x37: {  	[smem:$0x3F8D] =	sst s10  }
0x38: {  	s10 =	sld [smem:$0x3F8E]  }
0x39: {  	_ = 	snop;
	(pc) =	sbr.ind lr, $3  }
0x3a: {  	_ = 	snop  }
0x3b: {  	_ = 	snop  }
0x3c: {  	p2 =	seq.s32 s10, $0x1;
	s10 =	sld [smem:$0x3F8D]  }
0x3d: {  	_ =	shalt  }
0x3e: {  	_ =	shalt  }
0x3f: {  	_ =	shalt  }
0x40: {  	_ =	shalt  }
0x41: {  	_ =	shalt  }
0x42: {  	_ =	shalt  }
0x43: {  	_ =	shalt  }
0x44: {  	_ =	shalt  }
0x45: {  	_ =	shalt  }
0x46: {  	_ =	shalt  }
0x47: {  	_ =	shalt  }
0x48: {  	_ =	shalt  }
0x49: {  	_ =	shalt  }
0x4a: {  	_ =	shalt  }
0x4b: {  	_ =	shalt  }
0x4c: {  	_ =	shalt  }
0x4d: {  	_ =	shalt  }
0x4e: {  	_ =	shalt  }
0x4f: {  	_ =	shalt  }
0x50: {  	_ =	shalt  }
0x51: {  	_ =	shalt  }
0x52: {  	_ =	shalt  }
0x53: {  	_ =	shalt  }
0x54: {  	_ =	shalt  }
0x55: {  	_ =	shalt  }
0x56: {  	_ =	shalt  }
0x57: {  	_ =	shalt  }
0x58: {  	_ =	shalt  }
0x59: {  	_ =	shalt  }
0x5a: {  	_ =	shalt  }
0x5b: {  	_ =	shalt  }
0x5c: {  	_ =	shalt  }
0x5d: {  	_ =	shalt  }
0x5e: {  	_ =	shalt  }
0x5f: {  	_ =	shalt  }
0x60: {  	_ =	shalt  }
0x61: {  	_ =	shalt  }
0x62: {  	_ =	shalt  }
0x63: {  	_ =	shalt  }
0x64: {  	_ =	shalt  }
0x65: {  	_ =	shalt  }
0x66: {  	_ =	shalt  }
0x67: {  	_ =	shalt  }
0x68: {  	_ =	shalt  }
0x69: {  	_ =	shalt  }
0x6a: {  	_ =	shalt  }
0x6b: {  	_ =	shalt  }
0x6c: {  	_ =	shalt  }
0x6d: {  	_ =	shalt  }
0x6e: {  	_ =	shalt  }
0x6f: {  	_ =	shalt  }
0x70: {  	_ =	shalt  }
0x71: {  	_ =	shalt  }
0x72: {  	_ =	shalt  }
0x73: {  	_ =	shalt  }
0x74: {  	_ =	shalt  }
0x75: {  	_ =	shalt  }
0x76: {  	_ =	shalt  }
0x77: {  	_ =	shalt  }
0x78: {  	_ =	shalt  }
0x79: {  	_ =	shalt  }
0x7a: {  	_ =	shalt  }
0x7b: {  	_ =	shalt  }
0x7c: {  	_ =	shalt  }
0x7d: {  	_ =	shalt  }
0x7e: {  	_ =	shalt  }
0x7f: {  	_ =	shalt  }
0x80: {  	_ =	shalt  }
0x81: {  	_ =	shalt  }
0x82: {  	_ =	shalt  }
0x83: {  	_ =	shalt  }
0x84: {  	_ =	shalt  }
0x85: {  	_ =	shalt  }
0x86: {  	_ =	shalt  }
0x87: {  	_ =	shalt  }
.Lfunc_end0:
.L_simem_size_0:
called_computation.3_lowered:
.L_overlay_start_0:
0x88: {  	s2 =	sld [smem:$0x3FD9]  }
0x89: {  	s3 =	sld [smem:$0x3FFE];
	_ =	sdelay $0x1  }
0x8a: {  	s1 =	srdreg.scid  }
0x8b: {  	s0 =	sand.u32 $0x1, s1  }
0x8c: {  	s16 =	sshll.u32 s0, $0xA;
	s2 =	sadd.s32 s3, s2  }
0x8d: {  	s2 =	sadd.s32 s2, s16  }
0x8e: {  	[smem:$0x3F99] =	sst s2  }
0x8f: {  	_ = 	snop  }
0x90: {  	(tm) =	ssettm $0x1  }
0x91: {  	s17 =	sld [smem:$0x3FFB];
	_ =	sdelay $0x3  }
0x92: {  	_ =	strace s17  }
0x93: {  	s2 =	sld [smem:$0x3FFC];
	_ =	sdelay $0x3  }
0x94: {  	_ =	strace s2  }
0x95: {  	s2 =	sld [smem:$0x3FFD];
	_ =	sdelay $0x3  }
0x96: {  	_ =	strace s2  }
0x97: {  	_ =	strace $0x8FFFFFFF  }
0x98: {  	s18 =	sld [smem:$0x3FDB];
	_ =	sdelay $0x1  }
0x99: {  	s19 =	simm.s32 $_scs_section_size  }
0x9a: {  	s4 =	simm.s32 $_size__tile_overlayer_lowered;
	s5 =	simm.s32 $_tile_overlayer_lowered  }
0x9b: {  	s22 =	simm.s32 $0x1BFF;
	s21 =	sshll.u32 s5, $0x1;
	s2 =	sadd.s32 s19, s18  }
0x9c: {  	s6 =	simm.s32 $0x0;
	s20 =	sshll.u32 s4, $0x1;
	s4 =	sadd.s32 s21, s2  }
0x9d: {  	[timem:s6], [sflag:s22] =	dma.local [hbm:s4], s20  }
0x9e: {  	_ =	swait.ge [sflag:s22], s20  }
0x9f: {  	s3 =	ssub.s32 $0x0, s20;
	[sflag:s22] =	ssyncset.done $0x0  }
0xa0: {  	[sflag:s22] =	ssyncadd.s32 s3;
	_ =	sdelay $0x1  }
0xa1: {  	s23 =	simm.s32 $0x1B8B  }
0xa2: {  	_ =	swait.ge [sflag:s23], $0x1  }
0xa3: {  	[sflag:s23] =	ssyncset.done $0x0  }
0xa4: {  	s25 =	simm.s32 $0x1B8E;
	s24 =	sld [smem:$0x3FFE];
	[sflag:s23] =	ssyncadd.s32 $0xFFFFFFFF  }
0xa5: {  	s26 =	simm.s32 $execute0_lowered;
	[smem:$0x3FD2] =	sst s25  }
0xa6: {  	s4 =	sshll.u32 s26, $0x1;
	_ =	strace $0x8000004F;
	[dreg:$0x1] =	wrdreg $0xFFFFFFFF  }
0xa7: {  	s28 =	simm.s32 $_size_execute0_lowered;
	s2 =	sadd.s32 s2, s4;
	[dreg:$0x0] =	wrdreg $0x0  }
0xa8: {  	s4 =	sshll.u32 s28, $0x1;
	[dreg:$0x2] =	wrdreg s2  }
0xa9: {  	[dreg:$0x3] =	wrdreg s4  }
0xaa: {  	[dreg:$0x4] =	wrdreg $0xC0  }
0xab: {  	_ =	task [dreg:s6], $0x5FFFF  }
0xac: {  	[dreg:$0x1] =	wrdreg $0xFFFFFFFF  }
0xad: {  	[dreg:$0x0] =	wrdreg $0x60  }
0xae: {  	[dreg:$0x2] =	wrdreg s24  }
0xaf: {  	[dreg:$0x3] =	wrdreg $0x62200  }
0xb0: {  	[dreg:$0x4] =	wrdreg $0x9  }
0xb1: {  	_ =	task.clear_ibuf [dreg:s6], $0x5FFFF;
	_ =	strace $0x9000004F  }
0xb2: {  	s29 =	simm.s32 $0x9;
	_ =	strace $0x80000051  }
0xb3: {  	_ =	swait.ge [sflag:s29], $0x1  }
0xb4: {  	[sflag:s29] =	ssyncadd.s32 $0xFFFFFFFF  }
0xb5: {  	_ =	strace $0x90000051  }
0xb6: {  	_ =	sfence  }
0xb7: {  	s30 =	sld [smem:$0x0];
	_ =	sdelay $0x2  }
0xb8: {  	s31 =	sshll.u32 s1, $0xD;
	s1 =	sshrl.u32 s1, $0x2  }
0xb9: {  	s3 =	sand.u32 $0x4000, s31;
	s1 =	sadd.s32 s1, s30  }
0xba: {  	s0 =	sor.u32 s3, s0;
	s1 =	sshll.u32 s1, $0x11  }
0xbb: {  	s0 =	sor.u32 s1, s0  }
0xbc: {  	s0 =	sadd.s32 $0x8F2B, s0  }
0xbd: {  	[sflag:s0] =	ssyncadd.remote.s32 $0x1  }
0xbe: {  	_ =	sfence.sel $0xFFFF  }
0xbf: {  	[dreg:$0x0] =	wrdreg $0xFFFFFFFF;
	(pc) =	sbr.abs _section_cstart, $3  }
0xc0: {  	[dreg:$0x1] =	wrdreg $0xFFFFFFFF  }
0xc1: {  	_ =	task.clear_ibuf [dreg:s6], $0x2FFFF;
	_ =	strace $0x9FFFFFFF  }
0xc2: {  	(tm) =	ssettm $0x7FFFFFFF  }
0xc3: {  	_ =	shalt  }
tec
execute0_lowered:
.L_overlay_start_1:
0x0: {  	(tag) =	ssettag $0x1  }
0x1: {  	s0 =	srdreg.scid;
	s1 =	rddreg [dreg:$0x0]  }
0x2: {  	s13 =	stileid.u32;
	s2 =	rddreg [dreg:$0x1]  }
0x3: {  	s14 =	simm.s32 $0x80;
	s16 =	simm.s32 $0x1;
	s17 =	simm.s32 $0x7D  }
0x4: {  	s18 =	simm.s32 $0x2;
	s24 =	simm.s32 $0x4AB0;
	s28 =	simm.s32 $0x1380  }
0x5: {  	s29 =	simm.s32 $0x5A50;
	s30 =	simm.s32 $0x0;
	s6 =	smul.u32 $0x2700, s13  }
0x6: {  	s0 =	sand.u32 $0x1, s0;
	s3 =	sshll.u32 s13, $0x1;
	s11 =	smul.u32 $0x2710, s13  }
0x7: {  	s9 =	sadd.s32 $0x529400, s1;
	s26 =	sshll.u32 s13, $0x6;
	s7 =	smul.u32 $0x27100, s0  }
0x8: {  	s5 =	sor.u32 s0, s3;
	s10 =	ssub.s32 $0x2, s0;
	s0 =	smul.u32 $0x1388, s0  }
0x9: {  	s13 =	simm.s32 $0x10;
	s3 =	simm.s32 $0x0;
	s4 =	smul.u32 $0x280, s5  }
0xa: {  	[smem:$0x7FF] =	sst s3;
	s12 =	sshrl.u32 s10, $0x1;
	s25 =	sadd.s32 s6, s2  }
0xb: {  	s31 =	smul.u32 $0x13880, s5;
	s5 =	sor.u32 $0x1C03, s26;
	s26 =	simm.s32 $0x5280  }
0xc: {  	_ =	strace $0x80000050;
	s7 =	sadd.s32 s6, s7;
	s10 =	ssub.s32 s10, s12  }
0xd: {  	s0 =	sadd.s32 s0, s11;
	s11 =	sshrl.u32 s25, $0x3;
	s12 =	simm.s32 $0x3  }
0xe: {  	s25 =	simm.s32 $0x1300;
	s8 =	sadd.s32 s4, s1;
	s7 =	sshrl.u32 s7, $0x3  }
0xf: {  	s4 =	sadd.s32 $0x33600, s1;
	s0 =	sshll.u32 s0, $0x4;
	s1 =	sadd.s32 s7, s1  }
0x10: {  	s6 =	sadd.s32 $0x2B3400, s8;
	s7 =	sadd.s32 s9, s31;
	s0 =	sadd.s32 s0, s9  }
0x11: {  	s9 =	smax.u32 s10, $0x1;
	s8 =	sadd.s32 $0x69600, s1;
	s15 =	sadd.s32 $0x2710, s0  }
.LBB2_1:
0x12: {  	[spmem:s11], [sflag:s5] =	dma.local [hbm:s4], $0x500  }
0x13: {  	_ =	swait.ge [sflag:s12], $0x500  }
0x14: {  	[sflag:s12] =	ssyncset.done $0x0  }
0x15: {  	s0 =	sand.u32 $0x1, s3;
	[sflag:s12] =	ssyncadd.s32 $0xFFFFFB00  }
0x16: {  	[tilespmem:s3], [sflag:$0x3] =	stream.linear.gather [hbm4b:s6+s3], $0x1400, $0x38;
	[tilespmem:$0x8930] =	vst v63  }
0x17: {  	s1 =	sxor.u32 $0x1, s0;
	_ =	swait.ge [sflag:s12], $0x1400  }
0x18: {  	s1 =	smul.u32 $0x9C40, s1;
	[sflag:s12] =	ssyncset.done $0x0  }
0x19: {  	[sflag:s12] =	ssyncadd.s32 $0xFFFFEC00  }
0x1a: {  	s10 =	simm.s32 $0x1400;
	s1 =	sshrl.u32 s1, $0x2;
	[bflag:$0x0] =	sbarrier.arrive $0xFFFF  }
0x1b: {  	[tilespmem:s10], [sflag:$0x1] =	stream.strided.gather [hbm4b:s7+s13], $0x2710, s14, s13, $0x38;
	[tilespmem:$0x8930] =	vst v63  }
0x1c: {  	s0 =	smul.u32 $0x9C40, s0;
	s1 =	sadd.s32 $0x1400, s1  }
0x1d: {  	[tilespmem:s1], [sflag:$0x1] =	stream.strided.gather [hbm4b:s15+s13], $0x2710, s14, s13, $0x38;
	[tilespmem:$0x8930] =	vst v63  }
0x1e: {  	_ =	swait.ge [sflag:s16], $0x2710  }
0x1f: {  	s0 =	sshrl.u32 s0, $0x2;
	[sflag:s16] =	ssyncset.done $0x0  }
0x20: {  	s19 =	simm.s32 $0x0;
	s10 =	sadd.s32 $0x1400, s0;
	[sflag:s16] =	ssyncadd.s32 $0xFFFFD8F0  }
0x21: {  	[spmem:s2] =	stream.indirect.scatter.add.f32 [tilespmem:s10], [sflag:$0x2], $0x10, s19, s17, $0xb8;
	[tilespmem:$0x8930] =	vst v63  }
0x22: {  	s21 =	simm.s32 $0x80;
	s20 =	sadd.s32 $0x1BD0, s0  }
0x23: {  	[spmem:s2] =	stream.indirect.scatter.add.f32 [tilespmem:s20], [sflag:$0x2], $0x10, s21, s17, $0xb8;
	[tilespmem:$0x8930] =	vst v63  }
0x24: {  	s23 =	simm.s32 $0x100;
	s22 =	sadd.s32 $0x23A0, s0  }
0x25: {  	[spmem:s2] =	stream.indirect.scatter.add.f32 [tilespmem:s22], [sflag:$0x2], $0x10, s23, s17, $0xb8;
	[tilespmem:$0x8930] =	vst v63  }
0x26: {  	s10 =	sadd.s32 $0x2B70, s0;
	s19 =	simm.s32 $0x180  }
0x27: {  	[spmem:s2] =	stream.indirect.scatter.add.f32 [tilespmem:s10], [sflag:$0x2], $0x10, s19, s17, $0xb8;
	[tilespmem:$0x8930] =	vst v63  }
0x28: {  	s0 =	sadd.s32 $0x3340, s0;
	s20 =	simm.s32 $0x200  }
0x29: {  	[spmem:s2] =	stream.indirect.scatter.add.f32 [tilespmem:s0], [sflag:$0x2], $0x10, s20, s17, $0xb8;
	[tilespmem:$0x8930] =	vst v63  }
0x2a: {  	_ =	swait.ge [sflag:s18], $0x7D0  }
0x2b: {  	[sflag:s18] =	ssyncset.done $0x0  }
0x2c: {  	[sflag:s18] =	ssyncadd.s32 $0xFFFFF830  }
0x2d: {  	_ =	swait.ge [sflag:s18], $0x7D0  }
0x2e: {  	[sflag:s18] =	ssyncset.done $0x0  }
0x2f: {  	[sflag:s18] =	ssyncadd.s32 $0xFFFFF830  }
0x30: {  	_ =	swait.ge [sflag:s18], $0x7D0  }
0x31: {  	[sflag:s18] =	ssyncset.done $0x0  }
0x32: {  	s31 =	simm.s32 $0x1;
	[sflag:s18] =	ssyncadd.s32 $0xFFFFF830  }
0x33: {  	s21 =	sand.u32 $0x1, s31;
	_ =	swait.ge [sflag:s18], $0x7D0  }
0x34: {  	s22 =	sxor.u32 $0x1, s21;
	s23 =	smul.u32 $0x9C40, s21;
	[sflag:s18] =	ssyncset.done $0x0  }
0x35: {  	s1 =	simm.s32 $0xA00;
	s20 =	smul.u32 $0x9C40, s22;
	[sflag:s18] =	ssyncadd.s32 $0xFFFFF830  }
0x36: {  	s19 =	sshrl.u32 s23, $0x2;
	s10 =	smov.u32 s15;
	_ =	swait.ge [sflag:s18], $0x7D0  }
0x37: {  	s0 =	simm.s32 $0x1400;
	s20 =	sshrl.u32 s20, $0x2;
	[sflag:s18] =	ssyncset.done $0x0  }
.LBB2_2:
0x38: {  	s20 =	sadd.s32 $0x1400, s20  }
0x39: {  	[sflag:s18] =	ssyncadd.s32 $0xFFFFF830;
	s10 =	sadd.s32 $0x2710, s10;
	s21 =	smov.u32 s0  }
0x3a: {  	[tilespmem:s20], [sflag:$0x1] =	stream.strided.gather [hbm4b:s10+s13], $0x2710, s14, s13, $0x38;
	[tilespmem:$0x8930] =	vst v63  }
0x3b: {  	p0 =	sne.s32 s0, $0x3C00;
	s0 =	sadd.s32 $0xA00, s0;
	_ =	swait.ge [sflag:s16], $0x2710  }
0x3c: {  	[sflag:s16] =	ssyncset.done $0x0  }
0x3d: {  	s22 =	sshra.s32 s1, $0x2;
	s20 =	sadd.s32 $0x1400, s19;
	[sflag:s16] =	ssyncadd.s32 $0xFFFFD8F0  }
0x3e: {  	[spmem:s2] =	stream.indirect.scatter.add.f32 [tilespmem:s20], [sflag:$0x2], $0x10, s22, s17, $0xb8;
	[tilespmem:$0x8930] =	vst v63  }
0x3f: {  	s23 =	sadd.s32 $0x80, s22;
	s1 =	smov.u32 s21;
	s20 =	sadd.s32 $0x1BD0, s19  }
0x40: {  	[spmem:s2] =	stream.indirect.scatter.add.f32 [tilespmem:s20], [sflag:$0x2], $0x10, s23, s17, $0xb8;
	[tilespmem:$0x8930] =	vst v63  }
0x41: {  	s21 =	sadd.s32 $0x100, s22;
	s20 =	sadd.s32 $0x23A0, s19  }
0x42: {  	[spmem:s2] =	stream.indirect.scatter.add.f32 [tilespmem:s20], [sflag:$0x2], $0x10, s21, s17, $0xb8;
	[tilespmem:$0x8930] =	vst v63  }
0x43: {  	s20 =	sadd.s32 $0x2B70, s19;
	s21 =	sadd.s32 $0x180, s22  }
0x44: {  	[spmem:s2] =	stream.indirect.scatter.add.f32 [tilespmem:s20], [sflag:$0x2], $0x10, s21, s17, $0xb8;
	[tilespmem:$0x8930] =	vst v63  }
0x45: {  	s19 =	sadd.s32 $0x3340, s19;
	s20 =	sadd.s32 $0x200, s22  }
0x46: {  	[spmem:s2] =	stream.indirect.scatter.add.f32 [tilespmem:s19], [sflag:$0x2], $0x10, s20, s17, $0xb8;
	[tilespmem:$0x8930] =	vst v63  }
0x47: {  	_ =	swait.ge [sflag:s18], $0x7D0  }
0x48: {  	[sflag:s18] =	ssyncset.done $0x0  }
0x49: {  	[sflag:s18] =	ssyncadd.s32 $0xFFFFF830  }
0x4a: {  	_ =	swait.ge [sflag:s18], $0x7D0  }
0x4b: {  	[sflag:s18] =	ssyncset.done $0x0  }
0x4c: {  	[sflag:s18] =	ssyncadd.s32 $0xFFFFF830  }
0x4d: {  	_ =	swait.ge [sflag:s18], $0x7D0  }
0x4e: {  	[sflag:s18] =	ssyncset.done $0x0  }
0x4f: {  	s31 =	sadd.s32 $0x1, s31;
	[sflag:s18] =	ssyncadd.s32 $0xFFFFF830  }
.Ltmp0:
0x50: {  	s19 =	sand.u32 $0x1, s31;
	_ =	swait.ge [sflag:s18], $0x7D0;
	(pc) =	sbr.rel @p0 .LBB2_2-.Ltmp0, $4  }
0x51: {  	s20 =	sxor.u32 $0x1, s19;
	s19 =	smul.u32 $0x9C40, s19;
	[sflag:s18] =	ssyncset.done $0x0  }
0x52: {  	s20 =	smul.u32 $0x9C40, s20;
	[sflag:s18] =	ssyncadd.s32 $0xFFFFF830  }
0x53: {  	s19 =	sshrl.u32 s19, $0x2;
	_ =	swait.ge [sflag:s18], $0x7D0  }
0x54: {  	s20 =	sshrl.u32 s20, $0x2;
	[sflag:s18] =	ssyncset.done $0x0  }
0x55: {  	s0 =	sadd.s32 $0x1400, s20;
	[sflag:s18] =	ssyncadd.s32 $0xFFFFF830;
	s10 =	sadd.s32 $0x2710, s10  }
0x56: {  	[tilespmem:s0], [sflag:$0x1] =	stream.strided.gather [hbm4b:s10+s13], $0x2710, s14, s13, $0x38;
	[tilespmem:$0x8930] =	vst v63  }
0x57: {  	_ =	swait.ge [sflag:s16], $0x2710  }
0x58: {  	[sflag:s16] =	ssyncset.done $0x0  }
0x59: {  	s31 =	sadd.s32 $0x1400, s19;
	s1 =	sshra.s32 s1, $0x2;
	[sflag:s16] =	ssyncadd.s32 $0xFFFFD8F0  }
0x5a: {  	[spmem:s2] =	stream.indirect.scatter.add.f32 [tilespmem:s31], [sflag:$0x2], $0x10, s1, s17, $0xb8;
	[tilespmem:$0x8930] =	vst v63  }
0x5b: {  	s10 =	sadd.s32 $0x1BD0, s19;
	s20 =	sadd.s32 $0x80, s1  }
0x5c: {  	[spmem:s2] =	stream.indirect.scatter.add.f32 [tilespmem:s10], [sflag:$0x2], $0x10, s20, s17, $0xb8;
	[tilespmem:$0x8930] =	vst v63  }
0x5d: {  	s21 =	sadd.s32 $0x23A0, s19;
	s22 =	sadd.s32 $0x100, s1  }
0x5e: {  	[spmem:s2] =	stream.indirect.scatter.add.f32 [tilespmem:s21], [sflag:$0x2], $0x10, s22, s17, $0xb8;
	[tilespmem:$0x8930] =	vst v63  }
0x5f: {  	s23 =	sadd.s32 $0x2B70, s19;
	s31 =	sadd.s32 $0x180, s1  }
0x60: {  	[spmem:s2] =	stream.indirect.scatter.add.f32 [tilespmem:s23], [sflag:$0x2], $0x10, s31, s17, $0xb8;
	[tilespmem:$0x8930] =	vst v63  }
0x61: {  	s19 =	sadd.s32 $0x3340, s19;
	s1 =	sadd.s32 $0x200, s1  }
0x62: {  	[spmem:s2] =	stream.indirect.scatter.add.f32 [tilespmem:s19], [sflag:$0x2], $0x10, s1, s17, $0xb8;
	[tilespmem:$0x8930] =	vst v63  }
0x63: {  	_ =	swait.ge [sflag:s18], $0x7D0  }
0x64: {  	[sflag:s18] =	ssyncset.done $0x0  }
0x65: {  	[sflag:s18] =	ssyncadd.s32 $0xFFFFF830  }
0x66: {  	_ =	swait.ge [sflag:s18], $0x7D0  }
0x67: {  	[sflag:s18] =	ssyncset.done $0x0  }
0x68: {  	[sflag:s18] =	ssyncadd.s32 $0xFFFFF830  }
0x69: {  	_ =	swait.ge [sflag:s18], $0x7D0  }
0x6a: {  	[sflag:s18] =	ssyncset.done $0x0  }
0x6b: {  	[sflag:s18] =	ssyncadd.s32 $0xFFFFF830  }
0x6c: {  	_ =	swait.ge [sflag:s18], $0x7D0  }
0x6d: {  	[sflag:s18] =	ssyncset.done $0x0  }
0x6e: {  	[sflag:s18] =	ssyncadd.s32 $0xFFFFF830  }
0x6f: {  	_ =	swait.ge [sflag:s18], $0x7D0  }
0x70: {  	[sflag:s18] =	ssyncset.done $0x0  }
0x71: {  	[sflag:s18] =	ssyncadd.s32 $0xFFFFF830  }
0x72: {  	_ =	swait.ge [sflag:s16], $0x2710  }
0x73: {  	[sflag:s16] =	ssyncset.done $0x0  }
0x74: {  	s20 =	simm.s32 $0x1180;
	s21 =	simm.s32 $0x3B10;
	[sflag:s16] =	ssyncadd.s32 $0xFFFFD8F0  }
0x75: {  	[spmem:s2] =	stream.indirect.scatter.add.f32 [tilespmem:s21], [sflag:$0x2], $0x10, s20, s17, $0xb8;
	[tilespmem:$0x8930] =	vst v63  }
0x76: {  	s22 =	simm.s32 $0x1200;
	s23 =	simm.s32 $0x42E0  }
0x77: {  	[spmem:s2] =	stream.indirect.scatter.add.f32 [tilespmem:s23], [sflag:$0x2], $0x10, s22, s17, $0xb8;
	[tilespmem:$0x8930] =	vst v63  }
0x78: {  	s31 =	simm.s32 $0x1280  }
0x79: {  	[spmem:s2] =	stream.indirect.scatter.add.f32 [tilespmem:s24], [sflag:$0x2], $0x10, s31, s17, $0xb8;
	[tilespmem:$0x8930] =	vst v63  }
0x7a: {  	_ = 	snop  }
0x7b: {  	[spmem:s2] =	stream.indirect.scatter.add.f32 [tilespmem:s26], [sflag:$0x2], $0x10, s25, s17, $0xb8;
	[tilespmem:$0x8930] =	vst v63  }
0x7c: {  	_ = 	snop  }
0x7d: {  	[spmem:s2] =	stream.indirect.scatter.add.f32 [tilespmem:s29], [sflag:$0x2], $0x10, s28, s17, $0xb8;
	[tilespmem:$0x8930] =	vst v63  }
0x7e: {  	_ =	swait.ge [sflag:s18], $0x7D0  }
0x7f: {  	[sflag:s18] =	ssyncset.done $0x0  }
0x80: {  	[sflag:s18] =	ssyncadd.s32 $0xFFFFF830  }
0x81: {  	_ =	swait.ge [sflag:s18], $0x7D0  }
0x82: {  	[sflag:s18] =	ssyncset.done $0x0  }
0x83: {  	[sflag:s18] =	ssyncadd.s32 $0xFFFFF830  }
0x84: {  	_ =	swait.ge [sflag:s18], $0x7D0  }
0x85: {  	[sflag:s18] =	ssyncset.done $0x0  }
0x86: {  	[sflag:s18] =	ssyncadd.s32 $0xFFFFF830  }
0x87: {  	_ =	swait.ge [sflag:s18], $0x7D0  }
0x88: {  	[sflag:s18] =	ssyncset.done $0x0  }
0x89: {  	[sflag:s18] =	ssyncadd.s32 $0xFFFFF830  }
0x8a: {  	_ =	swait.ge [sflag:s18], $0x7D0  }
0x8b: {  	s30 =	sadd.s32 $0x1, s30;
	[sflag:s18] =	ssyncset.done $0x0  }
0x8c: {  	p0 =	sne.s32 s30, s9;
	[sflag:s18] =	ssyncadd.s32 $0xFFFFF830  }
.Ltmp1:
0x8d: {  	[bflag:$0x0] =	sbarrier.arrive $0xFFFF;
	(pc) =	sbr.rel @p0 .LBB2_1-.Ltmp1, $4  }
0x8e: {  	[hbm:s8], [sflag:s5] =	dma.local [spmem:s11], $0x500  }
0x8f: {  	_ =	swait.ge [sflag:s12], $0x500  }
0x90: {  	[sflag:s12] =	ssyncset.done $0x0  }
0x91: {  	[sflag:s12] =	ssyncadd.s32 $0xFFFFFB00  }
0x92: {  	_ =	sfence.sel $0x180000  }
0x93: {  	[bflag:$0x0] =	sbarrier.arrive $0xFFFF  }
0x94: {  	_ =	strace $0x90000050  }
0x95: {  	s0 =	stileid.u32;
	[bflag:$0x2] =	sbarrier.arrive $0xFFFF  }
0x96: {  	p0 =	sne.s32 s0, $0x0;
	s0 =	rddreg [dreg:$0x2]  }
0x97: {  	s0 =	sadd.s32 @!p0 $0x100000, s0  }
0x98: {  	[sflag:s0] =	ssyncadd.tile.s32 @!p0 $0x1;
	_ =	shalt  }
.Lfunc_end2:
_tile_overlayer_lowered:
.L_overlay_start_2:
0x99: {  	(tag) =	ssettag $0x2  }
0x9a: {  	s0 =	rddreg [dreg:$0x0];
	s2 =	stileid.u32  }
0x9b: {  	s1 =	rddreg [dreg:$0x1];
	p0 =	sne.s32 s2, $0x0  }
0x9c: {  	s3 =	rddreg [dreg:$0x2];
	[bflag:$0x3] =	sbarrier.arrive $0xFFFF;
	s2 =	simm.s32 @!p0 $0x1C03  }
0x9d: {  	[timem:s3], [sflag:s2] =	dma.local @!p0 [hbm:s0], s1  }
0x9e: {  	s0 =	simm.s32 @!p0 $0x3  }
0x9f: {  	_ =	swait.ge @!p0 [sflag:s0], s1  }
0xa0: {  	s1 =	ssub.s32 @!p0 $0x0, s1;
	[sflag:s0] =	ssyncset.done @!p0 $0x0  }
0xa1: {  	[sflag:s0] =	ssyncadd.s32 @!p0 s1  }
0xa2: {  	[bflag:$0x3] =	sbarrier.arrive $0xFFFF  }
0xa3: {  	_ =	shalt  }

// kernel: kernel.27.cloned.1.call-start
scs
__scs_entry_jumppad:
0x0: {  	(pc) =	sbr.rel $0x88, $3  }
0x1: {  	(tag) =	ssettag $0x0;
	lr =	simm.s32 $0x1  }
0x2: {  	[smem:$0x3F72] =	sst lr;
	_ =	strace $0xD0000000  }
0x3: {  	_ = 	snop  }
0x4: {  	_ = 	snop  }
0x5: {  	_ = 	snop  }
0x6: {  	_ = 	snop  }
0x7: {  	_ = 	snop  }
__scs_overlays_trampoline_lowered:
0x8: {  	[smem:$0x3F81] =	sst s0  }
0x9: {  	[smem:$0x3F82] =	sst s1  }
0xa: {  	[smem:$0x3F83] =	sst s2  }
0xb: {  	[smem:$0x3F84] =	sst s3  }
0xc: {  	[smem:$0x3F85] =	sst s4  }
0xd: {  	[smem:$0x3F86] =	sst s5  }
0xe: {  	[smem:$0x3F87] =	sst s6  }
0xf: {  	[smem:$0x3F88] =	sst s7  }
0x10: {  	[smem:$0x3F89] =	sst s8  }
0x11: {  	[smem:$0x3F8A] =	sst s9;
	s0 =	simm.s32 @!p0 $0x0  }
0x12: {  	s1 =	sld [smem:$0x3F70];
	s0 =	simm.s32 @p0 $0x1  }
0x13: {  	[smem:$0x3F8B] =	sst s0;
	s0 =	simm.s32 @!p1 $0x0  }
0x14: {  	s2 =	sld [smem:$0x3F6F];
	s0 =	simm.s32 @p1 $0x1  }
0x15: {  	[smem:$0x3F8C] =	sst s0;
	s0 =	simm.s32 @!p2 $0x0  }
0x16: {  	s3 =	sld [smem:$0x3FDB];
	s0 =	simm.s32 @p2 $0x1  }
0x17: {  	s4 =	simm.s32 $0x1BF5;
	[smem:$0x3F8E] =	sst s0  }
0x18: {  	s0 =	sld [smem:$0x3F71];
	_ =	swait.ge [sflag:s4], $0x0  }
0x19: {  	s7 =	sld [smem:$0x3F72]  }
0x1a: {  	s8 =	sadd.s32 $0xFFFFE003, lr  }
0x1b: {  	s9 =	sadd.s32 $0xFFFFFEF7, lr;
	s5 =	simm.s32 $0xFFFFFFFF;
	p2 =	slt.u32 s8, $0xFFFFF086  }
0x1c: {  	p1 =	slt.u32 s9, $0xF7A;
	s5 =	simm.s32 @!p2 $0x0  }
0x1d: {  	s5 =	simm.s32 @p1 $0x1;
	p0 =	seq.s32 s7, s2  }
0x1e: {  	s7 =	smul.u32 @!p0 $0xF7A, s2;
	p2 =	seq.s32 @!p0 s5, $0x0  }
0x1f: {  	s9 =	smul.u32 $0xF7A, s1;
	s8 =	simm.s32 @!p0 $0x1BF5;
	p2 =	por !p2, p0  }
0x20: {  	[sflag:s8] =	ssyncset.s32 @!p0 $0xFFFFF086;
	s6 =	sadd.s32 @!p0 s3, s7;
	s7 =	simm.s32 @!p0 $0x108  }
0x21: {  	s3 =	sadd.s32 s3, s9;
	s6 =	sadd.s32 @!p0 $0x88, s6;
	s7 =	simm.s32 @p2 $0x1082  }
0x22: {  	[simem:s7], [sflag:s8] =	dma.local @!p0 [hbm:s6], $0xF7A  }
0x23: {  	s9 =	sor.u32 $0xD0000000, s2;
	s6 =	simm.s32 $0x108;
	_ =	swait.ge @!p0 [sflag:s8], $0x0  }
0x24: {  	s3 =	sadd.s32 $0x88, s3;
	s6 =	simm.s32 @!p1 $0x1082;
	[sflag:s4] =	ssyncset.s32 $0xFFFFF086  }
0x25: {  	[simem:s6], [sflag:s4] =	dma.local [hbm:s3], $0xF7A  }
0x26: {  	[smem:$0x3F72] =	sst s1;
	(tag) =	ssettag s2;
	_ =	strace s9  }
0x27: {  	s1 =	sld [smem:$0x3F82]  }
0x28: {  	s2 =	sld [smem:$0x3F83]  }
0x29: {  	s4 =	sld [smem:$0x3F85]  }
0x2a: {  	p0 =	seq.s32 s5, $0x0;
	s5 =	sld [smem:$0x3F86]  }
0x2b: {  	s6 =	sld [smem:$0x3F87]  }
0x2c: {  	s7 =	sld [smem:$0x3F88]  }
0x2d: {  	s3 =	simm.s32 $0x108;
	s8 =	sld [smem:$0x3F89]  }
0x2e: {  	s3 =	simm.s32 @!p0 $0x1082;
	s9 =	sld [smem:$0x3F8A]  }
0x2f: {  	lr =	sadd.s32 s0, s3;
	s0 =	sld [smem:$0x3F81]  }
0x30: {  	s3 =	sld [smem:$0x3F84]  }
0x31: {  	[smem:$0x3F8D] =	sst s10  }
0x32: {  	s10 =	sld [smem:$0x3F8B];
	_ =	sdelay $0x3  }
0x33: {  	p0 =	seq.s32 s10, $0x1;
	s10 =	sld [smem:$0x3F8D];
	_ =	sdelay $0x3  }
0x34: {  	[smem:$0x3F8D] =	sst s10  }
0x35: {  	s10 =	sld [smem:$0x3F8C];
	_ =	sdelay $0x3  }
0x36: {  	p1 =	seq.s32 s10, $0x1;
	s10 =	sld [smem:$0x3F8D];
	_ =	sdelay $0x3  }
0x37: {  	[smem:$0x3F8D] =	sst s10  }
0x38: {  	s10 =	sld [smem:$0x3F8E]  }
0x39: {  	_ = 	snop;
	(pc) =	sbr.ind lr, $3  }
0x3a: {  	_ = 	snop  }
0x3b: {  	_ = 	snop  }
0x3c: {  	p2 =	seq.s32 s10, $0x1;
	s10 =	sld [smem:$0x3F8D]  }
0x3d: {  	_ =	shalt  }
0x3e: {  	_ =	shalt  }
0x3f: {  	_ =	shalt  }
0x40: {  	_ =	shalt  }
0x41: {  	_ =	shalt  }
0x42: {  	_ =	shalt  }
0x43: {  	_ =	shalt  }
0x44: {  	_ =	shalt  }
0x45: {  	_ =	shalt  }
0x46: {  	_ =	shalt  }
0x47: {  	_ =	shalt  }
0x48: {  	_ =	shalt  }
0x49: {  	_ =	shalt  }
0x4a: {  	_ =	shalt  }
0x4b: {  	_ =	shalt  }
0x4c: {  	_ =	shalt  }
0x4d: {  	_ =	shalt  }
0x4e: {  	_ =	shalt  }
0x4f: {  	_ =	shalt  }
0x50: {  	_ =	shalt  }
0x51: {  	_ =	shalt  }
0x52: {  	_ =	shalt  }
0x53: {  	_ =	shalt  }
0x54: {  	_ =	shalt  }
0x55: {  	_ =	shalt  }
0x56: {  	_ =	shalt  }
0x57: {  	_ =	shalt  }
0x58: {  	_ =	shalt  }
0x59: {  	_ =	shalt  }
0x5a: {  	_ =	shalt  }
0x5b: {  	_ =	shalt  }
0x5c: {  	_ =	shalt  }
0x5d: {  	_ =	shalt  }
0x5e: {  	_ =	shalt  }
0x5f: {  	_ =	shalt  }
0x60: {  	_ =	shalt  }
0x61: {  	_ =	shalt  }
0x62: {  	_ =	shalt  }
0x63: {  	_ =	shalt  }
0x64: {  	_ =	shalt  }
0x65: {  	_ =	shalt  }
0x66: {  	_ =	shalt  }
0x67: {  	_ =	shalt  }
0x68: {  	_ =	shalt  }
0x69: {  	_ =	shalt  }
0x6a: {  	_ =	shalt  }
0x6b: {  	_ =	shalt  }
0x6c: {  	_ =	shalt  }
0x6d: {  	_ =	shalt  }
0x6e: {  	_ =	shalt  }
0x6f: {  	_ =	shalt  }
0x70: {  	_ =	shalt  }
0x71: {  	_ =	shalt  }
0x72: {  	_ =	shalt  }
0x73: {  	_ =	shalt  }
0x74: {  	_ =	shalt  }
0x75: {  	_ =	shalt  }
0x76: {  	_ =	shalt  }
0x77: {  	_ =	shalt  }
0x78: {  	_ =	shalt  }
0x79: {  	_ =	shalt  }
0x7a: {  	_ =	shalt  }
0x7b: {  	_ =	shalt  }
0x7c: {  	_ =	shalt  }
0x7d: {  	_ =	shalt  }
0x7e: {  	_ =	shalt  }
0x7f: {  	_ =	shalt  }
0x80: {  	_ =	shalt  }
0x81: {  	_ =	shalt  }
0x82: {  	_ =	shalt  }
0x83: {  	_ =	shalt  }
0x84: {  	_ =	shalt  }
0x85: {  	_ =	shalt  }
0x86: {  	_ =	shalt  }
0x87: {  	_ =	shalt  }
.Lfunc_end0:
.L_simem_size_0:
called_computation.4_lowered:
.L_overlay_start_0:
0x88: {  	s2 =	sld [smem:$0x3FD9]  }
0x89: {  	s3 =	sld [smem:$0x3FFE];
	_ =	sdelay $0x1  }
0x8a: {  	s1 =	srdreg.scid  }
0x8b: {  	s0 =	sand.u32 $0x1, s1  }
0x8c: {  	s16 =	sshll.u32 s0, $0xA;
	s2 =	sadd.s32 s3, s2  }
0x8d: {  	s2 =	sadd.s32 s2, s16  }
0x8e: {  	[smem:$0x3F99] =	sst s2  }
0x8f: {  	_ = 	snop  }
0x90: {  	(tm) =	ssettm $0x1  }
0x91: {  	s17 =	sld [smem:$0x3FFB];
	_ =	sdelay $0x3  }
0x92: {  	_ =	strace s17  }
0x93: {  	s2 =	sld [smem:$0x3FFC];
	_ =	sdelay $0x3  }
0x94: {  	_ =	strace s2  }
0x95: {  	s2 =	sld [smem:$0x3FFD];
	_ =	sdelay $0x3  }
0x96: {  	_ =	strace s2  }
0x97: {  	_ =	strace $0x8FFFFFFF  }
0x98: {  	s18 =	sld [smem:$0x3FDB];
	_ =	sdelay $0x1  }
0x99: {  	s19 =	simm.s32 $_scs_section_size  }
0x9a: {  	s4 =	simm.s32 $_size__tile_overlayer_lowered;
	s5 =	simm.s32 $_tile_overlayer_lowered  }
0x9b: {  	s22 =	simm.s32 $0x1BFF;
	s21 =	sshll.u32 s5, $0x1;
	s2 =	sadd.s32 s19, s18  }
0x9c: {  	s6 =	simm.s32 $0x0;
	s20 =	sshll.u32 s4, $0x1;
	s4 =	sadd.s32 s21, s2  }
0x9d: {  	[timem:s6], [sflag:s22] =	dma.local [hbm:s4], s20  }
0x9e: {  	_ =	swait.ge [sflag:s22], s20  }
0x9f: {  	s3 =	ssub.s32 $0x0, s20;
	[sflag:s22] =	ssyncset.done $0x0  }
0xa0: {  	[sflag:s22] =	ssyncadd.s32 s3;
	_ =	sdelay $0x1  }
0xa1: {  	s23 =	simm.s32 $0x1B8B  }
0xa2: {  	_ =	swait.ge [sflag:s23], $0x1  }
0xa3: {  	[sflag:s23] =	ssyncset.done $0x0  }
0xa4: {  	s25 =	simm.s32 $0x1B8E;
	s24 =	sld [smem:$0x3FFE];
	[sflag:s23] =	ssyncadd.s32 $0xFFFFFFFF  }
0xa5: {  	s26 =	simm.s32 $execute0_lowered;
	[smem:$0x3FD2] =	sst s25  }
0xa6: {  	s4 =	sshll.u32 s26, $0x1;
	_ =	strace $0x80000052;
	[dreg:$0x1] =	wrdreg $0xFFFFFFFF  }
0xa7: {  	s28 =	simm.s32 $_size_execute0_lowered;
	s2 =	sadd.s32 s2, s4;
	[dreg:$0x0] =	wrdreg $0x0  }
0xa8: {  	s4 =	sshll.u32 s28, $0x1;
	[dreg:$0x2] =	wrdreg s2  }
0xa9: {  	[dreg:$0x3] =	wrdreg s4  }
0xaa: {  	[dreg:$0x4] =	wrdreg $0xC0  }
0xab: {  	_ =	task [dreg:s6], $0x5FFFF  }
0xac: {  	[dreg:$0x1] =	wrdreg $0xFFFFFFFF  }
0xad: {  	[dreg:$0x0] =	wrdreg $0x60  }
0xae: {  	[dreg:$0x2] =	wrdreg s24  }
0xaf: {  	[dreg:$0x3] =	wrdreg $0x9  }
0xb0: {  	_ =	task.clear_ibuf [dreg:s6], $0x4FFFF;
	_ =	strace $0x90000052  }
0xb1: {  	s29 =	simm.s32 $0x9;
	_ =	strace $0x80000054  }
0xb2: {  	_ =	swait.ge [sflag:s29], $0x1  }
0xb3: {  	[sflag:s29] =	ssyncadd.s32 $0xFFFFFFFF  }
0xb4: {  	_ =	strace $0x90000054  }
0xb5: {  	_ =	sfence  }
0xb6: {  	s30 =	sld [smem:$0x0];
	_ =	sdelay $0x2  }
0xb7: {  	s31 =	sshll.u32 s1, $0xD;
	s1 =	sshrl.u32 s1, $0x2  }
0xb8: {  	s3 =	sand.u32 $0x4000, s31;
	s1 =	sadd.s32 s1, s30  }
0xb9: {  	s0 =	sor.u32 s3, s0;
	s1 =	sshll.u32 s1, $0x11  }
0xba: {  	s0 =	sor.u32 s1, s0  }
0xbb: {  	s0 =	sadd.s32 $0x8F2B, s0  }
0xbc: {  	[sflag:s0] =	ssyncadd.remote.s32 $0x1  }
0xbd: {  	_ =	sfence.sel $0xFFFF  }
0xbe: {  	[dreg:$0x0] =	wrdreg $0xFFFFFFFF;
	(pc) =	sbr.abs _section_cstart, $3  }
0xbf: {  	[dreg:$0x1] =	wrdreg $0xFFFFFFFF  }
0xc0: {  	_ =	task.clear_ibuf [dreg:s6], $0x2FFFF;
	_ =	strace $0x9FFFFFFF  }
0xc1: {  	(tm) =	ssettm $0x7FFFFFFF  }
tec
execute0_lowered:
.L_overlay_start_1:
0x0: {  	(tag) =	ssettag $0x1  }
0x1: {  	s4 =	rddreg [dreg:$0x0]  }
0x2: {  	s3 =	srdreg.scid;
	s0 =	stileid.u32  }
0x3: {  	s2 =	simm.s32 $0x0;
	s12 =	simm.s32 $0x1BD0;
	s13 =	simm.s32 $0x100  }
0x4: {  	s14 =	simm.s32 $0x23A0;
	s15 =	simm.s32 $0x180;
	s16 =	simm.s32 $0x2B70  }
0x5: {  	s17 =	simm.s32 $0x200;
	s18 =	simm.s32 $0x3340;
	s19 =	simm.s32 $0x1  }
0x6: {  	s20 =	simm.s32 $0x10;
	s21 =	simm.s32 $0x3B10;
	s22 =	simm.s32 $0x0  }
0x7: {  	s5 =	sand.u32 $0x1, s3;
	s29 =	sshll.u32 s0, $0x1;
	[smem:$0x7FF] =	sst s2  }
0x8: {  	s3 =	sadd.s32 $0x33600, s4;
	s10 =	smul.u32 $0x27100, s0;
	s6 =	sor.u32 s5, s29  }
0x9: {  	s11 =	sadd.s32 $0x2B8400, s4;
	s8 =	ssub.s32 $0x2, s5;
	s7 =	smul.u32 $0x280, s6  }
0xa: {  	_ =	strace $0x80000053;
	s6 =	smul.u32 $0x13880, s6;
	s9 =	sshrl.u32 s8, $0x1  }
0xb: {  	s30 =	smul.u32 $0x13880, s5;
	s31 =	sadd.s32 s10, s11;
	s8 =	ssub.s32 s8, s9  }
0xc: {  	s9 =	simm.s32 $0x7D;
	s7 =	sadd.s32 s7, s4;
	s6 =	sadd.s32 s11, s6  }
0xd: {  	s5 =	smax.u32 s8, $0x1;
	s8 =	simm.s32 $0x2;
	s11 =	simm.s32 $0x80  }
0xe: {  	s4 =	sadd.s32 $0x3D400, s7;
	s6 =	sadd.s32 $0x11170, s6;
	s7 =	sadd.s32 s30, s31  }
.LBB2_1:
0xf: {  	[tilespmem:s2], [sflag:$0x2] =	stream.linear.gather [hbm4b:s4+s2], $0x1400, $0x38;
	[tilespmem:$0x6220] =	vst v63  }
0x10: {  	_ =	swait.ge [sflag:s8], $0x1400  }
0x11: {  	[sflag:s8] =	ssyncset.done $0x0  }
0x12: {  	s0 =	simm.s32 $0x1400;
	[sflag:s8] =	ssyncadd.s32 $0xFFFFEC00  }
0x13: {  	[tilespmem:s0], [sflag:$0x1] =	stream.indirect.gather [hbm4b:s3+s9], $0x10, s2, s9, $0xb8;
	[tilespmem:$0x6220] =	vst v63  }
0x14: {  	s23 =	sand.u32 $0x1, s2  }
0x15: {  	[tilespmem:s12], [sflag:$0x1] =	stream.indirect.gather [hbm4b:s3+s9], $0x10, s11, s9, $0xb8;
	[tilespmem:$0x6220] =	vst v63  }
0x16: {  	s24 =	sxor.u32 $0x1, s23  }
0x17: {  	[tilespmem:s14], [sflag:$0x1] =	stream.indirect.gather [hbm4b:s3+s9], $0x10, s13, s9, $0xb8;
	[tilespmem:$0x6220] =	vst v63  }
0x18: {  	s24 =	smul.u32 $0x9C40, s24  }
0x19: {  	[tilespmem:s16], [sflag:$0x1] =	stream.indirect.gather [hbm4b:s3+s9], $0x10, s15, s9, $0xb8;
	[tilespmem:$0x6220] =	vst v63  }
0x1a: {  	s24 =	sshrl.u32 s24, $0x2  }
0x1b: {  	[tilespmem:s18], [sflag:$0x1] =	stream.indirect.gather [hbm4b:s3+s9], $0x10, s17, s9, $0xb8;
	[tilespmem:$0x6220] =	vst v63  }
0x1c: {  	s26 =	simm.s32 $0x280;
	s25 =	sadd.s32 $0x1400, s24  }
0x1d: {  	[tilespmem:s25], [sflag:$0x1] =	stream.indirect.gather [hbm4b:s3+s9], $0x10, s26, s9, $0xb8;
	[tilespmem:$0x6220] =	vst v63  }
0x1e: {  	s28 =	simm.s32 $0x300;
	s26 =	sadd.s32 $0x1BD0, s24  }
0x1f: {  	[tilespmem:s26], [sflag:$0x1] =	stream.indirect.gather [hbm4b:s3+s9], $0x10, s28, s9, $0xb8;
	[tilespmem:$0x6220] =	vst v63  }
0x20: {  	s0 =	simm.s32 $0x380;
	s29 =	sadd.s32 $0x23A0, s24  }
0x21: {  	[tilespmem:s29], [sflag:$0x1] =	stream.indirect.gather [hbm4b:s3+s9], $0x10, s0, s9, $0xb8;
	[tilespmem:$0x6220] =	vst v63  }
0x22: {  	s10 =	simm.s32 $0x400;
	s1 =	sadd.s32 $0x2B70, s24  }
0x23: {  	[tilespmem:s1], [sflag:$0x1] =	stream.indirect.gather [hbm4b:s3+s9], $0x10, s10, s9, $0xb8;
	[tilespmem:$0x6220] =	vst v63  }
0x24: {  	s24 =	sadd.s32 $0x3340, s24;
	s26 =	simm.s32 $0x480  }
0x25: {  	[tilespmem:s24], [sflag:$0x1] =	stream.indirect.gather [hbm4b:s3+s9], $0x10, s26, s9, $0xb8;
	[tilespmem:$0x6220] =	vst v63  }
0x26: {  	_ =	swait.ge [sflag:s19], $0x7D0  }
0x27: {  	[sflag:s19] =	ssyncset.done $0x0  }
0x28: {  	[sflag:s19] =	ssyncadd.s32 $0xFFFFF830  }
0x29: {  	_ =	swait.ge [sflag:s19], $0x7D0  }
0x2a: {  	[sflag:s19] =	ssyncset.done $0x0  }
0x2b: {  	[sflag:s19] =	ssyncadd.s32 $0xFFFFF830  }
0x2c: {  	_ =	swait.ge [sflag:s19], $0x7D0  }
0x2d: {  	[sflag:s19] =	ssyncset.done $0x0  }
0x2e: {  	[sflag:s19] =	ssyncadd.s32 $0xFFFFF830  }
0x2f: {  	s25 =	simm.s32 $0x1;
	_ =	swait.ge [sflag:s19], $0x7D0  }
0x30: {  	s23 =	smul.u32 $0x9C40, s23;
	s28 =	sand.u32 $0x1, s25;
	[sflag:s19] =	ssyncset.done $0x0  }
0x31: {  	s29 =	sxor.u32 $0x1, s28;
	s24 =	smul.u32 $0x9C40, s28;
	[sflag:s19] =	ssyncadd.s32 $0xFFFFF830  }
0x32: {  	s23 =	sshrl.u32 s23, $0x2;
	s28 =	smul.u32 $0x9C40, s29;
	_ =	swait.ge [sflag:s19], $0x7D0  }
0x33: {  	s31 =	simm.s32 $0x1400;
	s23 =	sadd.s32 $0x1400, s23;
	[sflag:s19] =	ssyncset.done $0x0  }
0x34: {  	s26 =	simm.s32 $0xA00;
	s30 =	sshrl.u32 s28, $0x2;
	[sflag:s19] =	ssyncadd.s32 $0xFFFFF830  }
0x35: {  	[hbm4b:s7+s20] =	stream.strided.scatter [tilespmem:s23], [sflag:$0x2], $0x2710, s11, s20, $0x38;
	[tilespmem:$0x6220] =	vst v63  }
0x36: {  	s24 =	sshrl.u32 s24, $0x2;
	s23 =	sadd.s32 $0x2710, s7;
	_ =	swait.ge [sflag:s8], $0x2710  }
.LBB2_2:
0x37: {  	s0 =	sadd.s32 $0x1400, s30;
	s1 =	sshra.s32 s26, $0x2  }
0x38: {  	[sflag:s8] =	ssyncset.done $0x0;
	s26 =	smov.u32 s31;
	s29 =	smov.u32 s23  }
0x39: {  	s28 =	sadd.s32 $0xA00, s31;
	s10 =	sadd.s32 $0x280, s1;
	[sflag:s8] =	ssyncadd.s32 $0xFFFFD8F0  }
0x3a: {  	[tilespmem:s0], [sflag:$0x1] =	stream.indirect.gather [hbm4b:s3+s9], $0x10, s10, s9, $0xb8;
	[tilespmem:$0x6220] =	vst v63  }
0x3b: {  	p0 =	sne.s32 s31, $0x3C00;
	s0 =	sadd.s32 $0x1BD0, s30;
	s10 =	sadd.s32 $0x300, s1  }
0x3c: {  	[tilespmem:s0], [sflag:$0x1] =	stream.indirect.gather [hbm4b:s3+s9], $0x10, s10, s9, $0xb8;
	[tilespmem:$0x6220] =	vst v63  }
0x3d: {  	s0 =	sadd.s32 $0x23A0, s30;
	s10 =	sadd.s32 $0x380, s1  }
0x3e: {  	[tilespmem:s0], [sflag:$0x1] =	stream.indirect.gather [hbm4b:s3+s9], $0x10, s10, s9, $0xb8;
	[tilespmem:$0x6220] =	vst v63  }
0x3f: {  	s0 =	sadd.s32 $0x2B70, s30;
	s10 =	sadd.s32 $0x400, s1  }
0x40: {  	[tilespmem:s0], [sflag:$0x1] =	stream.indirect.gather [hbm4b:s3+s9], $0x10, s10, s9, $0xb8;
	[tilespmem:$0x6220] =	vst v63  }
0x41: {  	s1 =	sadd.s32 $0x480, s1;
	s0 =	sadd.s32 $0x3340, s30  }
0x42: {  	[tilespmem:s0], [sflag:$0x1] =	stream.indirect.gather [hbm4b:s3+s9], $0x10, s1, s9, $0xb8;
	[tilespmem:$0x6220] =	vst v63  }
0x43: {  	_ =	swait.ge [sflag:s19], $0x7D0  }
0x44: {  	[sflag:s19] =	ssyncset.done $0x0  }
0x45: {  	[sflag:s19] =	ssyncadd.s32 $0xFFFFF830  }
0x46: {  	_ =	swait.ge [sflag:s19], $0x7D0  }
0x47: {  	[sflag:s19] =	ssyncset.done $0x0  }
0x48: {  	[sflag:s19] =	ssyncadd.s32 $0xFFFFF830  }
0x49: {  	_ =	swait.ge [sflag:s19], $0x7D0  }
0x4a: {  	[sflag:s19] =	ssyncset.done $0x0  }
0x4b: {  	[sflag:s19] =	ssyncadd.s32 $0xFFFFF830  }
0x4c: {  	_ =	swait.ge [sflag:s19], $0x7D0  }
0x4d: {  	s25 =	sadd.s32 $0x1, s25;
	[sflag:s19] =	ssyncset.done $0x0  }
0x4e: {  	s23 =	sadd.s32 $0x2710, s23;
	s0 =	sadd.s32 $0x1400, s24;
	[sflag:s19] =	ssyncadd.s32 $0xFFFFF830  }
.Ltmp0:
0x4f: {  	s1 =	sand.u32 $0x1, s25;
	_ =	swait.ge [sflag:s19], $0x7D0;
	(pc) =	sbr.rel @p0 .LBB2_2-.Ltmp0, $4  }
0x50: {  	s10 =	sxor.u32 $0x1, s1;
	s1 =	smul.u32 $0x9C40, s1;
	[sflag:s19] =	ssyncset.done $0x0  }
0x51: {  	s31 =	smov.u32 s28;
	s10 =	smul.u32 $0x9C40, s10;
	[sflag:s19] =	ssyncadd.s32 $0xFFFFF830  }
0x52: {  	[hbm4b:s29+s20] =	stream.strided.scatter [tilespmem:s0], [sflag:$0x2], $0x2710, s11, s20, $0x38;
	[tilespmem:$0x6220] =	vst v63  }
0x53: {  	s24 =	sshrl.u32 s1, $0x2;
	s30 =	sshrl.u32 s10, $0x2;
	_ =	swait.ge [sflag:s8], $0x2710  }
0x54: {  	s0 =	sshra.s32 s26, $0x2;
	[sflag:s8] =	ssyncset.done $0x0  }
0x55: {  	s1 =	sadd.s32 $0x1400, s30;
	s10 =	sadd.s32 $0x280, s0;
	[sflag:s8] =	ssyncadd.s32 $0xFFFFD8F0  }
0x56: {  	[tilespmem:s1], [sflag:$0x1] =	stream.indirect.gather [hbm4b:s3+s9], $0x10, s10, s9, $0xb8;
	[tilespmem:$0x6220] =	vst v63  }
0x57: {  	s29 =	sadd.s32 $0x1BD0, s30;
	s31 =	sadd.s32 $0x300, s0  }
0x58: {  	[tilespmem:s29], [sflag:$0x1] =	stream.indirect.gather [hbm4b:s3+s9], $0x10, s31, s9, $0xb8;
	[tilespmem:$0x6220] =	vst v63  }
0x59: {  	s25 =	sadd.s32 $0x23A0, s30;
	s26 =	sadd.s32 $0x380, s0  }
0x5a: {  	[tilespmem:s25], [sflag:$0x1] =	stream.indirect.gather [hbm4b:s3+s9], $0x10, s26, s9, $0xb8;
	[tilespmem:$0x6220] =	vst v63  }
0x5b: {  	s28 =	sadd.s32 $0x2B70, s30;
	s29 =	sadd.s32 $0x400, s0  }
0x5c: {  	[tilespmem:s28], [sflag:$0x1] =	stream.indirect.gather [hbm4b:s3+s9], $0x10, s29, s9, $0xb8;
	[tilespmem:$0x6220] =	vst v63  }
0x5d: {  	s30 =	sadd.s32 $0x3340, s30;
	s0 =	sadd.s32 $0x480, s0  }
0x5e: {  	[tilespmem:s30], [sflag:$0x1] =	stream.indirect.gather [hbm4b:s3+s9], $0x10, s0, s9, $0xb8;
	[tilespmem:$0x6220] =	vst v63  }
0x5f: {  	_ =	swait.ge [sflag:s19], $0x7D0  }
0x60: {  	[sflag:s19] =	ssyncset.done $0x0  }
0x61: {  	[sflag:s19] =	ssyncadd.s32 $0xFFFFF830  }
0x62: {  	_ =	swait.ge [sflag:s19], $0x7D0  }
0x63: {  	[sflag:s19] =	ssyncset.done $0x0  }
0x64: {  	[sflag:s19] =	ssyncadd.s32 $0xFFFFF830  }
0x65: {  	_ =	swait.ge [sflag:s19], $0x7D0  }
0x66: {  	[sflag:s19] =	ssyncset.done $0x0  }
0x67: {  	[sflag:s19] =	ssyncadd.s32 $0xFFFFF830  }
0x68: {  	_ =	swait.ge [sflag:s19], $0x7D0  }
0x69: {  	[sflag:s19] =	ssyncset.done $0x0  }
0x6a: {  	[sflag:s19] =	ssyncadd.s32 $0xFFFFF830  }
0x6b: {  	_ =	swait.ge [sflag:s19], $0x7D0  }
0x6c: {  	[sflag:s19] =	ssyncset.done $0x0  }
0x6d: {  	s31 =	sadd.s32 $0x1400, s24;
	[sflag:s19] =	ssyncadd.s32 $0xFFFFF830  }
0x6e: {  	[hbm4b:s23+s20] =	stream.strided.scatter [tilespmem:s31], [sflag:$0x2], $0x2710, s11, s20, $0x38;
	[tilespmem:$0x6220] =	vst v63  }
0x6f: {  	_ =	swait.ge [sflag:s8], $0x2710  }
0x70: {  	[sflag:s8] =	ssyncset.done $0x0  }
0x71: {  	[sflag:s8] =	ssyncadd.s32 $0xFFFFD8F0  }
0x72: {  	_ =	swait.ge [sflag:s19], $0x7D0  }
0x73: {  	[sflag:s19] =	ssyncset.done $0x0  }
0x74: {  	[sflag:s19] =	ssyncadd.s32 $0xFFFFF830  }
0x75: {  	_ =	swait.ge [sflag:s19], $0x7D0  }
0x76: {  	[sflag:s19] =	ssyncset.done $0x0  }
0x77: {  	[sflag:s19] =	ssyncadd.s32 $0xFFFFF830  }
0x78: {  	_ =	swait.ge [sflag:s19], $0x7D0  }
0x79: {  	[sflag:s19] =	ssyncset.done $0x0  }
0x7a: {  	[sflag:s19] =	ssyncadd.s32 $0xFFFFF830  }
0x7b: {  	_ =	swait.ge [sflag:s19], $0x7D0  }
0x7c: {  	[sflag:s19] =	ssyncset.done $0x0  }
0x7d: {  	[sflag:s19] =	ssyncadd.s32 $0xFFFFF830  }
0x7e: {  	s22 =	sadd.s32 $0x1, s22;
	_ =	swait.ge [sflag:s19], $0x7D0  }
0x7f: {  	p0 =	sne.s32 s22, s5;
	[sflag:s19] =	ssyncset.done $0x0  }
.Ltmp1:
0x80: {  	[sflag:s19] =	ssyncadd.s32 $0xFFFFF830;
	(pc) =	sbr.rel @p0 .LBB2_1-.Ltmp1, $4  }
0x81: {  	[hbm4b:s6+s20] =	stream.strided.scatter [tilespmem:s21], [sflag:$0x2], $0x2710, s11, s20, $0x38;
	[tilespmem:$0x6220] =	vst v63  }
0x82: {  	_ =	swait.ge [sflag:s8], $0x2710  }
0x83: {  	[sflag:s8] =	ssyncset.done $0x0  }
0x84: {  	[sflag:s8] =	ssyncadd.s32 $0xFFFFD8F0  }
0x85: {  	_ =	sfence.sel $0x180000  }
0x86: {  	[bflag:$0x0] =	sbarrier.arrive $0xFFFF  }
0x87: {  	_ =	strace $0x90000053  }
0x88: {  	s0 =	stileid.u32;
	[bflag:$0x2] =	sbarrier.arrive $0xFFFF  }
0x89: {  	p0 =	sne.s32 s0, $0x0;
	s0 =	rddreg [dreg:$0x1]  }
0x8a: {  	s0 =	sadd.s32 @!p0 $0x100000, s0  }
0x8b: {  	[sflag:s0] =	ssyncadd.tile.s32 @!p0 $0x1;
	_ =	shalt  }
.Lfunc_end2:
_tile_overlayer_lowered:
.L_overlay_start_2:
0x8c: {  	(tag) =	ssettag $0x2  }
0x8d: {  	s0 =	rddreg [dreg:$0x0];
	s2 =	stileid.u32  }
0x8e: {  	s1 =	rddreg [dreg:$0x1];
	p0 =	sne.s32 s2, $0x0  }
0x8f: {  	s3 =	rddreg [dreg:$0x2];
	[bflag:$0x3] =	sbarrier.arrive $0xFFFF;
	s2 =	simm.s32 @!p0 $0x1C02  }
0x90: {  	[timem:s3], [sflag:s2] =	dma.local @!p0 [hbm:s0], s1  }
0x91: {  	s0 =	simm.s32 @!p0 $0x2  }
0x92: {  	_ =	swait.ge @!p0 [sflag:s0], s1  }
0x93: {  	s1 =	ssub.s32 @!p0 $0x0, s1;
	[sflag:s0] =	ssyncset.done @!p0 $0x0  }
0x94: {  	[sflag:s0] =	ssyncadd.s32 @!p0 s1  }
0x95: {  	[bflag:$0x3] =	sbarrier.arrive $0xFFFF  }
0x96: {  	_ =	shalt  }

// kernel: kernel.30.cloned.1.call-start
scs
__scs_entry_jumppad:
0x0: {  	(pc) =	sbr.rel $0x88, $3  }
0x1: {  	(tag) =	ssettag $0x0;
	lr =	simm.s32 $0x1  }
0x2: {  	[smem:$0x3F72] =	sst lr;
	_ =	strace $0xD0000000  }
0x3: {  	_ = 	snop  }
0x4: {  	_ = 	snop  }
0x5: {  	_ = 	snop  }
0x6: {  	_ = 	snop  }
0x7: {  	_ = 	snop  }
__scs_overlays_trampoline_lowered:
0x8: {  	[smem:$0x3F81] =	sst s0  }
0x9: {  	[smem:$0x3F82] =	sst s1  }
0xa: {  	[smem:$0x3F83] =	sst s2  }
0xb: {  	[smem:$0x3F84] =	sst s3  }
0xc: {  	[smem:$0x3F85] =	sst s4  }
0xd: {  	[smem:$0x3F86] =	sst s5  }
0xe: {  	[smem:$0x3F87] =	sst s6  }
0xf: {  	[smem:$0x3F88] =	sst s7  }
0x10: {  	[smem:$0x3F89] =	sst s8  }
0x11: {  	[smem:$0x3F8A] =	sst s9;
	s0 =	simm.s32 @!p0 $0x0  }
0x12: {  	s1 =	sld [smem:$0x3F70];
	s0 =	simm.s32 @p0 $0x1  }
0x13: {  	[smem:$0x3F8B] =	sst s0;
	s0 =	simm.s32 @!p1 $0x0  }
0x14: {  	s2 =	sld [smem:$0x3F6F];
	s0 =	simm.s32 @p1 $0x1  }
0x15: {  	[smem:$0x3F8C] =	sst s0;
	s0 =	simm.s32 @!p2 $0x0  }
0x16: {  	s3 =	sld [smem:$0x3FDB];
	s0 =	simm.s32 @p2 $0x1  }
0x17: {  	s4 =	simm.s32 $0x1BF5;
	[smem:$0x3F8E] =	sst s0  }
0x18: {  	s0 =	sld [smem:$0x3F71];
	_ =	swait.ge [sflag:s4], $0x0  }
0x19: {  	s7 =	sld [smem:$0x3F72]  }
0x1a: {  	s8 =	sadd.s32 $0xFFFFE003, lr  }
0x1b: {  	s9 =	sadd.s32 $0xFFFFFEF7, lr;
	s5 =	simm.s32 $0xFFFFFFFF;
	p2 =	slt.u32 s8, $0xFFFFF086  }
0x1c: {  	p1 =	slt.u32 s9, $0xF7A;
	s5 =	simm.s32 @!p2 $0x0  }
0x1d: {  	s5 =	simm.s32 @p1 $0x1;
	p0 =	seq.s32 s7, s2  }
0x1e: {  	s7 =	smul.u32 @!p0 $0xF7A, s2;
	p2 =	seq.s32 @!p0 s5, $0x0  }
0x1f: {  	s9 =	smul.u32 $0xF7A, s1;
	s8 =	simm.s32 @!p0 $0x1BF5;
	p2 =	por !p2, p0  }
0x20: {  	[sflag:s8] =	ssyncset.s32 @!p0 $0xFFFFF086;
	s6 =	sadd.s32 @!p0 s3, s7;
	s7 =	simm.s32 @!p0 $0x108  }
0x21: {  	s3 =	sadd.s32 s3, s9;
	s6 =	sadd.s32 @!p0 $0x88, s6;
	s7 =	simm.s32 @p2 $0x1082  }
0x22: {  	[simem:s7], [sflag:s8] =	dma.local @!p0 [hbm:s6], $0xF7A  }
0x23: {  	s9 =	sor.u32 $0xD0000000, s2;
	s6 =	simm.s32 $0x108;
	_ =	swait.ge @!p0 [sflag:s8], $0x0  }
0x24: {  	s3 =	sadd.s32 $0x88, s3;
	s6 =	simm.s32 @!p1 $0x1082;
	[sflag:s4] =	ssyncset.s32 $0xFFFFF086  }
0x25: {  	[simem:s6], [sflag:s4] =	dma.local [hbm:s3], $0xF7A  }
0x26: {  	[smem:$0x3F72] =	sst s1;
	(tag) =	ssettag s2;
	_ =	strace s9  }
0x27: {  	s1 =	sld [smem:$0x3F82]  }
0x28: {  	s2 =	sld [smem:$0x3F83]  }
0x29: {  	s4 =	sld [smem:$0x3F85]  }
0x2a: {  	p0 =	seq.s32 s5, $0x0;
	s5 =	sld [smem:$0x3F86]  }
0x2b: {  	s6 =	sld [smem:$0x3F87]  }
0x2c: {  	s7 =	sld [smem:$0x3F88]  }
0x2d: {  	s3 =	simm.s32 $0x108;
	s8 =	sld [smem:$0x3F89]  }
0x2e: {  	s3 =	simm.s32 @!p0 $0x1082;
	s9 =	sld [smem:$0x3F8A]  }
0x2f: {  	lr =	sadd.s32 s0, s3;
	s0 =	sld [smem:$0x3F81]  }
0x30: {  	s3 =	sld [smem:$0x3F84]  }
0x31: {  	[smem:$0x3F8D] =	sst s10  }
0x32: {  	s10 =	sld [smem:$0x3F8B];
	_ =	sdelay $0x3  }
0x33: {  	p0 =	seq.s32 s10, $0x1;
	s10 =	sld [smem:$0x3F8D];
	_ =	sdelay $0x3  }
0x34: {  	[smem:$0x3F8D] =	sst s10  }
0x35: {  	s10 =	sld [smem:$0x3F8C];
	_ =	sdelay $0x3  }
0x36: {  	p1 =	seq.s32 s10, $0x1;
	s10 =	sld [smem:$0x3F8D];
	_ =	sdelay $0x3  }
0x37: {  	[smem:$0x3F8D] =	sst s10  }
0x38: {  	s10 =	sld [smem:$0x3F8E]  }
0x39: {  	_ = 	snop;
	(pc) =	sbr.ind lr, $3  }
0x3a: {  	_ = 	snop  }
0x3b: {  	_ = 	snop  }
0x3c: {  	p2 =	seq.s32 s10, $0x1;
	s10 =	sld [smem:$0x3F8D]  }
0x3d: {  	_ =	shalt  }
0x3e: {  	_ =	shalt  }
0x3f: {  	_ =	shalt  }
0x40: {  	_ =	shalt  }
0x41: {  	_ =	shalt  }
0x42: {  	_ =	shalt  }
0x43: {  	_ =	shalt  }
0x44: {  	_ =	shalt  }
0x45: {  	_ =	shalt  }
0x46: {  	_ =	shalt  }
0x47: {  	_ =	shalt  }
0x48: {  	_ =	shalt  }
0x49: {  	_ =	shalt  }
0x4a: {  	_ =	shalt  }
0x4b: {  	_ =	shalt  }
0x4c: {  	_ =	shalt  }
0x4d: {  	_ =	shalt  }
0x4e: {  	_ =	shalt  }
0x4f: {  	_ =	shalt  }
0x50: {  	_ =	shalt  }
0x51: {  	_ =	shalt  }
0x52: {  	_ =	shalt  }
0x53: {  	_ =	shalt  }
0x54: {  	_ =	shalt  }
0x55: {  	_ =	shalt  }
0x56: {  	_ =	shalt  }
0x57: {  	_ =	shalt  }
0x58: {  	_ =	shalt  }
0x59: {  	_ =	shalt  }
0x5a: {  	_ =	shalt  }
0x5b: {  	_ =	shalt  }
0x5c: {  	_ =	shalt  }
0x5d: {  	_ =	shalt  }
0x5e: {  	_ =	shalt  }
0x5f: {  	_ =	shalt  }
0x60: {  	_ =	shalt  }
0x61: {  	_ =	shalt  }
0x62: {  	_ =	shalt  }
0x63: {  	_ =	shalt  }
0x64: {  	_ =	shalt  }
0x65: {  	_ =	shalt  }
0x66: {  	_ =	shalt  }
0x67: {  	_ =	shalt  }
0x68: {  	_ =	shalt  }
0x69: {  	_ =	shalt  }
0x6a: {  	_ =	shalt  }
0x6b: {  	_ =	shalt  }
0x6c: {  	_ =	shalt  }
0x6d: {  	_ =	shalt  }
0x6e: {  	_ =	shalt  }
0x6f: {  	_ =	shalt  }
0x70: {  	_ =	shalt  }
0x71: {  	_ =	shalt  }
0x72: {  	_ =	shalt  }
0x73: {  	_ =	shalt  }
0x74: {  	_ =	shalt  }
0x75: {  	_ =	shalt  }
0x76: {  	_ =	shalt  }
0x77: {  	_ =	shalt  }
0x78: {  	_ =	shalt  }
0x79: {  	_ =	shalt  }
0x7a: {  	_ =	shalt  }
0x7b: {  	_ =	shalt  }
0x7c: {  	_ =	shalt  }
0x7d: {  	_ =	shalt  }
0x7e: {  	_ =	shalt  }
0x7f: {  	_ =	shalt  }
0x80: {  	_ =	shalt  }
0x81: {  	_ =	shalt  }
0x82: {  	_ =	shalt  }
0x83: {  	_ =	shalt  }
0x84: {  	_ =	shalt  }
0x85: {  	_ =	shalt  }
0x86: {  	_ =	shalt  }
0x87: {  	_ =	shalt  }
.Lfunc_end0:
.L_simem_size_0:
called_computation.5_lowered:
.L_overlay_start_0:
0x88: {  	s2 =	sld [smem:$0x3FD9]  }
0x89: {  	s3 =	sld [smem:$0x3FFE];
	_ =	sdelay $0x1  }
0x8a: {  	s1 =	srdreg.scid  }
0x8b: {  	s0 =	sand.u32 $0x1, s1  }
0x8c: {  	s16 =	sshll.u32 s0, $0xA;
	s2 =	sadd.s32 s3, s2  }
0x8d: {  	s2 =	sadd.s32 s2, s16  }
0x8e: {  	[smem:$0x3F99] =	sst s2  }
0x8f: {  	_ = 	snop  }
0x90: {  	(tm) =	ssettm $0x1  }
0x91: {  	s17 =	sld [smem:$0x3FFB];
	_ =	sdelay $0x3  }
0x92: {  	_ =	strace s17  }
0x93: {  	s2 =	sld [smem:$0x3FFC];
	_ =	sdelay $0x3  }
0x94: {  	_ =	strace s2  }
0x95: {  	s2 =	sld [smem:$0x3FFD];
	_ =	sdelay $0x3  }
0x96: {  	_ =	strace s2  }
0x97: {  	_ =	strace $0x8FFFFFFF  }
0x98: {  	s18 =	sld [smem:$0x3FDB];
	_ =	sdelay $0x1  }
0x99: {  	s19 =	simm.s32 $_scs_section_size  }
0x9a: {  	s4 =	simm.s32 $_size__tile_overlayer_lowered;
	s5 =	simm.s32 $_tile_overlayer_lowered  }
0x9b: {  	s22 =	simm.s32 $0x1BFF;
	s21 =	sshll.u32 s5, $0x1;
	s2 =	sadd.s32 s19, s18  }
0x9c: {  	s6 =	simm.s32 $0x0;
	s20 =	sshll.u32 s4, $0x1;
	s4 =	sadd.s32 s21, s2  }
0x9d: {  	[timem:s6], [sflag:s22] =	dma.local [hbm:s4], s20  }
0x9e: {  	_ =	swait.ge [sflag:s22], s20  }
0x9f: {  	s3 =	ssub.s32 $0x0, s20;
	[sflag:s22] =	ssyncset.done $0x0  }
0xa0: {  	[sflag:s22] =	ssyncadd.s32 s3;
	_ =	sdelay $0x1  }
0xa1: {  	s23 =	simm.s32 $0x1B8B  }
0xa2: {  	_ =	swait.ge [sflag:s23], $0x1  }
0xa3: {  	[sflag:s23] =	ssyncset.done $0x0  }
0xa4: {  	s25 =	simm.s32 $0x1B8E;
	s24 =	sld [smem:$0x3FFE];
	[sflag:s23] =	ssyncadd.s32 $0xFFFFFFFF  }
0xa5: {  	s26 =	simm.s32 $execute0_lowered;
	[smem:$0x3FD2] =	sst s25  }
0xa6: {  	s4 =	sshll.u32 s26, $0x1;
	_ =	strace $0x80000055;
	[dreg:$0x1] =	wrdreg $0xFFFFFFFF  }
0xa7: {  	s28 =	simm.s32 $_size_execute0_lowered;
	s2 =	sadd.s32 s2, s4;
	[dreg:$0x0] =	wrdreg $0x0  }
0xa8: {  	s4 =	sshll.u32 s28, $0x1;
	[dreg:$0x2] =	wrdreg s2  }
0xa9: {  	[dreg:$0x3] =	wrdreg s4  }
0xaa: {  	[dreg:$0x4] =	wrdreg $0xC0  }
0xab: {  	_ =	task [dreg:s6], $0x5FFFF  }
0xac: {  	[dreg:$0x1] =	wrdreg $0xFFFFFFFF  }
0xad: {  	[dreg:$0x0] =	wrdreg $0x60  }
0xae: {  	[dreg:$0x2] =	wrdreg s24  }
0xaf: {  	[dreg:$0x3] =	wrdreg $0xB0400  }
0xb0: {  	[dreg:$0x4] =	wrdreg $0x9  }
0xb1: {  	_ =	task.clear_ibuf [dreg:s6], $0x5FFFF;
	_ =	strace $0x90000055  }
0xb2: {  	s29 =	simm.s32 $0x9;
	_ =	strace $0x80000057  }
0xb3: {  	_ =	swait.ge [sflag:s29], $0x1  }
0xb4: {  	[sflag:s29] =	ssyncadd.s32 $0xFFFFFFFF  }
0xb5: {  	_ =	strace $0x90000057  }
0xb6: {  	_ =	sfence  }
0xb7: {  	s30 =	sld [smem:$0x0];
	_ =	sdelay $0x2  }
0xb8: {  	s31 =	sshll.u32 s1, $0xD;
	s1 =	sshrl.u32 s1, $0x2  }
0xb9: {  	s3 =	sand.u32 $0x4000, s31;
	s1 =	sadd.s32 s1, s30  }
0xba: {  	s0 =	sor.u32 s3, s0;
	s1 =	sshll.u32 s1, $0x11  }
0xbb: {  	s0 =	sor.u32 s1, s0  }
0xbc: {  	s0 =	sadd.s32 $0x8F2B, s0  }
0xbd: {  	[sflag:s0] =	ssyncadd.remote.s32 $0x1  }
0xbe: {  	_ =	sfence.sel $0xFFFF  }
0xbf: {  	[dreg:$0x0] =	wrdreg $0xFFFFFFFF;
	(pc) =	sbr.abs _section_cstart, $3  }
0xc0: {  	[dreg:$0x1] =	wrdreg $0xFFFFFFFF  }
0xc1: {  	_ =	task.clear_ibuf [dreg:s6], $0x2FFFF;
	_ =	strace $0x9FFFFFFF  }
0xc2: {  	(tm) =	ssettm $0x7FFFFFFF  }
0xc3: {  	_ =	shalt  }
tec
execute0_lowered:
.L_overlay_start_1:
0x0: {  	(tag) =	ssettag $0x1  }
0x1: {  	s0 =	srdreg.scid;
	s1 =	rddreg [dreg:$0x0]  }
0x2: {  	s13 =	stileid.u32;
	s2 =	rddreg [dreg:$0x1]  }
0x3: {  	s14 =	simm.s32 $0x80;
	s16 =	simm.s32 $0x1;
	s17 =	simm.s32 $0x7D  }
0x4: {  	s18 =	simm.s32 $0x2;
	s24 =	simm.s32 $0x8160;
	s28 =	simm.s32 $0x1380  }
0x5: {  	s29 =	simm.s32 $0xA0A0;
	s30 =	simm.s32 $0x0;
	s6 =	smul.u32 $0x4E00, s13  }
0x6: {  	s0 =	sand.u32 $0x1, s0;
	s3 =	sshll.u32 s13, $0x1;
	s11 =	smul.u32 $0x2710, s13  }
0x7: {  	s9 =	sadd.s32 $0x529400, s1;
	s26 =	sshll.u32 s13, $0x6;
	s7 =	smul.u32 $0x4E200, s0  }
0x8: {  	s5 =	sor.u32 s0, s3;
	s10 =	ssub.s32 $0x2, s0;
	s0 =	smul.u32 $0x1388, s0  }
0x9: {  	s13 =	simm.s32 $0x20;
	s3 =	simm.s32 $0x0;
	s4 =	smul.u32 $0x280, s5  }
0xa: {  	[smem:$0x7FF] =	sst s3;
	s12 =	sshrl.u32 s10, $0x1;
	s25 =	sadd.s32 s6, s2  }
0xb: {  	s31 =	smul.u32 $0x13880, s5;
	s5 =	sor.u32 $0x1C03, s26;
	s26 =	simm.s32 $0x9100  }
0xc: {  	_ =	strace $0x80000056;
	s7 =	sadd.s32 s6, s7;
	s10 =	ssub.s32 s10, s12  }
0xd: {  	s0 =	sadd.s32 s0, s11;
	s11 =	sshrl.u32 s25, $0x3;
	s12 =	simm.s32 $0x3  }
0xe: {  	s25 =	simm.s32 $0x1300;
	s8 =	sadd.s32 s4, s1;
	s7 =	sshrl.u32 s7, $0x3  }
0xf: {  	s4 =	sadd.s32 $0x33600, s1;
	s0 =	sshll.u32 s0, $0x4;
	s1 =	sadd.s32 s7, s1  }
0x10: {  	s6 =	sadd.s32 $0x2B3400, s8;
	s7 =	sadd.s32 s9, s31;
	s0 =	sadd.s32 s0, s9  }
0x11: {  	s9 =	smax.u32 s10, $0x1;
	s8 =	sadd.s32 $0x69600, s1;
	s15 =	sadd.s32 $0x2710, s0  }
.LBB2_1:
0x12: {  	[spmem:s11], [sflag:s5] =	dma.local [hbm:s4], $0xA00  }
0x13: {  	_ =	swait.ge [sflag:s12], $0xA00  }
0x14: {  	[sflag:s12] =	ssyncset.done $0x0  }
0x15: {  	s0 =	sand.u32 $0x1, s3;
	[sflag:s12] =	ssyncadd.s32 $0xFFFFF600  }
0x16: {  	[tilespmem:s3], [sflag:$0x3] =	stream.linear.gather [hbm4b:s6+s3], $0x1400, $0x38;
	[tilespmem:$0xFE60] =	vst v63  }
0x17: {  	s1 =	sxor.u32 $0x1, s0;
	_ =	swait.ge [sflag:s12], $0x1400  }
0x18: {  	s1 =	smul.u32 $0x13880, s1;
	[sflag:s12] =	ssyncset.done $0x0  }
0x19: {  	[sflag:s12] =	ssyncadd.s32 $0xFFFFEC00  }
0x1a: {  	s10 =	simm.s32 $0x1400;
	s1 =	sshrl.u32 s1, $0x2;
	[bflag:$0x0] =	sbarrier.arrive $0xFFFF  }
0x1b: {  	[tilespmem:s10], [sflag:$0x1] =	stream.strided.gather [hbm4b:s7+s13], $0x4E20, s14, s13, $0x38;
	[tilespmem:$0xFE60] =	vst v63  }
0x1c: {  	s0 =	smul.u32 $0x13880, s0;
	s1 =	sadd.s32 $0x1400, s1  }
0x1d: {  	[tilespmem:s1], [sflag:$0x1] =	stream.strided.gather [hbm4b:s15+s13], $0x4E20, s14, s13, $0x38;
	[tilespmem:$0xFE60] =	vst v63  }
0x1e: {  	_ =	swait.ge [sflag:s16], $0x4E20  }
0x1f: {  	s0 =	sshrl.u32 s0, $0x2;
	[sflag:s16] =	ssyncset.done $0x0  }
0x20: {  	s19 =	simm.s32 $0x0;
	s10 =	sadd.s32 $0x1400, s0;
	[sflag:s16] =	ssyncadd.s32 $0xFFFFB1E0  }
0x21: {  	[spmem:s2] =	stream.indirect.scatter.add.f32 [tilespmem:s10], [sflag:$0x2], $0x20, s19, s17, $0xb8;
	[tilespmem:$0xFE60] =	vst v63  }
0x22: {  	s21 =	simm.s32 $0x80;
	s20 =	sadd.s32 $0x23A0, s0  }
0x23: {  	[spmem:s2] =	stream.indirect.scatter.add.f32 [tilespmem:s20], [sflag:$0x2], $0x20, s21, s17, $0xb8;
	[tilespmem:$0xFE60] =	vst v63  }
0x24: {  	s23 =	simm.s32 $0x100;
	s22 =	sadd.s32 $0x3340, s0  }
0x25: {  	[spmem:s2] =	stream.indirect.scatter.add.f32 [tilespmem:s22], [sflag:$0x2], $0x20, s23, s17, $0xb8;
	[tilespmem:$0xFE60] =	vst v63  }
0x26: {  	s10 =	sadd.s32 $0x42E0, s0;
	s19 =	simm.s32 $0x180  }
0x27: {  	[spmem:s2] =	stream.indirect.scatter.add.f32 [tilespmem:s10], [sflag:$0x2], $0x20, s19, s17, $0xb8;
	[tilespmem:$0xFE60] =	vst v63  }
0x28: {  	s0 =	sadd.s32 $0x5280, s0;
	s20 =	simm.s32 $0x200  }
0x29: {  	[spmem:s2] =	stream.indirect.scatter.add.f32 [tilespmem:s0], [sflag:$0x2], $0x20, s20, s17, $0xb8;
	[tilespmem:$0xFE60] =	vst v63  }
0x2a: {  	_ =	swait.ge [sflag:s18], $0xFA0  }
0x2b: {  	[sflag:s18] =	ssyncset.done $0x0  }
0x2c: {  	[sflag:s18] =	ssyncadd.s32 $0xFFFFF060  }
0x2d: {  	_ =	swait.ge [sflag:s18], $0xFA0  }
0x2e: {  	[sflag:s18] =	ssyncset.done $0x0  }
0x2f: {  	[sflag:s18] =	ssyncadd.s32 $0xFFFFF060  }
0x30: {  	_ =	swait.ge [sflag:s18], $0xFA0  }
0x31: {  	[sflag:s18] =	ssyncset.done $0x0  }
0x32: {  	s31 =	simm.s32 $0x1;
	[sflag:s18] =	ssyncadd.s32 $0xFFFFF060  }
0x33: {  	s21 =	sand.u32 $0x1, s31;
	_ =	swait.ge [sflag:s18], $0xFA0  }
0x34: {  	s22 =	sxor.u32 $0x1, s21;
	s23 =	smul.u32 $0x13880, s21;
	[sflag:s18] =	ssyncset.done $0x0  }
0x35: {  	s1 =	simm.s32 $0xA00;
	s20 =	smul.u32 $0x13880, s22;
	[sflag:s18] =	ssyncadd.s32 $0xFFFFF060  }
0x36: {  	s19 =	sshrl.u32 s23, $0x2;
	s10 =	smov.u32 s15;
	_ =	swait.ge [sflag:s18], $0xFA0  }
0x37: {  	s0 =	simm.s32 $0x1400;
	s20 =	sshrl.u32 s20, $0x2;
	[sflag:s18] =	ssyncset.done $0x0  }
.LBB2_2:
0x38: {  	s20 =	sadd.s32 $0x1400, s20  }
0x39: {  	[sflag:s18] =	ssyncadd.s32 $0xFFFFF060;
	s10 =	sadd.s32 $0x2710, s10;
	s21 =	smov.u32 s0  }
0x3a: {  	[tilespmem:s20], [sflag:$0x1] =	stream.strided.gather [hbm4b:s10+s13], $0x4E20, s14, s13, $0x38;
	[tilespmem:$0xFE60] =	vst v63  }
0x3b: {  	p0 =	sne.s32 s0, $0x3C00;
	s0 =	sadd.s32 $0xA00, s0;
	_ =	swait.ge [sflag:s16], $0x4E20  }
0x3c: {  	[sflag:s16] =	ssyncset.done $0x0  }
0x3d: {  	s22 =	sshra.s32 s1, $0x2;
	s20 =	sadd.s32 $0x1400, s19;
	[sflag:s16] =	ssyncadd.s32 $0xFFFFB1E0  }
0x3e: {  	[spmem:s2] =	stream.indirect.scatter.add.f32 [tilespmem:s20], [sflag:$0x2], $0x20, s22, s17, $0xb8;
	[tilespmem:$0xFE60] =	vst v63  }
0x3f: {  	s23 =	sadd.s32 $0x80, s22;
	s1 =	smov.u32 s21;
	s20 =	sadd.s32 $0x23A0, s19  }
0x40: {  	[spmem:s2] =	stream.indirect.scatter.add.f32 [tilespmem:s20], [sflag:$0x2], $0x20, s23, s17, $0xb8;
	[tilespmem:$0xFE60] =	vst v63  }
0x41: {  	s21 =	sadd.s32 $0x100, s22;
	s20 =	sadd.s32 $0x3340, s19  }
0x42: {  	[spmem:s2] =	stream.indirect.scatter.add.f32 [tilespmem:s20], [sflag:$0x2], $0x20, s21, s17, $0xb8;
	[tilespmem:$0xFE60] =	vst v63  }
0x43: {  	s20 =	sadd.s32 $0x42E0, s19;
	s21 =	sadd.s32 $0x180, s22  }
0x44: {  	[spmem:s2] =	stream.indirect.scatter.add.f32 [tilespmem:s20], [sflag:$0x2], $0x20, s21, s17, $0xb8;
	[tilespmem:$0xFE60] =	vst v63  }
0x45: {  	s19 =	sadd.s32 $0x5280, s19;
	s20 =	sadd.s32 $0x200, s22  }
0x46: {  	[spmem:s2] =	stream.indirect.scatter.add.f32 [tilespmem:s19], [sflag:$0x2], $0x20, s20, s17, $0xb8;
	[tilespmem:$0xFE60] =	vst v63  }
0x47: {  	_ =	swait.ge [sflag:s18], $0xFA0  }
0x48: {  	[sflag:s18] =	ssyncset.done $0x0  }
0x49: {  	[sflag:s18] =	ssyncadd.s32 $0xFFFFF060  }
0x4a: {  	_ =	swait.ge [sflag:s18], $0xFA0  }
0x4b: {  	[sflag:s18] =	ssyncset.done $0x0  }
0x4c: {  	[sflag:s18] =	ssyncadd.s32 $0xFFFFF060  }
0x4d: {  	_ =	swait.ge [sflag:s18], $0xFA0  }
0x4e: {  	[sflag:s18] =	ssyncset.done $0x0  }
0x4f: {  	s31 =	sadd.s32 $0x1, s31;
	[sflag:s18] =	ssyncadd.s32 $0xFFFFF060  }
.Ltmp0:
0x50: {  	s19 =	sand.u32 $0x1, s31;
	_ =	swait.ge [sflag:s18], $0xFA0;
	(pc) =	sbr.rel @p0 .LBB2_2-.Ltmp0, $4  }
0x51: {  	s20 =	sxor.u32 $0x1, s19;
	s19 =	smul.u32 $0x13880, s19;
	[sflag:s18] =	ssyncset.done $0x0  }
0x52: {  	s20 =	smul.u32 $0x13880, s20;
	[sflag:s18] =	ssyncadd.s32 $0xFFFFF060  }
0x53: {  	s19 =	sshrl.u32 s19, $0x2;
	_ =	swait.ge [sflag:s18], $0xFA0  }
0x54: {  	s20 =	sshrl.u32 s20, $0x2;
	[sflag:s18] =	ssyncset.done $0x0  }
0x55: {  	s0 =	sadd.s32 $0x1400, s20;
	[sflag:s18] =	ssyncadd.s32 $0xFFFFF060;
	s10 =	sadd.s32 $0x2710, s10  }
0x56: {  	[tilespmem:s0], [sflag:$0x1] =	stream.strided.gather [hbm4b:s10+s13], $0x4E20, s14, s13, $0x38;
	[tilespmem:$0xFE60] =	vst v63  }
0x57: {  	_ =	swait.ge [sflag:s16], $0x4E20  }
0x58: {  	[sflag:s16] =	ssyncset.done $0x0  }
0x59: {  	s31 =	sadd.s32 $0x1400, s19;
	s1 =	sshra.s32 s1, $0x2;
	[sflag:s16] =	ssyncadd.s32 $0xFFFFB1E0  }
0x5a: {  	[spmem:s2] =	stream.indirect.scatter.add.f32 [tilespmem:s31], [sflag:$0x2], $0x20, s1, s17, $0xb8;
	[tilespmem:$0xFE60] =	vst v63  }
0x5b: {  	s10 =	sadd.s32 $0x23A0, s19;
	s20 =	sadd.s32 $0x80, s1  }
0x5c: {  	[spmem:s2] =	stream.indirect.scatter.add.f32 [tilespmem:s10], [sflag:$0x2], $0x20, s20, s17, $0xb8;
	[tilespmem:$0xFE60] =	vst v63  }
0x5d: {  	s21 =	sadd.s32 $0x3340, s19;
	s22 =	sadd.s32 $0x100, s1  }
0x5e: {  	[spmem:s2] =	stream.indirect.scatter.add.f32 [tilespmem:s21], [sflag:$0x2], $0x20, s22, s17, $0xb8;
	[tilespmem:$0xFE60] =	vst v63  }
0x5f: {  	s23 =	sadd.s32 $0x42E0, s19;
	s31 =	sadd.s32 $0x180, s1  }
0x60: {  	[spmem:s2] =	stream.indirect.scatter.add.f32 [tilespmem:s23], [sflag:$0x2], $0x20, s31, s17, $0xb8;
	[tilespmem:$0xFE60] =	vst v63  }
0x61: {  	s19 =	sadd.s32 $0x5280, s19;
	s1 =	sadd.s32 $0x200, s1  }
0x62: {  	[spmem:s2] =	stream.indirect.scatter.add.f32 [tilespmem:s19], [sflag:$0x2], $0x20, s1, s17, $0xb8;
	[tilespmem:$0xFE60] =	vst v63  }
0x63: {  	_ =	swait.ge [sflag:s18], $0xFA0  }
0x64: {  	[sflag:s18] =	ssyncset.done $0x0  }
0x65: {  	[sflag:s18] =	ssyncadd.s32 $0xFFFFF060  }
0x66: {  	_ =	swait.ge [sflag:s18], $0xFA0  }
0x67: {  	[sflag:s18] =	ssyncset.done $0x0  }
0x68: {  	[sflag:s18] =	ssyncadd.s32 $0xFFFFF060  }
0x69: {  	_ =	swait.ge [sflag:s18], $0xFA0  }
0x6a: {  	[sflag:s18] =	ssyncset.done $0x0  }
0x6b: {  	[sflag:s18] =	ssyncadd.s32 $0xFFFFF060  }
0x6c: {  	_ =	swait.ge [sflag:s18], $0xFA0  }
0x6d: {  	[sflag:s18] =	ssyncset.done $0x0  }
0x6e: {  	[sflag:s18] =	ssyncadd.s32 $0xFFFFF060  }
0x6f: {  	_ =	swait.ge [sflag:s18], $0xFA0  }
0x70: {  	[sflag:s18] =	ssyncset.done $0x0  }
0x71: {  	[sflag:s18] =	ssyncadd.s32 $0xFFFFF060  }
0x72: {  	_ =	swait.ge [sflag:s16], $0x4E20  }
0x73: {  	[sflag:s16] =	ssyncset.done $0x0  }
0x74: {  	s20 =	simm.s32 $0x1180;
	s21 =	simm.s32 $0x6220;
	[sflag:s16] =	ssyncadd.s32 $0xFFFFB1E0  }
0x75: {  	[spmem:s2] =	stream.indirect.scatter.add.f32 [tilespmem:s21], [sflag:$0x2], $0x20, s20, s17, $0xb8;
	[tilespmem:$0xFE60] =	vst v63  }
0x76: {  	s22 =	simm.s32 $0x1200;
	s23 =	simm.s32 $0x71C0  }
0x77: {  	[spmem:s2] =	stream.indirect.scatter.add.f32 [tilespmem:s23], [sflag:$0x2], $0x20, s22, s17, $0xb8;
	[tilespmem:$0xFE60] =	vst v63  }
0x78: {  	s31 =	simm.s32 $0x1280  }
0x79: {  	[spmem:s2] =	stream.indirect.scatter.add.f32 [tilespmem:s24], [sflag:$0x2], $0x20, s31, s17, $0xb8;
	[tilespmem:$0xFE60] =	vst v63  }
0x7a: {  	_ = 	snop  }
0x7b: {  	[spmem:s2] =	stream.indirect.scatter.add.f32 [tilespmem:s26], [sflag:$0x2], $0x20, s25, s17, $0xb8;
	[tilespmem:$0xFE60] =	vst v63  }
0x7c: {  	_ = 	snop  }
0x7d: {  	[spmem:s2] =	stream.indirect.scatter.add.f32 [tilespmem:s29], [sflag:$0x2], $0x20, s28, s17, $0xb8;
	[tilespmem:$0xFE60] =	vst v63  }
0x7e: {  	_ =	swait.ge [sflag:s18], $0xFA0  }
0x7f: {  	[sflag:s18] =	ssyncset.done $0x0  }
0x80: {  	[sflag:s18] =	ssyncadd.s32 $0xFFFFF060  }
0x81: {  	_ =	swait.ge [sflag:s18], $0xFA0  }
0x82: {  	[sflag:s18] =	ssyncset.done $0x0  }
0x83: {  	[sflag:s18] =	ssyncadd.s32 $0xFFFFF060  }
0x84: {  	_ =	swait.ge [sflag:s18], $0xFA0  }
0x85: {  	[sflag:s18] =	ssyncset.done $0x0  }
0x86: {  	[sflag:s18] =	ssyncadd.s32 $0xFFFFF060  }
0x87: {  	_ =	swait.ge [sflag:s18], $0xFA0  }
0x88: {  	[sflag:s18] =	ssyncset.done $0x0  }
0x89: {  	[sflag:s18] =	ssyncadd.s32 $0xFFFFF060  }
0x8a: {  	_ =	swait.ge [sflag:s18], $0xFA0  }
0x8b: {  	s30 =	sadd.s32 $0x1, s30;
	[sflag:s18] =	ssyncset.done $0x0  }
0x8c: {  	p0 =	sne.s32 s30, s9;
	[sflag:s18] =	ssyncadd.s32 $0xFFFFF060  }
.Ltmp1:
0x8d: {  	[bflag:$0x0] =	sbarrier.arrive $0xFFFF;
	(pc) =	sbr.rel @p0 .LBB2_1-.Ltmp1, $4  }
0x8e: {  	[hbm:s8], [sflag:s5] =	dma.local [spmem:s11], $0xA00  }
0x8f: {  	_ =	swait.ge [sflag:s12], $0xA00  }
0x90: {  	[sflag:s12] =	ssyncset.done $0x0  }
0x91: {  	[sflag:s12] =	ssyncadd.s32 $0xFFFFF600  }
0x92: {  	_ =	sfence.sel $0x180000  }
0x93: {  	[bflag:$0x0] =	sbarrier.arrive $0xFFFF  }
0x94: {  	_ =	strace $0x90000056  }
0x95: {  	s0 =	stileid.u32;
	[bflag:$0x2] =	sbarrier.arrive $0xFFFF  }
0x96: {  	p0 =	sne.s32 s0, $0x0;
	s0 =	rddreg [dreg:$0x2]  }
0x97: {  	s0 =	sadd.s32 @!p0 $0x100000, s0  }
0x98: {  	[sflag:s0] =	ssyncadd.tile.s32 @!p0 $0x1;
	_ =	shalt  }
.Lfunc_end2:
_tile_overlayer_lowered:
.L_overlay_start_2:
0x99: {  	(tag) =	ssettag $0x2  }
0x9a: {  	s0 =	rddreg [dreg:$0x0];
	s2 =	stileid.u32  }
0x9b: {  	s1 =	rddreg [dreg:$0x1];
	p0 =	sne.s32 s2, $0x0  }
0x9c: {  	s3 =	rddreg [dreg:$0x2];
	[bflag:$0x3] =	sbarrier.arrive $0xFFFF;
	s2 =	simm.s32 @!p0 $0x1C03  }
0x9d: {  	[timem:s3], [sflag:s2] =	dma.local @!p0 [hbm:s0], s1  }
0x9e: {  	s0 =	simm.s32 @!p0 $0x3  }
0x9f: {  	_ =	swait.ge @!p0 [sflag:s0], s1  }
0xa0: {  	s1 =	ssub.s32 @!p0 $0x0, s1;
	[sflag:s0] =	ssyncset.done @!p0 $0x0  }
0xa1: {  	[sflag:s0] =	ssyncadd.s32 @!p0 s1  }
0xa2: {  	[bflag:$0x3] =	sbarrier.arrive $0xFFFF  }
0xa3: {  	_ =	shalt  }

</sc_bundles>
